<compile_context>
chip_gen: v7x
topology: tpu7x:2x2x1
jax: 0.10.2.dev20260603
libtpu: 0.0.44.dev20260713+nightly
codegen_flags: <defaults>
</compile_context>

<pallas_src>
import jax
import jax.numpy as jnp
from jax import lax
from jax.experimental import pallas as pl
from jax.experimental.pallas import tpu as pltpu
from jax.experimental.pallas import tpu_sc as plsc

N = 8192
D = 128
E = 131072
G = 16
NPG = 512
K = 8192

_PREC = lax.Precision.DEFAULT

_MT = 512
_KT = 1024


def _dot(a, b):
    return lax.dot_general(a, b, (((1,), (1,)), ((), ())),
                           precision=_PREC, preferred_element_type=jnp.float32)


def _pre_body(feats_ref, w1_ref, dego_ref, out_ref):
    ns = jnp.where(dego_ref[...] > 0, lax.rsqrt(dego_ref[...]), 0.0)
    r = _dot(feats_ref[...], w1_ref[...]) * ns
    out_ref[0] = r[:, :64]
    out_ref[1] = r[:, 64:]


def _tc_pre(feats, W1t, deg_out):
    grid = N // _MT
    return pl.pallas_call(
        _pre_body,
        grid=(grid,),
        in_specs=[
            pl.BlockSpec((_MT, D), lambda i: (i, 0)),
            pl.BlockSpec((D, D), lambda i: (0, 0)),
            pl.BlockSpec((_MT, 1), lambda i: (i, 0)),
        ],
        out_specs=pl.BlockSpec((2, _MT, 64), lambda i: (0, i, 0)),
        out_shape=jax.ShapeDtypeStruct((2, N, 64), jnp.float32),
    )(feats, W1t, deg_out)


def _mid_body(p_ref, dego_ref, degi_ref, b1_ref, g_ref, bln_ref, w2_ref,
              h1_ref, xw2_ref):
    agg = jnp.concatenate([p_ref[0], p_ref[1]], axis=-1)
    ni = jnp.where(degi_ref[...] > 0, lax.rsqrt(degi_ref[...]), 0.0)
    h = jnp.maximum(agg * ni + b1_ref[...], 0.0)
    mu = jnp.mean(h, axis=-1, keepdims=True)
    var = jnp.mean((h - mu) ** 2, axis=-1, keepdims=True)
    h1 = (h - mu) / jnp.sqrt(var + 1e-5) * g_ref[...] + bln_ref[...]
    h1_ref[...] = h1
    ns = jnp.where(dego_ref[...] > 0, lax.rsqrt(dego_ref[...]), 0.0)
    r = _dot(h1, w2_ref[...]) * ns
    xw2_ref[0] = r[:, :64]
    xw2_ref[1] = r[:, 64:]


def _tc_mid(partials, deg_out, deg_in, b1, ln_g, ln_b, W2t):
    grid = N // _MT
    return pl.pallas_call(
        _mid_body,
        grid=(grid,),
        in_specs=[
            pl.BlockSpec((2, _MT, 64), lambda i: (0, i, 0)),
            pl.BlockSpec((_MT, 1), lambda i: (i, 0)),
            pl.BlockSpec((_MT, 1), lambda i: (i, 0)),
            pl.BlockSpec((1, D), lambda i: (0, 0)),
            pl.BlockSpec((1, D), lambda i: (0, 0)),
            pl.BlockSpec((1, D), lambda i: (0, 0)),
            pl.BlockSpec((D, D), lambda i: (0, 0)),
        ],
        out_specs=[
            pl.BlockSpec((_MT, D), lambda i: (i, 0)),
            pl.BlockSpec((2, _MT, 64), lambda i: (0, i, 0)),
        ],
        out_shape=[
            jax.ShapeDtypeStruct((N, D), jnp.float32),
            jax.ShapeDtypeStruct((2, N, 64), jnp.float32),
        ],
    )(partials, deg_out, deg_in, b1, ln_g, ln_b, W2t)


def _post_body(p_ref, degi_ref, b2_ref, cb_ref, h2_ref, xn_ref, cbn_ref):
    agg = jnp.concatenate([p_ref[0], p_ref[1]], axis=-1)
    ni = jnp.where(degi_ref[...] > 0, lax.rsqrt(degi_ref[...]), 0.0)
    h2 = jnp.maximum(agg * ni + b2_ref[...], 0.0)
    h2_ref[...] = h2
    nrm = jnp.sqrt(jnp.sum(h2 * h2, axis=-1, keepdims=True))
    xn_ref[...] = h2 / (nrm + 1e-12)
    cb = cb_ref[...]
    cnrm = jnp.sqrt(jnp.sum(cb * cb, axis=-1, keepdims=True))
    cbn_ref[...] = cb / (cnrm + 1e-12)


def _tc_post(partials, deg_in, b2, codebook):
    grid = N // _MT
    return pl.pallas_call(
        _post_body,
        grid=(grid,),
        in_specs=[
            pl.BlockSpec((2, _MT, 64), lambda i: (0, i, 0)),
            pl.BlockSpec((_MT, 1), lambda i: (i, 0)),
            pl.BlockSpec((1, D), lambda i: (0, 0)),
            pl.BlockSpec((_MT, D), lambda i: (i, 0)),
        ],
        out_specs=[
            pl.BlockSpec((_MT, D), lambda i: (i, 0)),
            pl.BlockSpec((_MT, D), lambda i: (i, 0)),
            pl.BlockSpec((_MT, D), lambda i: (i, 0)),
        ],
        out_shape=[
            jax.ShapeDtypeStruct((N, D), jnp.float32),
            jax.ShapeDtypeStruct((N, D), jnp.float32),
            jax.ShapeDtypeStruct((K, D), jnp.float32),
        ],
    )(partials, deg_in, b2, codebook)


def _dist_body(xn_ref, cbn_ref, dist_ref, ind_ref, m_sc, a_sc):
    j = pl.program_id(1)
    nj = pl.num_programs(1)
    tile = _dot(xn_ref[...], cbn_ref[...])
    dist_ref[...] = tile
    tmax = jnp.max(tile, axis=1, keepdims=True)
    col = lax.broadcasted_iota(jnp.int32, tile.shape, 1) + j * _KT
    targ = jnp.min(jnp.where(tile == tmax, col, K), axis=1, keepdims=True)

    @pl.when(j == 0)
    def _():
        m_sc[...] = tmax
        a_sc[...] = targ

    @pl.when(j > 0)
    def _():
        better = tmax > m_sc[...]
        m_sc[...] = jnp.where(better, tmax, m_sc[...])
        a_sc[...] = jnp.where(better, targ, a_sc[...])

    @pl.when(j == nj - 1)
    def _():
        ind_ref[...] = a_sc[...]


def _tc_dist(x_n, cb_n):
    return pl.pallas_call(
        _dist_body,
        grid=(N // _MT, K // _KT),
        in_specs=[
            pl.BlockSpec((_MT, D), lambda i, j: (i, 0)),
            pl.BlockSpec((_KT, D), lambda i, j: (j, 0)),
        ],
        out_specs=[
            pl.BlockSpec((_MT, _KT), lambda i, j: (i, j)),
            pl.BlockSpec((_MT, 1), lambda i, j: (i, 0)),
        ],
        out_shape=[
            jax.ShapeDtypeStruct((N, K), jnp.float32),
            jax.ShapeDtypeStruct((N, 1), jnp.int32),
        ],
        scratch_shapes=[
            pltpu.VMEM((_MT, 1), jnp.float32),
            pltpu.VMEM((_MT, 1), jnp.int32),
        ],
    )(x_n, cb_n)


def _dec_body(q_ref, xn_ref, w_ref, b_ref, qe_ref, vq_ref, acc):
    i = pl.program_id(0)
    qe_ref[...] = _dot(q_ref[...], w_ref[...]) + b_ref[...]
    d = q_ref[...] - xn_ref[...]
    s = jnp.sum(d * d, axis=0, keepdims=True)

    @pl.when(i == 0)
    def _():
        acc[...] = s

    @pl.when(i > 0)
    def _():
        acc[...] = acc[...] + s

    @pl.when(i == pl.num_programs(0) - 1)
    def _():
        vq_ref[...] = acc[...]


def _tc_dec(quantize, x_n, dec1_W, dec1_b):
    return pl.pallas_call(
        _dec_body,
        grid=(N // _MT,),
        in_specs=[
            pl.BlockSpec((_MT, D), lambda i: (i, 0)),
            pl.BlockSpec((_MT, D), lambda i: (i, 0)),
            pl.BlockSpec((D, D), lambda i: (0, 0)),
            pl.BlockSpec((1, D), lambda i: (0, 0)),
        ],
        out_specs=[
            pl.BlockSpec((_MT, D), lambda i: (i, 0)),
            pl.BlockSpec((1, D), lambda i: (0, 0)),
        ],
        out_shape=[
            jax.ShapeDtypeStruct((N, D), jnp.float32),
            jax.ShapeDtypeStruct((1, D), jnp.float32),
        ],
        scratch_shapes=[pltpu.VMEM((1, D), jnp.float32)],
    )(quantize, x_n, dec1_W, dec1_b)


def _sp(x):
    return jnp.maximum(x, 0.0) + jnp.log1p(jnp.exp(-jnp.abs(x)))


def _loss_body(qe_ref, adj_ref, out_ref):
    qe = qe_ref[0]
    logits = _dot(qe, qe)
    y = jnp.minimum(adj_ref[0], 1.0)
    row = lax.broadcasted_iota(jnp.int32, logits.shape, 0)
    col = lax.broadcasted_iota(jnp.int32, logits.shape, 1)
    m = (row < col).astype(jnp.float32)
    a = jnp.sum(m * (1.0 - y) * _sp(logits))
    b = jnp.sum(m * y * _sp(-logits))
    s = jnp.sum(m * y)
    lane = lax.broadcasted_iota(jnp.int32, (1, 1, D), 2)
    out_ref[...] = (jnp.where(lane == 0, a, 0.0) + jnp.where(lane == 1, b, 0.0)
                    + jnp.where(lane == 2, s, 0.0))


def _tc_loss(qe, adjcnt):
    return pl.pallas_call(
        _loss_body,
        grid=(G,),
        in_specs=[
            pl.BlockSpec((1, NPG, D), lambda g: (g, 0, 0)),
            pl.BlockSpec((1, NPG, NPG), lambda g: (g, 0, 0)),
        ],
        out_specs=pl.BlockSpec((1, 1, D), lambda g: (g, 0, 0)),
        out_shape=jax.ShapeDtypeStruct((G, 1, D), jnp.float32),
    )(qe, adjcnt)


_WPG = 2
_NW = G // _WPG
_WSZ = _WPG * NPG * NPG
_DUMP = _WSZ


def _enc_body(src_ref, dst_ref, out_ref, soff_ref):
    s = src_ref[...]
    d = dst_ref[...]
    soff_ref[0] = s
    soff_ref[1] = s + N
    gs = lax.shift_right_logical(s, 9)
    gd = lax.shift_right_logical(d, 9)
    ls = jnp.bitwise_and(s, NPG - 1)
    ld = jnp.bitwise_and(d, NPG - 1)
    eq = gs == gd
    flat = jnp.bitwise_or(
        jnp.bitwise_or(lax.shift_left(jnp.bitwise_and(gs, _WPG - 1), 18),
                       lax.shift_left(ls, 9)), ld)
    wg = lax.shift_right_logical(gs, 1)
    for w in range(_NW):
        out_ref[w] = jnp.where(jnp.logical_and(eq, wg == w), flat, _DUMP)


def _tc_enc(src2, dst2):
    nb = src2.shape[0] // 128
    return pl.pallas_call(
        _enc_body,
        grid=(nb,),
        in_specs=[
            pl.BlockSpec((128, 128), lambda i: (i, 0)),
            pl.BlockSpec((128, 128), lambda i: (i, 0)),
        ],
        out_specs=[
            pl.BlockSpec((_NW, 128, 128), lambda i: (0, i, 0)),
            pl.BlockSpec((2, 128, 128), lambda i: (0, i, 0)),
        ],
        out_shape=[
            jax.ShapeDtypeStruct((_NW, src2.shape[0], 128), jnp.int32),
            jax.ShapeDtypeStruct((2, src2.shape[0], 128), jnp.int32),
        ],
    )(src2, dst2)


_ECH = E // 16 // 128


def _deg_body(sd3, ones_h, zeros_h, degs_h, degidx_v, ones_v, deg_sh, sem):
    c = lax.axis_index("c")
    t = lax.axis_index("s")
    pltpu.sync_copy(ones_h, ones_v)
    pltpu.sync_copy(zeros_h.at[pl.ds(t * 512, 512)],
                    deg_sh.at[pl.ds(t * 512, 512)])
    plsc.subcore_barrier()
    pltpu.sync_copy(sd3.at[c, t], degidx_v)

    @pl.loop(0, _ECH, step=8)
    def _(g):
        ds = [pltpu.async_copy(ones_v, deg_sh.at[degidx_v.at[g + j]], sem,
                               add=True) for j in range(8)]
        for dsc in ds:
            dsc.wait()

    plsc.subcore_barrier()
    pltpu.sync_copy(deg_sh.at[pl.ds(t * 512, 512)],
                    degs_h.at[c, pl.ds(t * 512, 512)])


def _sc_degrees(sd, ones_h, zeros_h):
    sd3 = sd.reshape(2, 16, _ECH, 128)
    mesh = plsc.VectorSubcoreMesh(core_axis_name="c", subcore_axis_name="s", num_cores=2, num_subcores=16)
    f = pl.kernel(
        _deg_body,
        out_type=jax.ShapeDtypeStruct((2, N), jnp.float32),
        mesh=mesh,
        scratch_types=[
            pltpu.VMEM((_ECH, 128), jnp.int32),
            pltpu.VMEM((128,), jnp.float32),
            pltpu.VMEM_SHARED((N,), jnp.float32),
            pltpu.SemaphoreType.DMA,
        ],
    )
    degs = f(sd3, ones_h, zeros_h)
    return degs[0], degs[1]


def _adj_body(idxw, ones_h, zeros_h, gate_h, adjf_h,
              widx_v, ones_v, gate_v, adj_sh, sem):
    c = lax.axis_index("c")
    t = lax.axis_index("s")
    chunk = _WSZ // 16
    pltpu.sync_copy(ones_h, ones_v)
    pltpu.sync_copy(gate_h, gate_v)
    pltpu.sync_copy(zeros_h.at[pl.ds(t * chunk, chunk)],
                    adj_sh.at[pl.ds(t * chunk, chunk)])
    plsc.subcore_barrier()

    for p in range(4):
        w = 2 * p + c
        pltpu.sync_copy(idxw.at[w, t], widx_v)

        @pl.loop(0, _ECH, step=8)
        def _(g):
            ds = [pltpu.async_copy(ones_v, adj_sh.at[widx_v.at[g + j]], sem,
                                   add=True) for j in range(8)]
            for dsc in ds:
                dsc.wait()

        plsc.subcore_barrier()
        pltpu.sync_copy(adj_sh.at[pl.ds(t * chunk, chunk)],
                        adjf_h.at[pl.ds(w * _WSZ + t * chunk, chunk)])
        if p < 3:
            pltpu.sync_copy(zeros_h.at[pl.ds(t * chunk, chunk)],
                            adj_sh.at[pl.ds(t * chunk, chunk)])
            plsc.subcore_barrier()


def _sc_adj(idxw, ones_h, zeros_h, gate):
    idxw4 = idxw.reshape(_NW, 16, _ECH, 128)
    mesh = plsc.VectorSubcoreMesh(core_axis_name="c", subcore_axis_name="s", num_cores=2, num_subcores=16)
    f = pl.kernel(
        _adj_body,
        out_type=jax.ShapeDtypeStruct((_NW * _WSZ,), jnp.float32),
        mesh=mesh,
        scratch_types=[
            pltpu.VMEM((_ECH, 128), jnp.int32),
            pltpu.VMEM((128,), jnp.float32),
            pltpu.VMEM((128,), jnp.float32),
            pltpu.VMEM_SHARED((_WSZ + 128,), jnp.float32),
            pltpu.SemaphoreType.DMA,
        ],
    )
    adjf = f(idxw4, ones_h, zeros_h, gate)
    return adjf.reshape(G, NPG, NPG)


def _scb_body(msg_h, soff4, dst3, zeros2_h, out_h,
              sidx_v, didx_v, rows_v, agg_sh, gsem, ssem):
    c = lax.axis_index("c")
    t = lax.axis_index("s")
    pltpu.sync_copy(zeros2_h.at[pl.ds(t * 512, 512)],
                    agg_sh.at[pl.ds(t * 512, 512)])
    plsc.subcore_barrier()
    pltpu.sync_copy(soff4.at[c, t], sidx_v)
    pltpu.sync_copy(dst3.at[t], didx_v)

    @pl.loop(0, _ECH, step=8)
    def _(g):
        gd = []
        for j in range(8):
            @pl.when(g > 0)
            def _():
                pltpu.make_async_copy(rows_v.at[j],
                                      agg_sh.at[didx_v.at[j]], ssem).wait()

            gd.append(pltpu.async_copy(msg_h.at[sidx_v.at[g + j]],
                                       rows_v.at[j], gsem))
        for j in range(8):
            gd[j].wait()
            pltpu.async_copy(rows_v.at[j], agg_sh.at[didx_v.at[g + j]],
                             ssem, add=True)

    for j in range(8):
        pltpu.make_async_copy(rows_v.at[j], agg_sh.at[didx_v.at[j]],
                              ssem).wait()
    plsc.subcore_barrier()
    pltpu.sync_copy(agg_sh.at[pl.ds(t * 512, 512)],
                    out_h.at[c, pl.ds(t * 512, 512)])


def _sc_aggregate(msg2, soff, dst, zeros2_h):
    soff4 = soff.reshape(2, 16, _ECH, 128)
    dst3 = dst.reshape(16, _ECH, 128)
    mesh = plsc.VectorSubcoreMesh(core_axis_name="c", subcore_axis_name="s", num_cores=2, num_subcores=16)
    f = pl.kernel(
        _scb_body,
        out_type=jax.ShapeDtypeStruct((2, N, 64), jnp.float32),
        mesh=mesh,
        compiler_params=pltpu.CompilerParams(use_tc_tiling_on_sc=False),
        scratch_types=[
            pltpu.VMEM((_ECH, 128), jnp.int32),
            pltpu.VMEM((_ECH, 128), jnp.int32),
            pltpu.VMEM((8, 128, 64), jnp.float32),
            pltpu.VMEM_SHARED((N, 64), jnp.float32),
            pltpu.SemaphoreType.DMA,
            pltpu.SemaphoreType.DMA,
        ],
    )
    return f(msg2.reshape(2 * N, 64), soff4, dst3, zeros2_h)


def _scc_body(table_h, idx2_h, out_h, idx_v, rows_v, sem):
    c = lax.axis_index("c")
    t = lax.axis_index("s")
    wid = c * 16 + t
    pltpu.sync_copy(idx2_h.at[pl.ds(wid * 2, 2)], idx_v)
    d0 = pltpu.async_copy(table_h.at[idx_v.at[0]],
                          rows_v.at[pl.ds(0, 128)], sem)
    d1 = pltpu.async_copy(table_h.at[idx_v.at[1]],
                          rows_v.at[pl.ds(128, 128)], sem)
    d0.wait()
    d1.wait()
    pltpu.sync_copy(rows_v, out_h.at[pl.ds(wid * 256, 256)])


def _sc_gather_rows(table, idx):
    idx2 = idx.reshape(64, 128)
    mesh = plsc.VectorSubcoreMesh(core_axis_name="c", subcore_axis_name="s", num_cores=2, num_subcores=16)
    f = pl.kernel(
        _scc_body,
        out_type=jax.ShapeDtypeStruct((N, D), jnp.float32),
        mesh=mesh,
        scratch_types=[
            pltpu.VMEM((2, 128), jnp.int32),
            pltpu.VMEM((256, D), jnp.float32),
            pltpu.SemaphoreType.DMA,
        ],
    )
    return f(table, idx2)


def kernel(feats, edge_index, W1, b1, W2, b2, ln_g, ln_b,
           dec1_W, dec1_b, dec2_W, dec2_b, codebook):
    src = edge_index[0].astype(jnp.int32)
    dst = edge_index[1].astype(jnp.int32)
    ones_h = jnp.ones((128,), jnp.float32)
    zeros_h = jnp.zeros((_WSZ,), jnp.float32)
    zeros2_h = zeros_h.reshape(N, 64)

    idxw, soff = _tc_enc(src.reshape(E // 128, 128), dst.reshape(E // 128, 128))
    sd = jnp.stack([src, dst])
    deg_out, deg_in = _sc_degrees(sd, ones_h, zeros_h)
    dego2 = deg_out.reshape(N, 1)
    degi2 = deg_in.reshape(N, 1)

    xw1s = _tc_pre(feats, W1.T, dego2)
    p1 = _sc_aggregate(xw1s, soff, dst, zeros2_h)
    h1, xw2s = _tc_mid(p1, dego2, degi2, b1.reshape(1, D),
                       ln_g.reshape(1, D), ln_b.reshape(1, D), W2.T)
    p2 = _sc_aggregate(xw2s, soff, dst, zeros2_h)
    h2, x_n, cb_n = _tc_post(p2, degi2, b2.reshape(1, D), codebook)
    adjcnt = _sc_adj(idxw, ones_h, zeros_h, h2[0, :128])

    dist, ind = _tc_dist(x_n, cb_n)
    quantize = _sc_gather_rows(cb_n, ind.reshape(N))
    quantized_edge, vq_sum = _tc_dec(quantize, x_n, dec1_W, dec1_b.reshape(1, D))

    abs_ = _tc_loss(quantized_edge.reshape(G, NPG, D), adjcnt)
    a_g = abs_[:, 0, 0]
    b_g = abs_[:, 0, 1]
    s_g = abs_[:, 0, 2]
    num_possible = NPG * NPG / 2.0
    m_triu = NPG * (NPG - 1) // 2
    pw = (num_possible - s_g) / (s_g + 1e-6)
    per_g = (a_g + pw * b_g) / m_triu
    edge_rec_loss = jnp.mean(per_g)
    vq_loss = 1000.0 * (jnp.sum(vq_sum) / (N * D))
    loss = edge_rec_loss * 100.0 + vq_loss
    return (h1, h2, quantized_edge, quantize, loss, cb_n, dist)

# --- scband reference (transcript-rebuilt; emitter-appended) ---
"""Pipeline reference for scband-gcn-31662498906818 (READ-ONLY COPY).

The authoritative reference and input builder live on the scoring server;
editing this copy changes nothing except your own understanding.
"""

import jax, jax.numpy as jnp
import numpy as np

N = 8192      # total nodes (16 graphs x 512 nodes)
D = 128       # feat_dim
E = 131072    # total edges
G = 16        # number of graphs in the batch
NPG = 512     # nodes per graph
K = 8192      # codebook size
LAMB_EDGE = 1.0
LAMB_NODE = 0.0
CODEBOOK_WEIGHT = 1000.0
COMMIT_WEIGHT = 0.0


def setup_inputs(seed: int = 0) -> dict:
    key = jax.random.key(seed)
    ks = [jax.random.fold_in(key, i) for i in range(16)]
    feats = jax.random.normal(ks[0], (N, D), dtype=jnp.float32)
    edge_index = jax.random.randint(ks[1], (2, E), 0, N, dtype=jnp.int64)
    xav = float(np.sqrt(6.0 / (D + D)))
    W1 = jax.random.uniform(ks[2], (D, D), jnp.float32, -xav, xav)
    b1 = jnp.zeros((D,), jnp.float32)
    W2 = jax.random.uniform(ks[3], (D, D), jnp.float32, -xav, xav)
    b2 = jnp.zeros((D,), jnp.float32)
    ln_g = jnp.ones((D,), jnp.float32)
    ln_b = jnp.zeros((D,), jnp.float32)
    dec1_W = jax.random.uniform(ks[4], (D, D), jnp.float32, -xav, xav)
    dec1_b = jnp.zeros((D,), jnp.float32)
    dec2_W = jax.random.uniform(ks[5], (D, D), jnp.float32, -xav, xav)
    dec2_b = jnp.zeros((D,), jnp.float32)
    codebook = jax.random.normal(ks[6], (K, D), dtype=jnp.float32)
    return {"feats": feats, "edge_index": edge_index, "W1": W1, "b1": b1,
            "W2": W2, "b2": b2, "ln_g": ln_g, "ln_b": ln_b,
            "dec1_W": dec1_W, "dec1_b": dec1_b, "dec2_W": dec2_W,
            "dec2_b": dec2_b, "codebook": codebook}


def _graph_conv(x, src, dst, W, b):
    # DGL GraphConv with norm='both': D_out^{-1/2} A D_in^{-1/2} X W + b
    ones = jnp.ones((src.shape[0],), jnp.float32)
    deg_out = jnp.zeros((N,), jnp.float32).at[src].add(ones)
    deg_in = jnp.zeros((N,), jnp.float32).at[dst].add(ones)
    ns = jnp.where(deg_out > 0, deg_out ** -0.5, 0.0)
    ni = jnp.where(deg_in > 0, deg_in ** -0.5, 0.0)
    xw = x @ W
    msg = (xw * ns[:, None])[src]
    agg = jnp.zeros((N, D), jnp.float32).at[dst].add(msg)
    h = agg * ni[:, None] + b
    return jax.nn.relu(h)


def _layernorm(x, g, b):
    mu = x.mean(axis=-1, keepdims=True)
    var = x.var(axis=-1, keepdims=True)
    return (x - mu) / jnp.sqrt(var + 1e-5) * g + b


def reference(feats, edge_index, W1, b1, W2, b2, ln_g, ln_b,
              dec1_W, dec1_b, dec2_W, dec2_b, codebook):
    src = edge_index[0]
    dst = edge_index[1]
    h = _graph_conv(feats, src, dst, W1, b1)
    h = _layernorm(h, ln_g, ln_b)          # norms[0]; dropout is identity (eval)
    h1 = h
    h2 = _graph_conv(h1, src, dst, W2, b2)
    # --- VectorQuantize (cosine sim) ---
    x_n = h2 / (jnp.linalg.norm(h2, axis=-1, keepdims=True) + 1e-12)
    cb_n = codebook / (jnp.linalg.norm(codebook, axis=-1, keepdims=True) + 1e-12)
    dist = x_n @ cb_n.T                    # cosine similarity [N, K]
    ind = jnp.argmax(dist, axis=-1)
    q_raw = jnp.take(cb_n, ind, axis=0)
    quantize = x_n + jax.lax.stop_gradient(q_raw - x_n)   # straight-through
    vq_loss = (CODEBOOK_WEIGHT * jnp.mean((q_raw - jax.lax.stop_gradient(x_n)) ** 2)
               + COMMIT_WEIGHT * jnp.mean((jax.lax.stop_gradient(q_raw) - x_n) ** 2))
    quantized_edge = quantize @ dec1_W.T + dec1_b
    quantized_node = quantize @ dec2_W.T + dec2_b
    # --- per-graph edge reconstruction loss (16 equal graphs of 512 nodes) ---
    qe = quantized_edge.reshape(G, NPG, D)
    adj_pred = jnp.einsum('gnd,gmd->gnm', qe, qe)
    gs = src // NPG
    gd = dst // NPG
    valid = (gs == gd).astype(jnp.float32)
    ls = src % NPG
    ld = dst % NPG
    adj = jnp.zeros((G, NPG, NPG), jnp.float32).at[gs, ls, ld].add(valid)
    adj = jnp.minimum(adj, 1.0)
    iu, ju = jnp.triu_indices(NPG, k=1)
    logits = adj_pred[:, iu, ju]           # [G, M]
    y = adj[:, iu, ju]                     # [G, M]
    num_possible = NPG * NPG / 2.0
    num_edges = y.sum(axis=1)
    pw = (num_possible - num_edges) / (num_edges + 1e-6)
    sp = jax.nn.softplus
    per_g = jnp.mean(pw[:, None] * y * sp(-logits) + (1.0 - y) * sp(logits), axis=1)
    edge_rec_loss = LAMB_EDGE * per_g.mean()
    feature_rec_loss = LAMB_NODE * jnp.mean((h2 - quantized_node) ** 2)
    loss = feature_rec_loss + edge_rec_loss * 100.0 + vq_loss
    return (h1, h2, quantized_edge, quantize, loss, cb_n, dist)

if __name__ == "__main__":
    import jax
    _d = setup_inputs()
    print(jax.jit(kernel)(*tuple(_d.values())))

</pallas_src>

<mosaic_0001>
#map = affine_map<(d0, d1) -> (0, 0)>
#map1 = affine_map<(d0, d1) -> (0, 0, 0, 0)>
#map2 = affine_map<(d0, d1) -> (0, 0, 0)>
module attributes {stable_mosaic.version = 14 : i64} {
  func.func @_scb_body(%arg0: i32, %arg1: i32, %arg2: memref<16384x64xf32, #tpu.memory_space<hbm>>, %arg3: memref<2x16x64x128xi32, #tpu.memory_space<hbm>>, %arg4: memref<16x64x128xi32, #tpu.memory_space<hbm>>, %arg5: memref<8192x64xf32, #tpu.memory_space<hbm>>, %arg6: memref<2x8192x64xf32, #tpu.memory_space<hbm>>, %arg7: memref<64x128xi32, #tpu.memory_space<vmem>>, %arg8: memref<64x128xi32, #tpu.memory_space<vmem>>, %arg9: memref<8x128x64xf32, #tpu.memory_space<vmem>>, %arg10: memref<8192x64xf32, #tpu.memory_space<vmem_shared>>, %arg11: memref<!tpu.dma_semaphore, #tpu.memory_space<semaphore_mem>>, %arg12: memref<!tpu.dma_semaphore, #tpu.memory_space<semaphore_mem>>) attributes {dimension_semantics = [#tpu.dimension_semantics<core_parallel>, #tpu.dimension_semantics<subcore_parallel>], iteration_bounds = array<i64: 2, 16>, scalar_prefetch = 0 : i64, scratch_operands = 6 : i64, tpu.core_type = #tpu.core_type<sc_vector_subcore>, window_params = [{transform_indices = #map}, {transform_indices = #map1}, {transform_indices = #map2}, {transform_indices = #map}, {transform_indices = #map2}]} {
    %mul3A = arith.constant 512 : i32
    %mul3A_0 = arith.muli %arg1, %mul3A : i32
    %mul3A_1 = arith.constant 512 : i32
    %mul3A_2 = arith.muli %arg1, %mul3A_1 : i32
    "tpu.region"() ({
      %run_scoped3A = tpu.sem_alloc : memref<!tpu.dma_semaphore, #tpu.memory_space<semaphore_mem>>
      %dma_start3A = arith.constant 0 : i32
      %dma_start3A_107 = tpu.memref_slice %arg10[%mul3A_2, %dma_start3A] : memref<8192x64xf32, #tpu.memory_space<vmem_shared>> -> memref<512x64xf32, #tpu.memory_space<vmem_shared>>
      %dma_start3A_108 = arith.constant 0 : i32
      %dma_start3A_109 = tpu.memref_slice %arg5[%mul3A_0, %dma_start3A_108] : memref<8192x64xf32, #tpu.memory_space<hbm>> -> memref<512x64xf32, #tpu.memory_space<hbm>>
      tpu.enqueue_dma source(%dma_start3A_109 : memref<512x64xf32, #tpu.memory_space<hbm>>) target(%dma_start3A_107 : memref<512x64xf32, #tpu.memory_space<vmem_shared>>) target_semaphore(%run_scoped3A : memref<!tpu.dma_semaphore, #tpu.memory_space<semaphore_mem>>)
      %dma_wait3A_110 = arith.constant 0 : i32
      %dma_wait3A_111 = tpu.memref_slice %arg10[%mul3A_2, %dma_wait3A_110] : memref<8192x64xf32, #tpu.memory_space<vmem_shared>> -> memref<512x64xf32, #tpu.memory_space<vmem_shared>>
      %dma_wait3A_112 = arith.constant 0 : i32
      %dma_wait3A_113 = tpu.memref_slice %arg5[%mul3A_0, %dma_wait3A_112] : memref<8192x64xf32, #tpu.memory_space<hbm>> -> memref<512x64xf32, #tpu.memory_space<hbm>>
      tpu.wait_dma2 semaphore(%run_scoped3A : memref<!tpu.dma_semaphore, #tpu.memory_space<semaphore_mem>>) src(%dma_wait3A_113 : memref<512x64xf32, #tpu.memory_space<hbm>>) dst(%dma_wait3A_111 : memref<512x64xf32, #tpu.memory_space<vmem_shared>>)
      tpu.yield
    }) : () -> ()
    %barrier3A = arith.constant 0 : index
    tpu.barrier barrier_id(%barrier3A)
    "tpu.region"() ({
      %run_scoped3A = tpu.sem_alloc : memref<!tpu.dma_semaphore, #tpu.memory_space<semaphore_mem>>
      %dma_start3A = arith.constant 0 : i32
      %dma_start3A_107 = arith.constant 0 : i32
      %dma_start3A_108 = tpu.memref_slice %arg3[%arg0, %arg1, %dma_start3A, %dma_start3A_107] : memref<2x16x64x128xi32, #tpu.memory_space<hbm>> -> memref<1x1x64x128xi32, #tpu.memory_space<hbm>>
      %dma_start3A_109 = tpu.memref_squeeze %dma_start3A_108 : memref<1x1x64x128xi32, #tpu.memory_space<hbm>> -> memref<64x128xi32, #tpu.memory_space<hbm>>
      %dma_start3A_110 = arith.constant 0 : i32
      %dma_start3A_111 = arith.constant 0 : i32
      %dma_start3A_112 = tpu.memref_slice %arg3[%arg0, %arg1, %dma_start3A_110, %dma_start3A_111] : memref<2x16x64x128xi32, #tpu.memory_space<hbm>> -> memref<1x1x64x128xi32, #tpu.memory_space<hbm>>
      %dma_start3A_113 = tpu.memref_squeeze %dma_start3A_112 : memref<1x1x64x128xi32, #tpu.memory_space<hbm>> -> memref<64x128xi32, #tpu.memory_space<hbm>>
      tpu.enqueue_dma source(%dma_start3A_113 : memref<64x128xi32, #tpu.memory_space<hbm>>) target(%arg7 : memref<64x128xi32, #tpu.memory_space<vmem>>) target_semaphore(%run_scoped3A : memref<!tpu.dma_semaphore, #tpu.memory_space<semaphore_mem>>)
      %dma_wait3A_114 = arith.constant 0 : i32
      %dma_wait3A_115 = arith.constant 0 : i32
      %dma_wait3A_116 = tpu.memref_slice %arg3[%arg0, %arg1, %dma_wait3A_114, %dma_wait3A_115] : memref<2x16x64x128xi32, #tpu.memory_space<hbm>> -> memref<1x1x64x128xi32, #tpu.memory_space<hbm>>
      %dma_wait3A_117 = tpu.memref_squeeze %dma_wait3A_116 : memref<1x1x64x128xi32, #tpu.memory_space<hbm>> -> memref<64x128xi32, #tpu.memory_space<hbm>>
      %dma_wait3A_118 = arith.constant 0 : i32
      %dma_wait3A_119 = arith.constant 0 : i32
      %dma_wait3A_120 = tpu.memref_slice %arg3[%arg0, %arg1, %dma_wait3A_118, %dma_wait3A_119] : memref<2x16x64x128xi32, #tpu.memory_space<hbm>> -> memref<1x1x64x128xi32, #tpu.memory_space<hbm>>
      %dma_wait3A_121 = tpu.memref_squeeze %dma_wait3A_120 : memref<1x1x64x128xi32, #tpu.memory_space<hbm>> -> memref<64x128xi32, #tpu.memory_space<hbm>>
      tpu.wait_dma2 semaphore(%run_scoped3A : memref<!tpu.dma_semaphore, #tpu.memory_space<semaphore_mem>>) src(%dma_wait3A_121 : memref<64x128xi32, #tpu.memory_space<hbm>>) dst(%arg7 : memref<64x128xi32, #tpu.memory_space<vmem>>)
      tpu.yield
    }) : () -> ()
    "tpu.region"() ({
      %run_scoped3A = tpu.sem_alloc : memref<!tpu.dma_semaphore, #tpu.memory_space<semaphore_mem>>
      %dma_start3A = arith.constant 0 : i32
      %dma_start3A_107 = arith.constant 0 : i32
      %dma_start3A_108 = tpu.memref_slice %arg4[%arg1, %dma_start3A, %dma_start3A_107] : memref<16x64x128xi32, #tpu.memory_space<hbm>> -> memref<1x64x128xi32, #tpu.memory_space<hbm>>
      %dma_start3A_109 = tpu.memref_squeeze %dma_start3A_108 : memref<1x64x128xi32, #tpu.memory_space<hbm>> -> memref<64x128xi32, #tpu.memory_space<hbm>>
      %dma_start3A_110 = arith.constant 0 : i32
      %dma_start3A_111 = arith.constant 0 : i32
      %dma_start3A_112 = tpu.memref_slice %arg4[%arg1, %dma_start3A_110, %dma_start3A_111] : memref<16x64x128xi32, #tpu.memory_space<hbm>> -> memref<1x64x128xi32, #tpu.memory_space<hbm>>
      %dma_start3A_113 = tpu.memref_squeeze %dma_start3A_112 : memref<1x64x128xi32, #tpu.memory_space<hbm>> -> memref<64x128xi32, #tpu.memory_space<hbm>>
      tpu.enqueue_dma source(%dma_start3A_113 : memref<64x128xi32, #tpu.memory_space<hbm>>) target(%arg8 : memref<64x128xi32, #tpu.memory_space<vmem>>) target_semaphore(%run_scoped3A : memref<!tpu.dma_semaphore, #tpu.memory_space<semaphore_mem>>)
      %dma_wait3A_114 = arith.constant 0 : i32
      %dma_wait3A_115 = arith.constant 0 : i32
      %dma_wait3A_116 = tpu.memref_slice %arg4[%arg1, %dma_wait3A_114, %dma_wait3A_115] : memref<16x64x128xi32, #tpu.memory_space<hbm>> -> memref<1x64x128xi32, #tpu.memory_space<hbm>>
      %dma_wait3A_117 = tpu.memref_squeeze %dma_wait3A_116 : memref<1x64x128xi32, #tpu.memory_space<hbm>> -> memref<64x128xi32, #tpu.memory_space<hbm>>
      %dma_wait3A_118 = arith.constant 0 : i32
      %dma_wait3A_119 = arith.constant 0 : i32
      %dma_wait3A_120 = tpu.memref_slice %arg4[%arg1, %dma_wait3A_118, %dma_wait3A_119] : memref<16x64x128xi32, #tpu.memory_space<hbm>> -> memref<1x64x128xi32, #tpu.memory_space<hbm>>
      %dma_wait3A_121 = tpu.memref_squeeze %dma_wait3A_120 : memref<1x64x128xi32, #tpu.memory_space<hbm>> -> memref<64x128xi32, #tpu.memory_space<hbm>>
      tpu.wait_dma2 semaphore(%run_scoped3A : memref<!tpu.dma_semaphore, #tpu.memory_space<semaphore_mem>>) src(%dma_wait3A_121 : memref<64x128xi32, #tpu.memory_space<hbm>>) dst(%arg8 : memref<64x128xi32, #tpu.memory_space<vmem>>)
      tpu.yield
    }) : () -> ()
    %scan3A = arith.constant 0 : i32
    %scan3A_3 = arith.constant 8 : i32
    %scan3A_4 = arith.addi %scan3A, %scan3A_3 : i32
    %scan3A_5 = arith.constant 1 : i32
    scf.for %scan3A_107 = %scan3A to %scan3A_4 step %scan3A_5  : i32 {
      %mul3A_108 = arith.constant 8 : i32
      %mul3A_109 = arith.muli %scan3A_107, %mul3A_108 : i32
      %add3A = arith.constant 0 : i32
      %add3A_110 = arith.addi %add3A, %mul3A_109 : i32
      %gt3A = arith.constant 0 : i32
      %gt3A_111 = arith.cmpi sgt, %add3A_110, %gt3A : i32
      %convert_element_type3A = arith.extui %gt3A_111 : i1 to i32
      %cond3A = arith.constant 0 : i32
      %cond3A_112 = arith.cmpi ne, %convert_element_type3A, %cond3A : i32
      scf.if %cond3A_112 {
        %dma_wait3A_443 = arith.constant 0 : i32
        %dma_wait3A_444 = arith.constant 0 : i32
        %dma_wait3A_445 = arith.constant 0 : i32
        %dma_wait3A_446 = arith.constant 0 : i32
        %dma_wait3A_447 = tpu.memref_slice %arg9[%dma_wait3A_443, %dma_wait3A_445, %dma_wait3A_446] : memref<8x128x64xf32, #tpu.memory_space<vmem>> -> memref<1x128x64xf32, #tpu.memory_space<vmem>>
        %dma_wait3A_448 = tpu.memref_squeeze %dma_wait3A_447 : memref<1x128x64xf32, #tpu.memory_space<vmem>> -> memref<128x64xf32, #tpu.memory_space<vmem>>
        %dma_wait3A_449 = arith.constant 0 : i32
        %dma_wait3A_450 = tpu.memref_slice %arg8[%dma_wait3A_444, %dma_wait3A_449] : memref<64x128xi32, #tpu.memory_space<vmem>> -> memref<1x128xi32, #tpu.memory_space<vmem>>
        %dma_wait3A_451 = tpu.memref_squeeze %dma_wait3A_450 : memref<1x128xi32, #tpu.memory_space<vmem>> -> memref<128xi32, #tpu.memory_space<vmem>>
        %dma_wait3A_452 = arith.constant 0 : i32
        %dma_wait3A_453 = arith.constant 0 : i32
        %dma_wait3A_454 = tpu.memref_slice %arg10[%dma_wait3A_452, %dma_wait3A_453] : memref<8192x64xf32, #tpu.memory_space<vmem_shared>> -> memref<8192x64xf32, #tpu.memory_space<vmem_shared>>
        tpu.wait_indirect_dma semaphore(%arg12 : memref<!tpu.dma_semaphore, #tpu.memory_space<semaphore_mem>>) src(%dma_wait3A_448 : memref<128x64xf32, #tpu.memory_space<vmem>>) dst(%dma_wait3A_454 : memref<8192x64xf32, #tpu.memory_space<vmem_shared>>)
      } else {
      }
      %add3A_113 = arith.constant 0 : i32
      %add3A_114 = arith.addi %add3A_110, %add3A_113 : i32
      %dma_start3A = arith.constant 0 : i32
      %dma_start3A_115 = arith.constant 0 : i32
      %dma_start3A_116 = arith.constant 0 : i32
      %dma_start3A_117 = tpu.memref_slice %arg9[%dma_start3A, %dma_start3A_115, %dma_start3A_116] : memref<8x128x64xf32, #tpu.memory_space<vmem>> -> memref<1x128x64xf32, #tpu.memory_space<vmem>>
      %dma_start3A_118 = tpu.memref_squeeze %dma_start3A_117 : memref<1x128x64xf32, #tpu.memory_space<vmem>> -> memref<128x64xf32, #tpu.memory_space<vmem>>
      %dma_start3A_119 = arith.constant 0 : i32
      %dma_start3A_120 = tpu.memref_slice %arg7[%add3A_114, %dma_start3A_119] : memref<64x128xi32, #tpu.memory_space<vmem>> -> memref<1x128xi32, #tpu.memory_space<vmem>>
      %dma_start3A_121 = tpu.memref_squeeze %dma_start3A_120 : memref<1x128xi32, #tpu.memory_space<vmem>> -> memref<128xi32, #tpu.memory_space<vmem>>
      %dma_start3A_122 = arith.constant 0 : i32
      %dma_start3A_123 = arith.constant 0 : i32
      %dma_start3A_124 = tpu.memref_slice %arg2[%dma_start3A_122, %dma_start3A_123] : memref<16384x64xf32, #tpu.memory_space<hbm>> -> memref<16384x64xf32, #tpu.memory_space<hbm>>
      tpu.enqueue_indirect_dma source(%dma_start3A_124 : memref<16384x64xf32, #tpu.memory_space<hbm>>) target(%dma_start3A_118 : memref<128x64xf32, #tpu.memory_space<vmem>>) offsets(%dma_start3A_121 : memref<128xi32, #tpu.memory_space<vmem>>) semaphore(%arg11 : memref<!tpu.dma_semaphore, #tpu.memory_space<semaphore_mem>>)
      %gt3A_125 = arith.constant 0 : i32
      %gt3A_126 = arith.cmpi sgt, %add3A_110, %gt3A_125 : i32
      %convert_element_type3A_127 = arith.extui %gt3A_126 : i1 to i32
      %cond3A_128 = arith.constant 0 : i32
      %cond3A_129 = arith.cmpi ne, %convert_element_type3A_127, %cond3A_128 : i32
      scf.if %cond3A_129 {
        %dma_wait3A_443 = arith.constant 1 : i32
        %dma_wait3A_444 = arith.constant 1 : i32
        %dma_wait3A_445 = arith.constant 0 : i32
        %dma_wait3A_446 = arith.constant 0 : i32
        %dma_wait3A_447 = tpu.memref_slice %arg9[%dma_wait3A_443, %dma_wait3A_445, %dma_wait3A_446] : memref<8x128x64xf32, #tpu.memory_space<vmem>> -> memref<1x128x64xf32, #tpu.memory_space<vmem>>
        %dma_wait3A_448 = tpu.memref_squeeze %dma_wait3A_447 : memref<1x128x64xf32, #tpu.memory_space<vmem>> -> memref<128x64xf32, #tpu.memory_space<vmem>>
        %dma_wait3A_449 = arith.constant 0 : i32
        %dma_wait3A_450 = tpu.memref_slice %arg8[%dma_wait3A_444, %dma_wait3A_449] : memref<64x128xi32, #tpu.memory_space<vmem>> -> memref<1x128xi32, #tpu.memory_space<vmem>>
        %dma_wait3A_451 = tpu.memref_squeeze %dma_wait3A_450 : memref<1x128xi32, #tpu.memory_space<vmem>> -> memref<128xi32, #tpu.memory_space<vmem>>
        %dma_wait3A_452 = arith.constant 0 : i32
        %dma_wait3A_453 = arith.constant 0 : i32
        %dma_wait3A_454 = tpu.memref_slice %arg10[%dma_wait3A_452, %dma_wait3A_453] : memref<8192x64xf32, #tpu.memory_space<vmem_shared>> -> memref<8192x64xf32, #tpu.memory_space<vmem_shared>>
        tpu.wait_indirect_dma semaphore(%arg12 : memref<!tpu.dma_semaphore, #tpu.memory_space<semaphore_mem>>) src(%dma_wait3A_448 : memref<128x64xf32, #tpu.memory_space<vmem>>) dst(%dma_wait3A_454 : memref<8192x64xf32, #tpu.memory_space<vmem_shared>>)
      } else {
      }
      %add3A_130 = arith.constant 1 : i32
      %add3A_131 = arith.addi %add3A_110, %add3A_130 : i32
      %dma_start3A_132 = arith.constant 1 : i32
      %dma_start3A_133 = arith.constant 0 : i32
      %dma_start3A_134 = arith.constant 0 : i32
      %dma_start3A_135 = tpu.memref_slice %arg9[%dma_start3A_132, %dma_start3A_133, %dma_start3A_134] : memref<8x128x64xf32, #tpu.memory_space<vmem>> -> memref<1x128x64xf32, #tpu.memory_space<vmem>>
      %dma_start3A_136 = tpu.memref_squeeze %dma_start3A_135 : memref<1x128x64xf32, #tpu.memory_space<vmem>> -> memref<128x64xf32, #tpu.memory_space<vmem>>
      %dma_start3A_137 = arith.constant 0 : i32
      %dma_start3A_138 = tpu.memref_slice %arg7[%add3A_131, %dma_start3A_137] : memref<64x128xi32, #tpu.memory_space<vmem>> -> memref<1x128xi32, #tpu.memory_space<vmem>>
      %dma_start3A_139 = tpu.memref_squeeze %dma_start3A_138 : memref<1x128xi32, #tpu.memory_space<vmem>> -> memref<128xi32, #tpu.memory_space<vmem>>
      %dma_start3A_140 = arith.constant 0 : i32
      %dma_start3A_141 = arith.constant 0 : i32
      %dma_start3A_142 = tpu.memref_slice %arg2[%dma_start3A_140, %dma_start3A_141] : memref<16384x64xf32, #tpu.memory_space<hbm>> -> memref<16384x64xf32, #tpu.memory_space<hbm>>
      tpu.enqueue_indirect_dma source(%dma_start3A_142 : memref<16384x64xf32, #tpu.memory_space<hbm>>) target(%dma_start3A_136 : memref<128x64xf32, #tpu.memory_space<vmem>>) offsets(%dma_start3A_139 : memref<128xi32, #tpu.memory_space<vmem>>) semaphore(%arg11 : memref<!tpu.dma_semaphore, #tpu.memory_space<semaphore_mem>>)
      %gt3A_143 = arith.constant 0 : i32
      %gt3A_144 = arith.cmpi sgt, %add3A_110, %gt3A_143 : i32
      %convert_element_type3A_145 = arith.extui %gt3A_144 : i1 to i32
      %cond3A_146 = arith.constant 0 : i32
      %cond3A_147 = arith.cmpi ne, %convert_element_type3A_145, %cond3A_146 : i32
      scf.if %cond3A_147 {
        %dma_wait3A_443 = arith.constant 2 : i32
        %dma_wait3A_444 = arith.constant 2 : i32
        %dma_wait3A_445 = arith.constant 0 : i32
        %dma_wait3A_446 = arith.constant 0 : i32
        %dma_wait3A_447 = tpu.memref_slice %arg9[%dma_wait3A_443, %dma_wait3A_445, %dma_wait3A_446] : memref<8x128x64xf32, #tpu.memory_space<vmem>> -> memref<1x128x64xf32, #tpu.memory_space<vmem>>
        %dma_wait3A_448 = tpu.memref_squeeze %dma_wait3A_447 : memref<1x128x64xf32, #tpu.memory_space<vmem>> -> memref<128x64xf32, #tpu.memory_space<vmem>>
        %dma_wait3A_449 = arith.constant 0 : i32
        %dma_wait3A_450 = tpu.memref_slice %arg8[%dma_wait3A_444, %dma_wait3A_449] : memref<64x128xi32, #tpu.memory_space<vmem>> -> memref<1x128xi32, #tpu.memory_space<vmem>>
        %dma_wait3A_451 = tpu.memref_squeeze %dma_wait3A_450 : memref<1x128xi32, #tpu.memory_space<vmem>> -> memref<128xi32, #tpu.memory_space<vmem>>
        %dma_wait3A_452 = arith.constant 0 : i32
        %dma_wait3A_453 = arith.constant 0 : i32
        %dma_wait3A_454 = tpu.memref_slice %arg10[%dma_wait3A_452, %dma_wait3A_453] : memref<8192x64xf32, #tpu.memory_space<vmem_shared>> -> memref<8192x64xf32, #tpu.memory_space<vmem_shared>>
        tpu.wait_indirect_dma semaphore(%arg12 : memref<!tpu.dma_semaphore, #tpu.memory_space<semaphore_mem>>) src(%dma_wait3A_448 : memref<128x64xf32, #tpu.memory_space<vmem>>) dst(%dma_wait3A_454 : memref<8192x64xf32, #tpu.memory_space<vmem_shared>>)
      } else {
      }
      %add3A_148 = arith.constant 2 : i32
      %add3A_149 = arith.addi %add3A_110, %add3A_148 : i32
      %dma_start3A_150 = arith.constant 2 : i32
      %dma_start3A_151 = arith.constant 0 : i32
      %dma_start3A_152 = arith.constant 0 : i32
      %dma_start3A_153 = tpu.memref_slice %arg9[%dma_start3A_150, %dma_start3A_151, %dma_start3A_152] : memref<8x128x64xf32, #tpu.memory_space<vmem>> -> memref<1x128x64xf32, #tpu.memory_space<vmem>>
      %dma_start3A_154 = tpu.memref_squeeze %dma_start3A_153 : memref<1x128x64xf32, #tpu.memory_space<vmem>> -> memref<128x64xf32, #tpu.memory_space<vmem>>
      %dma_start3A_155 = arith.constant 0 : i32
      %dma_start3A_156 = tpu.memref_slice %arg7[%add3A_149, %dma_start3A_155] : memref<64x128xi32, #tpu.memory_space<vmem>> -> memref<1x128xi32, #tpu.memory_space<vmem>>
      %dma_start3A_157 = tpu.memref_squeeze %dma_start3A_156 : memref<1x128xi32, #tpu.memory_space<vmem>> -> memref<128xi32, #tpu.memory_space<vmem>>
      %dma_start3A_158 = arith.constant 0 : i32
      %dma_start3A_159 = arith.constant 0 : i32
      %dma_start3A_160 = tpu.memref_slice %arg2[%dma_start3A_158, %dma_start3A_159] : memref<16384x64xf32, #tpu.memory_space<hbm>> -> memref<16384x64xf32, #tpu.memory_space<hbm>>
      tpu.enqueue_indirect_dma source(%dma_start3A_160 : memref<16384x64xf32, #tpu.memory_space<hbm>>) target(%dma_start3A_154 : memref<128x64xf32, #tpu.memory_space<vmem>>) offsets(%dma_start3A_157 : memref<128xi32, #tpu.memory_space<vmem>>) semaphore(%arg11 : memref<!tpu.dma_semaphore, #tpu.memory_space<semaphore_mem>>)
      %gt3A_161 = arith.constant 0 : i32
      %gt3A_162 = arith.cmpi sgt, %add3A_110, %gt3A_161 : i32
      %convert_element_type3A_163 = arith.extui %gt3A_162 : i1 to i32
      %cond3A_164 = arith.constant 0 : i32
      %cond3A_165 = arith.cmpi ne, %convert_element_type3A_163, %cond3A_164 : i32
      scf.if %cond3A_165 {
        %dma_wait3A_443 = arith.constant 3 : i32
        %dma_wait3A_444 = arith.constant 3 : i32
        %dma_wait3A_445 = arith.constant 0 : i32
        %dma_wait3A_446 = arith.constant 0 : i32
        %dma_wait3A_447 = tpu.memref_slice %arg9[%dma_wait3A_443, %dma_wait3A_445, %dma_wait3A_446] : memref<8x128x64xf32, #tpu.memory_space<vmem>> -> memref<1x128x64xf32, #tpu.memory_space<vmem>>
        %dma_wait3A_448 = tpu.memref_squeeze %dma_wait3A_447 : memref<1x128x64xf32, #tpu.memory_space<vmem>> -> memref<128x64xf32, #tpu.memory_space<vmem>>
        %dma_wait3A_449 = arith.constant 0 : i32
        %dma_wait3A_450 = tpu.memref_slice %arg8[%dma_wait3A_444, %dma_wait3A_449] : memref<64x128xi32, #tpu.memory_space<vmem>> -> memref<1x128xi32, #tpu.memory_space<vmem>>
        %dma_wait3A_451 = tpu.memref_squeeze %dma_wait3A_450 : memref<1x128xi32, #tpu.memory_space<vmem>> -> memref<128xi32, #tpu.memory_space<vmem>>
        %dma_wait3A_452 = arith.constant 0 : i32
        %dma_wait3A_453 = arith.constant 0 : i32
        %dma_wait3A_454 = tpu.memref_slice %arg10[%dma_wait3A_452, %dma_wait3A_453] : memref<8192x64xf32, #tpu.memory_space<vmem_shared>> -> memref<8192x64xf32, #tpu.memory_space<vmem_shared>>
        tpu.wait_indirect_dma semaphore(%arg12 : memref<!tpu.dma_semaphore, #tpu.memory_space<semaphore_mem>>) src(%dma_wait3A_448 : memref<128x64xf32, #tpu.memory_space<vmem>>) dst(%dma_wait3A_454 : memref<8192x64xf32, #tpu.memory_space<vmem_shared>>)
      } else {
      }
      %add3A_166 = arith.constant 3 : i32
      %add3A_167 = arith.addi %add3A_110, %add3A_166 : i32
      %dma_start3A_168 = arith.constant 3 : i32
      %dma_start3A_169 = arith.constant 0 : i32
      %dma_start3A_170 = arith.constant 0 : i32
      %dma_start3A_171 = tpu.memref_slice %arg9[%dma_start3A_168, %dma_start3A_169, %dma_start3A_170] : memref<8x128x64xf32, #tpu.memory_space<vmem>> -> memref<1x128x64xf32, #tpu.memory_space<vmem>>
      %dma_start3A_172 = tpu.memref_squeeze %dma_start3A_171 : memref<1x128x64xf32, #tpu.memory_space<vmem>> -> memref<128x64xf32, #tpu.memory_space<vmem>>
      %dma_start3A_173 = arith.constant 0 : i32
      %dma_start3A_174 = tpu.memref_slice %arg7[%add3A_167, %dma_start3A_173] : memref<64x128xi32, #tpu.memory_space<vmem>> -> memref<1x128xi32, #tpu.memory_space<vmem>>
      %dma_start3A_175 = tpu.memref_squeeze %dma_start3A_174 : memref<1x128xi32, #tpu.memory_space<vmem>> -> memref<128xi32, #tpu.memory_space<vmem>>
      %dma_start3A_176 = arith.constant 0 : i32
      %dma_start3A_177 = arith.constant 0 : i32
      %dma_start3A_178 = tpu.memref_slice %arg2[%dma_start3A_176, %dma_start3A_177] : memref<16384x64xf32, #tpu.memory_space<hbm>> -> memref<16384x64xf32, #tpu.memory_space<hbm>>
      tpu.enqueue_indirect_dma source(%dma_start3A_178 : memref<16384x64xf32, #tpu.memory_space<hbm>>) target(%dma_start3A_172 : memref<128x64xf32, #tpu.memory_space<vmem>>) offsets(%dma_start3A_175 : memref<128xi32, #tpu.memory_space<vmem>>) semaphore(%arg11 : memref<!tpu.dma_semaphore, #tpu.memory_space<semaphore_mem>>)
      %gt3A_179 = arith.constant 0 : i32
      %gt3A_180 = arith.cmpi sgt, %add3A_110, %gt3A_179 : i32
      %convert_element_type3A_181 = arith.extui %gt3A_180 : i1 to i32
      %cond3A_182 = arith.constant 0 : i32
      %cond3A_183 = arith.cmpi ne, %convert_element_type3A_181, %cond3A_182 : i32
      scf.if %cond3A_183 {
        %dma_wait3A_443 = arith.constant 4 : i32
        %dma_wait3A_444 = arith.constant 4 : i32
        %dma_wait3A_445 = arith.constant 0 : i32
        %dma_wait3A_446 = arith.constant 0 : i32
        %dma_wait3A_447 = tpu.memref_slice %arg9[%dma_wait3A_443, %dma_wait3A_445, %dma_wait3A_446] : memref<8x128x64xf32, #tpu.memory_space<vmem>> -> memref<1x128x64xf32, #tpu.memory_space<vmem>>
        %dma_wait3A_448 = tpu.memref_squeeze %dma_wait3A_447 : memref<1x128x64xf32, #tpu.memory_space<vmem>> -> memref<128x64xf32, #tpu.memory_space<vmem>>
        %dma_wait3A_449 = arith.constant 0 : i32
        %dma_wait3A_450 = tpu.memref_slice %arg8[%dma_wait3A_444, %dma_wait3A_449] : memref<64x128xi32, #tpu.memory_space<vmem>> -> memref<1x128xi32, #tpu.memory_space<vmem>>
        %dma_wait3A_451 = tpu.memref_squeeze %dma_wait3A_450 : memref<1x128xi32, #tpu.memory_space<vmem>> -> memref<128xi32, #tpu.memory_space<vmem>>
        %dma_wait3A_452 = arith.constant 0 : i32
        %dma_wait3A_453 = arith.constant 0 : i32
        %dma_wait3A_454 = tpu.memref_slice %arg10[%dma_wait3A_452, %dma_wait3A_453] : memref<8192x64xf32, #tpu.memory_space<vmem_shared>> -> memref<8192x64xf32, #tpu.memory_space<vmem_shared>>
        tpu.wait_indirect_dma semaphore(%arg12 : memref<!tpu.dma_semaphore, #tpu.memory_space<semaphore_mem>>) src(%dma_wait3A_448 : memref<128x64xf32, #tpu.memory_space<vmem>>) dst(%dma_wait3A_454 : memref<8192x64xf32, #tpu.memory_space<vmem_shared>>)
      } else {
      }
      %add3A_184 = arith.constant 4 : i32
      %add3A_185 = arith.addi %add3A_110, %add3A_184 : i32
      %dma_start3A_186 = arith.constant 4 : i32
      %dma_start3A_187 = arith.constant 0 : i32
      %dma_start3A_188 = arith.constant 0 : i32
      %dma_start3A_189 = tpu.memref_slice %arg9[%dma_start3A_186, %dma_start3A_187, %dma_start3A_188] : memref<8x128x64xf32, #tpu.memory_space<vmem>> -> memref<1x128x64xf32, #tpu.memory_space<vmem>>
      %dma_start3A_190 = tpu.memref_squeeze %dma_start3A_189 : memref<1x128x64xf32, #tpu.memory_space<vmem>> -> memref<128x64xf32, #tpu.memory_space<vmem>>
      %dma_start3A_191 = arith.constant 0 : i32
      %dma_start3A_192 = tpu.memref_slice %arg7[%add3A_185, %dma_start3A_191] : memref<64x128xi32, #tpu.memory_space<vmem>> -> memref<1x128xi32, #tpu.memory_space<vmem>>
      %dma_start3A_193 = tpu.memref_squeeze %dma_start3A_192 : memref<1x128xi32, #tpu.memory_space<vmem>> -> memref<128xi32, #tpu.memory_space<vmem>>
      %dma_start3A_194 = arith.constant 0 : i32
      %dma_start3A_195 = arith.constant 0 : i32
      %dma_start3A_196 = tpu.memref_slice %arg2[%dma_start3A_194, %dma_start3A_195] : memref<16384x64xf32, #tpu.memory_space<hbm>> -> memref<16384x64xf32, #tpu.memory_space<hbm>>
      tpu.enqueue_indirect_dma source(%dma_start3A_196 : memref<16384x64xf32, #tpu.memory_space<hbm>>) target(%dma_start3A_190 : memref<128x64xf32, #tpu.memory_space<vmem>>) offsets(%dma_start3A_193 : memref<128xi32, #tpu.memory_space<vmem>>) semaphore(%arg11 : memref<!tpu.dma_semaphore, #tpu.memory_space<semaphore_mem>>)
      %gt3A_197 = arith.constant 0 : i32
      %gt3A_198 = arith.cmpi sgt, %add3A_110, %gt3A_197 : i32
      %convert_element_type3A_199 = arith.extui %gt3A_198 : i1 to i32
      %cond3A_200 = arith.constant 0 : i32
      %cond3A_201 = arith.cmpi ne, %convert_element_type3A_199, %cond3A_200 : i32
      scf.if %cond3A_201 {
        %dma_wait3A_443 = arith.constant 5 : i32
        %dma_wait3A_444 = arith.constant 5 : i32
        %dma_wait3A_445 = arith.constant 0 : i32
        %dma_wait3A_446 = arith.constant 0 : i32
        %dma_wait3A_447 = tpu.memref_slice %arg9[%dma_wait3A_443, %dma_wait3A_445, %dma_wait3A_446] : memref<8x128x64xf32, #tpu.memory_space<vmem>> -> memref<1x128x64xf32, #tpu.memory_space<vmem>>
        %dma_wait3A_448 = tpu.memref_squeeze %dma_wait3A_447 : memref<1x128x64xf32, #tpu.memory_space<vmem>> -> memref<128x64xf32, #tpu.memory_space<vmem>>
        %dma_wait3A_449 = arith.constant 0 : i32
        %dma_wait3A_450 = tpu.memref_slice %arg8[%dma_wait3A_444, %dma_wait3A_449] : memref<64x128xi32, #tpu.memory_space<vmem>> -> memref<1x128xi32, #tpu.memory_space<vmem>>
        %dma_wait3A_451 = tpu.memref_squeeze %dma_wait3A_450 : memref<1x128xi32, #tpu.memory_space<vmem>> -> memref<128xi32, #tpu.memory_space<vmem>>
        %dma_wait3A_452 = arith.constant 0 : i32
        %dma_wait3A_453 = arith.constant 0 : i32
        %dma_wait3A_454 = tpu.memref_slice %arg10[%dma_wait3A_452, %dma_wait3A_453] : memref<8192x64xf32, #tpu.memory_space<vmem_shared>> -> memref<8192x64xf32, #tpu.memory_space<vmem_shared>>
        tpu.wait_indirect_dma semaphore(%arg12 : memref<!tpu.dma_semaphore, #tpu.memory_space<semaphore_mem>>) src(%dma_wait3A_448 : memref<128x64xf32, #tpu.memory_space<vmem>>) dst(%dma_wait3A_454 : memref<8192x64xf32, #tpu.memory_space<vmem_shared>>)
      } else {
      }
      %add3A_202 = arith.constant 5 : i32
      %add3A_203 = arith.addi %add3A_110, %add3A_202 : i32
      %dma_start3A_204 = arith.constant 5 : i32
      %dma_start3A_205 = arith.constant 0 : i32
      %dma_start3A_206 = arith.constant 0 : i32
      %dma_start3A_207 = tpu.memref_slice %arg9[%dma_start3A_204, %dma_start3A_205, %dma_start3A_206] : memref<8x128x64xf32, #tpu.memory_space<vmem>> -> memref<1x128x64xf32, #tpu.memory_space<vmem>>
      %dma_start3A_208 = tpu.memref_squeeze %dma_start3A_207 : memref<1x128x64xf32, #tpu.memory_space<vmem>> -> memref<128x64xf32, #tpu.memory_space<vmem>>
      %dma_start3A_209 = arith.constant 0 : i32
      %dma_start3A_210 = tpu.memref_slice %arg7[%add3A_203, %dma_start3A_209] : memref<64x128xi32, #tpu.memory_space<vmem>> -> memref<1x128xi32, #tpu.memory_space<vmem>>
      %dma_start3A_211 = tpu.memref_squeeze %dma_start3A_210 : memref<1x128xi32, #tpu.memory_space<vmem>> -> memref<128xi32, #tpu.memory_space<vmem>>
      %dma_start3A_212 = arith.constant 0 : i32
      %dma_start3A_213 = arith.constant 0 : i32
      %dma_start3A_214 = tpu.memref_slice %arg2[%dma_start3A_212, %dma_start3A_213] : memref<16384x64xf32, #tpu.memory_space<hbm>> -> memref<16384x64xf32, #tpu.memory_space<hbm>>
      tpu.enqueue_indirect_dma source(%dma_start3A_214 : memref<16384x64xf32, #tpu.memory_space<hbm>>) target(%dma_start3A_208 : memref<128x64xf32, #tpu.memory_space<vmem>>) offsets(%dma_start3A_211 : memref<128xi32, #tpu.memory_space<vmem>>) semaphore(%arg11 : memref<!tpu.dma_semaphore, #tpu.memory_space<semaphore_mem>>)
      %gt3A_215 = arith.constant 0 : i32
      %gt3A_216 = arith.cmpi sgt, %add3A_110, %gt3A_215 : i32
      %convert_element_type3A_217 = arith.extui %gt3A_216 : i1 to i32
      %cond3A_218 = arith.constant 0 : i32
      %cond3A_219 = arith.cmpi ne, %convert_element_type3A_217, %cond3A_218 : i32
      scf.if %cond3A_219 {
        %dma_wait3A_443 = arith.constant 6 : i32
        %dma_wait3A_444 = arith.constant 6 : i32
        %dma_wait3A_445 = arith.constant 0 : i32
        %dma_wait3A_446 = arith.constant 0 : i32
        %dma_wait3A_447 = tpu.memref_slice %arg9[%dma_wait3A_443, %dma_wait3A_445, %dma_wait3A_446] : memref<8x128x64xf32, #tpu.memory_space<vmem>> -> memref<1x128x64xf32, #tpu.memory_space<vmem>>
        %dma_wait3A_448 = tpu.memref_squeeze %dma_wait3A_447 : memref<1x128x64xf32, #tpu.memory_space<vmem>> -> memref<128x64xf32, #tpu.memory_space<vmem>>
        %dma_wait3A_449 = arith.constant 0 : i32
        %dma_wait3A_450 = tpu.memref_slice %arg8[%dma_wait3A_444, %dma_wait3A_449] : memref<64x128xi32, #tpu.memory_space<vmem>> -> memref<1x128xi32, #tpu.memory_space<vmem>>
        %dma_wait3A_451 = tpu.memref_squeeze %dma_wait3A_450 : memref<1x128xi32, #tpu.memory_space<vmem>> -> memref<128xi32, #tpu.memory_space<vmem>>
        %dma_wait3A_452 = arith.constant 0 : i32
        %dma_wait3A_453 = arith.constant 0 : i32
        %dma_wait3A_454 = tpu.memref_slice %arg10[%dma_wait3A_452, %dma_wait3A_453] : memref<8192x64xf32, #tpu.memory_space<vmem_shared>> -> memref<8192x64xf32, #tpu.memory_space<vmem_shared>>
        tpu.wait_indirect_dma semaphore(%arg12 : memref<!tpu.dma_semaphore, #tpu.memory_space<semaphore_mem>>) src(%dma_wait3A_448 : memref<128x64xf32, #tpu.memory_space<vmem>>) dst(%dma_wait3A_454 : memref<8192x64xf32, #tpu.memory_space<vmem_shared>>)
      } else {
      }
      %add3A_220 = arith.constant 6 : i32
      %add3A_221 = arith.addi %add3A_110, %add3A_220 : i32
      %dma_start3A_222 = arith.constant 6 : i32
      %dma_start3A_223 = arith.constant 0 : i32
      %dma_start3A_224 = arith.constant 0 : i32
      %dma_start3A_225 = tpu.memref_slice %arg9[%dma_start3A_222, %dma_start3A_223, %dma_start3A_224] : memref<8x128x64xf32, #tpu.memory_space<vmem>> -> memref<1x128x64xf32, #tpu.memory_space<vmem>>
      %dma_start3A_226 = tpu.memref_squeeze %dma_start3A_225 : memref<1x128x64xf32, #tpu.memory_space<vmem>> -> memref<128x64xf32, #tpu.memory_space<vmem>>
      %dma_start3A_227 = arith.constant 0 : i32
      %dma_start3A_228 = tpu.memref_slice %arg7[%add3A_221, %dma_start3A_227] : memref<64x128xi32, #tpu.memory_space<vmem>> -> memref<1x128xi32, #tpu.memory_space<vmem>>
      %dma_start3A_229 = tpu.memref_squeeze %dma_start3A_228 : memref<1x128xi32, #tpu.memory_space<vmem>> -> memref<128xi32, #tpu.memory_space<vmem>>
      %dma_start3A_230 = arith.constant 0 : i32
      %dma_start3A_231 = arith.constant 0 : i32
      %dma_start3A_232 = tpu.memref_slice %arg2[%dma_start3A_230, %dma_start3A_231] : memref<16384x64xf32, #tpu.memory_space<hbm>> -> memref<16384x64xf32, #tpu.memory_space<hbm>>
      tpu.enqueue_indirect_dma source(%dma_start3A_232 : memref<16384x64xf32, #tpu.memory_space<hbm>>) target(%dma_start3A_226 : memref<128x64xf32, #tpu.memory_space<vmem>>) offsets(%dma_start3A_229 : memref<128xi32, #tpu.memory_space<vmem>>) semaphore(%arg11 : memref<!tpu.dma_semaphore, #tpu.memory_space<semaphore_mem>>)
      %gt3A_233 = arith.constant 0 : i32
      %gt3A_234 = arith.cmpi sgt, %add3A_110, %gt3A_233 : i32
      %convert_element_type3A_235 = arith.extui %gt3A_234 : i1 to i32
      %cond3A_236 = arith.constant 0 : i32
      %cond3A_237 = arith.cmpi ne, %convert_element_type3A_235, %cond3A_236 : i32
      scf.if %cond3A_237 {
        %dma_wait3A_443 = arith.constant 7 : i32
        %dma_wait3A_444 = arith.constant 7 : i32
        %dma_wait3A_445 = arith.constant 0 : i32
        %dma_wait3A_446 = arith.constant 0 : i32
        %dma_wait3A_447 = tpu.memref_slice %arg9[%dma_wait3A_443, %dma_wait3A_445, %dma_wait3A_446] : memref<8x128x64xf32, #tpu.memory_space<vmem>> -> memref<1x128x64xf32, #tpu.memory_space<vmem>>
        %dma_wait3A_448 = tpu.memref_squeeze %dma_wait3A_447 : memref<1x128x64xf32, #tpu.memory_space<vmem>> -> memref<128x64xf32, #tpu.memory_space<vmem>>
        %dma_wait3A_449 = arith.constant 0 : i32
        %dma_wait3A_450 = tpu.memref_slice %arg8[%dma_wait3A_444, %dma_wait3A_449] : memref<64x128xi32, #tpu.memory_space<vmem>> -> memref<1x128xi32, #tpu.memory_space<vmem>>
        %dma_wait3A_451 = tpu.memref_squeeze %dma_wait3A_450 : memref<1x128xi32, #tpu.memory_space<vmem>> -> memref<128xi32, #tpu.memory_space<vmem>>
        %dma_wait3A_452 = arith.constant 0 : i32
        %dma_wait3A_453 = arith.constant 0 : i32
        %dma_wait3A_454 = tpu.memref_slice %arg10[%dma_wait3A_452, %dma_wait3A_453] : memref<8192x64xf32, #tpu.memory_space<vmem_shared>> -> memref<8192x64xf32, #tpu.memory_space<vmem_shared>>
        tpu.wait_indirect_dma semaphore(%arg12 : memref<!tpu.dma_semaphore, #tpu.memory_space<semaphore_mem>>) src(%dma_wait3A_448 : memref<128x64xf32, #tpu.memory_space<vmem>>) dst(%dma_wait3A_454 : memref<8192x64xf32, #tpu.memory_space<vmem_shared>>)
      } else {
      }
      %add3A_238 = arith.constant 7 : i32
      %add3A_239 = arith.addi %add3A_110, %add3A_238 : i32
      %dma_start3A_240 = arith.constant 7 : i32
      %dma_start3A_241 = arith.constant 0 : i32
      %dma_start3A_242 = arith.constant 0 : i32
      %dma_start3A_243 = tpu.memref_slice %arg9[%dma_start3A_240, %dma_start3A_241, %dma_start3A_242] : memref<8x128x64xf32, #tpu.memory_space<vmem>> -> memref<1x128x64xf32, #tpu.memory_space<vmem>>
      %dma_start3A_244 = tpu.memref_squeeze %dma_start3A_243 : memref<1x128x64xf32, #tpu.memory_space<vmem>> -> memref<128x64xf32, #tpu.memory_space<vmem>>
      %dma_start3A_245 = arith.constant 0 : i32
      %dma_start3A_246 = tpu.memref_slice %arg7[%add3A_239, %dma_start3A_245] : memref<64x128xi32, #tpu.memory_space<vmem>> -> memref<1x128xi32, #tpu.memory_space<vmem>>
      %dma_start3A_247 = tpu.memref_squeeze %dma_start3A_246 : memref<1x128xi32, #tpu.memory_space<vmem>> -> memref<128xi32, #tpu.memory_space<vmem>>
      %dma_start3A_248 = arith.constant 0 : i32
      %dma_start3A_249 = arith.constant 0 : i32
      %dma_start3A_250 = tpu.memref_slice %arg2[%dma_start3A_248, %dma_start3A_249] : memref<16384x64xf32, #tpu.memory_space<hbm>> -> memref<16384x64xf32, #tpu.memory_space<hbm>>
      tpu.enqueue_indirect_dma source(%dma_start3A_250 : memref<16384x64xf32, #tpu.memory_space<hbm>>) target(%dma_start3A_244 : memref<128x64xf32, #tpu.memory_space<vmem>>) offsets(%dma_start3A_247 : memref<128xi32, #tpu.memory_space<vmem>>) semaphore(%arg11 : memref<!tpu.dma_semaphore, #tpu.memory_space<semaphore_mem>>)
      %dma_wait3A_251 = arith.constant 0 : i32
      %dma_wait3A_252 = arith.constant 0 : i32
      %dma_wait3A_253 = arith.constant 0 : i32
      %dma_wait3A_254 = tpu.memref_slice %arg9[%dma_wait3A_251, %dma_wait3A_252, %dma_wait3A_253] : memref<8x128x64xf32, #tpu.memory_space<vmem>> -> memref<1x128x64xf32, #tpu.memory_space<vmem>>
      %dma_wait3A_255 = tpu.memref_squeeze %dma_wait3A_254 : memref<1x128x64xf32, #tpu.memory_space<vmem>> -> memref<128x64xf32, #tpu.memory_space<vmem>>
      %dma_wait3A_256 = arith.constant 0 : i32
      %dma_wait3A_257 = tpu.memref_slice %arg7[%add3A_114, %dma_wait3A_256] : memref<64x128xi32, #tpu.memory_space<vmem>> -> memref<1x128xi32, #tpu.memory_space<vmem>>
      %dma_wait3A_258 = tpu.memref_squeeze %dma_wait3A_257 : memref<1x128xi32, #tpu.memory_space<vmem>> -> memref<128xi32, #tpu.memory_space<vmem>>
      %dma_wait3A_259 = arith.constant 0 : i32
      %dma_wait3A_260 = arith.constant 0 : i32
      %dma_wait3A_261 = tpu.memref_slice %arg2[%dma_wait3A_259, %dma_wait3A_260] : memref<16384x64xf32, #tpu.memory_space<hbm>> -> memref<16384x64xf32, #tpu.memory_space<hbm>>
      tpu.wait_indirect_dma semaphore(%arg11 : memref<!tpu.dma_semaphore, #tpu.memory_space<semaphore_mem>>) src(%dma_wait3A_261 : memref<16384x64xf32, #tpu.memory_space<hbm>>) dst(%dma_wait3A_255 : memref<128x64xf32, #tpu.memory_space<vmem>>)
      %add3A_262 = arith.constant 0 : i32
      %add3A_263 = arith.addi %add3A_110, %add3A_262 : i32
      %dma_start3A_264 = arith.constant 0 : i32
      %dma_start3A_265 = arith.constant 0 : i32
      %dma_start3A_266 = arith.constant 0 : i32
      %dma_start3A_267 = tpu.memref_slice %arg9[%dma_start3A_264, %dma_start3A_265, %dma_start3A_266] : memref<8x128x64xf32, #tpu.memory_space<vmem>> -> memref<1x128x64xf32, #tpu.memory_space<vmem>>
      %dma_start3A_268 = tpu.memref_squeeze %dma_start3A_267 : memref<1x128x64xf32, #tpu.memory_space<vmem>> -> memref<128x64xf32, #tpu.memory_space<vmem>>
      %dma_start3A_269 = arith.constant 0 : i32
      %dma_start3A_270 = tpu.memref_slice %arg8[%add3A_263, %dma_start3A_269] : memref<64x128xi32, #tpu.memory_space<vmem>> -> memref<1x128xi32, #tpu.memory_space<vmem>>
      %dma_start3A_271 = tpu.memref_squeeze %dma_start3A_270 : memref<1x128xi32, #tpu.memory_space<vmem>> -> memref<128xi32, #tpu.memory_space<vmem>>
      %dma_start3A_272 = arith.constant 0 : i32
      %dma_start3A_273 = arith.constant 0 : i32
      %dma_start3A_274 = tpu.memref_slice %arg10[%dma_start3A_272, %dma_start3A_273] : memref<8192x64xf32, #tpu.memory_space<vmem_shared>> -> memref<8192x64xf32, #tpu.memory_space<vmem_shared>>
      tpu.enqueue_indirect_dma source(%dma_start3A_268 : memref<128x64xf32, #tpu.memory_space<vmem>>) target(%dma_start3A_274 : memref<8192x64xf32, #tpu.memory_space<vmem_shared>>) offsets(%dma_start3A_271 : memref<128xi32, #tpu.memory_space<vmem>>) semaphore(%arg12 : memref<!tpu.dma_semaphore, #tpu.memory_space<semaphore_mem>>) {add = true}
      %dma_wait3A_275 = arith.constant 1 : i32
      %dma_wait3A_276 = arith.constant 0 : i32
      %dma_wait3A_277 = arith.constant 0 : i32
      %dma_wait3A_278 = tpu.memref_slice %arg9[%dma_wait3A_275, %dma_wait3A_276, %dma_wait3A_277] : memref<8x128x64xf32, #tpu.memory_space<vmem>> -> memref<1x128x64xf32, #tpu.memory_space<vmem>>
      %dma_wait3A_279 = tpu.memref_squeeze %dma_wait3A_278 : memref<1x128x64xf32, #tpu.memory_space<vmem>> -> memref<128x64xf32, #tpu.memory_space<vmem>>
      %dma_wait3A_280 = arith.constant 0 : i32
      %dma_wait3A_281 = tpu.memref_slice %arg7[%add3A_131, %dma_wait3A_280] : memref<64x128xi32, #tpu.memory_space<vmem>> -> memref<1x128xi32, #tpu.memory_space<vmem>>
      %dma_wait3A_282 = tpu.memref_squeeze %dma_wait3A_281 : memref<1x128xi32, #tpu.memory_space<vmem>> -> memref<128xi32, #tpu.memory_space<vmem>>
      %dma_wait3A_283 = arith.constant 0 : i32
      %dma_wait3A_284 = arith.constant 0 : i32
      %dma_wait3A_285 = tpu.memref_slice %arg2[%dma_wait3A_283, %dma_wait3A_284] : memref<16384x64xf32, #tpu.memory_space<hbm>> -> memref<16384x64xf32, #tpu.memory_space<hbm>>
      tpu.wait_indirect_dma semaphore(%arg11 : memref<!tpu.dma_semaphore, #tpu.memory_space<semaphore_mem>>) src(%dma_wait3A_285 : memref<16384x64xf32, #tpu.memory_space<hbm>>) dst(%dma_wait3A_279 : memref<128x64xf32, #tpu.memory_space<vmem>>)
      %add3A_286 = arith.constant 1 : i32
      %add3A_287 = arith.addi %add3A_110, %add3A_286 : i32
      %dma_start3A_288 = arith.constant 1 : i32
      %dma_start3A_289 = arith.constant 0 : i32
      %dma_start3A_290 = arith.constant 0 : i32
      %dma_start3A_291 = tpu.memref_slice %arg9[%dma_start3A_288, %dma_start3A_289, %dma_start3A_290] : memref<8x128x64xf32, #tpu.memory_space<vmem>> -> memref<1x128x64xf32, #tpu.memory_space<vmem>>
      %dma_start3A_292 = tpu.memref_squeeze %dma_start3A_291 : memref<1x128x64xf32, #tpu.memory_space<vmem>> -> memref<128x64xf32, #tpu.memory_space<vmem>>
      %dma_start3A_293 = arith.constant 0 : i32
      %dma_start3A_294 = tpu.memref_slice %arg8[%add3A_287, %dma_start3A_293] : memref<64x128xi32, #tpu.memory_space<vmem>> -> memref<1x128xi32, #tpu.memory_space<vmem>>
      %dma_start3A_295 = tpu.memref_squeeze %dma_start3A_294 : memref<1x128xi32, #tpu.memory_space<vmem>> -> memref<128xi32, #tpu.memory_space<vmem>>
      %dma_start3A_296 = arith.constant 0 : i32
      %dma_start3A_297 = arith.constant 0 : i32
      %dma_start3A_298 = tpu.memref_slice %arg10[%dma_start3A_296, %dma_start3A_297] : memref<8192x64xf32, #tpu.memory_space<vmem_shared>> -> memref<8192x64xf32, #tpu.memory_space<vmem_shared>>
      tpu.enqueue_indirect_dma source(%dma_start3A_292 : memref<128x64xf32, #tpu.memory_space<vmem>>) target(%dma_start3A_298 : memref<8192x64xf32, #tpu.memory_space<vmem_shared>>) offsets(%dma_start3A_295 : memref<128xi32, #tpu.memory_space<vmem>>) semaphore(%arg12 : memref<!tpu.dma_semaphore, #tpu.memory_space<semaphore_mem>>) {add = true}
      %dma_wait3A_299 = arith.constant 2 : i32
      %dma_wait3A_300 = arith.constant 0 : i32
      %dma_wait3A_301 = arith.constant 0 : i32
      %dma_wait3A_302 = tpu.memref_slice %arg9[%dma_wait3A_299, %dma_wait3A_300, %dma_wait3A_301] : memref<8x128x64xf32, #tpu.memory_space<vmem>> -> memref<1x128x64xf32, #tpu.memory_space<vmem>>
      %dma_wait3A_303 = tpu.memref_squeeze %dma_wait3A_302 : memref<1x128x64xf32, #tpu.memory_space<vmem>> -> memref<128x64xf32, #tpu.memory_space<vmem>>
      %dma_wait3A_304 = arith.constant 0 : i32
      %dma_wait3A_305 = tpu.memref_slice %arg7[%add3A_149, %dma_wait3A_304] : memref<64x128xi32, #tpu.memory_space<vmem>> -> memref<1x128xi32, #tpu.memory_space<vmem>>
      %dma_wait3A_306 = tpu.memref_squeeze %dma_wait3A_305 : memref<1x128xi32, #tpu.memory_space<vmem>> -> memref<128xi32, #tpu.memory_space<vmem>>
      %dma_wait3A_307 = arith.constant 0 : i32
      %dma_wait3A_308 = arith.constant 0 : i32
      %dma_wait3A_309 = tpu.memref_slice %arg2[%dma_wait3A_307, %dma_wait3A_308] : memref<16384x64xf32, #tpu.memory_space<hbm>> -> memref<16384x64xf32, #tpu.memory_space<hbm>>
      tpu.wait_indirect_dma semaphore(%arg11 : memref<!tpu.dma_semaphore, #tpu.memory_space<semaphore_mem>>) src(%dma_wait3A_309 : memref<16384x64xf32, #tpu.memory_space<hbm>>) dst(%dma_wait3A_303 : memref<128x64xf32, #tpu.memory_space<vmem>>)
      %add3A_310 = arith.constant 2 : i32
      %add3A_311 = arith.addi %add3A_110, %add3A_310 : i32
      %dma_start3A_312 = arith.constant 2 : i32
      %dma_start3A_313 = arith.constant 0 : i32
      %dma_start3A_314 = arith.constant 0 : i32
      %dma_start3A_315 = tpu.memref_slice %arg9[%dma_start3A_312, %dma_start3A_313, %dma_start3A_314] : memref<8x128x64xf32, #tpu.memory_space<vmem>> -> memref<1x128x64xf32, #tpu.memory_space<vmem>>
      %dma_start3A_316 = tpu.memref_squeeze %dma_start3A_315 : memref<1x128x64xf32, #tpu.memory_space<vmem>> -> memref<128x64xf32, #tpu.memory_space<vmem>>
      %dma_start3A_317 = arith.constant 0 : i32
      %dma_start3A_318 = tpu.memref_slice %arg8[%add3A_311, %dma_start3A_317] : memref<64x128xi32, #tpu.memory_space<vmem>> -> memref<1x128xi32, #tpu.memory_space<vmem>>
      %dma_start3A_319 = tpu.memref_squeeze %dma_start3A_318 : memref<1x128xi32, #tpu.memory_space<vmem>> -> memref<128xi32, #tpu.memory_space<vmem>>
      %dma_start3A_320 = arith.constant 0 : i32
      %dma_start3A_321 = arith.constant 0 : i32
      %dma_start3A_322 = tpu.memref_slice %arg10[%dma_start3A_320, %dma_start3A_321] : memref<8192x64xf32, #tpu.memory_space<vmem_shared>> -> memref<8192x64xf32, #tpu.memory_space<vmem_shared>>
      tpu.enqueue_indirect_dma source(%dma_start3A_316 : memref<128x64xf32, #tpu.memory_space<vmem>>) target(%dma_start3A_322 : memref<8192x64xf32, #tpu.memory_space<vmem_shared>>) offsets(%dma_start3A_319 : memref<128xi32, #tpu.memory_space<vmem>>) semaphore(%arg12 : memref<!tpu.dma_semaphore, #tpu.memory_space<semaphore_mem>>) {add = true}
      %dma_wait3A_323 = arith.constant 3 : i32
      %dma_wait3A_324 = arith.constant 0 : i32
      %dma_wait3A_325 = arith.constant 0 : i32
      %dma_wait3A_326 = tpu.memref_slice %arg9[%dma_wait3A_323, %dma_wait3A_324, %dma_wait3A_325] : memref<8x128x64xf32, #tpu.memory_space<vmem>> -> memref<1x128x64xf32, #tpu.memory_space<vmem>>
      %dma_wait3A_327 = tpu.memref_squeeze %dma_wait3A_326 : memref<1x128x64xf32, #tpu.memory_space<vmem>> -> memref<128x64xf32, #tpu.memory_space<vmem>>
      %dma_wait3A_328 = arith.constant 0 : i32
      %dma_wait3A_329 = tpu.memref_slice %arg7[%add3A_167, %dma_wait3A_328] : memref<64x128xi32, #tpu.memory_space<vmem>> -> memref<1x128xi32, #tpu.memory_space<vmem>>
      %dma_wait3A_330 = tpu.memref_squeeze %dma_wait3A_329 : memref<1x128xi32, #tpu.memory_space<vmem>> -> memref<128xi32, #tpu.memory_space<vmem>>
      %dma_wait3A_331 = arith.constant 0 : i32
      %dma_wait3A_332 = arith.constant 0 : i32
      %dma_wait3A_333 = tpu.memref_slice %arg2[%dma_wait3A_331, %dma_wait3A_332] : memref<16384x64xf32, #tpu.memory_space<hbm>> -> memref<16384x64xf32, #tpu.memory_space<hbm>>
      tpu.wait_indirect_dma semaphore(%arg11 : memref<!tpu.dma_semaphore, #tpu.memory_space<semaphore_mem>>) src(%dma_wait3A_333 : memref<16384x64xf32, #tpu.memory_space<hbm>>) dst(%dma_wait3A_327 : memref<128x64xf32, #tpu.memory_space<vmem>>)
      %add3A_334 = arith.constant 3 : i32
      %add3A_335 = arith.addi %add3A_110, %add3A_334 : i32
      %dma_start3A_336 = arith.constant 3 : i32
      %dma_start3A_337 = arith.constant 0 : i32
      %dma_start3A_338 = arith.constant 0 : i32
      %dma_start3A_339 = tpu.memref_slice %arg9[%dma_start3A_336, %dma_start3A_337, %dma_start3A_338] : memref<8x128x64xf32, #tpu.memory_space<vmem>> -> memref<1x128x64xf32, #tpu.memory_space<vmem>>
      %dma_start3A_340 = tpu.memref_squeeze %dma_start3A_339 : memref<1x128x64xf32, #tpu.memory_space<vmem>> -> memref<128x64xf32, #tpu.memory_space<vmem>>
      %dma_start3A_341 = arith.constant 0 : i32
      %dma_start3A_342 = tpu.memref_slice %arg8[%add3A_335, %dma_start3A_341] : memref<64x128xi32, #tpu.memory_space<vmem>> -> memref<1x128xi32, #tpu.memory_space<vmem>>
      %dma_start3A_343 = tpu.memref_squeeze %dma_start3A_342 : memref<1x128xi32, #tpu.memory_space<vmem>> -> memref<128xi32, #tpu.memory_space<vmem>>
      %dma_start3A_344 = arith.constant 0 : i32
      %dma_start3A_345 = arith.constant 0 : i32
      %dma_start3A_346 = tpu.memref_slice %arg10[%dma_start3A_344, %dma_start3A_345] : memref<8192x64xf32, #tpu.memory_space<vmem_shared>> -> memref<8192x64xf32, #tpu.memory_space<vmem_shared>>
      tpu.enqueue_indirect_dma source(%dma_start3A_340 : memref<128x64xf32, #tpu.memory_space<vmem>>) target(%dma_start3A_346 : memref<8192x64xf32, #tpu.memory_space<vmem_shared>>) offsets(%dma_start3A_343 : memref<128xi32, #tpu.memory_space<vmem>>) semaphore(%arg12 : memref<!tpu.dma_semaphore, #tpu.memory_space<semaphore_mem>>) {add = true}
      %dma_wait3A_347 = arith.constant 4 : i32
      %dma_wait3A_348 = arith.constant 0 : i32
      %dma_wait3A_349 = arith.constant 0 : i32
      %dma_wait3A_350 = tpu.memref_slice %arg9[%dma_wait3A_347, %dma_wait3A_348, %dma_wait3A_349] : memref<8x128x64xf32, #tpu.memory_space<vmem>> -> memref<1x128x64xf32, #tpu.memory_space<vmem>>
      %dma_wait3A_351 = tpu.memref_squeeze %dma_wait3A_350 : memref<1x128x64xf32, #tpu.memory_space<vmem>> -> memref<128x64xf32, #tpu.memory_space<vmem>>
      %dma_wait3A_352 = arith.constant 0 : i32
      %dma_wait3A_353 = tpu.memref_slice %arg7[%add3A_185, %dma_wait3A_352] : memref<64x128xi32, #tpu.memory_space<vmem>> -> memref<1x128xi32, #tpu.memory_space<vmem>>
      %dma_wait3A_354 = tpu.memref_squeeze %dma_wait3A_353 : memref<1x128xi32, #tpu.memory_space<vmem>> -> memref<128xi32, #tpu.memory_space<vmem>>
      %dma_wait3A_355 = arith.constant 0 : i32
      %dma_wait3A_356 = arith.constant 0 : i32
      %dma_wait3A_357 = tpu.memref_slice %arg2[%dma_wait3A_355, %dma_wait3A_356] : memref<16384x64xf32, #tpu.memory_space<hbm>> -> memref<16384x64xf32, #tpu.memory_space<hbm>>
      tpu.wait_indirect_dma semaphore(%arg11 : memref<!tpu.dma_semaphore, #tpu.memory_space<semaphore_mem>>) src(%dma_wait3A_357 : memref<16384x64xf32, #tpu.memory_space<hbm>>) dst(%dma_wait3A_351 : memref<128x64xf32, #tpu.memory_space<vmem>>)
      %add3A_358 = arith.constant 4 : i32
      %add3A_359 = arith.addi %add3A_110, %add3A_358 : i32
      %dma_start3A_360 = arith.constant 4 : i32
      %dma_start3A_361 = arith.constant 0 : i32
      %dma_start3A_362 = arith.constant 0 : i32
      %dma_start3A_363 = tpu.memref_slice %arg9[%dma_start3A_360, %dma_start3A_361, %dma_start3A_362] : memref<8x128x64xf32, #tpu.memory_space<vmem>> -> memref<1x128x64xf32, #tpu.memory_space<vmem>>
      %dma_start3A_364 = tpu.memref_squeeze %dma_start3A_363 : memref<1x128x64xf32, #tpu.memory_space<vmem>> -> memref<128x64xf32, #tpu.memory_space<vmem>>
      %dma_start3A_365 = arith.constant 0 : i32
      %dma_start3A_366 = tpu.memref_slice %arg8[%add3A_359, %dma_start3A_365] : memref<64x128xi32, #tpu.memory_space<vmem>> -> memref<1x128xi32, #tpu.memory_space<vmem>>
      %dma_start3A_367 = tpu.memref_squeeze %dma_start3A_366 : memref<1x128xi32, #tpu.memory_space<vmem>> -> memref<128xi32, #tpu.memory_space<vmem>>
      %dma_start3A_368 = arith.constant 0 : i32
      %dma_start3A_369 = arith.constant 0 : i32
      %dma_start3A_370 = tpu.memref_slice %arg10[%dma_start3A_368, %dma_start3A_369] : memref<8192x64xf32, #tpu.memory_space<vmem_shared>> -> memref<8192x64xf32, #tpu.memory_space<vmem_shared>>
      tpu.enqueue_indirect_dma source(%dma_start3A_364 : memref<128x64xf32, #tpu.memory_space<vmem>>) target(%dma_start3A_370 : memref<8192x64xf32, #tpu.memory_space<vmem_shared>>) offsets(%dma_start3A_367 : memref<128xi32, #tpu.memory_space<vmem>>) semaphore(%arg12 : memref<!tpu.dma_semaphore, #tpu.memory_space<semaphore_mem>>) {add = true}
      %dma_wait3A_371 = arith.constant 5 : i32
      %dma_wait3A_372 = arith.constant 0 : i32
      %dma_wait3A_373 = arith.constant 0 : i32
      %dma_wait3A_374 = tpu.memref_slice %arg9[%dma_wait3A_371, %dma_wait3A_372, %dma_wait3A_373] : memref<8x128x64xf32, #tpu.memory_space<vmem>> -> memref<1x128x64xf32, #tpu.memory_space<vmem>>
      %dma_wait3A_375 = tpu.memref_squeeze %dma_wait3A_374 : memref<1x128x64xf32, #tpu.memory_space<vmem>> -> memref<128x64xf32, #tpu.memory_space<vmem>>
      %dma_wait3A_376 = arith.constant 0 : i32
      %dma_wait3A_377 = tpu.memref_slice %arg7[%add3A_203, %dma_wait3A_376] : memref<64x128xi32, #tpu.memory_space<vmem>> -> memref<1x128xi32, #tpu.memory_space<vmem>>
      %dma_wait3A_378 = tpu.memref_squeeze %dma_wait3A_377 : memref<1x128xi32, #tpu.memory_space<vmem>> -> memref<128xi32, #tpu.memory_space<vmem>>
      %dma_wait3A_379 = arith.constant 0 : i32
      %dma_wait3A_380 = arith.constant 0 : i32
      %dma_wait3A_381 = tpu.memref_slice %arg2[%dma_wait3A_379, %dma_wait3A_380] : memref<16384x64xf32, #tpu.memory_space<hbm>> -> memref<16384x64xf32, #tpu.memory_space<hbm>>
      tpu.wait_indirect_dma semaphore(%arg11 : memref<!tpu.dma_semaphore, #tpu.memory_space<semaphore_mem>>) src(%dma_wait3A_381 : memref<16384x64xf32, #tpu.memory_space<hbm>>) dst(%dma_wait3A_375 : memref<128x64xf32, #tpu.memory_space<vmem>>)
      %add3A_382 = arith.constant 5 : i32
      %add3A_383 = arith.addi %add3A_110, %add3A_382 : i32
      %dma_start3A_384 = arith.constant 5 : i32
      %dma_start3A_385 = arith.constant 0 : i32
      %dma_start3A_386 = arith.constant 0 : i32
      %dma_start3A_387 = tpu.memref_slice %arg9[%dma_start3A_384, %dma_start3A_385, %dma_start3A_386] : memref<8x128x64xf32, #tpu.memory_space<vmem>> -> memref<1x128x64xf32, #tpu.memory_space<vmem>>
      %dma_start3A_388 = tpu.memref_squeeze %dma_start3A_387 : memref<1x128x64xf32, #tpu.memory_space<vmem>> -> memref<128x64xf32, #tpu.memory_space<vmem>>
      %dma_start3A_389 = arith.constant 0 : i32
      %dma_start3A_390 = tpu.memref_slice %arg8[%add3A_383, %dma_start3A_389] : memref<64x128xi32, #tpu.memory_space<vmem>> -> memref<1x128xi32, #tpu.memory_space<vmem>>
      %dma_start3A_391 = tpu.memref_squeeze %dma_start3A_390 : memref<1x128xi32, #tpu.memory_space<vmem>> -> memref<128xi32, #tpu.memory_space<vmem>>
      %dma_start3A_392 = arith.constant 0 : i32
      %dma_start3A_393 = arith.constant 0 : i32
      %dma_start3A_394 = tpu.memref_slice %arg10[%dma_start3A_392, %dma_start3A_393] : memref<8192x64xf32, #tpu.memory_space<vmem_shared>> -> memref<8192x64xf32, #tpu.memory_space<vmem_shared>>
      tpu.enqueue_indirect_dma source(%dma_start3A_388 : memref<128x64xf32, #tpu.memory_space<vmem>>) target(%dma_start3A_394 : memref<8192x64xf32, #tpu.memory_space<vmem_shared>>) offsets(%dma_start3A_391 : memref<128xi32, #tpu.memory_space<vmem>>) semaphore(%arg12 : memref<!tpu.dma_semaphore, #tpu.memory_space<semaphore_mem>>) {add = true}
      %dma_wait3A_395 = arith.constant 6 : i32
      %dma_wait3A_396 = arith.constant 0 : i32
      %dma_wait3A_397 = arith.constant 0 : i32
      %dma_wait3A_398 = tpu.memref_slice %arg9[%dma_wait3A_395, %dma_wait3A_396, %dma_wait3A_397] : memref<8x128x64xf32, #tpu.memory_space<vmem>> -> memref<1x128x64xf32, #tpu.memory_space<vmem>>
      %dma_wait3A_399 = tpu.memref_squeeze %dma_wait3A_398 : memref<1x128x64xf32, #tpu.memory_space<vmem>> -> memref<128x64xf32, #tpu.memory_space<vmem>>
      %dma_wait3A_400 = arith.constant 0 : i32
      %dma_wait3A_401 = tpu.memref_slice %arg7[%add3A_221, %dma_wait3A_400] : memref<64x128xi32, #tpu.memory_space<vmem>> -> memref<1x128xi32, #tpu.memory_space<vmem>>
      %dma_wait3A_402 = tpu.memref_squeeze %dma_wait3A_401 : memref<1x128xi32, #tpu.memory_space<vmem>> -> memref<128xi32, #tpu.memory_space<vmem>>
      %dma_wait3A_403 = arith.constant 0 : i32
      %dma_wait3A_404 = arith.constant 0 : i32
      %dma_wait3A_405 = tpu.memref_slice %arg2[%dma_wait3A_403, %dma_wait3A_404] : memref<16384x64xf32, #tpu.memory_space<hbm>> -> memref<16384x64xf32, #tpu.memory_space<hbm>>
      tpu.wait_indirect_dma semaphore(%arg11 : memref<!tpu.dma_semaphore, #tpu.memory_space<semaphore_mem>>) src(%dma_wait3A_405 : memref<16384x64xf32, #tpu.memory_space<hbm>>) dst(%dma_wait3A_399 : memref<128x64xf32, #tpu.memory_space<vmem>>)
      %add3A_406 = arith.constant 6 : i32
      %add3A_407 = arith.addi %add3A_110, %add3A_406 : i32
      %dma_start3A_408 = arith.constant 6 : i32
      %dma_start3A_409 = arith.constant 0 : i32
      %dma_start3A_410 = arith.constant 0 : i32
      %dma_start3A_411 = tpu.memref_slice %arg9[%dma_start3A_408, %dma_start3A_409, %dma_start3A_410] : memref<8x128x64xf32, #tpu.memory_space<vmem>> -> memref<1x128x64xf32, #tpu.memory_space<vmem>>
      %dma_start3A_412 = tpu.memref_squeeze %dma_start3A_411 : memref<1x128x64xf32, #tpu.memory_space<vmem>> -> memref<128x64xf32, #tpu.memory_space<vmem>>
      %dma_start3A_413 = arith.constant 0 : i32
      %dma_start3A_414 = tpu.memref_slice %arg8[%add3A_407, %dma_start3A_413] : memref<64x128xi32, #tpu.memory_space<vmem>> -> memref<1x128xi32, #tpu.memory_space<vmem>>
      %dma_start3A_415 = tpu.memref_squeeze %dma_start3A_414 : memref<1x128xi32, #tpu.memory_space<vmem>> -> memref<128xi32, #tpu.memory_space<vmem>>
      %dma_start3A_416 = arith.constant 0 : i32
      %dma_start3A_417 = arith.constant 0 : i32
      %dma_start3A_418 = tpu.memref_slice %arg10[%dma_start3A_416, %dma_start3A_417] : memref<8192x64xf32, #tpu.memory_space<vmem_shared>> -> memref<8192x64xf32, #tpu.memory_space<vmem_shared>>
      tpu.enqueue_indirect_dma source(%dma_start3A_412 : memref<128x64xf32, #tpu.memory_space<vmem>>) target(%dma_start3A_418 : memref<8192x64xf32, #tpu.memory_space<vmem_shared>>) offsets(%dma_start3A_415 : memref<128xi32, #tpu.memory_space<vmem>>) semaphore(%arg12 : memref<!tpu.dma_semaphore, #tpu.memory_space<semaphore_mem>>) {add = true}
      %dma_wait3A_419 = arith.constant 7 : i32
      %dma_wait3A_420 = arith.constant 0 : i32
      %dma_wait3A_421 = arith.constant 0 : i32
      %dma_wait3A_422 = tpu.memref_slice %arg9[%dma_wait3A_419, %dma_wait3A_420, %dma_wait3A_421] : memref<8x128x64xf32, #tpu.memory_space<vmem>> -> memref<1x128x64xf32, #tpu.memory_space<vmem>>
      %dma_wait3A_423 = tpu.memref_squeeze %dma_wait3A_422 : memref<1x128x64xf32, #tpu.memory_space<vmem>> -> memref<128x64xf32, #tpu.memory_space<vmem>>
      %dma_wait3A_424 = arith.constant 0 : i32
      %dma_wait3A_425 = tpu.memref_slice %arg7[%add3A_239, %dma_wait3A_424] : memref<64x128xi32, #tpu.memory_space<vmem>> -> memref<1x128xi32, #tpu.memory_space<vmem>>
      %dma_wait3A_426 = tpu.memref_squeeze %dma_wait3A_425 : memref<1x128xi32, #tpu.memory_space<vmem>> -> memref<128xi32, #tpu.memory_space<vmem>>
      %dma_wait3A_427 = arith.constant 0 : i32
      %dma_wait3A_428 = arith.constant 0 : i32
      %dma_wait3A_429 = tpu.memref_slice %arg2[%dma_wait3A_427, %dma_wait3A_428] : memref<16384x64xf32, #tpu.memory_space<hbm>> -> memref<16384x64xf32, #tpu.memory_space<hbm>>
      tpu.wait_indirect_dma semaphore(%arg11 : memref<!tpu.dma_semaphore, #tpu.memory_space<semaphore_mem>>) src(%dma_wait3A_429 : memref<16384x64xf32, #tpu.memory_space<hbm>>) dst(%dma_wait3A_423 : memref<128x64xf32, #tpu.memory_space<vmem>>)
      %add3A_430 = arith.constant 7 : i32
      %add3A_431 = arith.addi %add3A_110, %add3A_430 : i32
      %dma_start3A_432 = arith.constant 7 : i32
      %dma_start3A_433 = arith.constant 0 : i32
      %dma_start3A_434 = arith.constant 0 : i32
      %dma_start3A_435 = tpu.memref_slice %arg9[%dma_start3A_432, %dma_start3A_433, %dma_start3A_434] : memref<8x128x64xf32, #tpu.memory_space<vmem>> -> memref<1x128x64xf32, #tpu.memory_space<vmem>>
      %dma_start3A_436 = tpu.memref_squeeze %dma_start3A_435 : memref<1x128x64xf32, #tpu.memory_space<vmem>> -> memref<128x64xf32, #tpu.memory_space<vmem>>
      %dma_start3A_437 = arith.constant 0 : i32
      %dma_start3A_438 = tpu.memref_slice %arg8[%add3A_431, %dma_start3A_437] : memref<64x128xi32, #tpu.memory_space<vmem>> -> memref<1x128xi32, #tpu.memory_space<vmem>>
      %dma_start3A_439 = tpu.memref_squeeze %dma_start3A_438 : memref<1x128xi32, #tpu.memory_space<vmem>> -> memref<128xi32, #tpu.memory_space<vmem>>
      %dma_start3A_440 = arith.constant 0 : i32
      %dma_start3A_441 = arith.constant 0 : i32
      %dma_start3A_442 = tpu.memref_slice %arg10[%dma_start3A_440, %dma_start3A_441] : memref<8192x64xf32, #tpu.memory_space<vmem_shared>> -> memref<8192x64xf32, #tpu.memory_space<vmem_shared>>
      tpu.enqueue_indirect_dma source(%dma_start3A_436 : memref<128x64xf32, #tpu.memory_space<vmem>>) target(%dma_start3A_442 : memref<8192x64xf32, #tpu.memory_space<vmem_shared>>) offsets(%dma_start3A_439 : memref<128xi32, #tpu.memory_space<vmem>>) semaphore(%arg12 : memref<!tpu.dma_semaphore, #tpu.memory_space<semaphore_mem>>) {add = true}
    }
    %scan3A_6 = arith.constant 8 : i32
    %dma_wait3A = arith.constant 0 : i32
    %dma_wait3A_7 = arith.constant 0 : i32
    %dma_wait3A_8 = arith.constant 0 : i32
    %dma_wait3A_9 = arith.constant 0 : i32
    %dma_wait3A_10 = tpu.memref_slice %arg9[%dma_wait3A, %dma_wait3A_8, %dma_wait3A_9] : memref<8x128x64xf32, #tpu.memory_space<vmem>> -> memref<1x128x64xf32, #tpu.memory_space<vmem>>
    %dma_wait3A_11 = tpu.memref_squeeze %dma_wait3A_10 : memref<1x128x64xf32, #tpu.memory_space<vmem>> -> memref<128x64xf32, #tpu.memory_space<vmem>>
    %dma_wait3A_12 = arith.constant 0 : i32
    %dma_wait3A_13 = tpu.memref_slice %arg8[%dma_wait3A_7, %dma_wait3A_12] : memref<64x128xi32, #tpu.memory_space<vmem>> -> memref<1x128xi32, #tpu.memory_space<vmem>>
    %dma_wait3A_14 = tpu.memref_squeeze %dma_wait3A_13 : memref<1x128xi32, #tpu.memory_space<vmem>> -> memref<128xi32, #tpu.memory_space<vmem>>
    %dma_wait3A_15 = arith.constant 0 : i32
    %dma_wait3A_16 = arith.constant 0 : i32
    %dma_wait3A_17 = tpu.memref_slice %arg10[%dma_wait3A_15, %dma_wait3A_16] : memref<8192x64xf32, #tpu.memory_space<vmem_shared>> -> memref<8192x64xf32, #tpu.memory_space<vmem_shared>>
    tpu.wait_indirect_dma semaphore(%arg12 : memref<!tpu.dma_semaphore, #tpu.memory_space<semaphore_mem>>) src(%dma_wait3A_11 : memref<128x64xf32, #tpu.memory_space<vmem>>) dst(%dma_wait3A_17 : memref<8192x64xf32, #tpu.memory_space<vmem_shared>>)
    %dma_wait3A_18 = arith.constant 1 : i32
    %dma_wait3A_19 = arith.constant 1 : i32
    %dma_wait3A_20 = arith.constant 0 : i32
    %dma_wait3A_21 = arith.constant 0 : i32
    %dma_wait3A_22 = tpu.memref_slice %arg9[%dma_wait3A_18, %dma_wait3A_20, %dma_wait3A_21] : memref<8x128x64xf32, #tpu.memory_space<vmem>> -> memref<1x128x64xf32, #tpu.memory_space<vmem>>
    %dma_wait3A_23 = tpu.memref_squeeze %dma_wait3A_22 : memref<1x128x64xf32, #tpu.memory_space<vmem>> -> memref<128x64xf32, #tpu.memory_space<vmem>>
    %dma_wait3A_24 = arith.constant 0 : i32
    %dma_wait3A_25 = tpu.memref_slice %arg8[%dma_wait3A_19, %dma_wait3A_24] : memref<64x128xi32, #tpu.memory_space<vmem>> -> memref<1x128xi32, #tpu.memory_space<vmem>>
    %dma_wait3A_26 = tpu.memref_squeeze %dma_wait3A_25 : memref<1x128xi32, #tpu.memory_space<vmem>> -> memref<128xi32, #tpu.memory_space<vmem>>
    %dma_wait3A_27 = arith.constant 0 : i32
    %dma_wait3A_28 = arith.constant 0 : i32
    %dma_wait3A_29 = tpu.memref_slice %arg10[%dma_wait3A_27, %dma_wait3A_28] : memref<8192x64xf32, #tpu.memory_space<vmem_shared>> -> memref<8192x64xf32, #tpu.memory_space<vmem_shared>>
    tpu.wait_indirect_dma semaphore(%arg12 : memref<!tpu.dma_semaphore, #tpu.memory_space<semaphore_mem>>) src(%dma_wait3A_23 : memref<128x64xf32, #tpu.memory_space<vmem>>) dst(%dma_wait3A_29 : memref<8192x64xf32, #tpu.memory_space<vmem_shared>>)
    %dma_wait3A_30 = arith.constant 2 : i32
    %dma_wait3A_31 = arith.constant 2 : i32
    %dma_wait3A_32 = arith.constant 0 : i32
    %dma_wait3A_33 = arith.constant 0 : i32
    %dma_wait3A_34 = tpu.memref_slice %arg9[%dma_wait3A_30, %dma_wait3A_32, %dma_wait3A_33] : memref<8x128x64xf32, #tpu.memory_space<vmem>> -> memref<1x128x64xf32, #tpu.memory_space<vmem>>
    %dma_wait3A_35 = tpu.memref_squeeze %dma_wait3A_34 : memref<1x128x64xf32, #tpu.memory_space<vmem>> -> memref<128x64xf32, #tpu.memory_space<vmem>>
    %dma_wait3A_36 = arith.constant 0 : i32
    %dma_wait3A_37 = tpu.memref_slice %arg8[%dma_wait3A_31, %dma_wait3A_36] : memref<64x128xi32, #tpu.memory_space<vmem>> -> memref<1x128xi32, #tpu.memory_space<vmem>>
    %dma_wait3A_38 = tpu.memref_squeeze %dma_wait3A_37 : memref<1x128xi32, #tpu.memory_space<vmem>> -> memref<128xi32, #tpu.memory_space<vmem>>
    %dma_wait3A_39 = arith.constant 0 : i32
    %dma_wait3A_40 = arith.constant 0 : i32
    %dma_wait3A_41 = tpu.memref_slice %arg10[%dma_wait3A_39, %dma_wait3A_40] : memref<8192x64xf32, #tpu.memory_space<vmem_shared>> -> memref<8192x64xf32, #tpu.memory_space<vmem_shared>>
    tpu.wait_indirect_dma semaphore(%arg12 : memref<!tpu.dma_semaphore, #tpu.memory_space<semaphore_mem>>) src(%dma_wait3A_35 : memref<128x64xf32, #tpu.memory_space<vmem>>) dst(%dma_wait3A_41 : memref<8192x64xf32, #tpu.memory_space<vmem_shared>>)
    %dma_wait3A_42 = arith.constant 3 : i32
    %dma_wait3A_43 = arith.constant 3 : i32
    %dma_wait3A_44 = arith.constant 0 : i32
    %dma_wait3A_45 = arith.constant 0 : i32
    %dma_wait3A_46 = tpu.memref_slice %arg9[%dma_wait3A_42, %dma_wait3A_44, %dma_wait3A_45] : memref<8x128x64xf32, #tpu.memory_space<vmem>> -> memref<1x128x64xf32, #tpu.memory_space<vmem>>
    %dma_wait3A_47 = tpu.memref_squeeze %dma_wait3A_46 : memref<1x128x64xf32, #tpu.memory_space<vmem>> -> memref<128x64xf32, #tpu.memory_space<vmem>>
    %dma_wait3A_48 = arith.constant 0 : i32
    %dma_wait3A_49 = tpu.memref_slice %arg8[%dma_wait3A_43, %dma_wait3A_48] : memref<64x128xi32, #tpu.memory_space<vmem>> -> memref<1x128xi32, #tpu.memory_space<vmem>>
    %dma_wait3A_50 = tpu.memref_squeeze %dma_wait3A_49 : memref<1x128xi32, #tpu.memory_space<vmem>> -> memref<128xi32, #tpu.memory_space<vmem>>
    %dma_wait3A_51 = arith.constant 0 : i32
    %dma_wait3A_52 = arith.constant 0 : i32
    %dma_wait3A_53 = tpu.memref_slice %arg10[%dma_wait3A_51, %dma_wait3A_52] : memref<8192x64xf32, #tpu.memory_space<vmem_shared>> -> memref<8192x64xf32, #tpu.memory_space<vmem_shared>>
    tpu.wait_indirect_dma semaphore(%arg12 : memref<!tpu.dma_semaphore, #tpu.memory_space<semaphore_mem>>) src(%dma_wait3A_47 : memref<128x64xf32, #tpu.memory_space<vmem>>) dst(%dma_wait3A_53 : memref<8192x64xf32, #tpu.memory_space<vmem_shared>>)
    %dma_wait3A_54 = arith.constant 4 : i32
    %dma_wait3A_55 = arith.constant 4 : i32
    %dma_wait3A_56 = arith.constant 0 : i32
    %dma_wait3A_57 = arith.constant 0 : i32
    %dma_wait3A_58 = tpu.memref_slice %arg9[%dma_wait3A_54, %dma_wait3A_56, %dma_wait3A_57] : memref<8x128x64xf32, #tpu.memory_space<vmem>> -> memref<1x128x64xf32, #tpu.memory_space<vmem>>
    %dma_wait3A_59 = tpu.memref_squeeze %dma_wait3A_58 : memref<1x128x64xf32, #tpu.memory_space<vmem>> -> memref<128x64xf32, #tpu.memory_space<vmem>>
    %dma_wait3A_60 = arith.constant 0 : i32
    %dma_wait3A_61 = tpu.memref_slice %arg8[%dma_wait3A_55, %dma_wait3A_60] : memref<64x128xi32, #tpu.memory_space<vmem>> -> memref<1x128xi32, #tpu.memory_space<vmem>>
    %dma_wait3A_62 = tpu.memref_squeeze %dma_wait3A_61 : memref<1x128xi32, #tpu.memory_space<vmem>> -> memref<128xi32, #tpu.memory_space<vmem>>
    %dma_wait3A_63 = arith.constant 0 : i32
    %dma_wait3A_64 = arith.constant 0 : i32
    %dma_wait3A_65 = tpu.memref_slice %arg10[%dma_wait3A_63, %dma_wait3A_64] : memref<8192x64xf32, #tpu.memory_space<vmem_shared>> -> memref<8192x64xf32, #tpu.memory_space<vmem_shared>>
    tpu.wait_indirect_dma semaphore(%arg12 : memref<!tpu.dma_semaphore, #tpu.memory_space<semaphore_mem>>) src(%dma_wait3A_59 : memref<128x64xf32, #tpu.memory_space<vmem>>) dst(%dma_wait3A_65 : memref<8192x64xf32, #tpu.memory_space<vmem_shared>>)
    %dma_wait3A_66 = arith.constant 5 : i32
    %dma_wait3A_67 = arith.constant 5 : i32
    %dma_wait3A_68 = arith.constant 0 : i32
    %dma_wait3A_69 = arith.constant 0 : i32
    %dma_wait3A_70 = tpu.memref_slice %arg9[%dma_wait3A_66, %dma_wait3A_68, %dma_wait3A_69] : memref<8x128x64xf32, #tpu.memory_space<vmem>> -> memref<1x128x64xf32, #tpu.memory_space<vmem>>
    %dma_wait3A_71 = tpu.memref_squeeze %dma_wait3A_70 : memref<1x128x64xf32, #tpu.memory_space<vmem>> -> memref<128x64xf32, #tpu.memory_space<vmem>>
    %dma_wait3A_72 = arith.constant 0 : i32
    %dma_wait3A_73 = tpu.memref_slice %arg8[%dma_wait3A_67, %dma_wait3A_72] : memref<64x128xi32, #tpu.memory_space<vmem>> -> memref<1x128xi32, #tpu.memory_space<vmem>>
    %dma_wait3A_74 = tpu.memref_squeeze %dma_wait3A_73 : memref<1x128xi32, #tpu.memory_space<vmem>> -> memref<128xi32, #tpu.memory_space<vmem>>
    %dma_wait3A_75 = arith.constant 0 : i32
    %dma_wait3A_76 = arith.constant 0 : i32
    %dma_wait3A_77 = tpu.memref_slice %arg10[%dma_wait3A_75, %dma_wait3A_76] : memref<8192x64xf32, #tpu.memory_space<vmem_shared>> -> memref<8192x64xf32, #tpu.memory_space<vmem_shared>>
    tpu.wait_indirect_dma semaphore(%arg12 : memref<!tpu.dma_semaphore, #tpu.memory_space<semaphore_mem>>) src(%dma_wait3A_71 : memref<128x64xf32, #tpu.memory_space<vmem>>) dst(%dma_wait3A_77 : memref<8192x64xf32, #tpu.memory_space<vmem_shared>>)
    %dma_wait3A_78 = arith.constant 6 : i32
    %dma_wait3A_79 = arith.constant 6 : i32
    %dma_wait3A_80 = arith.constant 0 : i32
    %dma_wait3A_81 = arith.constant 0 : i32
    %dma_wait3A_82 = tpu.memref_slice %arg9[%dma_wait3A_78, %dma_wait3A_80, %dma_wait3A_81] : memref<8x128x64xf32, #tpu.memory_space<vmem>> -> memref<1x128x64xf32, #tpu.memory_space<vmem>>
    %dma_wait3A_83 = tpu.memref_squeeze %dma_wait3A_82 : memref<1x128x64xf32, #tpu.memory_space<vmem>> -> memref<128x64xf32, #tpu.memory_space<vmem>>
    %dma_wait3A_84 = arith.constant 0 : i32
    %dma_wait3A_85 = tpu.memref_slice %arg8[%dma_wait3A_79, %dma_wait3A_84] : memref<64x128xi32, #tpu.memory_space<vmem>> -> memref<1x128xi32, #tpu.memory_space<vmem>>
    %dma_wait3A_86 = tpu.memref_squeeze %dma_wait3A_85 : memref<1x128xi32, #tpu.memory_space<vmem>> -> memref<128xi32, #tpu.memory_space<vmem>>
    %dma_wait3A_87 = arith.constant 0 : i32
    %dma_wait3A_88 = arith.constant 0 : i32
    %dma_wait3A_89 = tpu.memref_slice %arg10[%dma_wait3A_87, %dma_wait3A_88] : memref<8192x64xf32, #tpu.memory_space<vmem_shared>> -> memref<8192x64xf32, #tpu.memory_space<vmem_shared>>
    tpu.wait_indirect_dma semaphore(%arg12 : memref<!tpu.dma_semaphore, #tpu.memory_space<semaphore_mem>>) src(%dma_wait3A_83 : memref<128x64xf32, #tpu.memory_space<vmem>>) dst(%dma_wait3A_89 : memref<8192x64xf32, #tpu.memory_space<vmem_shared>>)
    %dma_wait3A_90 = arith.constant 7 : i32
    %dma_wait3A_91 = arith.constant 7 : i32
    %dma_wait3A_92 = arith.constant 0 : i32
    %dma_wait3A_93 = arith.constant 0 : i32
    %dma_wait3A_94 = tpu.memref_slice %arg9[%dma_wait3A_90, %dma_wait3A_92, %dma_wait3A_93] : memref<8x128x64xf32, #tpu.memory_space<vmem>> -> memref<1x128x64xf32, #tpu.memory_space<vmem>>
    %dma_wait3A_95 = tpu.memref_squeeze %dma_wait3A_94 : memref<1x128x64xf32, #tpu.memory_space<vmem>> -> memref<128x64xf32, #tpu.memory_space<vmem>>
    %dma_wait3A_96 = arith.constant 0 : i32
    %dma_wait3A_97 = tpu.memref_slice %arg8[%dma_wait3A_91, %dma_wait3A_96] : memref<64x128xi32, #tpu.memory_space<vmem>> -> memref<1x128xi32, #tpu.memory_space<vmem>>
    %dma_wait3A_98 = tpu.memref_squeeze %dma_wait3A_97 : memref<1x128xi32, #tpu.memory_space<vmem>> -> memref<128xi32, #tpu.memory_space<vmem>>
    %dma_wait3A_99 = arith.constant 0 : i32
    %dma_wait3A_100 = arith.constant 0 : i32
    %dma_wait3A_101 = tpu.memref_slice %arg10[%dma_wait3A_99, %dma_wait3A_100] : memref<8192x64xf32, #tpu.memory_space<vmem_shared>> -> memref<8192x64xf32, #tpu.memory_space<vmem_shared>>
    tpu.wait_indirect_dma semaphore(%arg12 : memref<!tpu.dma_semaphore, #tpu.memory_space<semaphore_mem>>) src(%dma_wait3A_95 : memref<128x64xf32, #tpu.memory_space<vmem>>) dst(%dma_wait3A_101 : memref<8192x64xf32, #tpu.memory_space<vmem_shared>>)
    %barrier3A_102 = arith.constant 0 : index
    tpu.barrier barrier_id(%barrier3A_102)
    %mul3A_103 = arith.constant 512 : i32
    %mul3A_104 = arith.muli %arg1, %mul3A_103 : i32
    %mul3A_105 = arith.constant 512 : i32
    %mul3A_106 = arith.muli %arg1, %mul3A_105 : i32
    "tpu.region"() ({
      %run_scoped3A = tpu.sem_alloc : memref<!tpu.dma_semaphore, #tpu.memory_space<semaphore_mem>>
      %dma_start3A = arith.constant 0 : i32
      %dma_start3A_107 = tpu.memref_slice %arg6[%arg0, %mul3A_106, %dma_start3A] : memref<2x8192x64xf32, #tpu.memory_space<hbm>> -> memref<1x512x64xf32, #tpu.memory_space<hbm>>
      %dma_start3A_108 = tpu.memref_squeeze %dma_start3A_107 : memref<1x512x64xf32, #tpu.memory_space<hbm>> -> memref<512x64xf32, #tpu.memory_space<hbm>>
      %dma_start3A_109 = arith.constant 0 : i32
      %dma_start3A_110 = tpu.memref_slice %arg10[%mul3A_104, %dma_start3A_109] : memref<8192x64xf32, #tpu.memory_space<vmem_shared>> -> memref<512x64xf32, #tpu.memory_space<vmem_shared>>
      tpu.enqueue_dma source(%dma_start3A_110 : memref<512x64xf32, #tpu.memory_space<vmem_shared>>) target(%dma_start3A_108 : memref<512x64xf32, #tpu.memory_space<hbm>>) target_semaphore(%run_scoped3A : memref<!tpu.dma_semaphore, #tpu.memory_space<semaphore_mem>>)
      %dma_wait3A_111 = arith.constant 0 : i32
      %dma_wait3A_112 = tpu.memref_slice %arg6[%arg0, %mul3A_106, %dma_wait3A_111] : memref<2x8192x64xf32, #tpu.memory_space<hbm>> -> memref<1x512x64xf32, #tpu.memory_space<hbm>>
      %dma_wait3A_113 = tpu.memref_squeeze %dma_wait3A_112 : memref<1x512x64xf32, #tpu.memory_space<hbm>> -> memref<512x64xf32, #tpu.memory_space<hbm>>
      %dma_wait3A_114 = arith.constant 0 : i32
      %dma_wait3A_115 = tpu.memref_slice %arg10[%mul3A_104, %dma_wait3A_114] : memref<8192x64xf32, #tpu.memory_space<vmem_shared>> -> memref<512x64xf32, #tpu.memory_space<vmem_shared>>
      tpu.wait_dma2 semaphore(%run_scoped3A : memref<!tpu.dma_semaphore, #tpu.memory_space<semaphore_mem>>) src(%dma_wait3A_115 : memref<512x64xf32, #tpu.memory_space<vmem_shared>>) dst(%dma_wait3A_113 : memref<512x64xf32, #tpu.memory_space<hbm>>)
      tpu.yield
    }) : () -> ()
    return
  }
}

#map = affine_map<(d0, d1) -> (0, 0, 0, 0)>
#map1 = affine_map<(d0, d1) -> (0)>
#map2 = affine_map<(d0, d1) -> (0, 0)>
module attributes {stable_mosaic.version = 14 : i64} {
  func.func @_deg_body(%arg0: i32, %arg1: i32, %arg2: memref<2x16x64x128xi32, #tpu.memory_space<hbm>>, %arg3: memref<128xf32, #tpu.memory_space<hbm>>, %arg4: memref<524288xf32, #tpu.memory_space<hbm>>, %arg5: memref<2x8192xf32, #tpu.memory_space<hbm>>, %arg6: memref<64x128xi32, #tpu.memory_space<vmem>>, %arg7: memref<128xf32, #tpu.memory_space<vmem>>, %arg8: memref<8192xf32, #tpu.memory_space<vmem_shared>>, %arg9: memref<!tpu.dma_semaphore, #tpu.memory_space<semaphore_mem>>) attributes {dimension_semantics = [#tpu.dimension_semantics<core_parallel>, #tpu.dimension_semantics<subcore_parallel>], iteration_bounds = array<i64: 2, 16>, scalar_prefetch = 0 : i64, scratch_operands = 4 : i64, tpu.core_type = #tpu.core_type<sc_vector_subcore>, window_params = [{transform_indices = #map}, {transform_indices = #map1}, {transform_indices = #map1}, {transform_indices = #map2}]} {
    "tpu.region"() ({
      %run_scoped3A = tpu.sem_alloc : memref<!tpu.dma_semaphore, #tpu.memory_space<semaphore_mem>>
      tpu.enqueue_dma source(%arg3 : memref<128xf32, #tpu.memory_space<hbm>>) target(%arg7 : memref<128xf32, #tpu.memory_space<vmem>>) target_semaphore(%run_scoped3A : memref<!tpu.dma_semaphore, #tpu.memory_space<semaphore_mem>>)
      tpu.wait_dma2 semaphore(%run_scoped3A : memref<!tpu.dma_semaphore, #tpu.memory_space<semaphore_mem>>) src(%arg3 : memref<128xf32, #tpu.memory_space<hbm>>) dst(%arg7 : memref<128xf32, #tpu.memory_space<vmem>>)
      tpu.yield
    }) : () -> ()
    %mul3A = arith.constant 512 : i32
    %mul3A_0 = arith.muli %arg1, %mul3A : i32
    %mul3A_1 = arith.constant 512 : i32
    %mul3A_2 = arith.muli %arg1, %mul3A_1 : i32
    "tpu.region"() ({
      %run_scoped3A = tpu.sem_alloc : memref<!tpu.dma_semaphore, #tpu.memory_space<semaphore_mem>>
      %dma_start3A = tpu.memref_slice %arg8[%mul3A_2] : memref<8192xf32, #tpu.memory_space<vmem_shared>> -> memref<512xf32, #tpu.memory_space<vmem_shared>>
      %dma_start3A_12 = tpu.memref_slice %arg4[%mul3A_0] : memref<524288xf32, #tpu.memory_space<hbm>> -> memref<512xf32, #tpu.memory_space<hbm>>
      tpu.enqueue_dma source(%dma_start3A_12 : memref<512xf32, #tpu.memory_space<hbm>>) target(%dma_start3A : memref<512xf32, #tpu.memory_space<vmem_shared>>) target_semaphore(%run_scoped3A : memref<!tpu.dma_semaphore, #tpu.memory_space<semaphore_mem>>)
      %dma_wait3A = tpu.memref_slice %arg8[%mul3A_2] : memref<8192xf32, #tpu.memory_space<vmem_shared>> -> memref<512xf32, #tpu.memory_space<vmem_shared>>
      %dma_wait3A_13 = tpu.memref_slice %arg4[%mul3A_0] : memref<524288xf32, #tpu.memory_space<hbm>> -> memref<512xf32, #tpu.memory_space<hbm>>
      tpu.wait_dma2 semaphore(%run_scoped3A : memref<!tpu.dma_semaphore, #tpu.memory_space<semaphore_mem>>) src(%dma_wait3A_13 : memref<512xf32, #tpu.memory_space<hbm>>) dst(%dma_wait3A : memref<512xf32, #tpu.memory_space<vmem_shared>>)
      tpu.yield
    }) : () -> ()
    %barrier3A = arith.constant 0 : index
    tpu.barrier barrier_id(%barrier3A)
    "tpu.region"() ({
      %run_scoped3A = tpu.sem_alloc : memref<!tpu.dma_semaphore, #tpu.memory_space<semaphore_mem>>
      %dma_start3A = arith.constant 0 : i32
      %dma_start3A_12 = arith.constant 0 : i32
      %dma_start3A_13 = tpu.memref_slice %arg2[%arg0, %arg1, %dma_start3A, %dma_start3A_12] : memref<2x16x64x128xi32, #tpu.memory_space<hbm>> -> memref<1x1x64x128xi32, #tpu.memory_space<hbm>>
      %dma_start3A_14 = tpu.memref_squeeze %dma_start3A_13 : memref<1x1x64x128xi32, #tpu.memory_space<hbm>> -> memref<64x128xi32, #tpu.memory_space<hbm>>
      %dma_start3A_15 = arith.constant 0 : i32
      %dma_start3A_16 = arith.constant 0 : i32
      %dma_start3A_17 = tpu.memref_slice %arg2[%arg0, %arg1, %dma_start3A_15, %dma_start3A_16] : memref<2x16x64x128xi32, #tpu.memory_space<hbm>> -> memref<1x1x64x128xi32, #tpu.memory_space<hbm>>
      %dma_start3A_18 = tpu.memref_squeeze %dma_start3A_17 : memref<1x1x64x128xi32, #tpu.memory_space<hbm>> -> memref<64x128xi32, #tpu.memory_space<hbm>>
      tpu.enqueue_dma source(%dma_start3A_18 : memref<64x128xi32, #tpu.memory_space<hbm>>) target(%arg6 : memref<64x128xi32, #tpu.memory_space<vmem>>) target_semaphore(%run_scoped3A : memref<!tpu.dma_semaphore, #tpu.memory_space<semaphore_mem>>)
      %dma_wait3A = arith.constant 0 : i32
      %dma_wait3A_19 = arith.constant 0 : i32
      %dma_wait3A_20 = tpu.memref_slice %arg2[%arg0, %arg1, %dma_wait3A, %dma_wait3A_19] : memref<2x16x64x128xi32, #tpu.memory_space<hbm>> -> memref<1x1x64x128xi32, #tpu.memory_space<hbm>>
      %dma_wait3A_21 = tpu.memref_squeeze %dma_wait3A_20 : memref<1x1x64x128xi32, #tpu.memory_space<hbm>> -> memref<64x128xi32, #tpu.memory_space<hbm>>
      %dma_wait3A_22 = arith.constant 0 : i32
      %dma_wait3A_23 = arith.constant 0 : i32
      %dma_wait3A_24 = tpu.memref_slice %arg2[%arg0, %arg1, %dma_wait3A_22, %dma_wait3A_23] : memref<2x16x64x128xi32, #tpu.memory_space<hbm>> -> memref<1x1x64x128xi32, #tpu.memory_space<hbm>>
      %dma_wait3A_25 = tpu.memref_squeeze %dma_wait3A_24 : memref<1x1x64x128xi32, #tpu.memory_space<hbm>> -> memref<64x128xi32, #tpu.memory_space<hbm>>
      tpu.wait_dma2 semaphore(%run_scoped3A : memref<!tpu.dma_semaphore, #tpu.memory_space<semaphore_mem>>) src(%dma_wait3A_25 : memref<64x128xi32, #tpu.memory_space<hbm>>) dst(%arg6 : memref<64x128xi32, #tpu.memory_space<vmem>>)
      tpu.yield
    }) : () -> ()
    %scan3A = arith.constant 0 : i32
    %scan3A_3 = arith.constant 8 : i32
    %scan3A_4 = arith.addi %scan3A, %scan3A_3 : i32
    %scan3A_5 = arith.constant 1 : i32
    scf.for %scan3A_12 = %scan3A to %scan3A_4 step %scan3A_5  : i32 {
      %mul3A_13 = arith.constant 8 : i32
      %mul3A_14 = arith.muli %scan3A_12, %mul3A_13 : i32
      %add3A = arith.constant 0 : i32
      %add3A_15 = arith.addi %add3A, %mul3A_14 : i32
      %add3A_16 = arith.constant 0 : i32
      %add3A_17 = arith.addi %add3A_15, %add3A_16 : i32
      %dma_start3A = arith.constant 0 : i32
      %dma_start3A_18 = tpu.memref_slice %arg6[%add3A_17, %dma_start3A] : memref<64x128xi32, #tpu.memory_space<vmem>> -> memref<1x128xi32, #tpu.memory_space<vmem>>
      %dma_start3A_19 = tpu.memref_squeeze %dma_start3A_18 : memref<1x128xi32, #tpu.memory_space<vmem>> -> memref<128xi32, #tpu.memory_space<vmem>>
      %dma_start3A_20 = arith.constant 0 : i32
      %dma_start3A_21 = tpu.memref_slice %arg8[%dma_start3A_20] : memref<8192xf32, #tpu.memory_space<vmem_shared>> -> memref<8192xf32, #tpu.memory_space<vmem_shared>>
      tpu.enqueue_indirect_dma source(%arg7 : memref<128xf32, #tpu.memory_space<vmem>>) target(%dma_start3A_21 : memref<8192xf32, #tpu.memory_space<vmem_shared>>) offsets(%dma_start3A_19 : memref<128xi32, #tpu.memory_space<vmem>>) semaphore(%arg9 : memref<!tpu.dma_semaphore, #tpu.memory_space<semaphore_mem>>) {add = true}
      %add3A_22 = arith.constant 1 : i32
      %add3A_23 = arith.addi %add3A_15, %add3A_22 : i32
      %dma_start3A_24 = arith.constant 0 : i32
      %dma_start3A_25 = tpu.memref_slice %arg6[%add3A_23, %dma_start3A_24] : memref<64x128xi32, #tpu.memory_space<vmem>> -> memref<1x128xi32, #tpu.memory_space<vmem>>
      %dma_start3A_26 = tpu.memref_squeeze %dma_start3A_25 : memref<1x128xi32, #tpu.memory_space<vmem>> -> memref<128xi32, #tpu.memory_space<vmem>>
      %dma_start3A_27 = arith.constant 0 : i32
      %dma_start3A_28 = tpu.memref_slice %arg8[%dma_start3A_27] : memref<8192xf32, #tpu.memory_space<vmem_shared>> -> memref<8192xf32, #tpu.memory_space<vmem_shared>>
      tpu.enqueue_indirect_dma source(%arg7 : memref<128xf32, #tpu.memory_space<vmem>>) target(%dma_start3A_28 : memref<8192xf32, #tpu.memory_space<vmem_shared>>) offsets(%dma_start3A_26 : memref<128xi32, #tpu.memory_space<vmem>>) semaphore(%arg9 : memref<!tpu.dma_semaphore, #tpu.memory_space<semaphore_mem>>) {add = true}
      %add3A_29 = arith.constant 2 : i32
      %add3A_30 = arith.addi %add3A_15, %add3A_29 : i32
      %dma_start3A_31 = arith.constant 0 : i32
      %dma_start3A_32 = tpu.memref_slice %arg6[%add3A_30, %dma_start3A_31] : memref<64x128xi32, #tpu.memory_space<vmem>> -> memref<1x128xi32, #tpu.memory_space<vmem>>
      %dma_start3A_33 = tpu.memref_squeeze %dma_start3A_32 : memref<1x128xi32, #tpu.memory_space<vmem>> -> memref<128xi32, #tpu.memory_space<vmem>>
      %dma_start3A_34 = arith.constant 0 : i32
      %dma_start3A_35 = tpu.memref_slice %arg8[%dma_start3A_34] : memref<8192xf32, #tpu.memory_space<vmem_shared>> -> memref<8192xf32, #tpu.memory_space<vmem_shared>>
      tpu.enqueue_indirect_dma source(%arg7 : memref<128xf32, #tpu.memory_space<vmem>>) target(%dma_start3A_35 : memref<8192xf32, #tpu.memory_space<vmem_shared>>) offsets(%dma_start3A_33 : memref<128xi32, #tpu.memory_space<vmem>>) semaphore(%arg9 : memref<!tpu.dma_semaphore, #tpu.memory_space<semaphore_mem>>) {add = true}
      %add3A_36 = arith.constant 3 : i32
      %add3A_37 = arith.addi %add3A_15, %add3A_36 : i32
      %dma_start3A_38 = arith.constant 0 : i32
      %dma_start3A_39 = tpu.memref_slice %arg6[%add3A_37, %dma_start3A_38] : memref<64x128xi32, #tpu.memory_space<vmem>> -> memref<1x128xi32, #tpu.memory_space<vmem>>
      %dma_start3A_40 = tpu.memref_squeeze %dma_start3A_39 : memref<1x128xi32, #tpu.memory_space<vmem>> -> memref<128xi32, #tpu.memory_space<vmem>>
      %dma_start3A_41 = arith.constant 0 : i32
      %dma_start3A_42 = tpu.memref_slice %arg8[%dma_start3A_41] : memref<8192xf32, #tpu.memory_space<vmem_shared>> -> memref<8192xf32, #tpu.memory_space<vmem_shared>>
      tpu.enqueue_indirect_dma source(%arg7 : memref<128xf32, #tpu.memory_space<vmem>>) target(%dma_start3A_42 : memref<8192xf32, #tpu.memory_space<vmem_shared>>) offsets(%dma_start3A_40 : memref<128xi32, #tpu.memory_space<vmem>>) semaphore(%arg9 : memref<!tpu.dma_semaphore, #tpu.memory_space<semaphore_mem>>) {add = true}
      %add3A_43 = arith.constant 4 : i32
      %add3A_44 = arith.addi %add3A_15, %add3A_43 : i32
      %dma_start3A_45 = arith.constant 0 : i32
      %dma_start3A_46 = tpu.memref_slice %arg6[%add3A_44, %dma_start3A_45] : memref<64x128xi32, #tpu.memory_space<vmem>> -> memref<1x128xi32, #tpu.memory_space<vmem>>
      %dma_start3A_47 = tpu.memref_squeeze %dma_start3A_46 : memref<1x128xi32, #tpu.memory_space<vmem>> -> memref<128xi32, #tpu.memory_space<vmem>>
      %dma_start3A_48 = arith.constant 0 : i32
      %dma_start3A_49 = tpu.memref_slice %arg8[%dma_start3A_48] : memref<8192xf32, #tpu.memory_space<vmem_shared>> -> memref<8192xf32, #tpu.memory_space<vmem_shared>>
      tpu.enqueue_indirect_dma source(%arg7 : memref<128xf32, #tpu.memory_space<vmem>>) target(%dma_start3A_49 : memref<8192xf32, #tpu.memory_space<vmem_shared>>) offsets(%dma_start3A_47 : memref<128xi32, #tpu.memory_space<vmem>>) semaphore(%arg9 : memref<!tpu.dma_semaphore, #tpu.memory_space<semaphore_mem>>) {add = true}
      %add3A_50 = arith.constant 5 : i32
      %add3A_51 = arith.addi %add3A_15, %add3A_50 : i32
      %dma_start3A_52 = arith.constant 0 : i32
      %dma_start3A_53 = tpu.memref_slice %arg6[%add3A_51, %dma_start3A_52] : memref<64x128xi32, #tpu.memory_space<vmem>> -> memref<1x128xi32, #tpu.memory_space<vmem>>
      %dma_start3A_54 = tpu.memref_squeeze %dma_start3A_53 : memref<1x128xi32, #tpu.memory_space<vmem>> -> memref<128xi32, #tpu.memory_space<vmem>>
      %dma_start3A_55 = arith.constant 0 : i32
      %dma_start3A_56 = tpu.memref_slice %arg8[%dma_start3A_55] : memref<8192xf32, #tpu.memory_space<vmem_shared>> -> memref<8192xf32, #tpu.memory_space<vmem_shared>>
      tpu.enqueue_indirect_dma source(%arg7 : memref<128xf32, #tpu.memory_space<vmem>>) target(%dma_start3A_56 : memref<8192xf32, #tpu.memory_space<vmem_shared>>) offsets(%dma_start3A_54 : memref<128xi32, #tpu.memory_space<vmem>>) semaphore(%arg9 : memref<!tpu.dma_semaphore, #tpu.memory_space<semaphore_mem>>) {add = true}
      %add3A_57 = arith.constant 6 : i32
      %add3A_58 = arith.addi %add3A_15, %add3A_57 : i32
      %dma_start3A_59 = arith.constant 0 : i32
      %dma_start3A_60 = tpu.memref_slice %arg6[%add3A_58, %dma_start3A_59] : memref<64x128xi32, #tpu.memory_space<vmem>> -> memref<1x128xi32, #tpu.memory_space<vmem>>
      %dma_start3A_61 = tpu.memref_squeeze %dma_start3A_60 : memref<1x128xi32, #tpu.memory_space<vmem>> -> memref<128xi32, #tpu.memory_space<vmem>>
      %dma_start3A_62 = arith.constant 0 : i32
      %dma_start3A_63 = tpu.memref_slice %arg8[%dma_start3A_62] : memref<8192xf32, #tpu.memory_space<vmem_shared>> -> memref<8192xf32, #tpu.memory_space<vmem_shared>>
      tpu.enqueue_indirect_dma source(%arg7 : memref<128xf32, #tpu.memory_space<vmem>>) target(%dma_start3A_63 : memref<8192xf32, #tpu.memory_space<vmem_shared>>) offsets(%dma_start3A_61 : memref<128xi32, #tpu.memory_space<vmem>>) semaphore(%arg9 : memref<!tpu.dma_semaphore, #tpu.memory_space<semaphore_mem>>) {add = true}
      %add3A_64 = arith.constant 7 : i32
      %add3A_65 = arith.addi %add3A_15, %add3A_64 : i32
      %dma_start3A_66 = arith.constant 0 : i32
      %dma_start3A_67 = tpu.memref_slice %arg6[%add3A_65, %dma_start3A_66] : memref<64x128xi32, #tpu.memory_space<vmem>> -> memref<1x128xi32, #tpu.memory_space<vmem>>
      %dma_start3A_68 = tpu.memref_squeeze %dma_start3A_67 : memref<1x128xi32, #tpu.memory_space<vmem>> -> memref<128xi32, #tpu.memory_space<vmem>>
      %dma_start3A_69 = arith.constant 0 : i32
      %dma_start3A_70 = tpu.memref_slice %arg8[%dma_start3A_69] : memref<8192xf32, #tpu.memory_space<vmem_shared>> -> memref<8192xf32, #tpu.memory_space<vmem_shared>>
      tpu.enqueue_indirect_dma source(%arg7 : memref<128xf32, #tpu.memory_space<vmem>>) target(%dma_start3A_70 : memref<8192xf32, #tpu.memory_space<vmem_shared>>) offsets(%dma_start3A_68 : memref<128xi32, #tpu.memory_space<vmem>>) semaphore(%arg9 : memref<!tpu.dma_semaphore, #tpu.memory_space<semaphore_mem>>) {add = true}
      %dma_wait3A = arith.constant 0 : i32
      %dma_wait3A_71 = tpu.memref_slice %arg6[%add3A_17, %dma_wait3A] : memref<64x128xi32, #tpu.memory_space<vmem>> -> memref<1x128xi32, #tpu.memory_space<vmem>>
      %dma_wait3A_72 = tpu.memref_squeeze %dma_wait3A_71 : memref<1x128xi32, #tpu.memory_space<vmem>> -> memref<128xi32, #tpu.memory_space<vmem>>
      %dma_wait3A_73 = arith.constant 0 : i32
      %dma_wait3A_74 = tpu.memref_slice %arg8[%dma_wait3A_73] : memref<8192xf32, #tpu.memory_space<vmem_shared>> -> memref<8192xf32, #tpu.memory_space<vmem_shared>>
      tpu.wait_indirect_dma semaphore(%arg9 : memref<!tpu.dma_semaphore, #tpu.memory_space<semaphore_mem>>) src(%arg7 : memref<128xf32, #tpu.memory_space<vmem>>) dst(%dma_wait3A_74 : memref<8192xf32, #tpu.memory_space<vmem_shared>>)
      %dma_wait3A_75 = arith.constant 0 : i32
      %dma_wait3A_76 = tpu.memref_slice %arg6[%add3A_23, %dma_wait3A_75] : memref<64x128xi32, #tpu.memory_space<vmem>> -> memref<1x128xi32, #tpu.memory_space<vmem>>
      %dma_wait3A_77 = tpu.memref_squeeze %dma_wait3A_76 : memref<1x128xi32, #tpu.memory_space<vmem>> -> memref<128xi32, #tpu.memory_space<vmem>>
      %dma_wait3A_78 = arith.constant 0 : i32
      %dma_wait3A_79 = tpu.memref_slice %arg8[%dma_wait3A_78] : memref<8192xf32, #tpu.memory_space<vmem_shared>> -> memref<8192xf32, #tpu.memory_space<vmem_shared>>
      tpu.wait_indirect_dma semaphore(%arg9 : memref<!tpu.dma_semaphore, #tpu.memory_space<semaphore_mem>>) src(%arg7 : memref<128xf32, #tpu.memory_space<vmem>>) dst(%dma_wait3A_79 : memref<8192xf32, #tpu.memory_space<vmem_shared>>)
      %dma_wait3A_80 = arith.constant 0 : i32
      %dma_wait3A_81 = tpu.memref_slice %arg6[%add3A_30, %dma_wait3A_80] : memref<64x128xi32, #tpu.memory_space<vmem>> -> memref<1x128xi32, #tpu.memory_space<vmem>>
      %dma_wait3A_82 = tpu.memref_squeeze %dma_wait3A_81 : memref<1x128xi32, #tpu.memory_space<vmem>> -> memref<128xi32, #tpu.memory_space<vmem>>
      %dma_wait3A_83 = arith.constant 0 : i32
      %dma_wait3A_84 = tpu.memref_slice %arg8[%dma_wait3A_83] : memref<8192xf32, #tpu.memory_space<vmem_shared>> -> memref<8192xf32, #tpu.memory_space<vmem_shared>>
      tpu.wait_indirect_dma semaphore(%arg9 : memref<!tpu.dma_semaphore, #tpu.memory_space<semaphore_mem>>) src(%arg7 : memref<128xf32, #tpu.memory_space<vmem>>) dst(%dma_wait3A_84 : memref<8192xf32, #tpu.memory_space<vmem_shared>>)
      %dma_wait3A_85 = arith.constant 0 : i32
      %dma_wait3A_86 = tpu.memref_slice %arg6[%add3A_37, %dma_wait3A_85] : memref<64x128xi32, #tpu.memory_space<vmem>> -> memref<1x128xi32, #tpu.memory_space<vmem>>
      %dma_wait3A_87 = tpu.memref_squeeze %dma_wait3A_86 : memref<1x128xi32, #tpu.memory_space<vmem>> -> memref<128xi32, #tpu.memory_space<vmem>>
      %dma_wait3A_88 = arith.constant 0 : i32
      %dma_wait3A_89 = tpu.memref_slice %arg8[%dma_wait3A_88] : memref<8192xf32, #tpu.memory_space<vmem_shared>> -> memref<8192xf32, #tpu.memory_space<vmem_shared>>
      tpu.wait_indirect_dma semaphore(%arg9 : memref<!tpu.dma_semaphore, #tpu.memory_space<semaphore_mem>>) src(%arg7 : memref<128xf32, #tpu.memory_space<vmem>>) dst(%dma_wait3A_89 : memref<8192xf32, #tpu.memory_space<vmem_shared>>)
      %dma_wait3A_90 = arith.constant 0 : i32
      %dma_wait3A_91 = tpu.memref_slice %arg6[%add3A_44, %dma_wait3A_90] : memref<64x128xi32, #tpu.memory_space<vmem>> -> memref<1x128xi32, #tpu.memory_space<vmem>>
      %dma_wait3A_92 = tpu.memref_squeeze %dma_wait3A_91 : memref<1x128xi32, #tpu.memory_space<vmem>> -> memref<128xi32, #tpu.memory_space<vmem>>
      %dma_wait3A_93 = arith.constant 0 : i32
      %dma_wait3A_94 = tpu.memref_slice %arg8[%dma_wait3A_93] : memref<8192xf32, #tpu.memory_space<vmem_shared>> -> memref<8192xf32, #tpu.memory_space<vmem_shared>>
      tpu.wait_indirect_dma semaphore(%arg9 : memref<!tpu.dma_semaphore, #tpu.memory_space<semaphore_mem>>) src(%arg7 : memref<128xf32, #tpu.memory_space<vmem>>) dst(%dma_wait3A_94 : memref<8192xf32, #tpu.memory_space<vmem_shared>>)
      %dma_wait3A_95 = arith.constant 0 : i32
      %dma_wait3A_96 = tpu.memref_slice %arg6[%add3A_51, %dma_wait3A_95] : memref<64x128xi32, #tpu.memory_space<vmem>> -> memref<1x128xi32, #tpu.memory_space<vmem>>
      %dma_wait3A_97 = tpu.memref_squeeze %dma_wait3A_96 : memref<1x128xi32, #tpu.memory_space<vmem>> -> memref<128xi32, #tpu.memory_space<vmem>>
      %dma_wait3A_98 = arith.constant 0 : i32
      %dma_wait3A_99 = tpu.memref_slice %arg8[%dma_wait3A_98] : memref<8192xf32, #tpu.memory_space<vmem_shared>> -> memref<8192xf32, #tpu.memory_space<vmem_shared>>
      tpu.wait_indirect_dma semaphore(%arg9 : memref<!tpu.dma_semaphore, #tpu.memory_space<semaphore_mem>>) src(%arg7 : memref<128xf32, #tpu.memory_space<vmem>>) dst(%dma_wait3A_99 : memref<8192xf32, #tpu.memory_space<vmem_shared>>)
      %dma_wait3A_100 = arith.constant 0 : i32
      %dma_wait3A_101 = tpu.memref_slice %arg6[%add3A_58, %dma_wait3A_100] : memref<64x128xi32, #tpu.memory_space<vmem>> -> memref<1x128xi32, #tpu.memory_space<vmem>>
      %dma_wait3A_102 = tpu.memref_squeeze %dma_wait3A_101 : memref<1x128xi32, #tpu.memory_space<vmem>> -> memref<128xi32, #tpu.memory_space<vmem>>
      %dma_wait3A_103 = arith.constant 0 : i32
      %dma_wait3A_104 = tpu.memref_slice %arg8[%dma_wait3A_103] : memref<8192xf32, #tpu.memory_space<vmem_shared>> -> memref<8192xf32, #tpu.memory_space<vmem_shared>>
      tpu.wait_indirect_dma semaphore(%arg9 : memref<!tpu.dma_semaphore, #tpu.memory_space<semaphore_mem>>) src(%arg7 : memref<128xf32, #tpu.memory_space<vmem>>) dst(%dma_wait3A_104 : memref<8192xf32, #tpu.memory_space<vmem_shared>>)
      %dma_wait3A_105 = arith.constant 0 : i32
      %dma_wait3A_106 = tpu.memref_slice %arg6[%add3A_65, %dma_wait3A_105] : memref<64x128xi32, #tpu.memory_space<vmem>> -> memref<1x128xi32, #tpu.memory_space<vmem>>
      %dma_wait3A_107 = tpu.memref_squeeze %dma_wait3A_106 : memref<1x128xi32, #tpu.memory_space<vmem>> -> memref<128xi32, #tpu.memory_space<vmem>>
      %dma_wait3A_108 = arith.constant 0 : i32
      %dma_wait3A_109 = tpu.memref_slice %arg8[%dma_wait3A_108] : memref<8192xf32, #tpu.memory_space<vmem_shared>> -> memref<8192xf32, #tpu.memory_space<vmem_shared>>
      tpu.wait_indirect_dma semaphore(%arg9 : memref<!tpu.dma_semaphore, #tpu.memory_space<semaphore_mem>>) src(%arg7 : memref<128xf32, #tpu.memory_space<vmem>>) dst(%dma_wait3A_109 : memref<8192xf32, #tpu.memory_space<vmem_shared>>)
    }
    %scan3A_6 = arith.constant 8 : i32
    %barrier3A_7 = arith.constant 0 : index
    tpu.barrier barrier_id(%barrier3A_7)
    %mul3A_8 = arith.constant 512 : i32
    %mul3A_9 = arith.muli %arg1, %mul3A_8 : i32
    %mul3A_10 = arith.constant 512 : i32
    %mul3A_11 = arith.muli %arg1, %mul3A_10 : i32
    "tpu.region"() ({
      %run_scoped3A = tpu.sem_alloc : memref<!tpu.dma_semaphore, #tpu.memory_space<semaphore_mem>>
      %dma_start3A = tpu.memref_slice %arg5[%arg0, %mul3A_11] : memref<2x8192xf32, #tpu.memory_space<hbm>> -> memref<1x512xf32, #tpu.memory_space<hbm>>
      %dma_start3A_12 = tpu.memref_squeeze %dma_start3A : memref<1x512xf32, #tpu.memory_space<hbm>> -> memref<512xf32, #tpu.memory_space<hbm>>
      %dma_start3A_13 = tpu.memref_slice %arg8[%mul3A_9] : memref<8192xf32, #tpu.memory_space<vmem_shared>> -> memref<512xf32, #tpu.memory_space<vmem_shared>>
      tpu.enqueue_dma source(%dma_start3A_13 : memref<512xf32, #tpu.memory_space<vmem_shared>>) target(%dma_start3A_12 : memref<512xf32, #tpu.memory_space<hbm>>) target_semaphore(%run_scoped3A : memref<!tpu.dma_semaphore, #tpu.memory_space<semaphore_mem>>)
      %dma_wait3A = tpu.memref_slice %arg5[%arg0, %mul3A_11] : memref<2x8192xf32, #tpu.memory_space<hbm>> -> memref<1x512xf32, #tpu.memory_space<hbm>>
      %dma_wait3A_14 = tpu.memref_squeeze %dma_wait3A : memref<1x512xf32, #tpu.memory_space<hbm>> -> memref<512xf32, #tpu.memory_space<hbm>>
      %dma_wait3A_15 = tpu.memref_slice %arg8[%mul3A_9] : memref<8192xf32, #tpu.memory_space<vmem_shared>> -> memref<512xf32, #tpu.memory_space<vmem_shared>>
      tpu.wait_dma2 semaphore(%run_scoped3A : memref<!tpu.dma_semaphore, #tpu.memory_space<semaphore_mem>>) src(%dma_wait3A_15 : memref<512xf32, #tpu.memory_space<vmem_shared>>) dst(%dma_wait3A_14 : memref<512xf32, #tpu.memory_space<hbm>>)
      tpu.yield
    }) : () -> ()
    return
  }
}

#map = affine_map<(d0, d1) -> (0, 0)>
#map1 = affine_map<(d0, d1) -> (0, 0, 0, 0)>
#map2 = affine_map<(d0, d1) -> (0, 0, 0)>
module attributes {stable_mosaic.version = 14 : i64} {
  func.func @_scb_body(%arg0: i32, %arg1: i32, %arg2: memref<16384x64xf32, #tpu.memory_space<hbm>>, %arg3: memref<2x16x64x128xi32, #tpu.memory_space<hbm>>, %arg4: memref<16x64x128xi32, #tpu.memory_space<hbm>>, %arg5: memref<8192x64xf32, #tpu.memory_space<hbm>>, %arg6: memref<2x8192x64xf32, #tpu.memory_space<hbm>>, %arg7: memref<64x128xi32, #tpu.memory_space<vmem>>, %arg8: memref<64x128xi32, #tpu.memory_space<vmem>>, %arg9: memref<8x128x64xf32, #tpu.memory_space<vmem>>, %arg10: memref<8192x64xf32, #tpu.memory_space<vmem_shared>>, %arg11: memref<!tpu.dma_semaphore, #tpu.memory_space<semaphore_mem>>, %arg12: memref<!tpu.dma_semaphore, #tpu.memory_space<semaphore_mem>>) attributes {dimension_semantics = [#tpu.dimension_semantics<core_parallel>, #tpu.dimension_semantics<subcore_parallel>], iteration_bounds = array<i64: 2, 16>, scalar_prefetch = 0 : i64, scratch_operands = 6 : i64, tpu.core_type = #tpu.core_type<sc_vector_subcore>, window_params = [{transform_indices = #map}, {transform_indices = #map1}, {transform_indices = #map2}, {transform_indices = #map}, {transform_indices = #map2}]} {
    %mul3A = arith.constant 512 : i32
    %mul3A_0 = arith.muli %arg1, %mul3A : i32
    %mul3A_1 = arith.constant 512 : i32
    %mul3A_2 = arith.muli %arg1, %mul3A_1 : i32
    "tpu.region"() ({
      %run_scoped3A = tpu.sem_alloc : memref<!tpu.dma_semaphore, #tpu.memory_space<semaphore_mem>>
      %dma_start3A = arith.constant 0 : i32
      %dma_start3A_107 = tpu.memref_slice %arg10[%mul3A_2, %dma_start3A] : memref<8192x64xf32, #tpu.memory_space<vmem_shared>> -> memref<512x64xf32, #tpu.memory_space<vmem_shared>>
      %dma_start3A_108 = arith.constant 0 : i32
      %dma_start3A_109 = tpu.memref_slice %arg5[%mul3A_0, %dma_start3A_108] : memref<8192x64xf32, #tpu.memory_space<hbm>> -> memref<512x64xf32, #tpu.memory_space<hbm>>
      tpu.enqueue_dma source(%dma_start3A_109 : memref<512x64xf32, #tpu.memory_space<hbm>>) target(%dma_start3A_107 : memref<512x64xf32, #tpu.memory_space<vmem_shared>>) target_semaphore(%run_scoped3A : memref<!tpu.dma_semaphore, #tpu.memory_space<semaphore_mem>>)
      %dma_wait3A_110 = arith.constant 0 : i32
      %dma_wait3A_111 = tpu.memref_slice %arg10[%mul3A_2, %dma_wait3A_110] : memref<8192x64xf32, #tpu.memory_space<vmem_shared>> -> memref<512x64xf32, #tpu.memory_space<vmem_shared>>
      %dma_wait3A_112 = arith.constant 0 : i32
      %dma_wait3A_113 = tpu.memref_slice %arg5[%mul3A_0, %dma_wait3A_112] : memref<8192x64xf32, #tpu.memory_space<hbm>> -> memref<512x64xf32, #tpu.memory_space<hbm>>
      tpu.wait_dma2 semaphore(%run_scoped3A : memref<!tpu.dma_semaphore, #tpu.memory_space<semaphore_mem>>) src(%dma_wait3A_113 : memref<512x64xf32, #tpu.memory_space<hbm>>) dst(%dma_wait3A_111 : memref<512x64xf32, #tpu.memory_space<vmem_shared>>)
      tpu.yield
    }) : () -> ()
    %barrier3A = arith.constant 0 : index
    tpu.barrier barrier_id(%barrier3A)
    "tpu.region"() ({
      %run_scoped3A = tpu.sem_alloc : memref<!tpu.dma_semaphore, #tpu.memory_space<semaphore_mem>>
      %dma_start3A = arith.constant 0 : i32
      %dma_start3A_107 = arith.constant 0 : i32
      %dma_start3A_108 = tpu.memref_slice %arg3[%arg0, %arg1, %dma_start3A, %dma_start3A_107] : memref<2x16x64x128xi32, #tpu.memory_space<hbm>> -> memref<1x1x64x128xi32, #tpu.memory_space<hbm>>
      %dma_start3A_109 = tpu.memref_squeeze %dma_start3A_108 : memref<1x1x64x128xi32, #tpu.memory_space<hbm>> -> memref<64x128xi32, #tpu.memory_space<hbm>>
      %dma_start3A_110 = arith.constant 0 : i32
      %dma_start3A_111 = arith.constant 0 : i32
      %dma_start3A_112 = tpu.memref_slice %arg3[%arg0, %arg1, %dma_start3A_110, %dma_start3A_111] : memref<2x16x64x128xi32, #tpu.memory_space<hbm>> -> memref<1x1x64x128xi32, #tpu.memory_space<hbm>>
      %dma_start3A_113 = tpu.memref_squeeze %dma_start3A_112 : memref<1x1x64x128xi32, #tpu.memory_space<hbm>> -> memref<64x128xi32, #tpu.memory_space<hbm>>
      tpu.enqueue_dma source(%dma_start3A_113 : memref<64x128xi32, #tpu.memory_space<hbm>>) target(%arg7 : memref<64x128xi32, #tpu.memory_space<vmem>>) target_semaphore(%run_scoped3A : memref<!tpu.dma_semaphore, #tpu.memory_space<semaphore_mem>>)
      %dma_wait3A_114 = arith.constant 0 : i32
      %dma_wait3A_115 = arith.constant 0 : i32
      %dma_wait3A_116 = tpu.memref_slice %arg3[%arg0, %arg1, %dma_wait3A_114, %dma_wait3A_115] : memref<2x16x64x128xi32, #tpu.memory_space<hbm>> -> memref<1x1x64x128xi32, #tpu.memory_space<hbm>>
      %dma_wait3A_117 = tpu.memref_squeeze %dma_wait3A_116 : memref<1x1x64x128xi32, #tpu.memory_space<hbm>> -> memref<64x128xi32, #tpu.memory_space<hbm>>
      %dma_wait3A_118 = arith.constant 0 : i32
      %dma_wait3A_119 = arith.constant 0 : i32
      %dma_wait3A_120 = tpu.memref_slice %arg3[%arg0, %arg1, %dma_wait3A_118, %dma_wait3A_119] : memref<2x16x64x128xi32, #tpu.memory_space<hbm>> -> memref<1x1x64x128xi32, #tpu.memory_space<hbm>>
      %dma_wait3A_121 = tpu.memref_squeeze %dma_wait3A_120 : memref<1x1x64x128xi32, #tpu.memory_space<hbm>> -> memref<64x128xi32, #tpu.memory_space<hbm>>
      tpu.wait_dma2 semaphore(%run_scoped3A : memref<!tpu.dma_semaphore, #tpu.memory_space<semaphore_mem>>) src(%dma_wait3A_121 : memref<64x128xi32, #tpu.memory_space<hbm>>) dst(%arg7 : memref<64x128xi32, #tpu.memory_space<vmem>>)
      tpu.yield
    }) : () -> ()
    "tpu.region"() ({
      %run_scoped3A = tpu.sem_alloc : memref<!tpu.dma_semaphore, #tpu.memory_space<semaphore_mem>>
      %dma_start3A = arith.constant 0 : i32
      %dma_start3A_107 = arith.constant 0 : i32
      %dma_start3A_108 = tpu.memref_slice %arg4[%arg1, %dma_start3A, %dma_start3A_107] : memref<16x64x128xi32, #tpu.memory_space<hbm>> -> memref<1x64x128xi32, #tpu.memory_space<hbm>>
      %dma_start3A_109 = tpu.memref_squeeze %dma_start3A_108 : memref<1x64x128xi32, #tpu.memory_space<hbm>> -> memref<64x128xi32, #tpu.memory_space<hbm>>
      %dma_start3A_110 = arith.constant 0 : i32
      %dma_start3A_111 = arith.constant 0 : i32
      %dma_start3A_112 = tpu.memref_slice %arg4[%arg1, %dma_start3A_110, %dma_start3A_111] : memref<16x64x128xi32, #tpu.memory_space<hbm>> -> memref<1x64x128xi32, #tpu.memory_space<hbm>>
      %dma_start3A_113 = tpu.memref_squeeze %dma_start3A_112 : memref<1x64x128xi32, #tpu.memory_space<hbm>> -> memref<64x128xi32, #tpu.memory_space<hbm>>
      tpu.enqueue_dma source(%dma_start3A_113 : memref<64x128xi32, #tpu.memory_space<hbm>>) target(%arg8 : memref<64x128xi32, #tpu.memory_space<vmem>>) target_semaphore(%run_scoped3A : memref<!tpu.dma_semaphore, #tpu.memory_space<semaphore_mem>>)
      %dma_wait3A_114 = arith.constant 0 : i32
      %dma_wait3A_115 = arith.constant 0 : i32
      %dma_wait3A_116 = tpu.memref_slice %arg4[%arg1, %dma_wait3A_114, %dma_wait3A_115] : memref<16x64x128xi32, #tpu.memory_space<hbm>> -> memref<1x64x128xi32, #tpu.memory_space<hbm>>
      %dma_wait3A_117 = tpu.memref_squeeze %dma_wait3A_116 : memref<1x64x128xi32, #tpu.memory_space<hbm>> -> memref<64x128xi32, #tpu.memory_space<hbm>>
      %dma_wait3A_118 = arith.constant 0 : i32
      %dma_wait3A_119 = arith.constant 0 : i32
      %dma_wait3A_120 = tpu.memref_slice %arg4[%arg1, %dma_wait3A_118, %dma_wait3A_119] : memref<16x64x128xi32, #tpu.memory_space<hbm>> -> memref<1x64x128xi32, #tpu.memory_space<hbm>>
      %dma_wait3A_121 = tpu.memref_squeeze %dma_wait3A_120 : memref<1x64x128xi32, #tpu.memory_space<hbm>> -> memref<64x128xi32, #tpu.memory_space<hbm>>
      tpu.wait_dma2 semaphore(%run_scoped3A : memref<!tpu.dma_semaphore, #tpu.memory_space<semaphore_mem>>) src(%dma_wait3A_121 : memref<64x128xi32, #tpu.memory_space<hbm>>) dst(%arg8 : memref<64x128xi32, #tpu.memory_space<vmem>>)
      tpu.yield
    }) : () -> ()
    %scan3A = arith.constant 0 : i32
    %scan3A_3 = arith.constant 8 : i32
    %scan3A_4 = arith.addi %scan3A, %scan3A_3 : i32
    %scan3A_5 = arith.constant 1 : i32
    scf.for %scan3A_107 = %scan3A to %scan3A_4 step %scan3A_5  : i32 {
      %mul3A_108 = arith.constant 8 : i32
      %mul3A_109 = arith.muli %scan3A_107, %mul3A_108 : i32
      %add3A = arith.constant 0 : i32
      %add3A_110 = arith.addi %add3A, %mul3A_109 : i32
      %gt3A = arith.constant 0 : i32
      %gt3A_111 = arith.cmpi sgt, %add3A_110, %gt3A : i32
      %convert_element_type3A = arith.extui %gt3A_111 : i1 to i32
      %cond3A = arith.constant 0 : i32
      %cond3A_112 = arith.cmpi ne, %convert_element_type3A, %cond3A : i32
      scf.if %cond3A_112 {
        %dma_wait3A_443 = arith.constant 0 : i32
        %dma_wait3A_444 = arith.constant 0 : i32
        %dma_wait3A_445 = arith.constant 0 : i32
        %dma_wait3A_446 = arith.constant 0 : i32
        %dma_wait3A_447 = tpu.memref_slice %arg9[%dma_wait3A_443, %dma_wait3A_445, %dma_wait3A_446] : memref<8x128x64xf32, #tpu.memory_space<vmem>> -> memref<1x128x64xf32, #tpu.memory_space<vmem>>
        %dma_wait3A_448 = tpu.memref_squeeze %dma_wait3A_447 : memref<1x128x64xf32, #tpu.memory_space<vmem>> -> memref<128x64xf32, #tpu.memory_space<vmem>>
        %dma_wait3A_449 = arith.constant 0 : i32
        %dma_wait3A_450 = tpu.memref_slice %arg8[%dma_wait3A_444, %dma_wait3A_449] : memref<64x128xi32, #tpu.memory_space<vmem>> -> memref<1x128xi32, #tpu.memory_space<vmem>>
        %dma_wait3A_451 = tpu.memref_squeeze %dma_wait3A_450 : memref<1x128xi32, #tpu.memory_space<vmem>> -> memref<128xi32, #tpu.memory_space<vmem>>
        %dma_wait3A_452 = arith.constant 0 : i32
        %dma_wait3A_453 = arith.constant 0 : i32
        %dma_wait3A_454 = tpu.memref_slice %arg10[%dma_wait3A_452, %dma_wait3A_453] : memref<8192x64xf32, #tpu.memory_space<vmem_shared>> -> memref<8192x64xf32, #tpu.memory_space<vmem_shared>>
        tpu.wait_indirect_dma semaphore(%arg12 : memref<!tpu.dma_semaphore, #tpu.memory_space<semaphore_mem>>) src(%dma_wait3A_448 : memref<128x64xf32, #tpu.memory_space<vmem>>) dst(%dma_wait3A_454 : memref<8192x64xf32, #tpu.memory_space<vmem_shared>>)
      } else {
      }
      %add3A_113 = arith.constant 0 : i32
      %add3A_114 = arith.addi %add3A_110, %add3A_113 : i32
      %dma_start3A = arith.constant 0 : i32
      %dma_start3A_115 = arith.constant 0 : i32
      %dma_start3A_116 = arith.constant 0 : i32
      %dma_start3A_117 = tpu.memref_slice %arg9[%dma_start3A, %dma_start3A_115, %dma_start3A_116] : memref<8x128x64xf32, #tpu.memory_space<vmem>> -> memref<1x128x64xf32, #tpu.memory_space<vmem>>
      %dma_start3A_118 = tpu.memref_squeeze %dma_start3A_117 : memref<1x128x64xf32, #tpu.memory_space<vmem>> -> memref<128x64xf32, #tpu.memory_space<vmem>>
      %dma_start3A_119 = arith.constant 0 : i32
      %dma_start3A_120 = tpu.memref_slice %arg7[%add3A_114, %dma_start3A_119] : memref<64x128xi32, #tpu.memory_space<vmem>> -> memref<1x128xi32, #tpu.memory_space<vmem>>
      %dma_start3A_121 = tpu.memref_squeeze %dma_start3A_120 : memref<1x128xi32, #tpu.memory_space<vmem>> -> memref<128xi32, #tpu.memory_space<vmem>>
      %dma_start3A_122 = arith.constant 0 : i32
      %dma_start3A_123 = arith.constant 0 : i32
      %dma_start3A_124 = tpu.memref_slice %arg2[%dma_start3A_122, %dma_start3A_123] : memref<16384x64xf32, #tpu.memory_space<hbm>> -> memref<16384x64xf32, #tpu.memory_space<hbm>>
      tpu.enqueue_indirect_dma source(%dma_start3A_124 : memref<16384x64xf32, #tpu.memory_space<hbm>>) target(%dma_start3A_118 : memref<128x64xf32, #tpu.memory_space<vmem>>) offsets(%dma_start3A_121 : memref<128xi32, #tpu.memory_space<vmem>>) semaphore(%arg11 : memref<!tpu.dma_semaphore, #tpu.memory_space<semaphore_mem>>)
      %gt3A_125 = arith.constant 0 : i32
      %gt3A_126 = arith.cmpi sgt, %add3A_110, %gt3A_125 : i32
      %convert_element_type3A_127 = arith.extui %gt3A_126 : i1 to i32
      %cond3A_128 = arith.constant 0 : i32
      %cond3A_129 = arith.cmpi ne, %convert_element_type3A_127, %cond3A_128 : i32
      scf.if %cond3A_129 {
        %dma_wait3A_443 = arith.constant 1 : i32
        %dma_wait3A_444 = arith.constant 1 : i32
        %dma_wait3A_445 = arith.constant 0 : i32
        %dma_wait3A_446 = arith.constant 0 : i32
        %dma_wait3A_447 = tpu.memref_slice %arg9[%dma_wait3A_443, %dma_wait3A_445, %dma_wait3A_446] : memref<8x128x64xf32, #tpu.memory_space<vmem>> -> memref<1x128x64xf32, #tpu.memory_space<vmem>>
        %dma_wait3A_448 = tpu.memref_squeeze %dma_wait3A_447 : memref<1x128x64xf32, #tpu.memory_space<vmem>> -> memref<128x64xf32, #tpu.memory_space<vmem>>
        %dma_wait3A_449 = arith.constant 0 : i32
        %dma_wait3A_450 = tpu.memref_slice %arg8[%dma_wait3A_444, %dma_wait3A_449] : memref<64x128xi32, #tpu.memory_space<vmem>> -> memref<1x128xi32, #tpu.memory_space<vmem>>
        %dma_wait3A_451 = tpu.memref_squeeze %dma_wait3A_450 : memref<1x128xi32, #tpu.memory_space<vmem>> -> memref<128xi32, #tpu.memory_space<vmem>>
        %dma_wait3A_452 = arith.constant 0 : i32
        %dma_wait3A_453 = arith.constant 0 : i32
        %dma_wait3A_454 = tpu.memref_slice %arg10[%dma_wait3A_452, %dma_wait3A_453] : memref<8192x64xf32, #tpu.memory_space<vmem_shared>> -> memref<8192x64xf32, #tpu.memory_space<vmem_shared>>
        tpu.wait_indirect_dma semaphore(%arg12 : memref<!tpu.dma_semaphore, #tpu.memory_space<semaphore_mem>>) src(%dma_wait3A_448 : memref<128x64xf32, #tpu.memory_space<vmem>>) dst(%dma_wait3A_454 : memref<8192x64xf32, #tpu.memory_space<vmem_shared>>)
      } else {
      }
      %add3A_130 = arith.constant 1 : i32
      %add3A_131 = arith.addi %add3A_110, %add3A_130 : i32
      %dma_start3A_132 = arith.constant 1 : i32
      %dma_start3A_133 = arith.constant 0 : i32
      %dma_start3A_134 = arith.constant 0 : i32
      %dma_start3A_135 = tpu.memref_slice %arg9[%dma_start3A_132, %dma_start3A_133, %dma_start3A_134] : memref<8x128x64xf32, #tpu.memory_space<vmem>> -> memref<1x128x64xf32, #tpu.memory_space<vmem>>
      %dma_start3A_136 = tpu.memref_squeeze %dma_start3A_135 : memref<1x128x64xf32, #tpu.memory_space<vmem>> -> memref<128x64xf32, #tpu.memory_space<vmem>>
      %dma_start3A_137 = arith.constant 0 : i32
      %dma_start3A_138 = tpu.memref_slice %arg7[%add3A_131, %dma_start3A_137] : memref<64x128xi32, #tpu.memory_space<vmem>> -> memref<1x128xi32, #tpu.memory_space<vmem>>
      %dma_start3A_139 = tpu.memref_squeeze %dma_start3A_138 : memref<1x128xi32, #tpu.memory_space<vmem>> -> memref<128xi32, #tpu.memory_space<vmem>>
      %dma_start3A_140 = arith.constant 0 : i32
      %dma_start3A_141 = arith.constant 0 : i32
      %dma_start3A_142 = tpu.memref_slice %arg2[%dma_start3A_140, %dma_start3A_141] : memref<16384x64xf32, #tpu.memory_space<hbm>> -> memref<16384x64xf32, #tpu.memory_space<hbm>>
      tpu.enqueue_indirect_dma source(%dma_start3A_142 : memref<16384x64xf32, #tpu.memory_space<hbm>>) target(%dma_start3A_136 : memref<128x64xf32, #tpu.memory_space<vmem>>) offsets(%dma_start3A_139 : memref<128xi32, #tpu.memory_space<vmem>>) semaphore(%arg11 : memref<!tpu.dma_semaphore, #tpu.memory_space<semaphore_mem>>)
      %gt3A_143 = arith.constant 0 : i32
      %gt3A_144 = arith.cmpi sgt, %add3A_110, %gt3A_143 : i32
      %convert_element_type3A_145 = arith.extui %gt3A_144 : i1 to i32
      %cond3A_146 = arith.constant 0 : i32
      %cond3A_147 = arith.cmpi ne, %convert_element_type3A_145, %cond3A_146 : i32
      scf.if %cond3A_147 {
        %dma_wait3A_443 = arith.constant 2 : i32
        %dma_wait3A_444 = arith.constant 2 : i32
        %dma_wait3A_445 = arith.constant 0 : i32
        %dma_wait3A_446 = arith.constant 0 : i32
        %dma_wait3A_447 = tpu.memref_slice %arg9[%dma_wait3A_443, %dma_wait3A_445, %dma_wait3A_446] : memref<8x128x64xf32, #tpu.memory_space<vmem>> -> memref<1x128x64xf32, #tpu.memory_space<vmem>>
        %dma_wait3A_448 = tpu.memref_squeeze %dma_wait3A_447 : memref<1x128x64xf32, #tpu.memory_space<vmem>> -> memref<128x64xf32, #tpu.memory_space<vmem>>
        %dma_wait3A_449 = arith.constant 0 : i32
        %dma_wait3A_450 = tpu.memref_slice %arg8[%dma_wait3A_444, %dma_wait3A_449] : memref<64x128xi32, #tpu.memory_space<vmem>> -> memref<1x128xi32, #tpu.memory_space<vmem>>
        %dma_wait3A_451 = tpu.memref_squeeze %dma_wait3A_450 : memref<1x128xi32, #tpu.memory_space<vmem>> -> memref<128xi32, #tpu.memory_space<vmem>>
        %dma_wait3A_452 = arith.constant 0 : i32
        %dma_wait3A_453 = arith.constant 0 : i32
        %dma_wait3A_454 = tpu.memref_slice %arg10[%dma_wait3A_452, %dma_wait3A_453] : memref<8192x64xf32, #tpu.memory_space<vmem_shared>> -> memref<8192x64xf32, #tpu.memory_space<vmem_shared>>
        tpu.wait_indirect_dma semaphore(%arg12 : memref<!tpu.dma_semaphore, #tpu.memory_space<semaphore_mem>>) src(%dma_wait3A_448 : memref<128x64xf32, #tpu.memory_space<vmem>>) dst(%dma_wait3A_454 : memref<8192x64xf32, #tpu.memory_space<vmem_shared>>)
      } else {
      }
      %add3A_148 = arith.constant 2 : i32
      %add3A_149 = arith.addi %add3A_110, %add3A_148 : i32
      %dma_start3A_150 = arith.constant 2 : i32
      %dma_start3A_151 = arith.constant 0 : i32
      %dma_start3A_152 = arith.constant 0 : i32
      %dma_start3A_153 = tpu.memref_slice %arg9[%dma_start3A_150, %dma_start3A_151, %dma_start3A_152] : memref<8x128x64xf32, #tpu.memory_space<vmem>> -> memref<1x128x64xf32, #tpu.memory_space<vmem>>
      %dma_start3A_154 = tpu.memref_squeeze %dma_start3A_153 : memref<1x128x64xf32, #tpu.memory_space<vmem>> -> memref<128x64xf32, #tpu.memory_space<vmem>>
      %dma_start3A_155 = arith.constant 0 : i32
      %dma_start3A_156 = tpu.memref_slice %arg7[%add3A_149, %dma_start3A_155] : memref<64x128xi32, #tpu.memory_space<vmem>> -> memref<1x128xi32, #tpu.memory_space<vmem>>
      %dma_start3A_157 = tpu.memref_squeeze %dma_start3A_156 : memref<1x128xi32, #tpu.memory_space<vmem>> -> memref<128xi32, #tpu.memory_space<vmem>>
      %dma_start3A_158 = arith.constant 0 : i32
      %dma_start3A_159 = arith.constant 0 : i32
      %dma_start3A_160 = tpu.memref_slice %arg2[%dma_start3A_158, %dma_start3A_159] : memref<16384x64xf32, #tpu.memory_space<hbm>> -> memref<16384x64xf32, #tpu.memory_space<hbm>>
      tpu.enqueue_indirect_dma source(%dma_start3A_160 : memref<16384x64xf32, #tpu.memory_space<hbm>>) target(%dma_start3A_154 : memref<128x64xf32, #tpu.memory_space<vmem>>) offsets(%dma_start3A_157 : memref<128xi32, #tpu.memory_space<vmem>>) semaphore(%arg11 : memref<!tpu.dma_semaphore, #tpu.memory_space<semaphore_mem>>)
      %gt3A_161 = arith.constant 0 : i32
      %gt3A_162 = arith.cmpi sgt, %add3A_110, %gt3A_161 : i32
      %convert_element_type3A_163 = arith.extui %gt3A_162 : i1 to i32
      %cond3A_164 = arith.constant 0 : i32
      %cond3A_165 = arith.cmpi ne, %convert_element_type3A_163, %cond3A_164 : i32
      scf.if %cond3A_165 {
        %dma_wait3A_443 = arith.constant 3 : i32
        %dma_wait3A_444 = arith.constant 3 : i32
        %dma_wait3A_445 = arith.constant 0 : i32
        %dma_wait3A_446 = arith.constant 0 : i32
        %dma_wait3A_447 = tpu.memref_slice %arg9[%dma_wait3A_443, %dma_wait3A_445, %dma_wait3A_446] : memref<8x128x64xf32, #tpu.memory_space<vmem>> -> memref<1x128x64xf32, #tpu.memory_space<vmem>>
        %dma_wait3A_448 = tpu.memref_squeeze %dma_wait3A_447 : memref<1x128x64xf32, #tpu.memory_space<vmem>> -> memref<128x64xf32, #tpu.memory_space<vmem>>
        %dma_wait3A_449 = arith.constant 0 : i32
        %dma_wait3A_450 = tpu.memref_slice %arg8[%dma_wait3A_444, %dma_wait3A_449] : memref<64x128xi32, #tpu.memory_space<vmem>> -> memref<1x128xi32, #tpu.memory_space<vmem>>
        %dma_wait3A_451 = tpu.memref_squeeze %dma_wait3A_450 : memref<1x128xi32, #tpu.memory_space<vmem>> -> memref<128xi32, #tpu.memory_space<vmem>>
        %dma_wait3A_452 = arith.constant 0 : i32
        %dma_wait3A_453 = arith.constant 0 : i32
        %dma_wait3A_454 = tpu.memref_slice %arg10[%dma_wait3A_452, %dma_wait3A_453] : memref<8192x64xf32, #tpu.memory_space<vmem_shared>> -> memref<8192x64xf32, #tpu.memory_space<vmem_shared>>
        tpu.wait_indirect_dma semaphore(%arg12 : memref<!tpu.dma_semaphore, #tpu.memory_space<semaphore_mem>>) src(%dma_wait3A_448 : memref<128x64xf32, #tpu.memory_space<vmem>>) dst(%dma_wait3A_454 : memref<8192x64xf32, #tpu.memory_space<vmem_shared>>)
      } else {
      }
      %add3A_166 = arith.constant 3 : i32
      %add3A_167 = arith.addi %add3A_110, %add3A_166 : i32
      %dma_start3A_168 = arith.constant 3 : i32
      %dma_start3A_169 = arith.constant 0 : i32
      %dma_start3A_170 = arith.constant 0 : i32
      %dma_start3A_171 = tpu.memref_slice %arg9[%dma_start3A_168, %dma_start3A_169, %dma_start3A_170] : memref<8x128x64xf32, #tpu.memory_space<vmem>> -> memref<1x128x64xf32, #tpu.memory_space<vmem>>
      %dma_start3A_172 = tpu.memref_squeeze %dma_start3A_171 : memref<1x128x64xf32, #tpu.memory_space<vmem>> -> memref<128x64xf32, #tpu.memory_space<vmem>>
      %dma_start3A_173 = arith.constant 0 : i32
      %dma_start3A_174 = tpu.memref_slice %arg7[%add3A_167, %dma_start3A_173] : memref<64x128xi32, #tpu.memory_space<vmem>> -> memref<1x128xi32, #tpu.memory_space<vmem>>
      %dma_start3A_175 = tpu.memref_squeeze %dma_start3A_174 : memref<1x128xi32, #tpu.memory_space<vmem>> -> memref<128xi32, #tpu.memory_space<vmem>>
      %dma_start3A_176 = arith.constant 0 : i32
      %dma_start3A_177 = arith.constant 0 : i32
      %dma_start3A_178 = tpu.memref_slice %arg2[%dma_start3A_176, %dma_start3A_177] : memref<16384x64xf32, #tpu.memory_space<hbm>> -> memref<16384x64xf32, #tpu.memory_space<hbm>>
      tpu.enqueue_indirect_dma source(%dma_start3A_178 : memref<16384x64xf32, #tpu.memory_space<hbm>>) target(%dma_start3A_172 : memref<128x64xf32, #tpu.memory_space<vmem>>) offsets(%dma_start3A_175 : memref<128xi32, #tpu.memory_space<vmem>>) semaphore(%arg11 : memref<!tpu.dma_semaphore, #tpu.memory_space<semaphore_mem>>)
      %gt3A_179 = arith.constant 0 : i32
      %gt3A_180 = arith.cmpi sgt, %add3A_110, %gt3A_179 : i32
      %convert_element_type3A_181 = arith.extui %gt3A_180 : i1 to i32
      %cond3A_182 = arith.constant 0 : i32
      %cond3A_183 = arith.cmpi ne, %convert_element_type3A_181, %cond3A_182 : i32
      scf.if %cond3A_183 {
        %dma_wait3A_443 = arith.constant 4 : i32
        %dma_wait3A_444 = arith.constant 4 : i32
        %dma_wait3A_445 = arith.constant 0 : i32
        %dma_wait3A_446 = arith.constant 0 : i32
        %dma_wait3A_447 = tpu.memref_slice %arg9[%dma_wait3A_443, %dma_wait3A_445, %dma_wait3A_446] : memref<8x128x64xf32, #tpu.memory_space<vmem>> -> memref<1x128x64xf32, #tpu.memory_space<vmem>>
        %dma_wait3A_448 = tpu.memref_squeeze %dma_wait3A_447 : memref<1x128x64xf32, #tpu.memory_space<vmem>> -> memref<128x64xf32, #tpu.memory_space<vmem>>
        %dma_wait3A_449 = arith.constant 0 : i32
        %dma_wait3A_450 = tpu.memref_slice %arg8[%dma_wait3A_444, %dma_wait3A_449] : memref<64x128xi32, #tpu.memory_space<vmem>> -> memref<1x128xi32, #tpu.memory_space<vmem>>
        %dma_wait3A_451 = tpu.memref_squeeze %dma_wait3A_450 : memref<1x128xi32, #tpu.memory_space<vmem>> -> memref<128xi32, #tpu.memory_space<vmem>>
        %dma_wait3A_452 = arith.constant 0 : i32
        %dma_wait3A_453 = arith.constant 0 : i32
        %dma_wait3A_454 = tpu.memref_slice %arg10[%dma_wait3A_452, %dma_wait3A_453] : memref<8192x64xf32, #tpu.memory_space<vmem_shared>> -> memref<8192x64xf32, #tpu.memory_space<vmem_shared>>
        tpu.wait_indirect_dma semaphore(%arg12 : memref<!tpu.dma_semaphore, #tpu.memory_space<semaphore_mem>>) src(%dma_wait3A_448 : memref<128x64xf32, #tpu.memory_space<vmem>>) dst(%dma_wait3A_454 : memref<8192x64xf32, #tpu.memory_space<vmem_shared>>)
      } else {
      }
      %add3A_184 = arith.constant 4 : i32
      %add3A_185 = arith.addi %add3A_110, %add3A_184 : i32
      %dma_start3A_186 = arith.constant 4 : i32
      %dma_start3A_187 = arith.constant 0 : i32
      %dma_start3A_188 = arith.constant 0 : i32
      %dma_start3A_189 = tpu.memref_slice %arg9[%dma_start3A_186, %dma_start3A_187, %dma_start3A_188] : memref<8x128x64xf32, #tpu.memory_space<vmem>> -> memref<1x128x64xf32, #tpu.memory_space<vmem>>
      %dma_start3A_190 = tpu.memref_squeeze %dma_start3A_189 : memref<1x128x64xf32, #tpu.memory_space<vmem>> -> memref<128x64xf32, #tpu.memory_space<vmem>>
      %dma_start3A_191 = arith.constant 0 : i32
      %dma_start3A_192 = tpu.memref_slice %arg7[%add3A_185, %dma_start3A_191] : memref<64x128xi32, #tpu.memory_space<vmem>> -> memref<1x128xi32, #tpu.memory_space<vmem>>
      %dma_start3A_193 = tpu.memref_squeeze %dma_start3A_192 : memref<1x128xi32, #tpu.memory_space<vmem>> -> memref<128xi32, #tpu.memory_space<vmem>>
      %dma_start3A_194 = arith.constant 0 : i32
      %dma_start3A_195 = arith.constant 0 : i32
      %dma_start3A_196 = tpu.memref_slice %arg2[%dma_start3A_194, %dma_start3A_195] : memref<16384x64xf32, #tpu.memory_space<hbm>> -> memref<16384x64xf32, #tpu.memory_space<hbm>>
      tpu.enqueue_indirect_dma source(%dma_start3A_196 : memref<16384x64xf32, #tpu.memory_space<hbm>>) target(%dma_start3A_190 : memref<128x64xf32, #tpu.memory_space<vmem>>) offsets(%dma_start3A_193 : memref<128xi32, #tpu.memory_space<vmem>>) semaphore(%arg11 : memref<!tpu.dma_semaphore, #tpu.memory_space<semaphore_mem>>)
      %gt3A_197 = arith.constant 0 : i32
      %gt3A_198 = arith.cmpi sgt, %add3A_110, %gt3A_197 : i32
      %convert_element_type3A_199 = arith.extui %gt3A_198 : i1 to i32
      %cond3A_200 = arith.constant 0 : i32
      %cond3A_201 = arith.cmpi ne, %convert_element_type3A_199, %cond3A_200 : i32
      scf.if %cond3A_201 {
        %dma_wait3A_443 = arith.constant 5 : i32
        %dma_wait3A_444 = arith.constant 5 : i32
        %dma_wait3A_445 = arith.constant 0 : i32
        %dma_wait3A_446 = arith.constant 0 : i32
        %dma_wait3A_447 = tpu.memref_slice %arg9[%dma_wait3A_443, %dma_wait3A_445, %dma_wait3A_446] : memref<8x128x64xf32, #tpu.memory_space<vmem>> -> memref<1x128x64xf32, #tpu.memory_space<vmem>>
        %dma_wait3A_448 = tpu.memref_squeeze %dma_wait3A_447 : memref<1x128x64xf32, #tpu.memory_space<vmem>> -> memref<128x64xf32, #tpu.memory_space<vmem>>
        %dma_wait3A_449 = arith.constant 0 : i32
        %dma_wait3A_450 = tpu.memref_slice %arg8[%dma_wait3A_444, %dma_wait3A_449] : memref<64x128xi32, #tpu.memory_space<vmem>> -> memref<1x128xi32, #tpu.memory_space<vmem>>
        %dma_wait3A_451 = tpu.memref_squeeze %dma_wait3A_450 : memref<1x128xi32, #tpu.memory_space<vmem>> -> memref<128xi32, #tpu.memory_space<vmem>>
        %dma_wait3A_452 = arith.constant 0 : i32
        %dma_wait3A_453 = arith.constant 0 : i32
        %dma_wait3A_454 = tpu.memref_slice %arg10[%dma_wait3A_452, %dma_wait3A_453] : memref<8192x64xf32, #tpu.memory_space<vmem_shared>> -> memref<8192x64xf32, #tpu.memory_space<vmem_shared>>
        tpu.wait_indirect_dma semaphore(%arg12 : memref<!tpu.dma_semaphore, #tpu.memory_space<semaphore_mem>>) src(%dma_wait3A_448 : memref<128x64xf32, #tpu.memory_space<vmem>>) dst(%dma_wait3A_454 : memref<8192x64xf32, #tpu.memory_space<vmem_shared>>)
      } else {
      }
      %add3A_202 = arith.constant 5 : i32
      %add3A_203 = arith.addi %add3A_110, %add3A_202 : i32
      %dma_start3A_204 = arith.constant 5 : i32
      %dma_start3A_205 = arith.constant 0 : i32
      %dma_start3A_206 = arith.constant 0 : i32
      %dma_start3A_207 = tpu.memref_slice %arg9[%dma_start3A_204, %dma_start3A_205, %dma_start3A_206] : memref<8x128x64xf32, #tpu.memory_space<vmem>> -> memref<1x128x64xf32, #tpu.memory_space<vmem>>
      %dma_start3A_208 = tpu.memref_squeeze %dma_start3A_207 : memref<1x128x64xf32, #tpu.memory_space<vmem>> -> memref<128x64xf32, #tpu.memory_space<vmem>>
      %dma_start3A_209 = arith.constant 0 : i32
      %dma_start3A_210 = tpu.memref_slice %arg7[%add3A_203, %dma_start3A_209] : memref<64x128xi32, #tpu.memory_space<vmem>> -> memref<1x128xi32, #tpu.memory_space<vmem>>
      %dma_start3A_211 = tpu.memref_squeeze %dma_start3A_210 : memref<1x128xi32, #tpu.memory_space<vmem>> -> memref<128xi32, #tpu.memory_space<vmem>>
      %dma_start3A_212 = arith.constant 0 : i32
      %dma_start3A_213 = arith.constant 0 : i32
      %dma_start3A_214 = tpu.memref_slice %arg2[%dma_start3A_212, %dma_start3A_213] : memref<16384x64xf32, #tpu.memory_space<hbm>> -> memref<16384x64xf32, #tpu.memory_space<hbm>>
      tpu.enqueue_indirect_dma source(%dma_start3A_214 : memref<16384x64xf32, #tpu.memory_space<hbm>>) target(%dma_start3A_208 : memref<128x64xf32, #tpu.memory_space<vmem>>) offsets(%dma_start3A_211 : memref<128xi32, #tpu.memory_space<vmem>>) semaphore(%arg11 : memref<!tpu.dma_semaphore, #tpu.memory_space<semaphore_mem>>)
      %gt3A_215 = arith.constant 0 : i32
      %gt3A_216 = arith.cmpi sgt, %add3A_110, %gt3A_215 : i32
      %convert_element_type3A_217 = arith.extui %gt3A_216 : i1 to i32
      %cond3A_218 = arith.constant 0 : i32
      %cond3A_219 = arith.cmpi ne, %convert_element_type3A_217, %cond3A_218 : i32
      scf.if %cond3A_219 {
        %dma_wait3A_443 = arith.constant 6 : i32
        %dma_wait3A_444 = arith.constant 6 : i32
        %dma_wait3A_445 = arith.constant 0 : i32
        %dma_wait3A_446 = arith.constant 0 : i32
        %dma_wait3A_447 = tpu.memref_slice %arg9[%dma_wait3A_443, %dma_wait3A_445, %dma_wait3A_446] : memref<8x128x64xf32, #tpu.memory_space<vmem>> -> memref<1x128x64xf32, #tpu.memory_space<vmem>>
        %dma_wait3A_448 = tpu.memref_squeeze %dma_wait3A_447 : memref<1x128x64xf32, #tpu.memory_space<vmem>> -> memref<128x64xf32, #tpu.memory_space<vmem>>
        %dma_wait3A_449 = arith.constant 0 : i32
        %dma_wait3A_450 = tpu.memref_slice %arg8[%dma_wait3A_444, %dma_wait3A_449] : memref<64x128xi32, #tpu.memory_space<vmem>> -> memref<1x128xi32, #tpu.memory_space<vmem>>
        %dma_wait3A_451 = tpu.memref_squeeze %dma_wait3A_450 : memref<1x128xi32, #tpu.memory_space<vmem>> -> memref<128xi32, #tpu.memory_space<vmem>>
        %dma_wait3A_452 = arith.constant 0 : i32
        %dma_wait3A_453 = arith.constant 0 : i32
        %dma_wait3A_454 = tpu.memref_slice %arg10[%dma_wait3A_452, %dma_wait3A_453] : memref<8192x64xf32, #tpu.memory_space<vmem_shared>> -> memref<8192x64xf32, #tpu.memory_space<vmem_shared>>
        tpu.wait_indirect_dma semaphore(%arg12 : memref<!tpu.dma_semaphore, #tpu.memory_space<semaphore_mem>>) src(%dma_wait3A_448 : memref<128x64xf32, #tpu.memory_space<vmem>>) dst(%dma_wait3A_454 : memref<8192x64xf32, #tpu.memory_space<vmem_shared>>)
      } else {
      }
      %add3A_220 = arith.constant 6 : i32
      %add3A_221 = arith.addi %add3A_110, %add3A_220 : i32
      %dma_start3A_222 = arith.constant 6 : i32
      %dma_start3A_223 = arith.constant 0 : i32
      %dma_start3A_224 = arith.constant 0 : i32
      %dma_start3A_225 = tpu.memref_slice %arg9[%dma_start3A_222, %dma_start3A_223, %dma_start3A_224] : memref<8x128x64xf32, #tpu.memory_space<vmem>> -> memref<1x128x64xf32, #tpu.memory_space<vmem>>
      %dma_start3A_226 = tpu.memref_squeeze %dma_start3A_225 : memref<1x128x64xf32, #tpu.memory_space<vmem>> -> memref<128x64xf32, #tpu.memory_space<vmem>>
      %dma_start3A_227 = arith.constant 0 : i32
      %dma_start3A_228 = tpu.memref_slice %arg7[%add3A_221, %dma_start3A_227] : memref<64x128xi32, #tpu.memory_space<vmem>> -> memref<1x128xi32, #tpu.memory_space<vmem>>
      %dma_start3A_229 = tpu.memref_squeeze %dma_start3A_228 : memref<1x128xi32, #tpu.memory_space<vmem>> -> memref<128xi32, #tpu.memory_space<vmem>>
      %dma_start3A_230 = arith.constant 0 : i32
      %dma_start3A_231 = arith.constant 0 : i32
      %dma_start3A_232 = tpu.memref_slice %arg2[%dma_start3A_230, %dma_start3A_231] : memref<16384x64xf32, #tpu.memory_space<hbm>> -> memref<16384x64xf32, #tpu.memory_space<hbm>>
      tpu.enqueue_indirect_dma source(%dma_start3A_232 : memref<16384x64xf32, #tpu.memory_space<hbm>>) target(%dma_start3A_226 : memref<128x64xf32, #tpu.memory_space<vmem>>) offsets(%dma_start3A_229 : memref<128xi32, #tpu.memory_space<vmem>>) semaphore(%arg11 : memref<!tpu.dma_semaphore, #tpu.memory_space<semaphore_mem>>)
      %gt3A_233 = arith.constant 0 : i32
      %gt3A_234 = arith.cmpi sgt, %add3A_110, %gt3A_233 : i32
      %convert_element_type3A_235 = arith.extui %gt3A_234 : i1 to i32
      %cond3A_236 = arith.constant 0 : i32
      %cond3A_237 = arith.cmpi ne, %convert_element_type3A_235, %cond3A_236 : i32
      scf.if %cond3A_237 {
        %dma_wait3A_443 = arith.constant 7 : i32
        %dma_wait3A_444 = arith.constant 7 : i32
        %dma_wait3A_445 = arith.constant 0 : i32
        %dma_wait3A_446 = arith.constant 0 : i32
        %dma_wait3A_447 = tpu.memref_slice %arg9[%dma_wait3A_443, %dma_wait3A_445, %dma_wait3A_446] : memref<8x128x64xf32, #tpu.memory_space<vmem>> -> memref<1x128x64xf32, #tpu.memory_space<vmem>>
        %dma_wait3A_448 = tpu.memref_squeeze %dma_wait3A_447 : memref<1x128x64xf32, #tpu.memory_space<vmem>> -> memref<128x64xf32, #tpu.memory_space<vmem>>
        %dma_wait3A_449 = arith.constant 0 : i32
        %dma_wait3A_450 = tpu.memref_slice %arg8[%dma_wait3A_444, %dma_wait3A_449] : memref<64x128xi32, #tpu.memory_space<vmem>> -> memref<1x128xi32, #tpu.memory_space<vmem>>
        %dma_wait3A_451 = tpu.memref_squeeze %dma_wait3A_450 : memref<1x128xi32, #tpu.memory_space<vmem>> -> memref<128xi32, #tpu.memory_space<vmem>>
        %dma_wait3A_452 = arith.constant 0 : i32
        %dma_wait3A_453 = arith.constant 0 : i32
        %dma_wait3A_454 = tpu.memref_slice %arg10[%dma_wait3A_452, %dma_wait3A_453] : memref<8192x64xf32, #tpu.memory_space<vmem_shared>> -> memref<8192x64xf32, #tpu.memory_space<vmem_shared>>
        tpu.wait_indirect_dma semaphore(%arg12 : memref<!tpu.dma_semaphore, #tpu.memory_space<semaphore_mem>>) src(%dma_wait3A_448 : memref<128x64xf32, #tpu.memory_space<vmem>>) dst(%dma_wait3A_454 : memref<8192x64xf32, #tpu.memory_space<vmem_shared>>)
      } else {
      }
      %add3A_238 = arith.constant 7 : i32
      %add3A_239 = arith.addi %add3A_110, %add3A_238 : i32
      %dma_start3A_240 = arith.constant 7 : i32
      %dma_start3A_241 = arith.constant 0 : i32
      %dma_start3A_242 = arith.constant 0 : i32
      %dma_start3A_243 = tpu.memref_slice %arg9[%dma_start3A_240, %dma_start3A_241, %dma_start3A_242] : memref<8x128x64xf32, #tpu.memory_space<vmem>> -> memref<1x128x64xf32, #tpu.memory_space<vmem>>
      %dma_start3A_244 = tpu.memref_squeeze %dma_start3A_243 : memref<1x128x64xf32, #tpu.memory_space<vmem>> -> memref<128x64xf32, #tpu.memory_space<vmem>>
      %dma_start3A_245 = arith.constant 0 : i32
      %dma_start3A_246 = tpu.memref_slice %arg7[%add3A_239, %dma_start3A_245] : memref<64x128xi32, #tpu.memory_space<vmem>> -> memref<1x128xi32, #tpu.memory_space<vmem>>
      %dma_start3A_247 = tpu.memref_squeeze %dma_start3A_246 : memref<1x128xi32, #tpu.memory_space<vmem>> -> memref<128xi32, #tpu.memory_space<vmem>>
      %dma_start3A_248 = arith.constant 0 : i32
      %dma_start3A_249 = arith.constant 0 : i32
      %dma_start3A_250 = tpu.memref_slice %arg2[%dma_start3A_248, %dma_start3A_249] : memref<16384x64xf32, #tpu.memory_space<hbm>> -> memref<16384x64xf32, #tpu.memory_space<hbm>>
      tpu.enqueue_indirect_dma source(%dma_start3A_250 : memref<16384x64xf32, #tpu.memory_space<hbm>>) target(%dma_start3A_244 : memref<128x64xf32, #tpu.memory_space<vmem>>) offsets(%dma_start3A_247 : memref<128xi32, #tpu.memory_space<vmem>>) semaphore(%arg11 : memref<!tpu.dma_semaphore, #tpu.memory_space<semaphore_mem>>)
      %dma_wait3A_251 = arith.constant 0 : i32
      %dma_wait3A_252 = arith.constant 0 : i32
      %dma_wait3A_253 = arith.constant 0 : i32
      %dma_wait3A_254 = tpu.memref_slice %arg9[%dma_wait3A_251, %dma_wait3A_252, %dma_wait3A_253] : memref<8x128x64xf32, #tpu.memory_space<vmem>> -> memref<1x128x64xf32, #tpu.memory_space<vmem>>
      %dma_wait3A_255 = tpu.memref_squeeze %dma_wait3A_254 : memref<1x128x64xf32, #tpu.memory_space<vmem>> -> memref<128x64xf32, #tpu.memory_space<vmem>>
      %dma_wait3A_256 = arith.constant 0 : i32
      %dma_wait3A_257 = tpu.memref_slice %arg7[%add3A_114, %dma_wait3A_256] : memref<64x128xi32, #tpu.memory_space<vmem>> -> memref<1x128xi32, #tpu.memory_space<vmem>>
      %dma_wait3A_258 = tpu.memref_squeeze %dma_wait3A_257 : memref<1x128xi32, #tpu.memory_space<vmem>> -> memref<128xi32, #tpu.memory_space<vmem>>
      %dma_wait3A_259 = arith.constant 0 : i32
      %dma_wait3A_260 = arith.constant 0 : i32
      %dma_wait3A_261 = tpu.memref_slice %arg2[%dma_wait3A_259, %dma_wait3A_260] : memref<16384x64xf32, #tpu.memory_space<hbm>> -> memref<16384x64xf32, #tpu.memory_space<hbm>>
      tpu.wait_indirect_dma semaphore(%arg11 : memref<!tpu.dma_semaphore, #tpu.memory_space<semaphore_mem>>) src(%dma_wait3A_261 : memref<16384x64xf32, #tpu.memory_space<hbm>>) dst(%dma_wait3A_255 : memref<128x64xf32, #tpu.memory_space<vmem>>)
      %add3A_262 = arith.constant 0 : i32
      %add3A_263 = arith.addi %add3A_110, %add3A_262 : i32
      %dma_start3A_264 = arith.constant 0 : i32
      %dma_start3A_265 = arith.constant 0 : i32
      %dma_start3A_266 = arith.constant 0 : i32
      %dma_start3A_267 = tpu.memref_slice %arg9[%dma_start3A_264, %dma_start3A_265, %dma_start3A_266] : memref<8x128x64xf32, #tpu.memory_space<vmem>> -> memref<1x128x64xf32, #tpu.memory_space<vmem>>
      %dma_start3A_268 = tpu.memref_squeeze %dma_start3A_267 : memref<1x128x64xf32, #tpu.memory_space<vmem>> -> memref<128x64xf32, #tpu.memory_space<vmem>>
      %dma_start3A_269 = arith.constant 0 : i32
      %dma_start3A_270 = tpu.memref_slice %arg8[%add3A_263, %dma_start3A_269] : memref<64x128xi32, #tpu.memory_space<vmem>> -> memref<1x128xi32, #tpu.memory_space<vmem>>
      %dma_start3A_271 = tpu.memref_squeeze %dma_start3A_270 : memref<1x128xi32, #tpu.memory_space<vmem>> -> memref<128xi32, #tpu.memory_space<vmem>>
      %dma_start3A_272 = arith.constant 0 : i32
      %dma_start3A_273 = arith.constant 0 : i32
      %dma_start3A_274 = tpu.memref_slice %arg10[%dma_start3A_272, %dma_start3A_273] : memref<8192x64xf32, #tpu.memory_space<vmem_shared>> -> memref<8192x64xf32, #tpu.memory_space<vmem_shared>>
      tpu.enqueue_indirect_dma source(%dma_start3A_268 : memref<128x64xf32, #tpu.memory_space<vmem>>) target(%dma_start3A_274 : memref<8192x64xf32, #tpu.memory_space<vmem_shared>>) offsets(%dma_start3A_271 : memref<128xi32, #tpu.memory_space<vmem>>) semaphore(%arg12 : memref<!tpu.dma_semaphore, #tpu.memory_space<semaphore_mem>>) {add = true}
      %dma_wait3A_275 = arith.constant 1 : i32
      %dma_wait3A_276 = arith.constant 0 : i32
      %dma_wait3A_277 = arith.constant 0 : i32
      %dma_wait3A_278 = tpu.memref_slice %arg9[%dma_wait3A_275, %dma_wait3A_276, %dma_wait3A_277] : memref<8x128x64xf32, #tpu.memory_space<vmem>> -> memref<1x128x64xf32, #tpu.memory_space<vmem>>
      %dma_wait3A_279 = tpu.memref_squeeze %dma_wait3A_278 : memref<1x128x64xf32, #tpu.memory_space<vmem>> -> memref<128x64xf32, #tpu.memory_space<vmem>>
      %dma_wait3A_280 = arith.constant 0 : i32
      %dma_wait3A_281 = tpu.memref_slice %arg7[%add3A_131, %dma_wait3A_280] : memref<64x128xi32, #tpu.memory_space<vmem>> -> memref<1x128xi32, #tpu.memory_space<vmem>>
      %dma_wait3A_282 = tpu.memref_squeeze %dma_wait3A_281 : memref<1x128xi32, #tpu.memory_space<vmem>> -> memref<128xi32, #tpu.memory_space<vmem>>
      %dma_wait3A_283 = arith.constant 0 : i32
      %dma_wait3A_284 = arith.constant 0 : i32
      %dma_wait3A_285 = tpu.memref_slice %arg2[%dma_wait3A_283, %dma_wait3A_284] : memref<16384x64xf32, #tpu.memory_space<hbm>> -> memref<16384x64xf32, #tpu.memory_space<hbm>>
      tpu.wait_indirect_dma semaphore(%arg11 : memref<!tpu.dma_semaphore, #tpu.memory_space<semaphore_mem>>) src(%dma_wait3A_285 : memref<16384x64xf32, #tpu.memory_space<hbm>>) dst(%dma_wait3A_279 : memref<128x64xf32, #tpu.memory_space<vmem>>)
      %add3A_286 = arith.constant 1 : i32
      %add3A_287 = arith.addi %add3A_110, %add3A_286 : i32
      %dma_start3A_288 = arith.constant 1 : i32
      %dma_start3A_289 = arith.constant 0 : i32
      %dma_start3A_290 = arith.constant 0 : i32
      %dma_start3A_291 = tpu.memref_slice %arg9[%dma_start3A_288, %dma_start3A_289, %dma_start3A_290] : memref<8x128x64xf32, #tpu.memory_space<vmem>> -> memref<1x128x64xf32, #tpu.memory_space<vmem>>
      %dma_start3A_292 = tpu.memref_squeeze %dma_start3A_291 : memref<1x128x64xf32, #tpu.memory_space<vmem>> -> memref<128x64xf32, #tpu.memory_space<vmem>>
      %dma_start3A_293 = arith.constant 0 : i32
      %dma_start3A_294 = tpu.memref_slice %arg8[%add3A_287, %dma_start3A_293] : memref<64x128xi32, #tpu.memory_space<vmem>> -> memref<1x128xi32, #tpu.memory_space<vmem>>
      %dma_start3A_295 = tpu.memref_squeeze %dma_start3A_294 : memref<1x128xi32, #tpu.memory_space<vmem>> -> memref<128xi32, #tpu.memory_space<vmem>>
      %dma_start3A_296 = arith.constant 0 : i32
      %dma_start3A_297 = arith.constant 0 : i32
      %dma_start3A_298 = tpu.memref_slice %arg10[%dma_start3A_296, %dma_start3A_297] : memref<8192x64xf32, #tpu.memory_space<vmem_shared>> -> memref<8192x64xf32, #tpu.memory_space<vmem_shared>>
      tpu.enqueue_indirect_dma source(%dma_start3A_292 : memref<128x64xf32, #tpu.memory_space<vmem>>) target(%dma_start3A_298 : memref<8192x64xf32, #tpu.memory_space<vmem_shared>>) offsets(%dma_start3A_295 : memref<128xi32, #tpu.memory_space<vmem>>) semaphore(%arg12 : memref<!tpu.dma_semaphore, #tpu.memory_space<semaphore_mem>>) {add = true}
      %dma_wait3A_299 = arith.constant 2 : i32
      %dma_wait3A_300 = arith.constant 0 : i32
      %dma_wait3A_301 = arith.constant 0 : i32
      %dma_wait3A_302 = tpu.memref_slice %arg9[%dma_wait3A_299, %dma_wait3A_300, %dma_wait3A_301] : memref<8x128x64xf32, #tpu.memory_space<vmem>> -> memref<1x128x64xf32, #tpu.memory_space<vmem>>
      %dma_wait3A_303 = tpu.memref_squeeze %dma_wait3A_302 : memref<1x128x64xf32, #tpu.memory_space<vmem>> -> memref<128x64xf32, #tpu.memory_space<vmem>>
      %dma_wait3A_304 = arith.constant 0 : i32
      %dma_wait3A_305 = tpu.memref_slice %arg7[%add3A_149, %dma_wait3A_304] : memref<64x128xi32, #tpu.memory_space<vmem>> -> memref<1x128xi32, #tpu.memory_space<vmem>>
      %dma_wait3A_306 = tpu.memref_squeeze %dma_wait3A_305 : memref<1x128xi32, #tpu.memory_space<vmem>> -> memref<128xi32, #tpu.memory_space<vmem>>
      %dma_wait3A_307 = arith.constant 0 : i32
      %dma_wait3A_308 = arith.constant 0 : i32
      %dma_wait3A_309 = tpu.memref_slice %arg2[%dma_wait3A_307, %dma_wait3A_308] : memref<16384x64xf32, #tpu.memory_space<hbm>> -> memref<16384x64xf32, #tpu.memory_space<hbm>>
      tpu.wait_indirect_dma semaphore(%arg11 : memref<!tpu.dma_semaphore, #tpu.memory_space<semaphore_mem>>) src(%dma_wait3A_309 : memref<16384x64xf32, #tpu.memory_space<hbm>>) dst(%dma_wait3A_303 : memref<128x64xf32, #tpu.memory_space<vmem>>)
      %add3A_310 = arith.constant 2 : i32
      %add3A_311 = arith.addi %add3A_110, %add3A_310 : i32
      %dma_start3A_312 = arith.constant 2 : i32
      %dma_start3A_313 = arith.constant 0 : i32
      %dma_start3A_314 = arith.constant 0 : i32
      %dma_start3A_315 = tpu.memref_slice %arg9[%dma_start3A_312, %dma_start3A_313, %dma_start3A_314] : memref<8x128x64xf32, #tpu.memory_space<vmem>> -> memref<1x128x64xf32, #tpu.memory_space<vmem>>
      %dma_start3A_316 = tpu.memref_squeeze %dma_start3A_315 : memref<1x128x64xf32, #tpu.memory_space<vmem>> -> memref<128x64xf32, #tpu.memory_space<vmem>>
      %dma_start3A_317 = arith.constant 0 : i32
      %dma_start3A_318 = tpu.memref_slice %arg8[%add3A_311, %dma_start3A_317] : memref<64x128xi32, #tpu.memory_space<vmem>> -> memref<1x128xi32, #tpu.memory_space<vmem>>
      %dma_start3A_319 = tpu.memref_squeeze %dma_start3A_318 : memref<1x128xi32, #tpu.memory_space<vmem>> -> memref<128xi32, #tpu.memory_space<vmem>>
      %dma_start3A_320 = arith.constant 0 : i32
      %dma_start3A_321 = arith.constant 0 : i32
      %dma_start3A_322 = tpu.memref_slice %arg10[%dma_start3A_320, %dma_start3A_321] : memref<8192x64xf32, #tpu.memory_space<vmem_shared>> -> memref<8192x64xf32, #tpu.memory_space<vmem_shared>>
      tpu.enqueue_indirect_dma source(%dma_start3A_316 : memref<128x64xf32, #tpu.memory_space<vmem>>) target(%dma_start3A_322 : memref<8192x64xf32, #tpu.memory_space<vmem_shared>>) offsets(%dma_start3A_319 : memref<128xi32, #tpu.memory_space<vmem>>) semaphore(%arg12 : memref<!tpu.dma_semaphore, #tpu.memory_space<semaphore_mem>>) {add = true}
      %dma_wait3A_323 = arith.constant 3 : i32
      %dma_wait3A_324 = arith.constant 0 : i32
      %dma_wait3A_325 = arith.constant 0 : i32
      %dma_wait3A_326 = tpu.memref_slice %arg9[%dma_wait3A_323, %dma_wait3A_324, %dma_wait3A_325] : memref<8x128x64xf32, #tpu.memory_space<vmem>> -> memref<1x128x64xf32, #tpu.memory_space<vmem>>
      %dma_wait3A_327 = tpu.memref_squeeze %dma_wait3A_326 : memref<1x128x64xf32, #tpu.memory_space<vmem>> -> memref<128x64xf32, #tpu.memory_space<vmem>>
      %dma_wait3A_328 = arith.constant 0 : i32
      %dma_wait3A_329 = tpu.memref_slice %arg7[%add3A_167, %dma_wait3A_328] : memref<64x128xi32, #tpu.memory_space<vmem>> -> memref<1x128xi32, #tpu.memory_space<vmem>>
      %dma_wait3A_330 = tpu.memref_squeeze %dma_wait3A_329 : memref<1x128xi32, #tpu.memory_space<vmem>> -> memref<128xi32, #tpu.memory_space<vmem>>
      %dma_wait3A_331 = arith.constant 0 : i32
      %dma_wait3A_332 = arith.constant 0 : i32
      %dma_wait3A_333 = tpu.memref_slice %arg2[%dma_wait3A_331, %dma_wait3A_332] : memref<16384x64xf32, #tpu.memory_space<hbm>> -> memref<16384x64xf32, #tpu.memory_space<hbm>>
      tpu.wait_indirect_dma semaphore(%arg11 : memref<!tpu.dma_semaphore, #tpu.memory_space<semaphore_mem>>) src(%dma_wait3A_333 : memref<16384x64xf32, #tpu.memory_space<hbm>>) dst(%dma_wait3A_327 : memref<128x64xf32, #tpu.memory_space<vmem>>)
      %add3A_334 = arith.constant 3 : i32
      %add3A_335 = arith.addi %add3A_110, %add3A_334 : i32
      %dma_start3A_336 = arith.constant 3 : i32
      %dma_start3A_337 = arith.constant 0 : i32
      %dma_start3A_338 = arith.constant 0 : i32
      %dma_start3A_339 = tpu.memref_slice %arg9[%dma_start3A_336, %dma_start3A_337, %dma_start3A_338] : memref<8x128x64xf32, #tpu.memory_space<vmem>> -> memref<1x128x64xf32, #tpu.memory_space<vmem>>
      %dma_start3A_340 = tpu.memref_squeeze %dma_start3A_339 : memref<1x128x64xf32, #tpu.memory_space<vmem>> -> memref<128x64xf32, #tpu.memory_space<vmem>>
      %dma_start3A_341 = arith.constant 0 : i32
      %dma_start3A_342 = tpu.memref_slice %arg8[%add3A_335, %dma_start3A_341] : memref<64x128xi32, #tpu.memory_space<vmem>> -> memref<1x128xi32, #tpu.memory_space<vmem>>
      %dma_start3A_343 = tpu.memref_squeeze %dma_start3A_342 : memref<1x128xi32, #tpu.memory_space<vmem>> -> memref<128xi32, #tpu.memory_space<vmem>>
      %dma_start3A_344 = arith.constant 0 : i32
      %dma_start3A_345 = arith.constant 0 : i32
      %dma_start3A_346 = tpu.memref_slice %arg10[%dma_start3A_344, %dma_start3A_345] : memref<8192x64xf32, #tpu.memory_space<vmem_shared>> -> memref<8192x64xf32, #tpu.memory_space<vmem_shared>>
      tpu.enqueue_indirect_dma source(%dma_start3A_340 : memref<128x64xf32, #tpu.memory_space<vmem>>) target(%dma_start3A_346 : memref<8192x64xf32, #tpu.memory_space<vmem_shared>>) offsets(%dma_start3A_343 : memref<128xi32, #tpu.memory_space<vmem>>) semaphore(%arg12 : memref<!tpu.dma_semaphore, #tpu.memory_space<semaphore_mem>>) {add = true}
      %dma_wait3A_347 = arith.constant 4 : i32
      %dma_wait3A_348 = arith.constant 0 : i32
      %dma_wait3A_349 = arith.constant 0 : i32
      %dma_wait3A_350 = tpu.memref_slice %arg9[%dma_wait3A_347, %dma_wait3A_348, %dma_wait3A_349] : memref<8x128x64xf32, #tpu.memory_space<vmem>> -> memref<1x128x64xf32, #tpu.memory_space<vmem>>
      %dma_wait3A_351 = tpu.memref_squeeze %dma_wait3A_350 : memref<1x128x64xf32, #tpu.memory_space<vmem>> -> memref<128x64xf32, #tpu.memory_space<vmem>>
      %dma_wait3A_352 = arith.constant 0 : i32
      %dma_wait3A_353 = tpu.memref_slice %arg7[%add3A_185, %dma_wait3A_352] : memref<64x128xi32, #tpu.memory_space<vmem>> -> memref<1x128xi32, #tpu.memory_space<vmem>>
      %dma_wait3A_354 = tpu.memref_squeeze %dma_wait3A_353 : memref<1x128xi32, #tpu.memory_space<vmem>> -> memref<128xi32, #tpu.memory_space<vmem>>
      %dma_wait3A_355 = arith.constant 0 : i32
      %dma_wait3A_356 = arith.constant 0 : i32
      %dma_wait3A_357 = tpu.memref_slice %arg2[%dma_wait3A_355, %dma_wait3A_356] : memref<16384x64xf32, #tpu.memory_space<hbm>> -> memref<16384x64xf32, #tpu.memory_space<hbm>>
      tpu.wait_indirect_dma semaphore(%arg11 : memref<!tpu.dma_semaphore, #tpu.memory_space<semaphore_mem>>) src(%dma_wait3A_357 : memref<16384x64xf32, #tpu.memory_space<hbm>>) dst(%dma_wait3A_351 : memref<128x64xf32, #tpu.memory_space<vmem>>)
      %add3A_358 = arith.constant 4 : i32
      %add3A_359 = arith.addi %add3A_110, %add3A_358 : i32
      %dma_start3A_360 = arith.constant 4 : i32
      %dma_start3A_361 = arith.constant 0 : i32
      %dma_start3A_362 = arith.constant 0 : i32
      %dma_start3A_363 = tpu.memref_slice %arg9[%dma_start3A_360, %dma_start3A_361, %dma_start3A_362] : memref<8x128x64xf32, #tpu.memory_space<vmem>> -> memref<1x128x64xf32, #tpu.memory_space<vmem>>
      %dma_start3A_364 = tpu.memref_squeeze %dma_start3A_363 : memref<1x128x64xf32, #tpu.memory_space<vmem>> -> memref<128x64xf32, #tpu.memory_space<vmem>>
      %dma_start3A_365 = arith.constant 0 : i32
      %dma_start3A_366 = tpu.memref_slice %arg8[%add3A_359, %dma_start3A_365] : memref<64x128xi32, #tpu.memory_space<vmem>> -> memref<1x128xi32, #tpu.memory_space<vmem>>
      %dma_start3A_367 = tpu.memref_squeeze %dma_start3A_366 : memref<1x128xi32, #tpu.memory_space<vmem>> -> memref<128xi32, #tpu.memory_space<vmem>>
      %dma_start3A_368 = arith.constant 0 : i32
      %dma_start3A_369 = arith.constant 0 : i32
      %dma_start3A_370 = tpu.memref_slice %arg10[%dma_start3A_368, %dma_start3A_369] : memref<8192x64xf32, #tpu.memory_space<vmem_shared>> -> memref<8192x64xf32, #tpu.memory_space<vmem_shared>>
      tpu.enqueue_indirect_dma source(%dma_start3A_364 : memref<128x64xf32, #tpu.memory_space<vmem>>) target(%dma_start3A_370 : memref<8192x64xf32, #tpu.memory_space<vmem_shared>>) offsets(%dma_start3A_367 : memref<128xi32, #tpu.memory_space<vmem>>) semaphore(%arg12 : memref<!tpu.dma_semaphore, #tpu.memory_space<semaphore_mem>>) {add = true}
      %dma_wait3A_371 = arith.constant 5 : i32
      %dma_wait3A_372 = arith.constant 0 : i32
      %dma_wait3A_373 = arith.constant 0 : i32
      %dma_wait3A_374 = tpu.memref_slice %arg9[%dma_wait3A_371, %dma_wait3A_372, %dma_wait3A_373] : memref<8x128x64xf32, #tpu.memory_space<vmem>> -> memref<1x128x64xf32, #tpu.memory_space<vmem>>
      %dma_wait3A_375 = tpu.memref_squeeze %dma_wait3A_374 : memref<1x128x64xf32, #tpu.memory_space<vmem>> -> memref<128x64xf32, #tpu.memory_space<vmem>>
      %dma_wait3A_376 = arith.constant 0 : i32
      %dma_wait3A_377 = tpu.memref_slice %arg7[%add3A_203, %dma_wait3A_376] : memref<64x128xi32, #tpu.memory_space<vmem>> -> memref<1x128xi32, #tpu.memory_space<vmem>>
      %dma_wait3A_378 = tpu.memref_squeeze %dma_wait3A_377 : memref<1x128xi32, #tpu.memory_space<vmem>> -> memref<128xi32, #tpu.memory_space<vmem>>
      %dma_wait3A_379 = arith.constant 0 : i32
      %dma_wait3A_380 = arith.constant 0 : i32
      %dma_wait3A_381 = tpu.memref_slice %arg2[%dma_wait3A_379, %dma_wait3A_380] : memref<16384x64xf32, #tpu.memory_space<hbm>> -> memref<16384x64xf32, #tpu.memory_space<hbm>>
      tpu.wait_indirect_dma semaphore(%arg11 : memref<!tpu.dma_semaphore, #tpu.memory_space<semaphore_mem>>) src(%dma_wait3A_381 : memref<16384x64xf32, #tpu.memory_space<hbm>>) dst(%dma_wait3A_375 : memref<128x64xf32, #tpu.memory_space<vmem>>)
      %add3A_382 = arith.constant 5 : i32
      %add3A_383 = arith.addi %add3A_110, %add3A_382 : i32
      %dma_start3A_384 = arith.constant 5 : i32
      %dma_start3A_385 = arith.constant 0 : i32
      %dma_start3A_386 = arith.constant 0 : i32
      %dma_start3A_387 = tpu.memref_slice %arg9[%dma_start3A_384, %dma_start3A_385, %dma_start3A_386] : memref<8x128x64xf32, #tpu.memory_space<vmem>> -> memref<1x128x64xf32, #tpu.memory_space<vmem>>
      %dma_start3A_388 = tpu.memref_squeeze %dma_start3A_387 : memref<1x128x64xf32, #tpu.memory_space<vmem>> -> memref<128x64xf32, #tpu.memory_space<vmem>>
      %dma_start3A_389 = arith.constant 0 : i32
      %dma_start3A_390 = tpu.memref_slice %arg8[%add3A_383, %dma_start3A_389] : memref<64x128xi32, #tpu.memory_space<vmem>> -> memref<1x128xi32, #tpu.memory_space<vmem>>
      %dma_start3A_391 = tpu.memref_squeeze %dma_start3A_390 : memref<1x128xi32, #tpu.memory_space<vmem>> -> memref<128xi32, #tpu.memory_space<vmem>>
      %dma_start3A_392 = arith.constant 0 : i32
      %dma_start3A_393 = arith.constant 0 : i32
      %dma_start3A_394 = tpu.memref_slice %arg10[%dma_start3A_392, %dma_start3A_393] : memref<8192x64xf32, #tpu.memory_space<vmem_shared>> -> memref<8192x64xf32, #tpu.memory_space<vmem_shared>>
      tpu.enqueue_indirect_dma source(%dma_start3A_388 : memref<128x64xf32, #tpu.memory_space<vmem>>) target(%dma_start3A_394 : memref<8192x64xf32, #tpu.memory_space<vmem_shared>>) offsets(%dma_start3A_391 : memref<128xi32, #tpu.memory_space<vmem>>) semaphore(%arg12 : memref<!tpu.dma_semaphore, #tpu.memory_space<semaphore_mem>>) {add = true}
      %dma_wait3A_395 = arith.constant 6 : i32
      %dma_wait3A_396 = arith.constant 0 : i32
      %dma_wait3A_397 = arith.constant 0 : i32
      %dma_wait3A_398 = tpu.memref_slice %arg9[%dma_wait3A_395, %dma_wait3A_396, %dma_wait3A_397] : memref<8x128x64xf32, #tpu.memory_space<vmem>> -> memref<1x128x64xf32, #tpu.memory_space<vmem>>
      %dma_wait3A_399 = tpu.memref_squeeze %dma_wait3A_398 : memref<1x128x64xf32, #tpu.memory_space<vmem>> -> memref<128x64xf32, #tpu.memory_space<vmem>>
      %dma_wait3A_400 = arith.constant 0 : i32
      %dma_wait3A_401 = tpu.memref_slice %arg7[%add3A_221, %dma_wait3A_400] : memref<64x128xi32, #tpu.memory_space<vmem>> -> memref<1x128xi32, #tpu.memory_space<vmem>>
      %dma_wait3A_402 = tpu.memref_squeeze %dma_wait3A_401 : memref<1x128xi32, #tpu.memory_space<vmem>> -> memref<128xi32, #tpu.memory_space<vmem>>
      %dma_wait3A_403 = arith.constant 0 : i32
      %dma_wait3A_404 = arith.constant 0 : i32
      %dma_wait3A_405 = tpu.memref_slice %arg2[%dma_wait3A_403, %dma_wait3A_404] : memref<16384x64xf32, #tpu.memory_space<hbm>> -> memref<16384x64xf32, #tpu.memory_space<hbm>>
      tpu.wait_indirect_dma semaphore(%arg11 : memref<!tpu.dma_semaphore, #tpu.memory_space<semaphore_mem>>) src(%dma_wait3A_405 : memref<16384x64xf32, #tpu.memory_space<hbm>>) dst(%dma_wait3A_399 : memref<128x64xf32, #tpu.memory_space<vmem>>)
      %add3A_406 = arith.constant 6 : i32
      %add3A_407 = arith.addi %add3A_110, %add3A_406 : i32
      %dma_start3A_408 = arith.constant 6 : i32
      %dma_start3A_409 = arith.constant 0 : i32
      %dma_start3A_410 = arith.constant 0 : i32
      %dma_start3A_411 = tpu.memref_slice %arg9[%dma_start3A_408, %dma_start3A_409, %dma_start3A_410] : memref<8x128x64xf32, #tpu.memory_space<vmem>> -> memref<1x128x64xf32, #tpu.memory_space<vmem>>
      %dma_start3A_412 = tpu.memref_squeeze %dma_start3A_411 : memref<1x128x64xf32, #tpu.memory_space<vmem>> -> memref<128x64xf32, #tpu.memory_space<vmem>>
      %dma_start3A_413 = arith.constant 0 : i32
      %dma_start3A_414 = tpu.memref_slice %arg8[%add3A_407, %dma_start3A_413] : memref<64x128xi32, #tpu.memory_space<vmem>> -> memref<1x128xi32, #tpu.memory_space<vmem>>
      %dma_start3A_415 = tpu.memref_squeeze %dma_start3A_414 : memref<1x128xi32, #tpu.memory_space<vmem>> -> memref<128xi32, #tpu.memory_space<vmem>>
      %dma_start3A_416 = arith.constant 0 : i32
      %dma_start3A_417 = arith.constant 0 : i32
      %dma_start3A_418 = tpu.memref_slice %arg10[%dma_start3A_416, %dma_start3A_417] : memref<8192x64xf32, #tpu.memory_space<vmem_shared>> -> memref<8192x64xf32, #tpu.memory_space<vmem_shared>>
      tpu.enqueue_indirect_dma source(%dma_start3A_412 : memref<128x64xf32, #tpu.memory_space<vmem>>) target(%dma_start3A_418 : memref<8192x64xf32, #tpu.memory_space<vmem_shared>>) offsets(%dma_start3A_415 : memref<128xi32, #tpu.memory_space<vmem>>) semaphore(%arg12 : memref<!tpu.dma_semaphore, #tpu.memory_space<semaphore_mem>>) {add = true}
      %dma_wait3A_419 = arith.constant 7 : i32
      %dma_wait3A_420 = arith.constant 0 : i32
      %dma_wait3A_421 = arith.constant 0 : i32
      %dma_wait3A_422 = tpu.memref_slice %arg9[%dma_wait3A_419, %dma_wait3A_420, %dma_wait3A_421] : memref<8x128x64xf32, #tpu.memory_space<vmem>> -> memref<1x128x64xf32, #tpu.memory_space<vmem>>
      %dma_wait3A_423 = tpu.memref_squeeze %dma_wait3A_422 : memref<1x128x64xf32, #tpu.memory_space<vmem>> -> memref<128x64xf32, #tpu.memory_space<vmem>>
      %dma_wait3A_424 = arith.constant 0 : i32
      %dma_wait3A_425 = tpu.memref_slice %arg7[%add3A_239, %dma_wait3A_424] : memref<64x128xi32, #tpu.memory_space<vmem>> -> memref<1x128xi32, #tpu.memory_space<vmem>>
      %dma_wait3A_426 = tpu.memref_squeeze %dma_wait3A_425 : memref<1x128xi32, #tpu.memory_space<vmem>> -> memref<128xi32, #tpu.memory_space<vmem>>
      %dma_wait3A_427 = arith.constant 0 : i32
      %dma_wait3A_428 = arith.constant 0 : i32
      %dma_wait3A_429 = tpu.memref_slice %arg2[%dma_wait3A_427, %dma_wait3A_428] : memref<16384x64xf32, #tpu.memory_space<hbm>> -> memref<16384x64xf32, #tpu.memory_space<hbm>>
      tpu.wait_indirect_dma semaphore(%arg11 : memref<!tpu.dma_semaphore, #tpu.memory_space<semaphore_mem>>) src(%dma_wait3A_429 : memref<16384x64xf32, #tpu.memory_space<hbm>>) dst(%dma_wait3A_423 : memref<128x64xf32, #tpu.memory_space<vmem>>)
      %add3A_430 = arith.constant 7 : i32
      %add3A_431 = arith.addi %add3A_110, %add3A_430 : i32
      %dma_start3A_432 = arith.constant 7 : i32
      %dma_start3A_433 = arith.constant 0 : i32
      %dma_start3A_434 = arith.constant 0 : i32
      %dma_start3A_435 = tpu.memref_slice %arg9[%dma_start3A_432, %dma_start3A_433, %dma_start3A_434] : memref<8x128x64xf32, #tpu.memory_space<vmem>> -> memref<1x128x64xf32, #tpu.memory_space<vmem>>
      %dma_start3A_436 = tpu.memref_squeeze %dma_start3A_435 : memref<1x128x64xf32, #tpu.memory_space<vmem>> -> memref<128x64xf32, #tpu.memory_space<vmem>>
      %dma_start3A_437 = arith.constant 0 : i32
      %dma_start3A_438 = tpu.memref_slice %arg8[%add3A_431, %dma_start3A_437] : memref<64x128xi32, #tpu.memory_space<vmem>> -> memref<1x128xi32, #tpu.memory_space<vmem>>
      %dma_start3A_439 = tpu.memref_squeeze %dma_start3A_438 : memref<1x128xi32, #tpu.memory_space<vmem>> -> memref<128xi32, #tpu.memory_space<vmem>>
      %dma_start3A_440 = arith.constant 0 : i32
      %dma_start3A_441 = arith.constant 0 : i32
      %dma_start3A_442 = tpu.memref_slice %arg10[%dma_start3A_440, %dma_start3A_441] : memref<8192x64xf32, #tpu.memory_space<vmem_shared>> -> memref<8192x64xf32, #tpu.memory_space<vmem_shared>>
      tpu.enqueue_indirect_dma source(%dma_start3A_436 : memref<128x64xf32, #tpu.memory_space<vmem>>) target(%dma_start3A_442 : memref<8192x64xf32, #tpu.memory_space<vmem_shared>>) offsets(%dma_start3A_439 : memref<128xi32, #tpu.memory_space<vmem>>) semaphore(%arg12 : memref<!tpu.dma_semaphore, #tpu.memory_space<semaphore_mem>>) {add = true}
    }
    %scan3A_6 = arith.constant 8 : i32
    %dma_wait3A = arith.constant 0 : i32
    %dma_wait3A_7 = arith.constant 0 : i32
    %dma_wait3A_8 = arith.constant 0 : i32
    %dma_wait3A_9 = arith.constant 0 : i32
    %dma_wait3A_10 = tpu.memref_slice %arg9[%dma_wait3A, %dma_wait3A_8, %dma_wait3A_9] : memref<8x128x64xf32, #tpu.memory_space<vmem>> -> memref<1x128x64xf32, #tpu.memory_space<vmem>>
    %dma_wait3A_11 = tpu.memref_squeeze %dma_wait3A_10 : memref<1x128x64xf32, #tpu.memory_space<vmem>> -> memref<128x64xf32, #tpu.memory_space<vmem>>
    %dma_wait3A_12 = arith.constant 0 : i32
    %dma_wait3A_13 = tpu.memref_slice %arg8[%dma_wait3A_7, %dma_wait3A_12] : memref<64x128xi32, #tpu.memory_space<vmem>> -> memref<1x128xi32, #tpu.memory_space<vmem>>
    %dma_wait3A_14 = tpu.memref_squeeze %dma_wait3A_13 : memref<1x128xi32, #tpu.memory_space<vmem>> -> memref<128xi32, #tpu.memory_space<vmem>>
    %dma_wait3A_15 = arith.constant 0 : i32
    %dma_wait3A_16 = arith.constant 0 : i32
    %dma_wait3A_17 = tpu.memref_slice %arg10[%dma_wait3A_15, %dma_wait3A_16] : memref<8192x64xf32, #tpu.memory_space<vmem_shared>> -> memref<8192x64xf32, #tpu.memory_space<vmem_shared>>
    tpu.wait_indirect_dma semaphore(%arg12 : memref<!tpu.dma_semaphore, #tpu.memory_space<semaphore_mem>>) src(%dma_wait3A_11 : memref<128x64xf32, #tpu.memory_space<vmem>>) dst(%dma_wait3A_17 : memref<8192x64xf32, #tpu.memory_space<vmem_shared>>)
    %dma_wait3A_18 = arith.constant 1 : i32
    %dma_wait3A_19 = arith.constant 1 : i32
    %dma_wait3A_20 = arith.constant 0 : i32
    %dma_wait3A_21 = arith.constant 0 : i32
    %dma_wait3A_22 = tpu.memref_slice %arg9[%dma_wait3A_18, %dma_wait3A_20, %dma_wait3A_21] : memref<8x128x64xf32, #tpu.memory_space<vmem>> -> memref<1x128x64xf32, #tpu.memory_space<vmem>>
    %dma_wait3A_23 = tpu.memref_squeeze %dma_wait3A_22 : memref<1x128x64xf32, #tpu.memory_space<vmem>> -> memref<128x64xf32, #tpu.memory_space<vmem>>
    %dma_wait3A_24 = arith.constant 0 : i32
    %dma_wait3A_25 = tpu.memref_slice %arg8[%dma_wait3A_19, %dma_wait3A_24] : memref<64x128xi32, #tpu.memory_space<vmem>> -> memref<1x128xi32, #tpu.memory_space<vmem>>
    %dma_wait3A_26 = tpu.memref_squeeze %dma_wait3A_25 : memref<1x128xi32, #tpu.memory_space<vmem>> -> memref<128xi32, #tpu.memory_space<vmem>>
    %dma_wait3A_27 = arith.constant 0 : i32
    %dma_wait3A_28 = arith.constant 0 : i32
    %dma_wait3A_29 = tpu.memref_slice %arg10[%dma_wait3A_27, %dma_wait3A_28] : memref<8192x64xf32, #tpu.memory_space<vmem_shared>> -> memref<8192x64xf32, #tpu.memory_space<vmem_shared>>
    tpu.wait_indirect_dma semaphore(%arg12 : memref<!tpu.dma_semaphore, #tpu.memory_space<semaphore_mem>>) src(%dma_wait3A_23 : memref<128x64xf32, #tpu.memory_space<vmem>>) dst(%dma_wait3A_29 : memref<8192x64xf32, #tpu.memory_space<vmem_shared>>)
    %dma_wait3A_30 = arith.constant 2 : i32
    %dma_wait3A_31 = arith.constant 2 : i32
    %dma_wait3A_32 = arith.constant 0 : i32
    %dma_wait3A_33 = arith.constant 0 : i32
    %dma_wait3A_34 = tpu.memref_slice %arg9[%dma_wait3A_30, %dma_wait3A_32, %dma_wait3A_33] : memref<8x128x64xf32, #tpu.memory_space<vmem>> -> memref<1x128x64xf32, #tpu.memory_space<vmem>>
    %dma_wait3A_35 = tpu.memref_squeeze %dma_wait3A_34 : memref<1x128x64xf32, #tpu.memory_space<vmem>> -> memref<128x64xf32, #tpu.memory_space<vmem>>
    %dma_wait3A_36 = arith.constant 0 : i32
    %dma_wait3A_37 = tpu.memref_slice %arg8[%dma_wait3A_31, %dma_wait3A_36] : memref<64x128xi32, #tpu.memory_space<vmem>> -> memref<1x128xi32, #tpu.memory_space<vmem>>
    %dma_wait3A_38 = tpu.memref_squeeze %dma_wait3A_37 : memref<1x128xi32, #tpu.memory_space<vmem>> -> memref<128xi32, #tpu.memory_space<vmem>>
    %dma_wait3A_39 = arith.constant 0 : i32
    %dma_wait3A_40 = arith.constant 0 : i32
    %dma_wait3A_41 = tpu.memref_slice %arg10[%dma_wait3A_39, %dma_wait3A_40] : memref<8192x64xf32, #tpu.memory_space<vmem_shared>> -> memref<8192x64xf32, #tpu.memory_space<vmem_shared>>
    tpu.wait_indirect_dma semaphore(%arg12 : memref<!tpu.dma_semaphore, #tpu.memory_space<semaphore_mem>>) src(%dma_wait3A_35 : memref<128x64xf32, #tpu.memory_space<vmem>>) dst(%dma_wait3A_41 : memref<8192x64xf32, #tpu.memory_space<vmem_shared>>)
    %dma_wait3A_42 = arith.constant 3 : i32
    %dma_wait3A_43 = arith.constant 3 : i32
    %dma_wait3A_44 = arith.constant 0 : i32
    %dma_wait3A_45 = arith.constant 0 : i32
    %dma_wait3A_46 = tpu.memref_slice %arg9[%dma_wait3A_42, %dma_wait3A_44, %dma_wait3A_45] : memref<8x128x64xf32, #tpu.memory_space<vmem>> -> memref<1x128x64xf32, #tpu.memory_space<vmem>>
    %dma_wait3A_47 = tpu.memref_squeeze %dma_wait3A_46 : memref<1x128x64xf32, #tpu.memory_space<vmem>> -> memref<128x64xf32, #tpu.memory_space<vmem>>
    %dma_wait3A_48 = arith.constant 0 : i32
    %dma_wait3A_49 = tpu.memref_slice %arg8[%dma_wait3A_43, %dma_wait3A_48] : memref<64x128xi32, #tpu.memory_space<vmem>> -> memref<1x128xi32, #tpu.memory_space<vmem>>
    %dma_wait3A_50 = tpu.memref_squeeze %dma_wait3A_49 : memref<1x128xi32, #tpu.memory_space<vmem>> -> memref<128xi32, #tpu.memory_space<vmem>>
    %dma_wait3A_51 = arith.constant 0 : i32
    %dma_wait3A_52 = arith.constant 0 : i32
    %dma_wait3A_53 = tpu.memref_slice %arg10[%dma_wait3A_51, %dma_wait3A_52] : memref<8192x64xf32, #tpu.memory_space<vmem_shared>> -> memref<8192x64xf32, #tpu.memory_space<vmem_shared>>
    tpu.wait_indirect_dma semaphore(%arg12 : memref<!tpu.dma_semaphore, #tpu.memory_space<semaphore_mem>>) src(%dma_wait3A_47 : memref<128x64xf32, #tpu.memory_space<vmem>>) dst(%dma_wait3A_53 : memref<8192x64xf32, #tpu.memory_space<vmem_shared>>)
    %dma_wait3A_54 = arith.constant 4 : i32
    %dma_wait3A_55 = arith.constant 4 : i32
    %dma_wait3A_56 = arith.constant 0 : i32
    %dma_wait3A_57 = arith.constant 0 : i32
    %dma_wait3A_58 = tpu.memref_slice %arg9[%dma_wait3A_54, %dma_wait3A_56, %dma_wait3A_57] : memref<8x128x64xf32, #tpu.memory_space<vmem>> -> memref<1x128x64xf32, #tpu.memory_space<vmem>>
    %dma_wait3A_59 = tpu.memref_squeeze %dma_wait3A_58 : memref<1x128x64xf32, #tpu.memory_space<vmem>> -> memref<128x64xf32, #tpu.memory_space<vmem>>
    %dma_wait3A_60 = arith.constant 0 : i32
    %dma_wait3A_61 = tpu.memref_slice %arg8[%dma_wait3A_55, %dma_wait3A_60] : memref<64x128xi32, #tpu.memory_space<vmem>> -> memref<1x128xi32, #tpu.memory_space<vmem>>
    %dma_wait3A_62 = tpu.memref_squeeze %dma_wait3A_61 : memref<1x128xi32, #tpu.memory_space<vmem>> -> memref<128xi32, #tpu.memory_space<vmem>>
    %dma_wait3A_63 = arith.constant 0 : i32
    %dma_wait3A_64 = arith.constant 0 : i32
    %dma_wait3A_65 = tpu.memref_slice %arg10[%dma_wait3A_63, %dma_wait3A_64] : memref<8192x64xf32, #tpu.memory_space<vmem_shared>> -> memref<8192x64xf32, #tpu.memory_space<vmem_shared>>
    tpu.wait_indirect_dma semaphore(%arg12 : memref<!tpu.dma_semaphore, #tpu.memory_space<semaphore_mem>>) src(%dma_wait3A_59 : memref<128x64xf32, #tpu.memory_space<vmem>>) dst(%dma_wait3A_65 : memref<8192x64xf32, #tpu.memory_space<vmem_shared>>)
    %dma_wait3A_66 = arith.constant 5 : i32
    %dma_wait3A_67 = arith.constant 5 : i32
    %dma_wait3A_68 = arith.constant 0 : i32
    %dma_wait3A_69 = arith.constant 0 : i32
    %dma_wait3A_70 = tpu.memref_slice %arg9[%dma_wait3A_66, %dma_wait3A_68, %dma_wait3A_69] : memref<8x128x64xf32, #tpu.memory_space<vmem>> -> memref<1x128x64xf32, #tpu.memory_space<vmem>>
    %dma_wait3A_71 = tpu.memref_squeeze %dma_wait3A_70 : memref<1x128x64xf32, #tpu.memory_space<vmem>> -> memref<128x64xf32, #tpu.memory_space<vmem>>
    %dma_wait3A_72 = arith.constant 0 : i32
    %dma_wait3A_73 = tpu.memref_slice %arg8[%dma_wait3A_67, %dma_wait3A_72] : memref<64x128xi32, #tpu.memory_space<vmem>> -> memref<1x128xi32, #tpu.memory_space<vmem>>
    %dma_wait3A_74 = tpu.memref_squeeze %dma_wait3A_73 : memref<1x128xi32, #tpu.memory_space<vmem>> -> memref<128xi32, #tpu.memory_space<vmem>>
    %dma_wait3A_75 = arith.constant 0 : i32
    %dma_wait3A_76 = arith.constant 0 : i32
    %dma_wait3A_77 = tpu.memref_slice %arg10[%dma_wait3A_75, %dma_wait3A_76] : memref<8192x64xf32, #tpu.memory_space<vmem_shared>> -> memref<8192x64xf32, #tpu.memory_space<vmem_shared>>
    tpu.wait_indirect_dma semaphore(%arg12 : memref<!tpu.dma_semaphore, #tpu.memory_space<semaphore_mem>>) src(%dma_wait3A_71 : memref<128x64xf32, #tpu.memory_space<vmem>>) dst(%dma_wait3A_77 : memref<8192x64xf32, #tpu.memory_space<vmem_shared>>)
    %dma_wait3A_78 = arith.constant 6 : i32
    %dma_wait3A_79 = arith.constant 6 : i32
    %dma_wait3A_80 = arith.constant 0 : i32
    %dma_wait3A_81 = arith.constant 0 : i32
    %dma_wait3A_82 = tpu.memref_slice %arg9[%dma_wait3A_78, %dma_wait3A_80, %dma_wait3A_81] : memref<8x128x64xf32, #tpu.memory_space<vmem>> -> memref<1x128x64xf32, #tpu.memory_space<vmem>>
    %dma_wait3A_83 = tpu.memref_squeeze %dma_wait3A_82 : memref<1x128x64xf32, #tpu.memory_space<vmem>> -> memref<128x64xf32, #tpu.memory_space<vmem>>
    %dma_wait3A_84 = arith.constant 0 : i32
    %dma_wait3A_85 = tpu.memref_slice %arg8[%dma_wait3A_79, %dma_wait3A_84] : memref<64x128xi32, #tpu.memory_space<vmem>> -> memref<1x128xi32, #tpu.memory_space<vmem>>
    %dma_wait3A_86 = tpu.memref_squeeze %dma_wait3A_85 : memref<1x128xi32, #tpu.memory_space<vmem>> -> memref<128xi32, #tpu.memory_space<vmem>>
    %dma_wait3A_87 = arith.constant 0 : i32
    %dma_wait3A_88 = arith.constant 0 : i32
    %dma_wait3A_89 = tpu.memref_slice %arg10[%dma_wait3A_87, %dma_wait3A_88] : memref<8192x64xf32, #tpu.memory_space<vmem_shared>> -> memref<8192x64xf32, #tpu.memory_space<vmem_shared>>
    tpu.wait_indirect_dma semaphore(%arg12 : memref<!tpu.dma_semaphore, #tpu.memory_space<semaphore_mem>>) src(%dma_wait3A_83 : memref<128x64xf32, #tpu.memory_space<vmem>>) dst(%dma_wait3A_89 : memref<8192x64xf32, #tpu.memory_space<vmem_shared>>)
    %dma_wait3A_90 = arith.constant 7 : i32
    %dma_wait3A_91 = arith.constant 7 : i32
    %dma_wait3A_92 = arith.constant 0 : i32
    %dma_wait3A_93 = arith.constant 0 : i32
    %dma_wait3A_94 = tpu.memref_slice %arg9[%dma_wait3A_90, %dma_wait3A_92, %dma_wait3A_93] : memref<8x128x64xf32, #tpu.memory_space<vmem>> -> memref<1x128x64xf32, #tpu.memory_space<vmem>>
    %dma_wait3A_95 = tpu.memref_squeeze %dma_wait3A_94 : memref<1x128x64xf32, #tpu.memory_space<vmem>> -> memref<128x64xf32, #tpu.memory_space<vmem>>
    %dma_wait3A_96 = arith.constant 0 : i32
    %dma_wait3A_97 = tpu.memref_slice %arg8[%dma_wait3A_91, %dma_wait3A_96] : memref<64x128xi32, #tpu.memory_space<vmem>> -> memref<1x128xi32, #tpu.memory_space<vmem>>
    %dma_wait3A_98 = tpu.memref_squeeze %dma_wait3A_97 : memref<1x128xi32, #tpu.memory_space<vmem>> -> memref<128xi32, #tpu.memory_space<vmem>>
    %dma_wait3A_99 = arith.constant 0 : i32
    %dma_wait3A_100 = arith.constant 0 : i32
    %dma_wait3A_101 = tpu.memref_slice %arg10[%dma_wait3A_99, %dma_wait3A_100] : memref<8192x64xf32, #tpu.memory_space<vmem_shared>> -> memref<8192x64xf32, #tpu.memory_space<vmem_shared>>
    tpu.wait_indirect_dma semaphore(%arg12 : memref<!tpu.dma_semaphore, #tpu.memory_space<semaphore_mem>>) src(%dma_wait3A_95 : memref<128x64xf32, #tpu.memory_space<vmem>>) dst(%dma_wait3A_101 : memref<8192x64xf32, #tpu.memory_space<vmem_shared>>)
    %barrier3A_102 = arith.constant 0 : index
    tpu.barrier barrier_id(%barrier3A_102)
    %mul3A_103 = arith.constant 512 : i32
    %mul3A_104 = arith.muli %arg1, %mul3A_103 : i32
    %mul3A_105 = arith.constant 512 : i32
    %mul3A_106 = arith.muli %arg1, %mul3A_105 : i32
    "tpu.region"() ({
      %run_scoped3A = tpu.sem_alloc : memref<!tpu.dma_semaphore, #tpu.memory_space<semaphore_mem>>
      %dma_start3A = arith.constant 0 : i32
      %dma_start3A_107 = tpu.memref_slice %arg6[%arg0, %mul3A_106, %dma_start3A] : memref<2x8192x64xf32, #tpu.memory_space<hbm>> -> memref<1x512x64xf32, #tpu.memory_space<hbm>>
      %dma_start3A_108 = tpu.memref_squeeze %dma_start3A_107 : memref<1x512x64xf32, #tpu.memory_space<hbm>> -> memref<512x64xf32, #tpu.memory_space<hbm>>
      %dma_start3A_109 = arith.constant 0 : i32
      %dma_start3A_110 = tpu.memref_slice %arg10[%mul3A_104, %dma_start3A_109] : memref<8192x64xf32, #tpu.memory_space<vmem_shared>> -> memref<512x64xf32, #tpu.memory_space<vmem_shared>>
      tpu.enqueue_dma source(%dma_start3A_110 : memref<512x64xf32, #tpu.memory_space<vmem_shared>>) target(%dma_start3A_108 : memref<512x64xf32, #tpu.memory_space<hbm>>) target_semaphore(%run_scoped3A : memref<!tpu.dma_semaphore, #tpu.memory_space<semaphore_mem>>)
      %dma_wait3A_111 = arith.constant 0 : i32
      %dma_wait3A_112 = tpu.memref_slice %arg6[%arg0, %mul3A_106, %dma_wait3A_111] : memref<2x8192x64xf32, #tpu.memory_space<hbm>> -> memref<1x512x64xf32, #tpu.memory_space<hbm>>
      %dma_wait3A_113 = tpu.memref_squeeze %dma_wait3A_112 : memref<1x512x64xf32, #tpu.memory_space<hbm>> -> memref<512x64xf32, #tpu.memory_space<hbm>>
      %dma_wait3A_114 = arith.constant 0 : i32
      %dma_wait3A_115 = tpu.memref_slice %arg10[%mul3A_104, %dma_wait3A_114] : memref<8192x64xf32, #tpu.memory_space<vmem_shared>> -> memref<512x64xf32, #tpu.memory_space<vmem_shared>>
      tpu.wait_dma2 semaphore(%run_scoped3A : memref<!tpu.dma_semaphore, #tpu.memory_space<semaphore_mem>>) src(%dma_wait3A_115 : memref<512x64xf32, #tpu.memory_space<vmem_shared>>) dst(%dma_wait3A_113 : memref<512x64xf32, #tpu.memory_space<hbm>>)
      tpu.yield
    }) : () -> ()
    return
  }
}

#map = affine_map<(d0, d1) -> (0, 0)>
module attributes {stable_mosaic.version = 14 : i64} {
  func.func @_scc_body(%arg0: i32, %arg1: i32, %arg2: memref<8192x128xf32, #tpu.memory_space<hbm>>, %arg3: memref<64x128xi32, #tpu.memory_space<hbm>>, %arg4: memref<8192x128xf32, #tpu.memory_space<hbm>>, %arg5: memref<2x128xi32, #tpu.memory_space<vmem>>, %arg6: memref<256x128xf32, #tpu.memory_space<vmem>>, %arg7: memref<!tpu.dma_semaphore, #tpu.memory_space<semaphore_mem>>) attributes {dimension_semantics = [#tpu.dimension_semantics<core_parallel>, #tpu.dimension_semantics<subcore_parallel>], iteration_bounds = array<i64: 2, 16>, scalar_prefetch = 0 : i64, scratch_operands = 3 : i64, tpu.core_type = #tpu.core_type<sc_vector_subcore>, window_params = [{transform_indices = #map}, {transform_indices = #map}, {transform_indices = #map}]} {
    %mul3A = arith.constant 16 : i32
    %mul3A_0 = arith.muli %arg0, %mul3A : i32
    %add3A = arith.addi %mul3A_0, %arg1 : i32
    %mul3A_1 = arith.constant 2 : i32
    %mul3A_2 = arith.muli %add3A, %mul3A_1 : i32
    "tpu.region"() ({
      %run_scoped3A = tpu.sem_alloc : memref<!tpu.dma_semaphore, #tpu.memory_space<semaphore_mem>>
      %dma_start3A_43 = arith.constant 0 : i32
      %dma_start3A_44 = tpu.memref_slice %arg3[%mul3A_2, %dma_start3A_43] : memref<64x128xi32, #tpu.memory_space<hbm>> -> memref<2x128xi32, #tpu.memory_space<hbm>>
      %dma_start3A_45 = arith.constant 0 : i32
      %dma_start3A_46 = tpu.memref_slice %arg3[%mul3A_2, %dma_start3A_45] : memref<64x128xi32, #tpu.memory_space<hbm>> -> memref<2x128xi32, #tpu.memory_space<hbm>>
      tpu.enqueue_dma source(%dma_start3A_46 : memref<2x128xi32, #tpu.memory_space<hbm>>) target(%arg5 : memref<2x128xi32, #tpu.memory_space<vmem>>) target_semaphore(%run_scoped3A : memref<!tpu.dma_semaphore, #tpu.memory_space<semaphore_mem>>)
      %dma_wait3A_47 = arith.constant 0 : i32
      %dma_wait3A_48 = tpu.memref_slice %arg3[%mul3A_2, %dma_wait3A_47] : memref<64x128xi32, #tpu.memory_space<hbm>> -> memref<2x128xi32, #tpu.memory_space<hbm>>
      %dma_wait3A_49 = arith.constant 0 : i32
      %dma_wait3A_50 = tpu.memref_slice %arg3[%mul3A_2, %dma_wait3A_49] : memref<64x128xi32, #tpu.memory_space<hbm>> -> memref<2x128xi32, #tpu.memory_space<hbm>>
      tpu.wait_dma2 semaphore(%run_scoped3A : memref<!tpu.dma_semaphore, #tpu.memory_space<semaphore_mem>>) src(%dma_wait3A_50 : memref<2x128xi32, #tpu.memory_space<hbm>>) dst(%arg5 : memref<2x128xi32, #tpu.memory_space<vmem>>)
      tpu.yield
    }) : () -> ()
    %dma_start3A = arith.constant 0 : i32
    %dma_start3A_3 = arith.constant 0 : i32
    %dma_start3A_4 = arith.constant 0 : i32
    %dma_start3A_5 = tpu.memref_slice %arg6[%dma_start3A_3, %dma_start3A_4] : memref<256x128xf32, #tpu.memory_space<vmem>> -> memref<128x128xf32, #tpu.memory_space<vmem>>
    %dma_start3A_6 = arith.constant 0 : i32
    %dma_start3A_7 = tpu.memref_slice %arg5[%dma_start3A, %dma_start3A_6] : memref<2x128xi32, #tpu.memory_space<vmem>> -> memref<1x128xi32, #tpu.memory_space<vmem>>
    %dma_start3A_8 = tpu.memref_squeeze %dma_start3A_7 : memref<1x128xi32, #tpu.memory_space<vmem>> -> memref<128xi32, #tpu.memory_space<vmem>>
    %dma_start3A_9 = arith.constant 0 : i32
    %dma_start3A_10 = arith.constant 0 : i32
    %dma_start3A_11 = tpu.memref_slice %arg2[%dma_start3A_9, %dma_start3A_10] : memref<8192x128xf32, #tpu.memory_space<hbm>> -> memref<8192x128xf32, #tpu.memory_space<hbm>>
    tpu.enqueue_indirect_dma source(%dma_start3A_11 : memref<8192x128xf32, #tpu.memory_space<hbm>>) target(%dma_start3A_5 : memref<128x128xf32, #tpu.memory_space<vmem>>) offsets(%dma_start3A_8 : memref<128xi32, #tpu.memory_space<vmem>>) semaphore(%arg7 : memref<!tpu.dma_semaphore, #tpu.memory_space<semaphore_mem>>)
    %dma_start3A_12 = arith.constant 1 : i32
    %dma_start3A_13 = arith.constant 128 : i32
    %dma_start3A_14 = arith.constant 0 : i32
    %dma_start3A_15 = tpu.memref_slice %arg6[%dma_start3A_13, %dma_start3A_14] : memref<256x128xf32, #tpu.memory_space<vmem>> -> memref<128x128xf32, #tpu.memory_space<vmem>>
    %dma_start3A_16 = arith.constant 0 : i32
    %dma_start3A_17 = tpu.memref_slice %arg5[%dma_start3A_12, %dma_start3A_16] : memref<2x128xi32, #tpu.memory_space<vmem>> -> memref<1x128xi32, #tpu.memory_space<vmem>>
    %dma_start3A_18 = tpu.memref_squeeze %dma_start3A_17 : memref<1x128xi32, #tpu.memory_space<vmem>> -> memref<128xi32, #tpu.memory_space<vmem>>
    %dma_start3A_19 = arith.constant 0 : i32
    %dma_start3A_20 = arith.constant 0 : i32
    %dma_start3A_21 = tpu.memref_slice %arg2[%dma_start3A_19, %dma_start3A_20] : memref<8192x128xf32, #tpu.memory_space<hbm>> -> memref<8192x128xf32, #tpu.memory_space<hbm>>
    tpu.enqueue_indirect_dma source(%dma_start3A_21 : memref<8192x128xf32, #tpu.memory_space<hbm>>) target(%dma_start3A_15 : memref<128x128xf32, #tpu.memory_space<vmem>>) offsets(%dma_start3A_18 : memref<128xi32, #tpu.memory_space<vmem>>) semaphore(%arg7 : memref<!tpu.dma_semaphore, #tpu.memory_space<semaphore_mem>>)
    %dma_wait3A = arith.constant 0 : i32
    %dma_wait3A_22 = arith.constant 0 : i32
    %dma_wait3A_23 = arith.constant 0 : i32
    %dma_wait3A_24 = tpu.memref_slice %arg6[%dma_wait3A_22, %dma_wait3A_23] : memref<256x128xf32, #tpu.memory_space<vmem>> -> memref<128x128xf32, #tpu.memory_space<vmem>>
    %dma_wait3A_25 = arith.constant 0 : i32
    %dma_wait3A_26 = tpu.memref_slice %arg5[%dma_wait3A, %dma_wait3A_25] : memref<2x128xi32, #tpu.memory_space<vmem>> -> memref<1x128xi32, #tpu.memory_space<vmem>>
    %dma_wait3A_27 = tpu.memref_squeeze %dma_wait3A_26 : memref<1x128xi32, #tpu.memory_space<vmem>> -> memref<128xi32, #tpu.memory_space<vmem>>
    %dma_wait3A_28 = arith.constant 0 : i32
    %dma_wait3A_29 = arith.constant 0 : i32
    %dma_wait3A_30 = tpu.memref_slice %arg2[%dma_wait3A_28, %dma_wait3A_29] : memref<8192x128xf32, #tpu.memory_space<hbm>> -> memref<8192x128xf32, #tpu.memory_space<hbm>>
    tpu.wait_indirect_dma semaphore(%arg7 : memref<!tpu.dma_semaphore, #tpu.memory_space<semaphore_mem>>) src(%dma_wait3A_30 : memref<8192x128xf32, #tpu.memory_space<hbm>>) dst(%dma_wait3A_24 : memref<128x128xf32, #tpu.memory_space<vmem>>)
    %dma_wait3A_31 = arith.constant 1 : i32
    %dma_wait3A_32 = arith.constant 128 : i32
    %dma_wait3A_33 = arith.constant 0 : i32
    %dma_wait3A_34 = tpu.memref_slice %arg6[%dma_wait3A_32, %dma_wait3A_33] : memref<256x128xf32, #tpu.memory_space<vmem>> -> memref<128x128xf32, #tpu.memory_space<vmem>>
    %dma_wait3A_35 = arith.constant 0 : i32
    %dma_wait3A_36 = tpu.memref_slice %arg5[%dma_wait3A_31, %dma_wait3A_35] : memref<2x128xi32, #tpu.memory_space<vmem>> -> memref<1x128xi32, #tpu.memory_space<vmem>>
    %dma_wait3A_37 = tpu.memref_squeeze %dma_wait3A_36 : memref<1x128xi32, #tpu.memory_space<vmem>> -> memref<128xi32, #tpu.memory_space<vmem>>
    %dma_wait3A_38 = arith.constant 0 : i32
    %dma_wait3A_39 = arith.constant 0 : i32
    %dma_wait3A_40 = tpu.memref_slice %arg2[%dma_wait3A_38, %dma_wait3A_39] : memref<8192x128xf32, #tpu.memory_space<hbm>> -> memref<8192x128xf32, #tpu.memory_space<hbm>>
    tpu.wait_indirect_dma semaphore(%arg7 : memref<!tpu.dma_semaphore, #tpu.memory_space<semaphore_mem>>) src(%dma_wait3A_40 : memref<8192x128xf32, #tpu.memory_space<hbm>>) dst(%dma_wait3A_34 : memref<128x128xf32, #tpu.memory_space<vmem>>)
    %mul3A_41 = arith.constant 256 : i32
    %mul3A_42 = arith.muli %add3A, %mul3A_41 : i32
    "tpu.region"() ({
      %run_scoped3A = tpu.sem_alloc : memref<!tpu.dma_semaphore, #tpu.memory_space<semaphore_mem>>
      %dma_start3A_43 = arith.constant 0 : i32
      %dma_start3A_44 = tpu.memref_slice %arg4[%mul3A_42, %dma_start3A_43] : memref<8192x128xf32, #tpu.memory_space<hbm>> -> memref<256x128xf32, #tpu.memory_space<hbm>>
      %dma_start3A_45 = arith.constant 0 : i32
      %dma_start3A_46 = tpu.memref_slice %arg4[%mul3A_42, %dma_start3A_45] : memref<8192x128xf32, #tpu.memory_space<hbm>> -> memref<256x128xf32, #tpu.memory_space<hbm>>
      tpu.enqueue_dma source(%arg6 : memref<256x128xf32, #tpu.memory_space<vmem>>) target(%dma_start3A_46 : memref<256x128xf32, #tpu.memory_space<hbm>>) target_semaphore(%run_scoped3A : memref<!tpu.dma_semaphore, #tpu.memory_space<semaphore_mem>>)
      %dma_wait3A_47 = arith.constant 0 : i32
      %dma_wait3A_48 = tpu.memref_slice %arg4[%mul3A_42, %dma_wait3A_47] : memref<8192x128xf32, #tpu.memory_space<hbm>> -> memref<256x128xf32, #tpu.memory_space<hbm>>
      %dma_wait3A_49 = arith.constant 0 : i32
      %dma_wait3A_50 = tpu.memref_slice %arg4[%mul3A_42, %dma_wait3A_49] : memref<8192x128xf32, #tpu.memory_space<hbm>> -> memref<256x128xf32, #tpu.memory_space<hbm>>
      tpu.wait_dma2 semaphore(%run_scoped3A : memref<!tpu.dma_semaphore, #tpu.memory_space<semaphore_mem>>) src(%arg6 : memref<256x128xf32, #tpu.memory_space<vmem>>) dst(%dma_wait3A_50 : memref<256x128xf32, #tpu.memory_space<hbm>>)
      tpu.yield
    }) : () -> ()
    return
  }
}

#map = affine_map<(d0, d1) -> (0, 0, 0, 0)>
#map1 = affine_map<(d0, d1) -> (0)>
module attributes {stable_mosaic.version = 14 : i64} {
  func.func @_adj_body(%arg0: i32, %arg1: i32, %arg2: memref<8x16x64x128xi32, #tpu.memory_space<hbm>>, %arg3: memref<128xf32, #tpu.memory_space<hbm>>, %arg4: memref<524288xf32, #tpu.memory_space<hbm>>, %arg5: memref<128xf32, #tpu.memory_space<hbm>>, %arg6: memref<4194304xf32, #tpu.memory_space<hbm>>, %arg7: memref<64x128xi32, #tpu.memory_space<vmem>>, %arg8: memref<128xf32, #tpu.memory_space<vmem>>, %arg9: memref<128xf32, #tpu.memory_space<vmem>>, %arg10: memref<524416xf32, #tpu.memory_space<vmem_shared>>, %arg11: memref<!tpu.dma_semaphore, #tpu.memory_space<semaphore_mem>>) attributes {dimension_semantics = [#tpu.dimension_semantics<core_parallel>, #tpu.dimension_semantics<subcore_parallel>], iteration_bounds = array<i64: 2, 16>, scalar_prefetch = 0 : i64, scratch_operands = 5 : i64, tpu.core_type = #tpu.core_type<sc_vector_subcore>, window_params = [{transform_indices = #map}, {transform_indices = #map1}, {transform_indices = #map1}, {transform_indices = #map1}, {transform_indices = #map1}]} {
    "tpu.region"() ({
      %run_scoped3A = tpu.sem_alloc : memref<!tpu.dma_semaphore, #tpu.memory_space<semaphore_mem>>
      tpu.enqueue_dma source(%arg3 : memref<128xf32, #tpu.memory_space<hbm>>) target(%arg8 : memref<128xf32, #tpu.memory_space<vmem>>) target_semaphore(%run_scoped3A : memref<!tpu.dma_semaphore, #tpu.memory_space<semaphore_mem>>)
      tpu.wait_dma2 semaphore(%run_scoped3A : memref<!tpu.dma_semaphore, #tpu.memory_space<semaphore_mem>>) src(%arg3 : memref<128xf32, #tpu.memory_space<hbm>>) dst(%arg8 : memref<128xf32, #tpu.memory_space<vmem>>)
      tpu.yield
    }) : () -> ()
    "tpu.region"() ({
      %run_scoped3A = tpu.sem_alloc : memref<!tpu.dma_semaphore, #tpu.memory_space<semaphore_mem>>
      tpu.enqueue_dma source(%arg5 : memref<128xf32, #tpu.memory_space<hbm>>) target(%arg9 : memref<128xf32, #tpu.memory_space<vmem>>) target_semaphore(%run_scoped3A : memref<!tpu.dma_semaphore, #tpu.memory_space<semaphore_mem>>)
      tpu.wait_dma2 semaphore(%run_scoped3A : memref<!tpu.dma_semaphore, #tpu.memory_space<semaphore_mem>>) src(%arg5 : memref<128xf32, #tpu.memory_space<hbm>>) dst(%arg9 : memref<128xf32, #tpu.memory_space<vmem>>)
      tpu.yield
    }) : () -> ()
    %mul3A = arith.constant 32768 : i32
    %mul3A_0 = arith.muli %arg1, %mul3A : i32
    %mul3A_1 = arith.constant 32768 : i32
    %mul3A_2 = arith.muli %arg1, %mul3A_1 : i32
    "tpu.region"() ({
      %run_scoped3A = tpu.sem_alloc : memref<!tpu.dma_semaphore, #tpu.memory_space<semaphore_mem>>
      %dma_start3A = tpu.memref_slice %arg10[%mul3A_2] : memref<524416xf32, #tpu.memory_space<vmem_shared>> -> memref<32768xf32, #tpu.memory_space<vmem_shared>>
      %dma_start3A_76 = tpu.memref_slice %arg4[%mul3A_0] : memref<524288xf32, #tpu.memory_space<hbm>> -> memref<32768xf32, #tpu.memory_space<hbm>>
      tpu.enqueue_dma source(%dma_start3A_76 : memref<32768xf32, #tpu.memory_space<hbm>>) target(%dma_start3A : memref<32768xf32, #tpu.memory_space<vmem_shared>>) target_semaphore(%run_scoped3A : memref<!tpu.dma_semaphore, #tpu.memory_space<semaphore_mem>>)
      %dma_wait3A = tpu.memref_slice %arg10[%mul3A_2] : memref<524416xf32, #tpu.memory_space<vmem_shared>> -> memref<32768xf32, #tpu.memory_space<vmem_shared>>
      %dma_wait3A_77 = tpu.memref_slice %arg4[%mul3A_0] : memref<524288xf32, #tpu.memory_space<hbm>> -> memref<32768xf32, #tpu.memory_space<hbm>>
      tpu.wait_dma2 semaphore(%run_scoped3A : memref<!tpu.dma_semaphore, #tpu.memory_space<semaphore_mem>>) src(%dma_wait3A_77 : memref<32768xf32, #tpu.memory_space<hbm>>) dst(%dma_wait3A : memref<32768xf32, #tpu.memory_space<vmem_shared>>)
      tpu.yield
    }) : () -> ()
    %barrier3A = arith.constant 0 : index
    tpu.barrier barrier_id(%barrier3A)
    %add3A = arith.constant 0 : i32
    %add3A_3 = arith.addi %add3A, %arg0 : i32
    "tpu.region"() ({
      %run_scoped3A = tpu.sem_alloc : memref<!tpu.dma_semaphore, #tpu.memory_space<semaphore_mem>>
      %dma_start3A = arith.constant 0 : i32
      %dma_start3A_76 = arith.constant 0 : i32
      %dma_start3A_77 = tpu.memref_slice %arg2[%add3A_3, %arg1, %dma_start3A, %dma_start3A_76] : memref<8x16x64x128xi32, #tpu.memory_space<hbm>> -> memref<1x1x64x128xi32, #tpu.memory_space<hbm>>
      %dma_start3A_78 = tpu.memref_squeeze %dma_start3A_77 : memref<1x1x64x128xi32, #tpu.memory_space<hbm>> -> memref<64x128xi32, #tpu.memory_space<hbm>>
      %dma_start3A_79 = arith.constant 0 : i32
      %dma_start3A_80 = arith.constant 0 : i32
      %dma_start3A_81 = tpu.memref_slice %arg2[%add3A_3, %arg1, %dma_start3A_79, %dma_start3A_80] : memref<8x16x64x128xi32, #tpu.memory_space<hbm>> -> memref<1x1x64x128xi32, #tpu.memory_space<hbm>>
      %dma_start3A_82 = tpu.memref_squeeze %dma_start3A_81 : memref<1x1x64x128xi32, #tpu.memory_space<hbm>> -> memref<64x128xi32, #tpu.memory_space<hbm>>
      tpu.enqueue_dma source(%dma_start3A_82 : memref<64x128xi32, #tpu.memory_space<hbm>>) target(%arg7 : memref<64x128xi32, #tpu.memory_space<vmem>>) target_semaphore(%run_scoped3A : memref<!tpu.dma_semaphore, #tpu.memory_space<semaphore_mem>>)
      %dma_wait3A = arith.constant 0 : i32
      %dma_wait3A_83 = arith.constant 0 : i32
      %dma_wait3A_84 = tpu.memref_slice %arg2[%add3A_3, %arg1, %dma_wait3A, %dma_wait3A_83] : memref<8x16x64x128xi32, #tpu.memory_space<hbm>> -> memref<1x1x64x128xi32, #tpu.memory_space<hbm>>
      %dma_wait3A_85 = tpu.memref_squeeze %dma_wait3A_84 : memref<1x1x64x128xi32, #tpu.memory_space<hbm>> -> memref<64x128xi32, #tpu.memory_space<hbm>>
      %dma_wait3A_86 = arith.constant 0 : i32
      %dma_wait3A_87 = arith.constant 0 : i32
      %dma_wait3A_88 = tpu.memref_slice %arg2[%add3A_3, %arg1, %dma_wait3A_86, %dma_wait3A_87] : memref<8x16x64x128xi32, #tpu.memory_space<hbm>> -> memref<1x1x64x128xi32, #tpu.memory_space<hbm>>
      %dma_wait3A_89 = tpu.memref_squeeze %dma_wait3A_88 : memref<1x1x64x128xi32, #tpu.memory_space<hbm>> -> memref<64x128xi32, #tpu.memory_space<hbm>>
      tpu.wait_dma2 semaphore(%run_scoped3A : memref<!tpu.dma_semaphore, #tpu.memory_space<semaphore_mem>>) src(%dma_wait3A_89 : memref<64x128xi32, #tpu.memory_space<hbm>>) dst(%arg7 : memref<64x128xi32, #tpu.memory_space<vmem>>)
      tpu.yield
    }) : () -> ()
    %scan3A = arith.constant 0 : i32
    %scan3A_4 = arith.constant 8 : i32
    %scan3A_5 = arith.addi %scan3A, %scan3A_4 : i32
    %scan3A_6 = arith.constant 1 : i32
    scf.for %scan3A_76 = %scan3A to %scan3A_5 step %scan3A_6  : i32 {
      %mul3A_77 = arith.constant 8 : i32
      %mul3A_78 = arith.muli %scan3A_76, %mul3A_77 : i32
      %add3A_79 = arith.constant 0 : i32
      %add3A_80 = arith.addi %add3A_79, %mul3A_78 : i32
      %add3A_81 = arith.constant 0 : i32
      %add3A_82 = arith.addi %add3A_80, %add3A_81 : i32
      %dma_start3A = arith.constant 0 : i32
      %dma_start3A_83 = tpu.memref_slice %arg7[%add3A_82, %dma_start3A] : memref<64x128xi32, #tpu.memory_space<vmem>> -> memref<1x128xi32, #tpu.memory_space<vmem>>
      %dma_start3A_84 = tpu.memref_squeeze %dma_start3A_83 : memref<1x128xi32, #tpu.memory_space<vmem>> -> memref<128xi32, #tpu.memory_space<vmem>>
      %dma_start3A_85 = arith.constant 0 : i32
      %dma_start3A_86 = tpu.memref_slice %arg10[%dma_start3A_85] : memref<524416xf32, #tpu.memory_space<vmem_shared>> -> memref<524416xf32, #tpu.memory_space<vmem_shared>>
      tpu.enqueue_indirect_dma source(%arg8 : memref<128xf32, #tpu.memory_space<vmem>>) target(%dma_start3A_86 : memref<524416xf32, #tpu.memory_space<vmem_shared>>) offsets(%dma_start3A_84 : memref<128xi32, #tpu.memory_space<vmem>>) semaphore(%arg11 : memref<!tpu.dma_semaphore, #tpu.memory_space<semaphore_mem>>) {add = true}
      %add3A_87 = arith.constant 1 : i32
      %add3A_88 = arith.addi %add3A_80, %add3A_87 : i32
      %dma_start3A_89 = arith.constant 0 : i32
      %dma_start3A_90 = tpu.memref_slice %arg7[%add3A_88, %dma_start3A_89] : memref<64x128xi32, #tpu.memory_space<vmem>> -> memref<1x128xi32, #tpu.memory_space<vmem>>
      %dma_start3A_91 = tpu.memref_squeeze %dma_start3A_90 : memref<1x128xi32, #tpu.memory_space<vmem>> -> memref<128xi32, #tpu.memory_space<vmem>>
      %dma_start3A_92 = arith.constant 0 : i32
      %dma_start3A_93 = tpu.memref_slice %arg10[%dma_start3A_92] : memref<524416xf32, #tpu.memory_space<vmem_shared>> -> memref<524416xf32, #tpu.memory_space<vmem_shared>>
      tpu.enqueue_indirect_dma source(%arg8 : memref<128xf32, #tpu.memory_space<vmem>>) target(%dma_start3A_93 : memref<524416xf32, #tpu.memory_space<vmem_shared>>) offsets(%dma_start3A_91 : memref<128xi32, #tpu.memory_space<vmem>>) semaphore(%arg11 : memref<!tpu.dma_semaphore, #tpu.memory_space<semaphore_mem>>) {add = true}
      %add3A_94 = arith.constant 2 : i32
      %add3A_95 = arith.addi %add3A_80, %add3A_94 : i32
      %dma_start3A_96 = arith.constant 0 : i32
      %dma_start3A_97 = tpu.memref_slice %arg7[%add3A_95, %dma_start3A_96] : memref<64x128xi32, #tpu.memory_space<vmem>> -> memref<1x128xi32, #tpu.memory_space<vmem>>
      %dma_start3A_98 = tpu.memref_squeeze %dma_start3A_97 : memref<1x128xi32, #tpu.memory_space<vmem>> -> memref<128xi32, #tpu.memory_space<vmem>>
      %dma_start3A_99 = arith.constant 0 : i32
      %dma_start3A_100 = tpu.memref_slice %arg10[%dma_start3A_99] : memref<524416xf32, #tpu.memory_space<vmem_shared>> -> memref<524416xf32, #tpu.memory_space<vmem_shared>>
      tpu.enqueue_indirect_dma source(%arg8 : memref<128xf32, #tpu.memory_space<vmem>>) target(%dma_start3A_100 : memref<524416xf32, #tpu.memory_space<vmem_shared>>) offsets(%dma_start3A_98 : memref<128xi32, #tpu.memory_space<vmem>>) semaphore(%arg11 : memref<!tpu.dma_semaphore, #tpu.memory_space<semaphore_mem>>) {add = true}
      %add3A_101 = arith.constant 3 : i32
      %add3A_102 = arith.addi %add3A_80, %add3A_101 : i32
      %dma_start3A_103 = arith.constant 0 : i32
      %dma_start3A_104 = tpu.memref_slice %arg7[%add3A_102, %dma_start3A_103] : memref<64x128xi32, #tpu.memory_space<vmem>> -> memref<1x128xi32, #tpu.memory_space<vmem>>
      %dma_start3A_105 = tpu.memref_squeeze %dma_start3A_104 : memref<1x128xi32, #tpu.memory_space<vmem>> -> memref<128xi32, #tpu.memory_space<vmem>>
      %dma_start3A_106 = arith.constant 0 : i32
      %dma_start3A_107 = tpu.memref_slice %arg10[%dma_start3A_106] : memref<524416xf32, #tpu.memory_space<vmem_shared>> -> memref<524416xf32, #tpu.memory_space<vmem_shared>>
      tpu.enqueue_indirect_dma source(%arg8 : memref<128xf32, #tpu.memory_space<vmem>>) target(%dma_start3A_107 : memref<524416xf32, #tpu.memory_space<vmem_shared>>) offsets(%dma_start3A_105 : memref<128xi32, #tpu.memory_space<vmem>>) semaphore(%arg11 : memref<!tpu.dma_semaphore, #tpu.memory_space<semaphore_mem>>) {add = true}
      %add3A_108 = arith.constant 4 : i32
      %add3A_109 = arith.addi %add3A_80, %add3A_108 : i32
      %dma_start3A_110 = arith.constant 0 : i32
      %dma_start3A_111 = tpu.memref_slice %arg7[%add3A_109, %dma_start3A_110] : memref<64x128xi32, #tpu.memory_space<vmem>> -> memref<1x128xi32, #tpu.memory_space<vmem>>
      %dma_start3A_112 = tpu.memref_squeeze %dma_start3A_111 : memref<1x128xi32, #tpu.memory_space<vmem>> -> memref<128xi32, #tpu.memory_space<vmem>>
      %dma_start3A_113 = arith.constant 0 : i32
      %dma_start3A_114 = tpu.memref_slice %arg10[%dma_start3A_113] : memref<524416xf32, #tpu.memory_space<vmem_shared>> -> memref<524416xf32, #tpu.memory_space<vmem_shared>>
      tpu.enqueue_indirect_dma source(%arg8 : memref<128xf32, #tpu.memory_space<vmem>>) target(%dma_start3A_114 : memref<524416xf32, #tpu.memory_space<vmem_shared>>) offsets(%dma_start3A_112 : memref<128xi32, #tpu.memory_space<vmem>>) semaphore(%arg11 : memref<!tpu.dma_semaphore, #tpu.memory_space<semaphore_mem>>) {add = true}
      %add3A_115 = arith.constant 5 : i32
      %add3A_116 = arith.addi %add3A_80, %add3A_115 : i32
      %dma_start3A_117 = arith.constant 0 : i32
      %dma_start3A_118 = tpu.memref_slice %arg7[%add3A_116, %dma_start3A_117] : memref<64x128xi32, #tpu.memory_space<vmem>> -> memref<1x128xi32, #tpu.memory_space<vmem>>
      %dma_start3A_119 = tpu.memref_squeeze %dma_start3A_118 : memref<1x128xi32, #tpu.memory_space<vmem>> -> memref<128xi32, #tpu.memory_space<vmem>>
      %dma_start3A_120 = arith.constant 0 : i32
      %dma_start3A_121 = tpu.memref_slice %arg10[%dma_start3A_120] : memref<524416xf32, #tpu.memory_space<vmem_shared>> -> memref<524416xf32, #tpu.memory_space<vmem_shared>>
      tpu.enqueue_indirect_dma source(%arg8 : memref<128xf32, #tpu.memory_space<vmem>>) target(%dma_start3A_121 : memref<524416xf32, #tpu.memory_space<vmem_shared>>) offsets(%dma_start3A_119 : memref<128xi32, #tpu.memory_space<vmem>>) semaphore(%arg11 : memref<!tpu.dma_semaphore, #tpu.memory_space<semaphore_mem>>) {add = true}
      %add3A_122 = arith.constant 6 : i32
      %add3A_123 = arith.addi %add3A_80, %add3A_122 : i32
      %dma_start3A_124 = arith.constant 0 : i32
      %dma_start3A_125 = tpu.memref_slice %arg7[%add3A_123, %dma_start3A_124] : memref<64x128xi32, #tpu.memory_space<vmem>> -> memref<1x128xi32, #tpu.memory_space<vmem>>
      %dma_start3A_126 = tpu.memref_squeeze %dma_start3A_125 : memref<1x128xi32, #tpu.memory_space<vmem>> -> memref<128xi32, #tpu.memory_space<vmem>>
      %dma_start3A_127 = arith.constant 0 : i32
      %dma_start3A_128 = tpu.memref_slice %arg10[%dma_start3A_127] : memref<524416xf32, #tpu.memory_space<vmem_shared>> -> memref<524416xf32, #tpu.memory_space<vmem_shared>>
      tpu.enqueue_indirect_dma source(%arg8 : memref<128xf32, #tpu.memory_space<vmem>>) target(%dma_start3A_128 : memref<524416xf32, #tpu.memory_space<vmem_shared>>) offsets(%dma_start3A_126 : memref<128xi32, #tpu.memory_space<vmem>>) semaphore(%arg11 : memref<!tpu.dma_semaphore, #tpu.memory_space<semaphore_mem>>) {add = true}
      %add3A_129 = arith.constant 7 : i32
      %add3A_130 = arith.addi %add3A_80, %add3A_129 : i32
      %dma_start3A_131 = arith.constant 0 : i32
      %dma_start3A_132 = tpu.memref_slice %arg7[%add3A_130, %dma_start3A_131] : memref<64x128xi32, #tpu.memory_space<vmem>> -> memref<1x128xi32, #tpu.memory_space<vmem>>
      %dma_start3A_133 = tpu.memref_squeeze %dma_start3A_132 : memref<1x128xi32, #tpu.memory_space<vmem>> -> memref<128xi32, #tpu.memory_space<vmem>>
      %dma_start3A_134 = arith.constant 0 : i32
      %dma_start3A_135 = tpu.memref_slice %arg10[%dma_start3A_134] : memref<524416xf32, #tpu.memory_space<vmem_shared>> -> memref<524416xf32, #tpu.memory_space<vmem_shared>>
      tpu.enqueue_indirect_dma source(%arg8 : memref<128xf32, #tpu.memory_space<vmem>>) target(%dma_start3A_135 : memref<524416xf32, #tpu.memory_space<vmem_shared>>) offsets(%dma_start3A_133 : memref<128xi32, #tpu.memory_space<vmem>>) semaphore(%arg11 : memref<!tpu.dma_semaphore, #tpu.memory_space<semaphore_mem>>) {add = true}
      %dma_wait3A = arith.constant 0 : i32
      %dma_wait3A_136 = tpu.memref_slice %arg7[%add3A_82, %dma_wait3A] : memref<64x128xi32, #tpu.memory_space<vmem>> -> memref<1x128xi32, #tpu.memory_space<vmem>>
      %dma_wait3A_137 = tpu.memref_squeeze %dma_wait3A_136 : memref<1x128xi32, #tpu.memory_space<vmem>> -> memref<128xi32, #tpu.memory_space<vmem>>
      %dma_wait3A_138 = arith.constant 0 : i32
      %dma_wait3A_139 = tpu.memref_slice %arg10[%dma_wait3A_138] : memref<524416xf32, #tpu.memory_space<vmem_shared>> -> memref<524416xf32, #tpu.memory_space<vmem_shared>>
      tpu.wait_indirect_dma semaphore(%arg11 : memref<!tpu.dma_semaphore, #tpu.memory_space<semaphore_mem>>) src(%arg8 : memref<128xf32, #tpu.memory_space<vmem>>) dst(%dma_wait3A_139 : memref<524416xf32, #tpu.memory_space<vmem_shared>>)
      %dma_wait3A_140 = arith.constant 0 : i32
      %dma_wait3A_141 = tpu.memref_slice %arg7[%add3A_88, %dma_wait3A_140] : memref<64x128xi32, #tpu.memory_space<vmem>> -> memref<1x128xi32, #tpu.memory_space<vmem>>
      %dma_wait3A_142 = tpu.memref_squeeze %dma_wait3A_141 : memref<1x128xi32, #tpu.memory_space<vmem>> -> memref<128xi32, #tpu.memory_space<vmem>>
      %dma_wait3A_143 = arith.constant 0 : i32
      %dma_wait3A_144 = tpu.memref_slice %arg10[%dma_wait3A_143] : memref<524416xf32, #tpu.memory_space<vmem_shared>> -> memref<524416xf32, #tpu.memory_space<vmem_shared>>
      tpu.wait_indirect_dma semaphore(%arg11 : memref<!tpu.dma_semaphore, #tpu.memory_space<semaphore_mem>>) src(%arg8 : memref<128xf32, #tpu.memory_space<vmem>>) dst(%dma_wait3A_144 : memref<524416xf32, #tpu.memory_space<vmem_shared>>)
      %dma_wait3A_145 = arith.constant 0 : i32
      %dma_wait3A_146 = tpu.memref_slice %arg7[%add3A_95, %dma_wait3A_145] : memref<64x128xi32, #tpu.memory_space<vmem>> -> memref<1x128xi32, #tpu.memory_space<vmem>>
      %dma_wait3A_147 = tpu.memref_squeeze %dma_wait3A_146 : memref<1x128xi32, #tpu.memory_space<vmem>> -> memref<128xi32, #tpu.memory_space<vmem>>
      %dma_wait3A_148 = arith.constant 0 : i32
      %dma_wait3A_149 = tpu.memref_slice %arg10[%dma_wait3A_148] : memref<524416xf32, #tpu.memory_space<vmem_shared>> -> memref<524416xf32, #tpu.memory_space<vmem_shared>>
      tpu.wait_indirect_dma semaphore(%arg11 : memref<!tpu.dma_semaphore, #tpu.memory_space<semaphore_mem>>) src(%arg8 : memref<128xf32, #tpu.memory_space<vmem>>) dst(%dma_wait3A_149 : memref<524416xf32, #tpu.memory_space<vmem_shared>>)
      %dma_wait3A_150 = arith.constant 0 : i32
      %dma_wait3A_151 = tpu.memref_slice %arg7[%add3A_102, %dma_wait3A_150] : memref<64x128xi32, #tpu.memory_space<vmem>> -> memref<1x128xi32, #tpu.memory_space<vmem>>
      %dma_wait3A_152 = tpu.memref_squeeze %dma_wait3A_151 : memref<1x128xi32, #tpu.memory_space<vmem>> -> memref<128xi32, #tpu.memory_space<vmem>>
      %dma_wait3A_153 = arith.constant 0 : i32
      %dma_wait3A_154 = tpu.memref_slice %arg10[%dma_wait3A_153] : memref<524416xf32, #tpu.memory_space<vmem_shared>> -> memref<524416xf32, #tpu.memory_space<vmem_shared>>
      tpu.wait_indirect_dma semaphore(%arg11 : memref<!tpu.dma_semaphore, #tpu.memory_space<semaphore_mem>>) src(%arg8 : memref<128xf32, #tpu.memory_space<vmem>>) dst(%dma_wait3A_154 : memref<524416xf32, #tpu.memory_space<vmem_shared>>)
      %dma_wait3A_155 = arith.constant 0 : i32
      %dma_wait3A_156 = tpu.memref_slice %arg7[%add3A_109, %dma_wait3A_155] : memref<64x128xi32, #tpu.memory_space<vmem>> -> memref<1x128xi32, #tpu.memory_space<vmem>>
      %dma_wait3A_157 = tpu.memref_squeeze %dma_wait3A_156 : memref<1x128xi32, #tpu.memory_space<vmem>> -> memref<128xi32, #tpu.memory_space<vmem>>
      %dma_wait3A_158 = arith.constant 0 : i32
      %dma_wait3A_159 = tpu.memref_slice %arg10[%dma_wait3A_158] : memref<524416xf32, #tpu.memory_space<vmem_shared>> -> memref<524416xf32, #tpu.memory_space<vmem_shared>>
      tpu.wait_indirect_dma semaphore(%arg11 : memref<!tpu.dma_semaphore, #tpu.memory_space<semaphore_mem>>) src(%arg8 : memref<128xf32, #tpu.memory_space<vmem>>) dst(%dma_wait3A_159 : memref<524416xf32, #tpu.memory_space<vmem_shared>>)
      %dma_wait3A_160 = arith.constant 0 : i32
      %dma_wait3A_161 = tpu.memref_slice %arg7[%add3A_116, %dma_wait3A_160] : memref<64x128xi32, #tpu.memory_space<vmem>> -> memref<1x128xi32, #tpu.memory_space<vmem>>
      %dma_wait3A_162 = tpu.memref_squeeze %dma_wait3A_161 : memref<1x128xi32, #tpu.memory_space<vmem>> -> memref<128xi32, #tpu.memory_space<vmem>>
      %dma_wait3A_163 = arith.constant 0 : i32
      %dma_wait3A_164 = tpu.memref_slice %arg10[%dma_wait3A_163] : memref<524416xf32, #tpu.memory_space<vmem_shared>> -> memref<524416xf32, #tpu.memory_space<vmem_shared>>
      tpu.wait_indirect_dma semaphore(%arg11 : memref<!tpu.dma_semaphore, #tpu.memory_space<semaphore_mem>>) src(%arg8 : memref<128xf32, #tpu.memory_space<vmem>>) dst(%dma_wait3A_164 : memref<524416xf32, #tpu.memory_space<vmem_shared>>)
      %dma_wait3A_165 = arith.constant 0 : i32
      %dma_wait3A_166 = tpu.memref_slice %arg7[%add3A_123, %dma_wait3A_165] : memref<64x128xi32, #tpu.memory_space<vmem>> -> memref<1x128xi32, #tpu.memory_space<vmem>>
      %dma_wait3A_167 = tpu.memref_squeeze %dma_wait3A_166 : memref<1x128xi32, #tpu.memory_space<vmem>> -> memref<128xi32, #tpu.memory_space<vmem>>
      %dma_wait3A_168 = arith.constant 0 : i32
      %dma_wait3A_169 = tpu.memref_slice %arg10[%dma_wait3A_168] : memref<524416xf32, #tpu.memory_space<vmem_shared>> -> memref<524416xf32, #tpu.memory_space<vmem_shared>>
      tpu.wait_indirect_dma semaphore(%arg11 : memref<!tpu.dma_semaphore, #tpu.memory_space<semaphore_mem>>) src(%arg8 : memref<128xf32, #tpu.memory_space<vmem>>) dst(%dma_wait3A_169 : memref<524416xf32, #tpu.memory_space<vmem_shared>>)
      %dma_wait3A_170 = arith.constant 0 : i32
      %dma_wait3A_171 = tpu.memref_slice %arg7[%add3A_130, %dma_wait3A_170] : memref<64x128xi32, #tpu.memory_space<vmem>> -> memref<1x128xi32, #tpu.memory_space<vmem>>
      %dma_wait3A_172 = tpu.memref_squeeze %dma_wait3A_171 : memref<1x128xi32, #tpu.memory_space<vmem>> -> memref<128xi32, #tpu.memory_space<vmem>>
      %dma_wait3A_173 = arith.constant 0 : i32
      %dma_wait3A_174 = tpu.memref_slice %arg10[%dma_wait3A_173] : memref<524416xf32, #tpu.memory_space<vmem_shared>> -> memref<524416xf32, #tpu.memory_space<vmem_shared>>
      tpu.wait_indirect_dma semaphore(%arg11 : memref<!tpu.dma_semaphore, #tpu.memory_space<semaphore_mem>>) src(%arg8 : memref<128xf32, #tpu.memory_space<vmem>>) dst(%dma_wait3A_174 : memref<524416xf32, #tpu.memory_space<vmem_shared>>)
    }
    %scan3A_7 = arith.constant 8 : i32
    %barrier3A_8 = arith.constant 0 : index
    tpu.barrier barrier_id(%barrier3A_8)
    %mul3A_9 = arith.constant 32768 : i32
    %mul3A_10 = arith.muli %arg1, %mul3A_9 : i32
    %mul3A_11 = arith.constant 524288 : i32
    %mul3A_12 = arith.muli %add3A_3, %mul3A_11 : i32
    %mul3A_13 = arith.constant 32768 : i32
    %mul3A_14 = arith.muli %arg1, %mul3A_13 : i32
    %add3A_15 = arith.addi %mul3A_12, %mul3A_14 : i32
    "tpu.region"() ({
      %run_scoped3A = tpu.sem_alloc : memref<!tpu.dma_semaphore, #tpu.memory_space<semaphore_mem>>
      %dma_start3A = tpu.memref_slice %arg6[%add3A_15] : memref<4194304xf32, #tpu.memory_space<hbm>> -> memref<32768xf32, #tpu.memory_space<hbm>>
      %dma_start3A_76 = tpu.memref_slice %arg10[%mul3A_10] : memref<524416xf32, #tpu.memory_space<vmem_shared>> -> memref<32768xf32, #tpu.memory_space<vmem_shared>>
      tpu.enqueue_dma source(%dma_start3A_76 : memref<32768xf32, #tpu.memory_space<vmem_shared>>) target(%dma_start3A : memref<32768xf32, #tpu.memory_space<hbm>>) target_semaphore(%run_scoped3A : memref<!tpu.dma_semaphore, #tpu.memory_space<semaphore_mem>>)
      %dma_wait3A = tpu.memref_slice %arg6[%add3A_15] : memref<4194304xf32, #tpu.memory_space<hbm>> -> memref<32768xf32, #tpu.memory_space<hbm>>
      %dma_wait3A_77 = tpu.memref_slice %arg10[%mul3A_10] : memref<524416xf32, #tpu.memory_space<vmem_shared>> -> memref<32768xf32, #tpu.memory_space<vmem_shared>>
      tpu.wait_dma2 semaphore(%run_scoped3A : memref<!tpu.dma_semaphore, #tpu.memory_space<semaphore_mem>>) src(%dma_wait3A_77 : memref<32768xf32, #tpu.memory_space<vmem_shared>>) dst(%dma_wait3A : memref<32768xf32, #tpu.memory_space<hbm>>)
      tpu.yield
    }) : () -> ()
    %mul3A_16 = arith.constant 32768 : i32
    %mul3A_17 = arith.muli %arg1, %mul3A_16 : i32
    %mul3A_18 = arith.constant 32768 : i32
    %mul3A_19 = arith.muli %arg1, %mul3A_18 : i32
    "tpu.region"() ({
      %run_scoped3A = tpu.sem_alloc : memref<!tpu.dma_semaphore, #tpu.memory_space<semaphore_mem>>
      %dma_start3A = tpu.memref_slice %arg10[%mul3A_19] : memref<524416xf32, #tpu.memory_space<vmem_shared>> -> memref<32768xf32, #tpu.memory_space<vmem_shared>>
      %dma_start3A_76 = tpu.memref_slice %arg4[%mul3A_17] : memref<524288xf32, #tpu.memory_space<hbm>> -> memref<32768xf32, #tpu.memory_space<hbm>>
      tpu.enqueue_dma source(%dma_start3A_76 : memref<32768xf32, #tpu.memory_space<hbm>>) target(%dma_start3A : memref<32768xf32, #tpu.memory_space<vmem_shared>>) target_semaphore(%run_scoped3A : memref<!tpu.dma_semaphore, #tpu.memory_space<semaphore_mem>>)
      %dma_wait3A = tpu.memref_slice %arg10[%mul3A_19] : memref<524416xf32, #tpu.memory_space<vmem_shared>> -> memref<32768xf32, #tpu.memory_space<vmem_shared>>
      %dma_wait3A_77 = tpu.memref_slice %arg4[%mul3A_17] : memref<524288xf32, #tpu.memory_space<hbm>> -> memref<32768xf32, #tpu.memory_space<hbm>>
      tpu.wait_dma2 semaphore(%run_scoped3A : memref<!tpu.dma_semaphore, #tpu.memory_space<semaphore_mem>>) src(%dma_wait3A_77 : memref<32768xf32, #tpu.memory_space<hbm>>) dst(%dma_wait3A : memref<32768xf32, #tpu.memory_space<vmem_shared>>)
      tpu.yield
    }) : () -> ()
    %barrier3A_20 = arith.constant 0 : index
    tpu.barrier barrier_id(%barrier3A_20)
    %add3A_21 = arith.constant 2 : i32
    %add3A_22 = arith.addi %add3A_21, %arg0 : i32
    "tpu.region"() ({
      %run_scoped3A = tpu.sem_alloc : memref<!tpu.dma_semaphore, #tpu.memory_space<semaphore_mem>>
      %dma_start3A = arith.constant 0 : i32
      %dma_start3A_76 = arith.constant 0 : i32
      %dma_start3A_77 = tpu.memref_slice %arg2[%add3A_22, %arg1, %dma_start3A, %dma_start3A_76] : memref<8x16x64x128xi32, #tpu.memory_space<hbm>> -> memref<1x1x64x128xi32, #tpu.memory_space<hbm>>
      %dma_start3A_78 = tpu.memref_squeeze %dma_start3A_77 : memref<1x1x64x128xi32, #tpu.memory_space<hbm>> -> memref<64x128xi32, #tpu.memory_space<hbm>>
      %dma_start3A_79 = arith.constant 0 : i32
      %dma_start3A_80 = arith.constant 0 : i32
      %dma_start3A_81 = tpu.memref_slice %arg2[%add3A_22, %arg1, %dma_start3A_79, %dma_start3A_80] : memref<8x16x64x128xi32, #tpu.memory_space<hbm>> -> memref<1x1x64x128xi32, #tpu.memory_space<hbm>>
      %dma_start3A_82 = tpu.memref_squeeze %dma_start3A_81 : memref<1x1x64x128xi32, #tpu.memory_space<hbm>> -> memref<64x128xi32, #tpu.memory_space<hbm>>
      tpu.enqueue_dma source(%dma_start3A_82 : memref<64x128xi32, #tpu.memory_space<hbm>>) target(%arg7 : memref<64x128xi32, #tpu.memory_space<vmem>>) target_semaphore(%run_scoped3A : memref<!tpu.dma_semaphore, #tpu.memory_space<semaphore_mem>>)
      %dma_wait3A = arith.constant 0 : i32
      %dma_wait3A_83 = arith.constant 0 : i32
      %dma_wait3A_84 = tpu.memref_slice %arg2[%add3A_22, %arg1, %dma_wait3A, %dma_wait3A_83] : memref<8x16x64x128xi32, #tpu.memory_space<hbm>> -> memref<1x1x64x128xi32, #tpu.memory_space<hbm>>
      %dma_wait3A_85 = tpu.memref_squeeze %dma_wait3A_84 : memref<1x1x64x128xi32, #tpu.memory_space<hbm>> -> memref<64x128xi32, #tpu.memory_space<hbm>>
      %dma_wait3A_86 = arith.constant 0 : i32
      %dma_wait3A_87 = arith.constant 0 : i32
      %dma_wait3A_88 = tpu.memref_slice %arg2[%add3A_22, %arg1, %dma_wait3A_86, %dma_wait3A_87] : memref<8x16x64x128xi32, #tpu.memory_space<hbm>> -> memref<1x1x64x128xi32, #tpu.memory_space<hbm>>
      %dma_wait3A_89 = tpu.memref_squeeze %dma_wait3A_88 : memref<1x1x64x128xi32, #tpu.memory_space<hbm>> -> memref<64x128xi32, #tpu.memory_space<hbm>>
      tpu.wait_dma2 semaphore(%run_scoped3A : memref<!tpu.dma_semaphore, #tpu.memory_space<semaphore_mem>>) src(%dma_wait3A_89 : memref<64x128xi32, #tpu.memory_space<hbm>>) dst(%arg7 : memref<64x128xi32, #tpu.memory_space<vmem>>)
      tpu.yield
    }) : () -> ()
    %scan3A_23 = arith.constant 0 : i32
    %scan3A_24 = arith.constant 8 : i32
    %scan3A_25 = arith.addi %scan3A_23, %scan3A_24 : i32
    %scan3A_26 = arith.constant 1 : i32
    scf.for %scan3A_76 = %scan3A_23 to %scan3A_25 step %scan3A_26  : i32 {
      %mul3A_77 = arith.constant 8 : i32
      %mul3A_78 = arith.muli %scan3A_76, %mul3A_77 : i32
      %add3A_79 = arith.constant 0 : i32
      %add3A_80 = arith.addi %add3A_79, %mul3A_78 : i32
      %add3A_81 = arith.constant 0 : i32
      %add3A_82 = arith.addi %add3A_80, %add3A_81 : i32
      %dma_start3A = arith.constant 0 : i32
      %dma_start3A_83 = tpu.memref_slice %arg7[%add3A_82, %dma_start3A] : memref<64x128xi32, #tpu.memory_space<vmem>> -> memref<1x128xi32, #tpu.memory_space<vmem>>
      %dma_start3A_84 = tpu.memref_squeeze %dma_start3A_83 : memref<1x128xi32, #tpu.memory_space<vmem>> -> memref<128xi32, #tpu.memory_space<vmem>>
      %dma_start3A_85 = arith.constant 0 : i32
      %dma_start3A_86 = tpu.memref_slice %arg10[%dma_start3A_85] : memref<524416xf32, #tpu.memory_space<vmem_shared>> -> memref<524416xf32, #tpu.memory_space<vmem_shared>>
      tpu.enqueue_indirect_dma source(%arg8 : memref<128xf32, #tpu.memory_space<vmem>>) target(%dma_start3A_86 : memref<524416xf32, #tpu.memory_space<vmem_shared>>) offsets(%dma_start3A_84 : memref<128xi32, #tpu.memory_space<vmem>>) semaphore(%arg11 : memref<!tpu.dma_semaphore, #tpu.memory_space<semaphore_mem>>) {add = true}
      %add3A_87 = arith.constant 1 : i32
      %add3A_88 = arith.addi %add3A_80, %add3A_87 : i32
      %dma_start3A_89 = arith.constant 0 : i32
      %dma_start3A_90 = tpu.memref_slice %arg7[%add3A_88, %dma_start3A_89] : memref<64x128xi32, #tpu.memory_space<vmem>> -> memref<1x128xi32, #tpu.memory_space<vmem>>
      %dma_start3A_91 = tpu.memref_squeeze %dma_start3A_90 : memref<1x128xi32, #tpu.memory_space<vmem>> -> memref<128xi32, #tpu.memory_space<vmem>>
      %dma_start3A_92 = arith.constant 0 : i32
      %dma_start3A_93 = tpu.memref_slice %arg10[%dma_start3A_92] : memref<524416xf32, #tpu.memory_space<vmem_shared>> -> memref<524416xf32, #tpu.memory_space<vmem_shared>>
      tpu.enqueue_indirect_dma source(%arg8 : memref<128xf32, #tpu.memory_space<vmem>>) target(%dma_start3A_93 : memref<524416xf32, #tpu.memory_space<vmem_shared>>) offsets(%dma_start3A_91 : memref<128xi32, #tpu.memory_space<vmem>>) semaphore(%arg11 : memref<!tpu.dma_semaphore, #tpu.memory_space<semaphore_mem>>) {add = true}
      %add3A_94 = arith.constant 2 : i32
      %add3A_95 = arith.addi %add3A_80, %add3A_94 : i32
      %dma_start3A_96 = arith.constant 0 : i32
      %dma_start3A_97 = tpu.memref_slice %arg7[%add3A_95, %dma_start3A_96] : memref<64x128xi32, #tpu.memory_space<vmem>> -> memref<1x128xi32, #tpu.memory_space<vmem>>
      %dma_start3A_98 = tpu.memref_squeeze %dma_start3A_97 : memref<1x128xi32, #tpu.memory_space<vmem>> -> memref<128xi32, #tpu.memory_space<vmem>>
      %dma_start3A_99 = arith.constant 0 : i32
      %dma_start3A_100 = tpu.memref_slice %arg10[%dma_start3A_99] : memref<524416xf32, #tpu.memory_space<vmem_shared>> -> memref<524416xf32, #tpu.memory_space<vmem_shared>>
      tpu.enqueue_indirect_dma source(%arg8 : memref<128xf32, #tpu.memory_space<vmem>>) target(%dma_start3A_100 : memref<524416xf32, #tpu.memory_space<vmem_shared>>) offsets(%dma_start3A_98 : memref<128xi32, #tpu.memory_space<vmem>>) semaphore(%arg11 : memref<!tpu.dma_semaphore, #tpu.memory_space<semaphore_mem>>) {add = true}
      %add3A_101 = arith.constant 3 : i32
      %add3A_102 = arith.addi %add3A_80, %add3A_101 : i32
      %dma_start3A_103 = arith.constant 0 : i32
      %dma_start3A_104 = tpu.memref_slice %arg7[%add3A_102, %dma_start3A_103] : memref<64x128xi32, #tpu.memory_space<vmem>> -> memref<1x128xi32, #tpu.memory_space<vmem>>
      %dma_start3A_105 = tpu.memref_squeeze %dma_start3A_104 : memref<1x128xi32, #tpu.memory_space<vmem>> -> memref<128xi32, #tpu.memory_space<vmem>>
      %dma_start3A_106 = arith.constant 0 : i32
      %dma_start3A_107 = tpu.memref_slice %arg10[%dma_start3A_106] : memref<524416xf32, #tpu.memory_space<vmem_shared>> -> memref<524416xf32, #tpu.memory_space<vmem_shared>>
      tpu.enqueue_indirect_dma source(%arg8 : memref<128xf32, #tpu.memory_space<vmem>>) target(%dma_start3A_107 : memref<524416xf32, #tpu.memory_space<vmem_shared>>) offsets(%dma_start3A_105 : memref<128xi32, #tpu.memory_space<vmem>>) semaphore(%arg11 : memref<!tpu.dma_semaphore, #tpu.memory_space<semaphore_mem>>) {add = true}
      %add3A_108 = arith.constant 4 : i32
      %add3A_109 = arith.addi %add3A_80, %add3A_108 : i32
      %dma_start3A_110 = arith.constant 0 : i32
      %dma_start3A_111 = tpu.memref_slice %arg7[%add3A_109, %dma_start3A_110] : memref<64x128xi32, #tpu.memory_space<vmem>> -> memref<1x128xi32, #tpu.memory_space<vmem>>
      %dma_start3A_112 = tpu.memref_squeeze %dma_start3A_111 : memref<1x128xi32, #tpu.memory_space<vmem>> -> memref<128xi32, #tpu.memory_space<vmem>>
      %dma_start3A_113 = arith.constant 0 : i32
      %dma_start3A_114 = tpu.memref_slice %arg10[%dma_start3A_113] : memref<524416xf32, #tpu.memory_space<vmem_shared>> -> memref<524416xf32, #tpu.memory_space<vmem_shared>>
      tpu.enqueue_indirect_dma source(%arg8 : memref<128xf32, #tpu.memory_space<vmem>>) target(%dma_start3A_114 : memref<524416xf32, #tpu.memory_space<vmem_shared>>) offsets(%dma_start3A_112 : memref<128xi32, #tpu.memory_space<vmem>>) semaphore(%arg11 : memref<!tpu.dma_semaphore, #tpu.memory_space<semaphore_mem>>) {add = true}
      %add3A_115 = arith.constant 5 : i32
      %add3A_116 = arith.addi %add3A_80, %add3A_115 : i32
      %dma_start3A_117 = arith.constant 0 : i32
      %dma_start3A_118 = tpu.memref_slice %arg7[%add3A_116, %dma_start3A_117] : memref<64x128xi32, #tpu.memory_space<vmem>> -> memref<1x128xi32, #tpu.memory_space<vmem>>
      %dma_start3A_119 = tpu.memref_squeeze %dma_start3A_118 : memref<1x128xi32, #tpu.memory_space<vmem>> -> memref<128xi32, #tpu.memory_space<vmem>>
      %dma_start3A_120 = arith.constant 0 : i32
      %dma_start3A_121 = tpu.memref_slice %arg10[%dma_start3A_120] : memref<524416xf32, #tpu.memory_space<vmem_shared>> -> memref<524416xf32, #tpu.memory_space<vmem_shared>>
      tpu.enqueue_indirect_dma source(%arg8 : memref<128xf32, #tpu.memory_space<vmem>>) target(%dma_start3A_121 : memref<524416xf32, #tpu.memory_space<vmem_shared>>) offsets(%dma_start3A_119 : memref<128xi32, #tpu.memory_space<vmem>>) semaphore(%arg11 : memref<!tpu.dma_semaphore, #tpu.memory_space<semaphore_mem>>) {add = true}
      %add3A_122 = arith.constant 6 : i32
      %add3A_123 = arith.addi %add3A_80, %add3A_122 : i32
      %dma_start3A_124 = arith.constant 0 : i32
      %dma_start3A_125 = tpu.memref_slice %arg7[%add3A_123, %dma_start3A_124] : memref<64x128xi32, #tpu.memory_space<vmem>> -> memref<1x128xi32, #tpu.memory_space<vmem>>
      %dma_start3A_126 = tpu.memref_squeeze %dma_start3A_125 : memref<1x128xi32, #tpu.memory_space<vmem>> -> memref<128xi32, #tpu.memory_space<vmem>>
      %dma_start3A_127 = arith.constant 0 : i32
      %dma_start3A_128 = tpu.memref_slice %arg10[%dma_start3A_127] : memref<524416xf32, #tpu.memory_space<vmem_shared>> -> memref<524416xf32, #tpu.memory_space<vmem_shared>>
      tpu.enqueue_indirect_dma source(%arg8 : memref<128xf32, #tpu.memory_space<vmem>>) target(%dma_start3A_128 : memref<524416xf32, #tpu.memory_space<vmem_shared>>) offsets(%dma_start3A_126 : memref<128xi32, #tpu.memory_space<vmem>>) semaphore(%arg11 : memref<!tpu.dma_semaphore, #tpu.memory_space<semaphore_mem>>) {add = true}
      %add3A_129 = arith.constant 7 : i32
      %add3A_130 = arith.addi %add3A_80, %add3A_129 : i32
      %dma_start3A_131 = arith.constant 0 : i32
      %dma_start3A_132 = tpu.memref_slice %arg7[%add3A_130, %dma_start3A_131] : memref<64x128xi32, #tpu.memory_space<vmem>> -> memref<1x128xi32, #tpu.memory_space<vmem>>
      %dma_start3A_133 = tpu.memref_squeeze %dma_start3A_132 : memref<1x128xi32, #tpu.memory_space<vmem>> -> memref<128xi32, #tpu.memory_space<vmem>>
      %dma_start3A_134 = arith.constant 0 : i32
      %dma_start3A_135 = tpu.memref_slice %arg10[%dma_start3A_134] : memref<524416xf32, #tpu.memory_space<vmem_shared>> -> memref<524416xf32, #tpu.memory_space<vmem_shared>>
      tpu.enqueue_indirect_dma source(%arg8 : memref<128xf32, #tpu.memory_space<vmem>>) target(%dma_start3A_135 : memref<524416xf32, #tpu.memory_space<vmem_shared>>) offsets(%dma_start3A_133 : memref<128xi32, #tpu.memory_space<vmem>>) semaphore(%arg11 : memref<!tpu.dma_semaphore, #tpu.memory_space<semaphore_mem>>) {add = true}
      %dma_wait3A = arith.constant 0 : i32
      %dma_wait3A_136 = tpu.memref_slice %arg7[%add3A_82, %dma_wait3A] : memref<64x128xi32, #tpu.memory_space<vmem>> -> memref<1x128xi32, #tpu.memory_space<vmem>>
      %dma_wait3A_137 = tpu.memref_squeeze %dma_wait3A_136 : memref<1x128xi32, #tpu.memory_space<vmem>> -> memref<128xi32, #tpu.memory_space<vmem>>
      %dma_wait3A_138 = arith.constant 0 : i32
      %dma_wait3A_139 = tpu.memref_slice %arg10[%dma_wait3A_138] : memref<524416xf32, #tpu.memory_space<vmem_shared>> -> memref<524416xf32, #tpu.memory_space<vmem_shared>>
      tpu.wait_indirect_dma semaphore(%arg11 : memref<!tpu.dma_semaphore, #tpu.memory_space<semaphore_mem>>) src(%arg8 : memref<128xf32, #tpu.memory_space<vmem>>) dst(%dma_wait3A_139 : memref<524416xf32, #tpu.memory_space<vmem_shared>>)
      %dma_wait3A_140 = arith.constant 0 : i32
      %dma_wait3A_141 = tpu.memref_slice %arg7[%add3A_88, %dma_wait3A_140] : memref<64x128xi32, #tpu.memory_space<vmem>> -> memref<1x128xi32, #tpu.memory_space<vmem>>
      %dma_wait3A_142 = tpu.memref_squeeze %dma_wait3A_141 : memref<1x128xi32, #tpu.memory_space<vmem>> -> memref<128xi32, #tpu.memory_space<vmem>>
      %dma_wait3A_143 = arith.constant 0 : i32
      %dma_wait3A_144 = tpu.memref_slice %arg10[%dma_wait3A_143] : memref<524416xf32, #tpu.memory_space<vmem_shared>> -> memref<524416xf32, #tpu.memory_space<vmem_shared>>
      tpu.wait_indirect_dma semaphore(%arg11 : memref<!tpu.dma_semaphore, #tpu.memory_space<semaphore_mem>>) src(%arg8 : memref<128xf32, #tpu.memory_space<vmem>>) dst(%dma_wait3A_144 : memref<524416xf32, #tpu.memory_space<vmem_shared>>)
      %dma_wait3A_145 = arith.constant 0 : i32
      %dma_wait3A_146 = tpu.memref_slice %arg7[%add3A_95, %dma_wait3A_145] : memref<64x128xi32, #tpu.memory_space<vmem>> -> memref<1x128xi32, #tpu.memory_space<vmem>>
      %dma_wait3A_147 = tpu.memref_squeeze %dma_wait3A_146 : memref<1x128xi32, #tpu.memory_space<vmem>> -> memref<128xi32, #tpu.memory_space<vmem>>
      %dma_wait3A_148 = arith.constant 0 : i32
      %dma_wait3A_149 = tpu.memref_slice %arg10[%dma_wait3A_148] : memref<524416xf32, #tpu.memory_space<vmem_shared>> -> memref<524416xf32, #tpu.memory_space<vmem_shared>>
      tpu.wait_indirect_dma semaphore(%arg11 : memref<!tpu.dma_semaphore, #tpu.memory_space<semaphore_mem>>) src(%arg8 : memref<128xf32, #tpu.memory_space<vmem>>) dst(%dma_wait3A_149 : memref<524416xf32, #tpu.memory_space<vmem_shared>>)
      %dma_wait3A_150 = arith.constant 0 : i32
      %dma_wait3A_151 = tpu.memref_slice %arg7[%add3A_102, %dma_wait3A_150] : memref<64x128xi32, #tpu.memory_space<vmem>> -> memref<1x128xi32, #tpu.memory_space<vmem>>
      %dma_wait3A_152 = tpu.memref_squeeze %dma_wait3A_151 : memref<1x128xi32, #tpu.memory_space<vmem>> -> memref<128xi32, #tpu.memory_space<vmem>>
      %dma_wait3A_153 = arith.constant 0 : i32
      %dma_wait3A_154 = tpu.memref_slice %arg10[%dma_wait3A_153] : memref<524416xf32, #tpu.memory_space<vmem_shared>> -> memref<524416xf32, #tpu.memory_space<vmem_shared>>
      tpu.wait_indirect_dma semaphore(%arg11 : memref<!tpu.dma_semaphore, #tpu.memory_space<semaphore_mem>>) src(%arg8 : memref<128xf32, #tpu.memory_space<vmem>>) dst(%dma_wait3A_154 : memref<524416xf32, #tpu.memory_space<vmem_shared>>)
      %dma_wait3A_155 = arith.constant 0 : i32
      %dma_wait3A_156 = tpu.memref_slice %arg7[%add3A_109, %dma_wait3A_155] : memref<64x128xi32, #tpu.memory_space<vmem>> -> memref<1x128xi32, #tpu.memory_space<vmem>>
      %dma_wait3A_157 = tpu.memref_squeeze %dma_wait3A_156 : memref<1x128xi32, #tpu.memory_space<vmem>> -> memref<128xi32, #tpu.memory_space<vmem>>
      %dma_wait3A_158 = arith.constant 0 : i32
      %dma_wait3A_159 = tpu.memref_slice %arg10[%dma_wait3A_158] : memref<524416xf32, #tpu.memory_space<vmem_shared>> -> memref<524416xf32, #tpu.memory_space<vmem_shared>>
      tpu.wait_indirect_dma semaphore(%arg11 : memref<!tpu.dma_semaphore, #tpu.memory_space<semaphore_mem>>) src(%arg8 : memref<128xf32, #tpu.memory_space<vmem>>) dst(%dma_wait3A_159 : memref<524416xf32, #tpu.memory_space<vmem_shared>>)
      %dma_wait3A_160 = arith.constant 0 : i32
      %dma_wait3A_161 = tpu.memref_slice %arg7[%add3A_116, %dma_wait3A_160] : memref<64x128xi32, #tpu.memory_space<vmem>> -> memref<1x128xi32, #tpu.memory_space<vmem>>
      %dma_wait3A_162 = tpu.memref_squeeze %dma_wait3A_161 : memref<1x128xi32, #tpu.memory_space<vmem>> -> memref<128xi32, #tpu.memory_space<vmem>>
      %dma_wait3A_163 = arith.constant 0 : i32
      %dma_wait3A_164 = tpu.memref_slice %arg10[%dma_wait3A_163] : memref<524416xf32, #tpu.memory_space<vmem_shared>> -> memref<524416xf32, #tpu.memory_space<vmem_shared>>
      tpu.wait_indirect_dma semaphore(%arg11 : memref<!tpu.dma_semaphore, #tpu.memory_space<semaphore_mem>>) src(%arg8 : memref<128xf32, #tpu.memory_space<vmem>>) dst(%dma_wait3A_164 : memref<524416xf32, #tpu.memory_space<vmem_shared>>)
      %dma_wait3A_165 = arith.constant 0 : i32
      %dma_wait3A_166 = tpu.memref_slice %arg7[%add3A_123, %dma_wait3A_165] : memref<64x128xi32, #tpu.memory_space<vmem>> -> memref<1x128xi32, #tpu.memory_space<vmem>>
      %dma_wait3A_167 = tpu.memref_squeeze %dma_wait3A_166 : memref<1x128xi32, #tpu.memory_space<vmem>> -> memref<128xi32, #tpu.memory_space<vmem>>
      %dma_wait3A_168 = arith.constant 0 : i32
      %dma_wait3A_169 = tpu.memref_slice %arg10[%dma_wait3A_168] : memref<524416xf32, #tpu.memory_space<vmem_shared>> -> memref<524416xf32, #tpu.memory_space<vmem_shared>>
      tpu.wait_indirect_dma semaphore(%arg11 : memref<!tpu.dma_semaphore, #tpu.memory_space<semaphore_mem>>) src(%arg8 : memref<128xf32, #tpu.memory_space<vmem>>) dst(%dma_wait3A_169 : memref<524416xf32, #tpu.memory_space<vmem_shared>>)
      %dma_wait3A_170 = arith.constant 0 : i32
      %dma_wait3A_171 = tpu.memref_slice %arg7[%add3A_130, %dma_wait3A_170] : memref<64x128xi32, #tpu.memory_space<vmem>> -> memref<1x128xi32, #tpu.memory_space<vmem>>
      %dma_wait3A_172 = tpu.memref_squeeze %dma_wait3A_171 : memref<1x128xi32, #tpu.memory_space<vmem>> -> memref<128xi32, #tpu.memory_space<vmem>>
      %dma_wait3A_173 = arith.constant 0 : i32
      %dma_wait3A_174 = tpu.memref_slice %arg10[%dma_wait3A_173] : memref<524416xf32, #tpu.memory_space<vmem_shared>> -> memref<524416xf32, #tpu.memory_space<vmem_shared>>
      tpu.wait_indirect_dma semaphore(%arg11 : memref<!tpu.dma_semaphore, #tpu.memory_space<semaphore_mem>>) src(%arg8 : memref<128xf32, #tpu.memory_space<vmem>>) dst(%dma_wait3A_174 : memref<524416xf32, #tpu.memory_space<vmem_shared>>)
    }
    %scan3A_27 = arith.constant 8 : i32
    %barrier3A_28 = arith.constant 0 : index
    tpu.barrier barrier_id(%barrier3A_28)
    %mul3A_29 = arith.constant 32768 : i32
    %mul3A_30 = arith.muli %arg1, %mul3A_29 : i32
    %mul3A_31 = arith.constant 524288 : i32
    %mul3A_32 = arith.muli %add3A_22, %mul3A_31 : i32
    %mul3A_33 = arith.constant 32768 : i32
    %mul3A_34 = arith.muli %arg1, %mul3A_33 : i32
    %add3A_35 = arith.addi %mul3A_32, %mul3A_34 : i32
    "tpu.region"() ({
      %run_scoped3A = tpu.sem_alloc : memref<!tpu.dma_semaphore, #tpu.memory_space<semaphore_mem>>
      %dma_start3A = tpu.memref_slice %arg6[%add3A_35] : memref<4194304xf32, #tpu.memory_space<hbm>> -> memref<32768xf32, #tpu.memory_space<hbm>>
      %dma_start3A_76 = tpu.memref_slice %arg10[%mul3A_30] : memref<524416xf32, #tpu.memory_space<vmem_shared>> -> memref<32768xf32, #tpu.memory_space<vmem_shared>>
      tpu.enqueue_dma source(%dma_start3A_76 : memref<32768xf32, #tpu.memory_space<vmem_shared>>) target(%dma_start3A : memref<32768xf32, #tpu.memory_space<hbm>>) target_semaphore(%run_scoped3A : memref<!tpu.dma_semaphore, #tpu.memory_space<semaphore_mem>>)
      %dma_wait3A = tpu.memref_slice %arg6[%add3A_35] : memref<4194304xf32, #tpu.memory_space<hbm>> -> memref<32768xf32, #tpu.memory_space<hbm>>
      %dma_wait3A_77 = tpu.memref_slice %arg10[%mul3A_30] : memref<524416xf32, #tpu.memory_space<vmem_shared>> -> memref<32768xf32, #tpu.memory_space<vmem_shared>>
      tpu.wait_dma2 semaphore(%run_scoped3A : memref<!tpu.dma_semaphore, #tpu.memory_space<semaphore_mem>>) src(%dma_wait3A_77 : memref<32768xf32, #tpu.memory_space<vmem_shared>>) dst(%dma_wait3A : memref<32768xf32, #tpu.memory_space<hbm>>)
      tpu.yield
    }) : () -> ()
    %mul3A_36 = arith.constant 32768 : i32
    %mul3A_37 = arith.muli %arg1, %mul3A_36 : i32
    %mul3A_38 = arith.constant 32768 : i32
    %mul3A_39 = arith.muli %arg1, %mul3A_38 : i32
    "tpu.region"() ({
      %run_scoped3A = tpu.sem_alloc : memref<!tpu.dma_semaphore, #tpu.memory_space<semaphore_mem>>
      %dma_start3A = tpu.memref_slice %arg10[%mul3A_39] : memref<524416xf32, #tpu.memory_space<vmem_shared>> -> memref<32768xf32, #tpu.memory_space<vmem_shared>>
      %dma_start3A_76 = tpu.memref_slice %arg4[%mul3A_37] : memref<524288xf32, #tpu.memory_space<hbm>> -> memref<32768xf32, #tpu.memory_space<hbm>>
      tpu.enqueue_dma source(%dma_start3A_76 : memref<32768xf32, #tpu.memory_space<hbm>>) target(%dma_start3A : memref<32768xf32, #tpu.memory_space<vmem_shared>>) target_semaphore(%run_scoped3A : memref<!tpu.dma_semaphore, #tpu.memory_space<semaphore_mem>>)
      %dma_wait3A = tpu.memref_slice %arg10[%mul3A_39] : memref<524416xf32, #tpu.memory_space<vmem_shared>> -> memref<32768xf32, #tpu.memory_space<vmem_shared>>
      %dma_wait3A_77 = tpu.memref_slice %arg4[%mul3A_37] : memref<524288xf32, #tpu.memory_space<hbm>> -> memref<32768xf32, #tpu.memory_space<hbm>>
      tpu.wait_dma2 semaphore(%run_scoped3A : memref<!tpu.dma_semaphore, #tpu.memory_space<semaphore_mem>>) src(%dma_wait3A_77 : memref<32768xf32, #tpu.memory_space<hbm>>) dst(%dma_wait3A : memref<32768xf32, #tpu.memory_space<vmem_shared>>)
      tpu.yield
    }) : () -> ()
    %barrier3A_40 = arith.constant 0 : index
    tpu.barrier barrier_id(%barrier3A_40)
    %add3A_41 = arith.constant 4 : i32
    %add3A_42 = arith.addi %add3A_41, %arg0 : i32
    "tpu.region"() ({
      %run_scoped3A = tpu.sem_alloc : memref<!tpu.dma_semaphore, #tpu.memory_space<semaphore_mem>>
      %dma_start3A = arith.constant 0 : i32
      %dma_start3A_76 = arith.constant 0 : i32
      %dma_start3A_77 = tpu.memref_slice %arg2[%add3A_42, %arg1, %dma_start3A, %dma_start3A_76] : memref<8x16x64x128xi32, #tpu.memory_space<hbm>> -> memref<1x1x64x128xi32, #tpu.memory_space<hbm>>
      %dma_start3A_78 = tpu.memref_squeeze %dma_start3A_77 : memref<1x1x64x128xi32, #tpu.memory_space<hbm>> -> memref<64x128xi32, #tpu.memory_space<hbm>>
      %dma_start3A_79 = arith.constant 0 : i32
      %dma_start3A_80 = arith.constant 0 : i32
      %dma_start3A_81 = tpu.memref_slice %arg2[%add3A_42, %arg1, %dma_start3A_79, %dma_start3A_80] : memref<8x16x64x128xi32, #tpu.memory_space<hbm>> -> memref<1x1x64x128xi32, #tpu.memory_space<hbm>>
      %dma_start3A_82 = tpu.memref_squeeze %dma_start3A_81 : memref<1x1x64x128xi32, #tpu.memory_space<hbm>> -> memref<64x128xi32, #tpu.memory_space<hbm>>
      tpu.enqueue_dma source(%dma_start3A_82 : memref<64x128xi32, #tpu.memory_space<hbm>>) target(%arg7 : memref<64x128xi32, #tpu.memory_space<vmem>>) target_semaphore(%run_scoped3A : memref<!tpu.dma_semaphore, #tpu.memory_space<semaphore_mem>>)
      %dma_wait3A = arith.constant 0 : i32
      %dma_wait3A_83 = arith.constant 0 : i32
      %dma_wait3A_84 = tpu.memref_slice %arg2[%add3A_42, %arg1, %dma_wait3A, %dma_wait3A_83] : memref<8x16x64x128xi32, #tpu.memory_space<hbm>> -> memref<1x1x64x128xi32, #tpu.memory_space<hbm>>
      %dma_wait3A_85 = tpu.memref_squeeze %dma_wait3A_84 : memref<1x1x64x128xi32, #tpu.memory_space<hbm>> -> memref<64x128xi32, #tpu.memory_space<hbm>>
      %dma_wait3A_86 = arith.constant 0 : i32
      %dma_wait3A_87 = arith.constant 0 : i32
      %dma_wait3A_88 = tpu.memref_slice %arg2[%add3A_42, %arg1, %dma_wait3A_86, %dma_wait3A_87] : memref<8x16x64x128xi32, #tpu.memory_space<hbm>> -> memref<1x1x64x128xi32, #tpu.memory_space<hbm>>
      %dma_wait3A_89 = tpu.memref_squeeze %dma_wait3A_88 : memref<1x1x64x128xi32, #tpu.memory_space<hbm>> -> memref<64x128xi32, #tpu.memory_space<hbm>>
      tpu.wait_dma2 semaphore(%run_scoped3A : memref<!tpu.dma_semaphore, #tpu.memory_space<semaphore_mem>>) src(%dma_wait3A_89 : memref<64x128xi32, #tpu.memory_space<hbm>>) dst(%arg7 : memref<64x128xi32, #tpu.memory_space<vmem>>)
      tpu.yield
    }) : () -> ()
    %scan3A_43 = arith.constant 0 : i32
    %scan3A_44 = arith.constant 8 : i32
    %scan3A_45 = arith.addi %scan3A_43, %scan3A_44 : i32
    %scan3A_46 = arith.constant 1 : i32
    scf.for %scan3A_76 = %scan3A_43 to %scan3A_45 step %scan3A_46  : i32 {
      %mul3A_77 = arith.constant 8 : i32
      %mul3A_78 = arith.muli %scan3A_76, %mul3A_77 : i32
      %add3A_79 = arith.constant 0 : i32
      %add3A_80 = arith.addi %add3A_79, %mul3A_78 : i32
      %add3A_81 = arith.constant 0 : i32
      %add3A_82 = arith.addi %add3A_80, %add3A_81 : i32
      %dma_start3A = arith.constant 0 : i32
      %dma_start3A_83 = tpu.memref_slice %arg7[%add3A_82, %dma_start3A] : memref<64x128xi32, #tpu.memory_space<vmem>> -> memref<1x128xi32, #tpu.memory_space<vmem>>
      %dma_start3A_84 = tpu.memref_squeeze %dma_start3A_83 : memref<1x128xi32, #tpu.memory_space<vmem>> -> memref<128xi32, #tpu.memory_space<vmem>>
      %dma_start3A_85 = arith.constant 0 : i32
      %dma_start3A_86 = tpu.memref_slice %arg10[%dma_start3A_85] : memref<524416xf32, #tpu.memory_space<vmem_shared>> -> memref<524416xf32, #tpu.memory_space<vmem_shared>>
      tpu.enqueue_indirect_dma source(%arg8 : memref<128xf32, #tpu.memory_space<vmem>>) target(%dma_start3A_86 : memref<524416xf32, #tpu.memory_space<vmem_shared>>) offsets(%dma_start3A_84 : memref<128xi32, #tpu.memory_space<vmem>>) semaphore(%arg11 : memref<!tpu.dma_semaphore, #tpu.memory_space<semaphore_mem>>) {add = true}
      %add3A_87 = arith.constant 1 : i32
      %add3A_88 = arith.addi %add3A_80, %add3A_87 : i32
      %dma_start3A_89 = arith.constant 0 : i32
      %dma_start3A_90 = tpu.memref_slice %arg7[%add3A_88, %dma_start3A_89] : memref<64x128xi32, #tpu.memory_space<vmem>> -> memref<1x128xi32, #tpu.memory_space<vmem>>
      %dma_start3A_91 = tpu.memref_squeeze %dma_start3A_90 : memref<1x128xi32, #tpu.memory_space<vmem>> -> memref<128xi32, #tpu.memory_space<vmem>>
      %dma_start3A_92 = arith.constant 0 : i32
      %dma_start3A_93 = tpu.memref_slice %arg10[%dma_start3A_92] : memref<524416xf32, #tpu.memory_space<vmem_shared>> -> memref<524416xf32, #tpu.memory_space<vmem_shared>>
      tpu.enqueue_indirect_dma source(%arg8 : memref<128xf32, #tpu.memory_space<vmem>>) target(%dma_start3A_93 : memref<524416xf32, #tpu.memory_space<vmem_shared>>) offsets(%dma_start3A_91 : memref<128xi32, #tpu.memory_space<vmem>>) semaphore(%arg11 : memref<!tpu.dma_semaphore, #tpu.memory_space<semaphore_mem>>) {add = true}
      %add3A_94 = arith.constant 2 : i32
      %add3A_95 = arith.addi %add3A_80, %add3A_94 : i32
      %dma_start3A_96 = arith.constant 0 : i32
      %dma_start3A_97 = tpu.memref_slice %arg7[%add3A_95, %dma_start3A_96] : memref<64x128xi32, #tpu.memory_space<vmem>> -> memref<1x128xi32, #tpu.memory_space<vmem>>
      %dma_start3A_98 = tpu.memref_squeeze %dma_start3A_97 : memref<1x128xi32, #tpu.memory_space<vmem>> -> memref<128xi32, #tpu.memory_space<vmem>>
      %dma_start3A_99 = arith.constant 0 : i32
      %dma_start3A_100 = tpu.memref_slice %arg10[%dma_start3A_99] : memref<524416xf32, #tpu.memory_space<vmem_shared>> -> memref<524416xf32, #tpu.memory_space<vmem_shared>>
      tpu.enqueue_indirect_dma source(%arg8 : memref<128xf32, #tpu.memory_space<vmem>>) target(%dma_start3A_100 : memref<524416xf32, #tpu.memory_space<vmem_shared>>) offsets(%dma_start3A_98 : memref<128xi32, #tpu.memory_space<vmem>>) semaphore(%arg11 : memref<!tpu.dma_semaphore, #tpu.memory_space<semaphore_mem>>) {add = true}
      %add3A_101 = arith.constant 3 : i32
      %add3A_102 = arith.addi %add3A_80, %add3A_101 : i32
      %dma_start3A_103 = arith.constant 0 : i32
      %dma_start3A_104 = tpu.memref_slice %arg7[%add3A_102, %dma_start3A_103] : memref<64x128xi32, #tpu.memory_space<vmem>> -> memref<1x128xi32, #tpu.memory_space<vmem>>
      %dma_start3A_105 = tpu.memref_squeeze %dma_start3A_104 : memref<1x128xi32, #tpu.memory_space<vmem>> -> memref<128xi32, #tpu.memory_space<vmem>>
      %dma_start3A_106 = arith.constant 0 : i32
      %dma_start3A_107 = tpu.memref_slice %arg10[%dma_start3A_106] : memref<524416xf32, #tpu.memory_space<vmem_shared>> -> memref<524416xf32, #tpu.memory_space<vmem_shared>>
      tpu.enqueue_indirect_dma source(%arg8 : memref<128xf32, #tpu.memory_space<vmem>>) target(%dma_start3A_107 : memref<524416xf32, #tpu.memory_space<vmem_shared>>) offsets(%dma_start3A_105 : memref<128xi32, #tpu.memory_space<vmem>>) semaphore(%arg11 : memref<!tpu.dma_semaphore, #tpu.memory_space<semaphore_mem>>) {add = true}
      %add3A_108 = arith.constant 4 : i32
      %add3A_109 = arith.addi %add3A_80, %add3A_108 : i32
      %dma_start3A_110 = arith.constant 0 : i32
      %dma_start3A_111 = tpu.memref_slice %arg7[%add3A_109, %dma_start3A_110] : memref<64x128xi32, #tpu.memory_space<vmem>> -> memref<1x128xi32, #tpu.memory_space<vmem>>
      %dma_start3A_112 = tpu.memref_squeeze %dma_start3A_111 : memref<1x128xi32, #tpu.memory_space<vmem>> -> memref<128xi32, #tpu.memory_space<vmem>>
      %dma_start3A_113 = arith.constant 0 : i32
      %dma_start3A_114 = tpu.memref_slice %arg10[%dma_start3A_113] : memref<524416xf32, #tpu.memory_space<vmem_shared>> -> memref<524416xf32, #tpu.memory_space<vmem_shared>>
      tpu.enqueue_indirect_dma source(%arg8 : memref<128xf32, #tpu.memory_space<vmem>>) target(%dma_start3A_114 : memref<524416xf32, #tpu.memory_space<vmem_shared>>) offsets(%dma_start3A_112 : memref<128xi32, #tpu.memory_space<vmem>>) semaphore(%arg11 : memref<!tpu.dma_semaphore, #tpu.memory_space<semaphore_mem>>) {add = true}
      %add3A_115 = arith.constant 5 : i32
      %add3A_116 = arith.addi %add3A_80, %add3A_115 : i32
      %dma_start3A_117 = arith.constant 0 : i32
      %dma_start3A_118 = tpu.memref_slice %arg7[%add3A_116, %dma_start3A_117] : memref<64x128xi32, #tpu.memory_space<vmem>> -> memref<1x128xi32, #tpu.memory_space<vmem>>
      %dma_start3A_119 = tpu.memref_squeeze %dma_start3A_118 : memref<1x128xi32, #tpu.memory_space<vmem>> -> memref<128xi32, #tpu.memory_space<vmem>>
      %dma_start3A_120 = arith.constant 0 : i32
      %dma_start3A_121 = tpu.memref_slice %arg10[%dma_start3A_120] : memref<524416xf32, #tpu.memory_space<vmem_shared>> -> memref<524416xf32, #tpu.memory_space<vmem_shared>>
      tpu.enqueue_indirect_dma source(%arg8 : memref<128xf32, #tpu.memory_space<vmem>>) target(%dma_start3A_121 : memref<524416xf32, #tpu.memory_space<vmem_shared>>) offsets(%dma_start3A_119 : memref<128xi32, #tpu.memory_space<vmem>>) semaphore(%arg11 : memref<!tpu.dma_semaphore, #tpu.memory_space<semaphore_mem>>) {add = true}
      %add3A_122 = arith.constant 6 : i32
      %add3A_123 = arith.addi %add3A_80, %add3A_122 : i32
      %dma_start3A_124 = arith.constant 0 : i32
      %dma_start3A_125 = tpu.memref_slice %arg7[%add3A_123, %dma_start3A_124] : memref<64x128xi32, #tpu.memory_space<vmem>> -> memref<1x128xi32, #tpu.memory_space<vmem>>
      %dma_start3A_126 = tpu.memref_squeeze %dma_start3A_125 : memref<1x128xi32, #tpu.memory_space<vmem>> -> memref<128xi32, #tpu.memory_space<vmem>>
      %dma_start3A_127 = arith.constant 0 : i32
      %dma_start3A_128 = tpu.memref_slice %arg10[%dma_start3A_127] : memref<524416xf32, #tpu.memory_space<vmem_shared>> -> memref<524416xf32, #tpu.memory_space<vmem_shared>>
      tpu.enqueue_indirect_dma source(%arg8 : memref<128xf32, #tpu.memory_space<vmem>>) target(%dma_start3A_128 : memref<524416xf32, #tpu.memory_space<vmem_shared>>) offsets(%dma_start3A_126 : memref<128xi32, #tpu.memory_space<vmem>>) semaphore(%arg11 : memref<!tpu.dma_semaphore, #tpu.memory_space<semaphore_mem>>) {add = true}
      %add3A_129 = arith.constant 7 : i32
      %add3A_130 = arith.addi %add3A_80, %add3A_129 : i32
      %dma_start3A_131 = arith.constant 0 : i32
      %dma_start3A_132 = tpu.memref_slice %arg7[%add3A_130, %dma_start3A_131] : memref<64x128xi32, #tpu.memory_space<vmem>> -> memref<1x128xi32, #tpu.memory_space<vmem>>
      %dma_start3A_133 = tpu.memref_squeeze %dma_start3A_132 : memref<1x128xi32, #tpu.memory_space<vmem>> -> memref<128xi32, #tpu.memory_space<vmem>>
      %dma_start3A_134 = arith.constant 0 : i32
      %dma_start3A_135 = tpu.memref_slice %arg10[%dma_start3A_134] : memref<524416xf32, #tpu.memory_space<vmem_shared>> -> memref<524416xf32, #tpu.memory_space<vmem_shared>>
      tpu.enqueue_indirect_dma source(%arg8 : memref<128xf32, #tpu.memory_space<vmem>>) target(%dma_start3A_135 : memref<524416xf32, #tpu.memory_space<vmem_shared>>) offsets(%dma_start3A_133 : memref<128xi32, #tpu.memory_space<vmem>>) semaphore(%arg11 : memref<!tpu.dma_semaphore, #tpu.memory_space<semaphore_mem>>) {add = true}
      %dma_wait3A = arith.constant 0 : i32
      %dma_wait3A_136 = tpu.memref_slice %arg7[%add3A_82, %dma_wait3A] : memref<64x128xi32, #tpu.memory_space<vmem>> -> memref<1x128xi32, #tpu.memory_space<vmem>>
      %dma_wait3A_137 = tpu.memref_squeeze %dma_wait3A_136 : memref<1x128xi32, #tpu.memory_space<vmem>> -> memref<128xi32, #tpu.memory_space<vmem>>
      %dma_wait3A_138 = arith.constant 0 : i32
      %dma_wait3A_139 = tpu.memref_slice %arg10[%dma_wait3A_138] : memref<524416xf32, #tpu.memory_space<vmem_shared>> -> memref<524416xf32, #tpu.memory_space<vmem_shared>>
      tpu.wait_indirect_dma semaphore(%arg11 : memref<!tpu.dma_semaphore, #tpu.memory_space<semaphore_mem>>) src(%arg8 : memref<128xf32, #tpu.memory_space<vmem>>) dst(%dma_wait3A_139 : memref<524416xf32, #tpu.memory_space<vmem_shared>>)
      %dma_wait3A_140 = arith.constant 0 : i32
      %dma_wait3A_141 = tpu.memref_slice %arg7[%add3A_88, %dma_wait3A_140] : memref<64x128xi32, #tpu.memory_space<vmem>> -> memref<1x128xi32, #tpu.memory_space<vmem>>
      %dma_wait3A_142 = tpu.memref_squeeze %dma_wait3A_141 : memref<1x128xi32, #tpu.memory_space<vmem>> -> memref<128xi32, #tpu.memory_space<vmem>>
      %dma_wait3A_143 = arith.constant 0 : i32
      %dma_wait3A_144 = tpu.memref_slice %arg10[%dma_wait3A_143] : memref<524416xf32, #tpu.memory_space<vmem_shared>> -> memref<524416xf32, #tpu.memory_space<vmem_shared>>
      tpu.wait_indirect_dma semaphore(%arg11 : memref<!tpu.dma_semaphore, #tpu.memory_space<semaphore_mem>>) src(%arg8 : memref<128xf32, #tpu.memory_space<vmem>>) dst(%dma_wait3A_144 : memref<524416xf32, #tpu.memory_space<vmem_shared>>)
      %dma_wait3A_145 = arith.constant 0 : i32
      %dma_wait3A_146 = tpu.memref_slice %arg7[%add3A_95, %dma_wait3A_145] : memref<64x128xi32, #tpu.memory_space<vmem>> -> memref<1x128xi32, #tpu.memory_space<vmem>>
      %dma_wait3A_147 = tpu.memref_squeeze %dma_wait3A_146 : memref<1x128xi32, #tpu.memory_space<vmem>> -> memref<128xi32, #tpu.memory_space<vmem>>
      %dma_wait3A_148 = arith.constant 0 : i32
      %dma_wait3A_149 = tpu.memref_slice %arg10[%dma_wait3A_148] : memref<524416xf32, #tpu.memory_space<vmem_shared>> -> memref<524416xf32, #tpu.memory_space<vmem_shared>>
      tpu.wait_indirect_dma semaphore(%arg11 : memref<!tpu.dma_semaphore, #tpu.memory_space<semaphore_mem>>) src(%arg8 : memref<128xf32, #tpu.memory_space<vmem>>) dst(%dma_wait3A_149 : memref<524416xf32, #tpu.memory_space<vmem_shared>>)
      %dma_wait3A_150 = arith.constant 0 : i32
      %dma_wait3A_151 = tpu.memref_slice %arg7[%add3A_102, %dma_wait3A_150] : memref<64x128xi32, #tpu.memory_space<vmem>> -> memref<1x128xi32, #tpu.memory_space<vmem>>
      %dma_wait3A_152 = tpu.memref_squeeze %dma_wait3A_151 : memref<1x128xi32, #tpu.memory_space<vmem>> -> memref<128xi32, #tpu.memory_space<vmem>>
      %dma_wait3A_153 = arith.constant 0 : i32
      %dma_wait3A_154 = tpu.memref_slice %arg10[%dma_wait3A_153] : memref<524416xf32, #tpu.memory_space<vmem_shared>> -> memref<524416xf32, #tpu.memory_space<vmem_shared>>
      tpu.wait_indirect_dma semaphore(%arg11 : memref<!tpu.dma_semaphore, #tpu.memory_space<semaphore_mem>>) src(%arg8 : memref<128xf32, #tpu.memory_space<vmem>>) dst(%dma_wait3A_154 : memref<524416xf32, #tpu.memory_space<vmem_shared>>)
      %dma_wait3A_155 = arith.constant 0 : i32
      %dma_wait3A_156 = tpu.memref_slice %arg7[%add3A_109, %dma_wait3A_155] : memref<64x128xi32, #tpu.memory_space<vmem>> -> memref<1x128xi32, #tpu.memory_space<vmem>>
      %dma_wait3A_157 = tpu.memref_squeeze %dma_wait3A_156 : memref<1x128xi32, #tpu.memory_space<vmem>> -> memref<128xi32, #tpu.memory_space<vmem>>
      %dma_wait3A_158 = arith.constant 0 : i32
      %dma_wait3A_159 = tpu.memref_slice %arg10[%dma_wait3A_158] : memref<524416xf32, #tpu.memory_space<vmem_shared>> -> memref<524416xf32, #tpu.memory_space<vmem_shared>>
      tpu.wait_indirect_dma semaphore(%arg11 : memref<!tpu.dma_semaphore, #tpu.memory_space<semaphore_mem>>) src(%arg8 : memref<128xf32, #tpu.memory_space<vmem>>) dst(%dma_wait3A_159 : memref<524416xf32, #tpu.memory_space<vmem_shared>>)
      %dma_wait3A_160 = arith.constant 0 : i32
      %dma_wait3A_161 = tpu.memref_slice %arg7[%add3A_116, %dma_wait3A_160] : memref<64x128xi32, #tpu.memory_space<vmem>> -> memref<1x128xi32, #tpu.memory_space<vmem>>
      %dma_wait3A_162 = tpu.memref_squeeze %dma_wait3A_161 : memref<1x128xi32, #tpu.memory_space<vmem>> -> memref<128xi32, #tpu.memory_space<vmem>>
      %dma_wait3A_163 = arith.constant 0 : i32
      %dma_wait3A_164 = tpu.memref_slice %arg10[%dma_wait3A_163] : memref<524416xf32, #tpu.memory_space<vmem_shared>> -> memref<524416xf32, #tpu.memory_space<vmem_shared>>
      tpu.wait_indirect_dma semaphore(%arg11 : memref<!tpu.dma_semaphore, #tpu.memory_space<semaphore_mem>>) src(%arg8 : memref<128xf32, #tpu.memory_space<vmem>>) dst(%dma_wait3A_164 : memref<524416xf32, #tpu.memory_space<vmem_shared>>)
      %dma_wait3A_165 = arith.constant 0 : i32
      %dma_wait3A_166 = tpu.memref_slice %arg7[%add3A_123, %dma_wait3A_165] : memref<64x128xi32, #tpu.memory_space<vmem>> -> memref<1x128xi32, #tpu.memory_space<vmem>>
      %dma_wait3A_167 = tpu.memref_squeeze %dma_wait3A_166 : memref<1x128xi32, #tpu.memory_space<vmem>> -> memref<128xi32, #tpu.memory_space<vmem>>
      %dma_wait3A_168 = arith.constant 0 : i32
      %dma_wait3A_169 = tpu.memref_slice %arg10[%dma_wait3A_168] : memref<524416xf32, #tpu.memory_space<vmem_shared>> -> memref<524416xf32, #tpu.memory_space<vmem_shared>>
      tpu.wait_indirect_dma semaphore(%arg11 : memref<!tpu.dma_semaphore, #tpu.memory_space<semaphore_mem>>) src(%arg8 : memref<128xf32, #tpu.memory_space<vmem>>) dst(%dma_wait3A_169 : memref<524416xf32, #tpu.memory_space<vmem_shared>>)
      %dma_wait3A_170 = arith.constant 0 : i32
      %dma_wait3A_171 = tpu.memref_slice %arg7[%add3A_130, %dma_wait3A_170] : memref<64x128xi32, #tpu.memory_space<vmem>> -> memref<1x128xi32, #tpu.memory_space<vmem>>
      %dma_wait3A_172 = tpu.memref_squeeze %dma_wait3A_171 : memref<1x128xi32, #tpu.memory_space<vmem>> -> memref<128xi32, #tpu.memory_space<vmem>>
      %dma_wait3A_173 = arith.constant 0 : i32
      %dma_wait3A_174 = tpu.memref_slice %arg10[%dma_wait3A_173] : memref<524416xf32, #tpu.memory_space<vmem_shared>> -> memref<524416xf32, #tpu.memory_space<vmem_shared>>
      tpu.wait_indirect_dma semaphore(%arg11 : memref<!tpu.dma_semaphore, #tpu.memory_space<semaphore_mem>>) src(%arg8 : memref<128xf32, #tpu.memory_space<vmem>>) dst(%dma_wait3A_174 : memref<524416xf32, #tpu.memory_space<vmem_shared>>)
    }
    %scan3A_47 = arith.constant 8 : i32
    %barrier3A_48 = arith.constant 0 : index
    tpu.barrier barrier_id(%barrier3A_48)
    %mul3A_49 = arith.constant 32768 : i32
    %mul3A_50 = arith.muli %arg1, %mul3A_49 : i32
    %mul3A_51 = arith.constant 524288 : i32
    %mul3A_52 = arith.muli %add3A_42, %mul3A_51 : i32
    %mul3A_53 = arith.constant 32768 : i32
    %mul3A_54 = arith.muli %arg1, %mul3A_53 : i32
    %add3A_55 = arith.addi %mul3A_52, %mul3A_54 : i32
    "tpu.region"() ({
      %run_scoped3A = tpu.sem_alloc : memref<!tpu.dma_semaphore, #tpu.memory_space<semaphore_mem>>
      %dma_start3A = tpu.memref_slice %arg6[%add3A_55] : memref<4194304xf32, #tpu.memory_space<hbm>> -> memref<32768xf32, #tpu.memory_space<hbm>>
      %dma_start3A_76 = tpu.memref_slice %arg10[%mul3A_50] : memref<524416xf32, #tpu.memory_space<vmem_shared>> -> memref<32768xf32, #tpu.memory_space<vmem_shared>>
      tpu.enqueue_dma source(%dma_start3A_76 : memref<32768xf32, #tpu.memory_space<vmem_shared>>) target(%dma_start3A : memref<32768xf32, #tpu.memory_space<hbm>>) target_semaphore(%run_scoped3A : memref<!tpu.dma_semaphore, #tpu.memory_space<semaphore_mem>>)
      %dma_wait3A = tpu.memref_slice %arg6[%add3A_55] : memref<4194304xf32, #tpu.memory_space<hbm>> -> memref<32768xf32, #tpu.memory_space<hbm>>
      %dma_wait3A_77 = tpu.memref_slice %arg10[%mul3A_50] : memref<524416xf32, #tpu.memory_space<vmem_shared>> -> memref<32768xf32, #tpu.memory_space<vmem_shared>>
      tpu.wait_dma2 semaphore(%run_scoped3A : memref<!tpu.dma_semaphore, #tpu.memory_space<semaphore_mem>>) src(%dma_wait3A_77 : memref<32768xf32, #tpu.memory_space<vmem_shared>>) dst(%dma_wait3A : memref<32768xf32, #tpu.memory_space<hbm>>)
      tpu.yield
    }) : () -> ()
    %mul3A_56 = arith.constant 32768 : i32
    %mul3A_57 = arith.muli %arg1, %mul3A_56 : i32
    %mul3A_58 = arith.constant 32768 : i32
    %mul3A_59 = arith.muli %arg1, %mul3A_58 : i32
    "tpu.region"() ({
      %run_scoped3A = tpu.sem_alloc : memref<!tpu.dma_semaphore, #tpu.memory_space<semaphore_mem>>
      %dma_start3A = tpu.memref_slice %arg10[%mul3A_59] : memref<524416xf32, #tpu.memory_space<vmem_shared>> -> memref<32768xf32, #tpu.memory_space<vmem_shared>>
      %dma_start3A_76 = tpu.memref_slice %arg4[%mul3A_57] : memref<524288xf32, #tpu.memory_space<hbm>> -> memref<32768xf32, #tpu.memory_space<hbm>>
      tpu.enqueue_dma source(%dma_start3A_76 : memref<32768xf32, #tpu.memory_space<hbm>>) target(%dma_start3A : memref<32768xf32, #tpu.memory_space<vmem_shared>>) target_semaphore(%run_scoped3A : memref<!tpu.dma_semaphore, #tpu.memory_space<semaphore_mem>>)
      %dma_wait3A = tpu.memref_slice %arg10[%mul3A_59] : memref<524416xf32, #tpu.memory_space<vmem_shared>> -> memref<32768xf32, #tpu.memory_space<vmem_shared>>
      %dma_wait3A_77 = tpu.memref_slice %arg4[%mul3A_57] : memref<524288xf32, #tpu.memory_space<hbm>> -> memref<32768xf32, #tpu.memory_space<hbm>>
      tpu.wait_dma2 semaphore(%run_scoped3A : memref<!tpu.dma_semaphore, #tpu.memory_space<semaphore_mem>>) src(%dma_wait3A_77 : memref<32768xf32, #tpu.memory_space<hbm>>) dst(%dma_wait3A : memref<32768xf32, #tpu.memory_space<vmem_shared>>)
      tpu.yield
    }) : () -> ()
    %barrier3A_60 = arith.constant 0 : index
    tpu.barrier barrier_id(%barrier3A_60)
    %add3A_61 = arith.constant 6 : i32
    %add3A_62 = arith.addi %add3A_61, %arg0 : i32
    "tpu.region"() ({
      %run_scoped3A = tpu.sem_alloc : memref<!tpu.dma_semaphore, #tpu.memory_space<semaphore_mem>>
      %dma_start3A = arith.constant 0 : i32
      %dma_start3A_76 = arith.constant 0 : i32
      %dma_start3A_77 = tpu.memref_slice %arg2[%add3A_62, %arg1, %dma_start3A, %dma_start3A_76] : memref<8x16x64x128xi32, #tpu.memory_space<hbm>> -> memref<1x1x64x128xi32, #tpu.memory_space<hbm>>
      %dma_start3A_78 = tpu.memref_squeeze %dma_start3A_77 : memref<1x1x64x128xi32, #tpu.memory_space<hbm>> -> memref<64x128xi32, #tpu.memory_space<hbm>>
      %dma_start3A_79 = arith.constant 0 : i32
      %dma_start3A_80 = arith.constant 0 : i32
      %dma_start3A_81 = tpu.memref_slice %arg2[%add3A_62, %arg1, %dma_start3A_79, %dma_start3A_80] : memref<8x16x64x128xi32, #tpu.memory_space<hbm>> -> memref<1x1x64x128xi32, #tpu.memory_space<hbm>>
      %dma_start3A_82 = tpu.memref_squeeze %dma_start3A_81 : memref<1x1x64x128xi32, #tpu.memory_space<hbm>> -> memref<64x128xi32, #tpu.memory_space<hbm>>
      tpu.enqueue_dma source(%dma_start3A_82 : memref<64x128xi32, #tpu.memory_space<hbm>>) target(%arg7 : memref<64x128xi32, #tpu.memory_space<vmem>>) target_semaphore(%run_scoped3A : memref<!tpu.dma_semaphore, #tpu.memory_space<semaphore_mem>>)
      %dma_wait3A = arith.constant 0 : i32
      %dma_wait3A_83 = arith.constant 0 : i32
      %dma_wait3A_84 = tpu.memref_slice %arg2[%add3A_62, %arg1, %dma_wait3A, %dma_wait3A_83] : memref<8x16x64x128xi32, #tpu.memory_space<hbm>> -> memref<1x1x64x128xi32, #tpu.memory_space<hbm>>
      %dma_wait3A_85 = tpu.memref_squeeze %dma_wait3A_84 : memref<1x1x64x128xi32, #tpu.memory_space<hbm>> -> memref<64x128xi32, #tpu.memory_space<hbm>>
      %dma_wait3A_86 = arith.constant 0 : i32
      %dma_wait3A_87 = arith.constant 0 : i32
      %dma_wait3A_88 = tpu.memref_slice %arg2[%add3A_62, %arg1, %dma_wait3A_86, %dma_wait3A_87] : memref<8x16x64x128xi32, #tpu.memory_space<hbm>> -> memref<1x1x64x128xi32, #tpu.memory_space<hbm>>
      %dma_wait3A_89 = tpu.memref_squeeze %dma_wait3A_88 : memref<1x1x64x128xi32, #tpu.memory_space<hbm>> -> memref<64x128xi32, #tpu.memory_space<hbm>>
      tpu.wait_dma2 semaphore(%run_scoped3A : memref<!tpu.dma_semaphore, #tpu.memory_space<semaphore_mem>>) src(%dma_wait3A_89 : memref<64x128xi32, #tpu.memory_space<hbm>>) dst(%arg7 : memref<64x128xi32, #tpu.memory_space<vmem>>)
      tpu.yield
    }) : () -> ()
    %scan3A_63 = arith.constant 0 : i32
    %scan3A_64 = arith.constant 8 : i32
    %scan3A_65 = arith.addi %scan3A_63, %scan3A_64 : i32
    %scan3A_66 = arith.constant 1 : i32
    scf.for %scan3A_76 = %scan3A_63 to %scan3A_65 step %scan3A_66  : i32 {
      %mul3A_77 = arith.constant 8 : i32
      %mul3A_78 = arith.muli %scan3A_76, %mul3A_77 : i32
      %add3A_79 = arith.constant 0 : i32
      %add3A_80 = arith.addi %add3A_79, %mul3A_78 : i32
      %add3A_81 = arith.constant 0 : i32
      %add3A_82 = arith.addi %add3A_80, %add3A_81 : i32
      %dma_start3A = arith.constant 0 : i32
      %dma_start3A_83 = tpu.memref_slice %arg7[%add3A_82, %dma_start3A] : memref<64x128xi32, #tpu.memory_space<vmem>> -> memref<1x128xi32, #tpu.memory_space<vmem>>
      %dma_start3A_84 = tpu.memref_squeeze %dma_start3A_83 : memref<1x128xi32, #tpu.memory_space<vmem>> -> memref<128xi32, #tpu.memory_space<vmem>>
      %dma_start3A_85 = arith.constant 0 : i32
      %dma_start3A_86 = tpu.memref_slice %arg10[%dma_start3A_85] : memref<524416xf32, #tpu.memory_space<vmem_shared>> -> memref<524416xf32, #tpu.memory_space<vmem_shared>>
      tpu.enqueue_indirect_dma source(%arg8 : memref<128xf32, #tpu.memory_space<vmem>>) target(%dma_start3A_86 : memref<524416xf32, #tpu.memory_space<vmem_shared>>) offsets(%dma_start3A_84 : memref<128xi32, #tpu.memory_space<vmem>>) semaphore(%arg11 : memref<!tpu.dma_semaphore, #tpu.memory_space<semaphore_mem>>) {add = true}
      %add3A_87 = arith.constant 1 : i32
      %add3A_88 = arith.addi %add3A_80, %add3A_87 : i32
      %dma_start3A_89 = arith.constant 0 : i32
      %dma_start3A_90 = tpu.memref_slice %arg7[%add3A_88, %dma_start3A_89] : memref<64x128xi32, #tpu.memory_space<vmem>> -> memref<1x128xi32, #tpu.memory_space<vmem>>
      %dma_start3A_91 = tpu.memref_squeeze %dma_start3A_90 : memref<1x128xi32, #tpu.memory_space<vmem>> -> memref<128xi32, #tpu.memory_space<vmem>>
      %dma_start3A_92 = arith.constant 0 : i32
      %dma_start3A_93 = tpu.memref_slice %arg10[%dma_start3A_92] : memref<524416xf32, #tpu.memory_space<vmem_shared>> -> memref<524416xf32, #tpu.memory_space<vmem_shared>>
      tpu.enqueue_indirect_dma source(%arg8 : memref<128xf32, #tpu.memory_space<vmem>>) target(%dma_start3A_93 : memref<524416xf32, #tpu.memory_space<vmem_shared>>) offsets(%dma_start3A_91 : memref<128xi32, #tpu.memory_space<vmem>>) semaphore(%arg11 : memref<!tpu.dma_semaphore, #tpu.memory_space<semaphore_mem>>) {add = true}
      %add3A_94 = arith.constant 2 : i32
      %add3A_95 = arith.addi %add3A_80, %add3A_94 : i32
      %dma_start3A_96 = arith.constant 0 : i32
      %dma_start3A_97 = tpu.memref_slice %arg7[%add3A_95, %dma_start3A_96] : memref<64x128xi32, #tpu.memory_space<vmem>> -> memref<1x128xi32, #tpu.memory_space<vmem>>
      %dma_start3A_98 = tpu.memref_squeeze %dma_start3A_97 : memref<1x128xi32, #tpu.memory_space<vmem>> -> memref<128xi32, #tpu.memory_space<vmem>>
      %dma_start3A_99 = arith.constant 0 : i32
      %dma_start3A_100 = tpu.memref_slice %arg10[%dma_start3A_99] : memref<524416xf32, #tpu.memory_space<vmem_shared>> -> memref<524416xf32, #tpu.memory_space<vmem_shared>>
      tpu.enqueue_indirect_dma source(%arg8 : memref<128xf32, #tpu.memory_space<vmem>>) target(%dma_start3A_100 : memref<524416xf32, #tpu.memory_space<vmem_shared>>) offsets(%dma_start3A_98 : memref<128xi32, #tpu.memory_space<vmem>>) semaphore(%arg11 : memref<!tpu.dma_semaphore, #tpu.memory_space<semaphore_mem>>) {add = true}
      %add3A_101 = arith.constant 3 : i32
      %add3A_102 = arith.addi %add3A_80, %add3A_101 : i32
      %dma_start3A_103 = arith.constant 0 : i32
      %dma_start3A_104 = tpu.memref_slice %arg7[%add3A_102, %dma_start3A_103] : memref<64x128xi32, #tpu.memory_space<vmem>> -> memref<1x128xi32, #tpu.memory_space<vmem>>
      %dma_start3A_105 = tpu.memref_squeeze %dma_start3A_104 : memref<1x128xi32, #tpu.memory_space<vmem>> -> memref<128xi32, #tpu.memory_space<vmem>>
      %dma_start3A_106 = arith.constant 0 : i32
      %dma_start3A_107 = tpu.memref_slice %arg10[%dma_start3A_106] : memref<524416xf32, #tpu.memory_space<vmem_shared>> -> memref<524416xf32, #tpu.memory_space<vmem_shared>>
      tpu.enqueue_indirect_dma source(%arg8 : memref<128xf32, #tpu.memory_space<vmem>>) target(%dma_start3A_107 : memref<524416xf32, #tpu.memory_space<vmem_shared>>) offsets(%dma_start3A_105 : memref<128xi32, #tpu.memory_space<vmem>>) semaphore(%arg11 : memref<!tpu.dma_semaphore, #tpu.memory_space<semaphore_mem>>) {add = true}
      %add3A_108 = arith.constant 4 : i32
      %add3A_109 = arith.addi %add3A_80, %add3A_108 : i32
      %dma_start3A_110 = arith.constant 0 : i32
      %dma_start3A_111 = tpu.memref_slice %arg7[%add3A_109, %dma_start3A_110] : memref<64x128xi32, #tpu.memory_space<vmem>> -> memref<1x128xi32, #tpu.memory_space<vmem>>
      %dma_start3A_112 = tpu.memref_squeeze %dma_start3A_111 : memref<1x128xi32, #tpu.memory_space<vmem>> -> memref<128xi32, #tpu.memory_space<vmem>>
      %dma_start3A_113 = arith.constant 0 : i32
      %dma_start3A_114 = tpu.memref_slice %arg10[%dma_start3A_113] : memref<524416xf32, #tpu.memory_space<vmem_shared>> -> memref<524416xf32, #tpu.memory_space<vmem_shared>>
      tpu.enqueue_indirect_dma source(%arg8 : memref<128xf32, #tpu.memory_space<vmem>>) target(%dma_start3A_114 : memref<524416xf32, #tpu.memory_space<vmem_shared>>) offsets(%dma_start3A_112 : memref<128xi32, #tpu.memory_space<vmem>>) semaphore(%arg11 : memref<!tpu.dma_semaphore, #tpu.memory_space<semaphore_mem>>) {add = true}
      %add3A_115 = arith.constant 5 : i32
      %add3A_116 = arith.addi %add3A_80, %add3A_115 : i32
      %dma_start3A_117 = arith.constant 0 : i32
      %dma_start3A_118 = tpu.memref_slice %arg7[%add3A_116, %dma_start3A_117] : memref<64x128xi32, #tpu.memory_space<vmem>> -> memref<1x128xi32, #tpu.memory_space<vmem>>
      %dma_start3A_119 = tpu.memref_squeeze %dma_start3A_118 : memref<1x128xi32, #tpu.memory_space<vmem>> -> memref<128xi32, #tpu.memory_space<vmem>>
      %dma_start3A_120 = arith.constant 0 : i32
      %dma_start3A_121 = tpu.memref_slice %arg10[%dma_start3A_120] : memref<524416xf32, #tpu.memory_space<vmem_shared>> -> memref<524416xf32, #tpu.memory_space<vmem_shared>>
      tpu.enqueue_indirect_dma source(%arg8 : memref<128xf32, #tpu.memory_space<vmem>>) target(%dma_start3A_121 : memref<524416xf32, #tpu.memory_space<vmem_shared>>) offsets(%dma_start3A_119 : memref<128xi32, #tpu.memory_space<vmem>>) semaphore(%arg11 : memref<!tpu.dma_semaphore, #tpu.memory_space<semaphore_mem>>) {add = true}
      %add3A_122 = arith.constant 6 : i32
      %add3A_123 = arith.addi %add3A_80, %add3A_122 : i32
      %dma_start3A_124 = arith.constant 0 : i32
      %dma_start3A_125 = tpu.memref_slice %arg7[%add3A_123, %dma_start3A_124] : memref<64x128xi32, #tpu.memory_space<vmem>> -> memref<1x128xi32, #tpu.memory_space<vmem>>
      %dma_start3A_126 = tpu.memref_squeeze %dma_start3A_125 : memref<1x128xi32, #tpu.memory_space<vmem>> -> memref<128xi32, #tpu.memory_space<vmem>>
      %dma_start3A_127 = arith.constant 0 : i32
      %dma_start3A_128 = tpu.memref_slice %arg10[%dma_start3A_127] : memref<524416xf32, #tpu.memory_space<vmem_shared>> -> memref<524416xf32, #tpu.memory_space<vmem_shared>>
      tpu.enqueue_indirect_dma source(%arg8 : memref<128xf32, #tpu.memory_space<vmem>>) target(%dma_start3A_128 : memref<524416xf32, #tpu.memory_space<vmem_shared>>) offsets(%dma_start3A_126 : memref<128xi32, #tpu.memory_space<vmem>>) semaphore(%arg11 : memref<!tpu.dma_semaphore, #tpu.memory_space<semaphore_mem>>) {add = true}
      %add3A_129 = arith.constant 7 : i32
      %add3A_130 = arith.addi %add3A_80, %add3A_129 : i32
      %dma_start3A_131 = arith.constant 0 : i32
      %dma_start3A_132 = tpu.memref_slice %arg7[%add3A_130, %dma_start3A_131] : memref<64x128xi32, #tpu.memory_space<vmem>> -> memref<1x128xi32, #tpu.memory_space<vmem>>
      %dma_start3A_133 = tpu.memref_squeeze %dma_start3A_132 : memref<1x128xi32, #tpu.memory_space<vmem>> -> memref<128xi32, #tpu.memory_space<vmem>>
      %dma_start3A_134 = arith.constant 0 : i32
      %dma_start3A_135 = tpu.memref_slice %arg10[%dma_start3A_134] : memref<524416xf32, #tpu.memory_space<vmem_shared>> -> memref<524416xf32, #tpu.memory_space<vmem_shared>>
      tpu.enqueue_indirect_dma source(%arg8 : memref<128xf32, #tpu.memory_space<vmem>>) target(%dma_start3A_135 : memref<524416xf32, #tpu.memory_space<vmem_shared>>) offsets(%dma_start3A_133 : memref<128xi32, #tpu.memory_space<vmem>>) semaphore(%arg11 : memref<!tpu.dma_semaphore, #tpu.memory_space<semaphore_mem>>) {add = true}
      %dma_wait3A = arith.constant 0 : i32
      %dma_wait3A_136 = tpu.memref_slice %arg7[%add3A_82, %dma_wait3A] : memref<64x128xi32, #tpu.memory_space<vmem>> -> memref<1x128xi32, #tpu.memory_space<vmem>>
      %dma_wait3A_137 = tpu.memref_squeeze %dma_wait3A_136 : memref<1x128xi32, #tpu.memory_space<vmem>> -> memref<128xi32, #tpu.memory_space<vmem>>
      %dma_wait3A_138 = arith.constant 0 : i32
      %dma_wait3A_139 = tpu.memref_slice %arg10[%dma_wait3A_138] : memref<524416xf32, #tpu.memory_space<vmem_shared>> -> memref<524416xf32, #tpu.memory_space<vmem_shared>>
      tpu.wait_indirect_dma semaphore(%arg11 : memref<!tpu.dma_semaphore, #tpu.memory_space<semaphore_mem>>) src(%arg8 : memref<128xf32, #tpu.memory_space<vmem>>) dst(%dma_wait3A_139 : memref<524416xf32, #tpu.memory_space<vmem_shared>>)
      %dma_wait3A_140 = arith.constant 0 : i32
      %dma_wait3A_141 = tpu.memref_slice %arg7[%add3A_88, %dma_wait3A_140] : memref<64x128xi32, #tpu.memory_space<vmem>> -> memref<1x128xi32, #tpu.memory_space<vmem>>
      %dma_wait3A_142 = tpu.memref_squeeze %dma_wait3A_141 : memref<1x128xi32, #tpu.memory_space<vmem>> -> memref<128xi32, #tpu.memory_space<vmem>>
      %dma_wait3A_143 = arith.constant 0 : i32
      %dma_wait3A_144 = tpu.memref_slice %arg10[%dma_wait3A_143] : memref<524416xf32, #tpu.memory_space<vmem_shared>> -> memref<524416xf32, #tpu.memory_space<vmem_shared>>
      tpu.wait_indirect_dma semaphore(%arg11 : memref<!tpu.dma_semaphore, #tpu.memory_space<semaphore_mem>>) src(%arg8 : memref<128xf32, #tpu.memory_space<vmem>>) dst(%dma_wait3A_144 : memref<524416xf32, #tpu.memory_space<vmem_shared>>)
      %dma_wait3A_145 = arith.constant 0 : i32
      %dma_wait3A_146 = tpu.memref_slice %arg7[%add3A_95, %dma_wait3A_145] : memref<64x128xi32, #tpu.memory_space<vmem>> -> memref<1x128xi32, #tpu.memory_space<vmem>>
      %dma_wait3A_147 = tpu.memref_squeeze %dma_wait3A_146 : memref<1x128xi32, #tpu.memory_space<vmem>> -> memref<128xi32, #tpu.memory_space<vmem>>
      %dma_wait3A_148 = arith.constant 0 : i32
      %dma_wait3A_149 = tpu.memref_slice %arg10[%dma_wait3A_148] : memref<524416xf32, #tpu.memory_space<vmem_shared>> -> memref<524416xf32, #tpu.memory_space<vmem_shared>>
      tpu.wait_indirect_dma semaphore(%arg11 : memref<!tpu.dma_semaphore, #tpu.memory_space<semaphore_mem>>) src(%arg8 : memref<128xf32, #tpu.memory_space<vmem>>) dst(%dma_wait3A_149 : memref<524416xf32, #tpu.memory_space<vmem_shared>>)
      %dma_wait3A_150 = arith.constant 0 : i32
      %dma_wait3A_151 = tpu.memref_slice %arg7[%add3A_102, %dma_wait3A_150] : memref<64x128xi32, #tpu.memory_space<vmem>> -> memref<1x128xi32, #tpu.memory_space<vmem>>
      %dma_wait3A_152 = tpu.memref_squeeze %dma_wait3A_151 : memref<1x128xi32, #tpu.memory_space<vmem>> -> memref<128xi32, #tpu.memory_space<vmem>>
      %dma_wait3A_153 = arith.constant 0 : i32
      %dma_wait3A_154 = tpu.memref_slice %arg10[%dma_wait3A_153] : memref<524416xf32, #tpu.memory_space<vmem_shared>> -> memref<524416xf32, #tpu.memory_space<vmem_shared>>
      tpu.wait_indirect_dma semaphore(%arg11 : memref<!tpu.dma_semaphore, #tpu.memory_space<semaphore_mem>>) src(%arg8 : memref<128xf32, #tpu.memory_space<vmem>>) dst(%dma_wait3A_154 : memref<524416xf32, #tpu.memory_space<vmem_shared>>)
      %dma_wait3A_155 = arith.constant 0 : i32
      %dma_wait3A_156 = tpu.memref_slice %arg7[%add3A_109, %dma_wait3A_155] : memref<64x128xi32, #tpu.memory_space<vmem>> -> memref<1x128xi32, #tpu.memory_space<vmem>>
      %dma_wait3A_157 = tpu.memref_squeeze %dma_wait3A_156 : memref<1x128xi32, #tpu.memory_space<vmem>> -> memref<128xi32, #tpu.memory_space<vmem>>
      %dma_wait3A_158 = arith.constant 0 : i32
      %dma_wait3A_159 = tpu.memref_slice %arg10[%dma_wait3A_158] : memref<524416xf32, #tpu.memory_space<vmem_shared>> -> memref<524416xf32, #tpu.memory_space<vmem_shared>>
      tpu.wait_indirect_dma semaphore(%arg11 : memref<!tpu.dma_semaphore, #tpu.memory_space<semaphore_mem>>) src(%arg8 : memref<128xf32, #tpu.memory_space<vmem>>) dst(%dma_wait3A_159 : memref<524416xf32, #tpu.memory_space<vmem_shared>>)
      %dma_wait3A_160 = arith.constant 0 : i32
      %dma_wait3A_161 = tpu.memref_slice %arg7[%add3A_116, %dma_wait3A_160] : memref<64x128xi32, #tpu.memory_space<vmem>> -> memref<1x128xi32, #tpu.memory_space<vmem>>
      %dma_wait3A_162 = tpu.memref_squeeze %dma_wait3A_161 : memref<1x128xi32, #tpu.memory_space<vmem>> -> memref<128xi32, #tpu.memory_space<vmem>>
      %dma_wait3A_163 = arith.constant 0 : i32
      %dma_wait3A_164 = tpu.memref_slice %arg10[%dma_wait3A_163] : memref<524416xf32, #tpu.memory_space<vmem_shared>> -> memref<524416xf32, #tpu.memory_space<vmem_shared>>
      tpu.wait_indirect_dma semaphore(%arg11 : memref<!tpu.dma_semaphore, #tpu.memory_space<semaphore_mem>>) src(%arg8 : memref<128xf32, #tpu.memory_space<vmem>>) dst(%dma_wait3A_164 : memref<524416xf32, #tpu.memory_space<vmem_shared>>)
      %dma_wait3A_165 = arith.constant 0 : i32
      %dma_wait3A_166 = tpu.memref_slice %arg7[%add3A_123, %dma_wait3A_165] : memref<64x128xi32, #tpu.memory_space<vmem>> -> memref<1x128xi32, #tpu.memory_space<vmem>>
      %dma_wait3A_167 = tpu.memref_squeeze %dma_wait3A_166 : memref<1x128xi32, #tpu.memory_space<vmem>> -> memref<128xi32, #tpu.memory_space<vmem>>
      %dma_wait3A_168 = arith.constant 0 : i32
      %dma_wait3A_169 = tpu.memref_slice %arg10[%dma_wait3A_168] : memref<524416xf32, #tpu.memory_space<vmem_shared>> -> memref<524416xf32, #tpu.memory_space<vmem_shared>>
      tpu.wait_indirect_dma semaphore(%arg11 : memref<!tpu.dma_semaphore, #tpu.memory_space<semaphore_mem>>) src(%arg8 : memref<128xf32, #tpu.memory_space<vmem>>) dst(%dma_wait3A_169 : memref<524416xf32, #tpu.memory_space<vmem_shared>>)
      %dma_wait3A_170 = arith.constant 0 : i32
      %dma_wait3A_171 = tpu.memref_slice %arg7[%add3A_130, %dma_wait3A_170] : memref<64x128xi32, #tpu.memory_space<vmem>> -> memref<1x128xi32, #tpu.memory_space<vmem>>
      %dma_wait3A_172 = tpu.memref_squeeze %dma_wait3A_171 : memref<1x128xi32, #tpu.memory_space<vmem>> -> memref<128xi32, #tpu.memory_space<vmem>>
      %dma_wait3A_173 = arith.constant 0 : i32
      %dma_wait3A_174 = tpu.memref_slice %arg10[%dma_wait3A_173] : memref<524416xf32, #tpu.memory_space<vmem_shared>> -> memref<524416xf32, #tpu.memory_space<vmem_shared>>
      tpu.wait_indirect_dma semaphore(%arg11 : memref<!tpu.dma_semaphore, #tpu.memory_space<semaphore_mem>>) src(%arg8 : memref<128xf32, #tpu.memory_space<vmem>>) dst(%dma_wait3A_174 : memref<524416xf32, #tpu.memory_space<vmem_shared>>)
    }
    %scan3A_67 = arith.constant 8 : i32
    %barrier3A_68 = arith.constant 0 : index
    tpu.barrier barrier_id(%barrier3A_68)
    %mul3A_69 = arith.constant 32768 : i32
    %mul3A_70 = arith.muli %arg1, %mul3A_69 : i32
    %mul3A_71 = arith.constant 524288 : i32
    %mul3A_72 = arith.muli %add3A_62, %mul3A_71 : i32
    %mul3A_73 = arith.constant 32768 : i32
    %mul3A_74 = arith.muli %arg1, %mul3A_73 : i32
    %add3A_75 = arith.addi %mul3A_72, %mul3A_74 : i32
    "tpu.region"() ({
      %run_scoped3A = tpu.sem_alloc : memref<!tpu.dma_semaphore, #tpu.memory_space<semaphore_mem>>
      %dma_start3A = tpu.memref_slice %arg6[%add3A_75] : memref<4194304xf32, #tpu.memory_space<hbm>> -> memref<32768xf32, #tpu.memory_space<hbm>>
      %dma_start3A_76 = tpu.memref_slice %arg10[%mul3A_70] : memref<524416xf32, #tpu.memory_space<vmem_shared>> -> memref<32768xf32, #tpu.memory_space<vmem_shared>>
      tpu.enqueue_dma source(%dma_start3A_76 : memref<32768xf32, #tpu.memory_space<vmem_shared>>) target(%dma_start3A : memref<32768xf32, #tpu.memory_space<hbm>>) target_semaphore(%run_scoped3A : memref<!tpu.dma_semaphore, #tpu.memory_space<semaphore_mem>>)
      %dma_wait3A = tpu.memref_slice %arg6[%add3A_75] : memref<4194304xf32, #tpu.memory_space<hbm>> -> memref<32768xf32, #tpu.memory_space<hbm>>
      %dma_wait3A_77 = tpu.memref_slice %arg10[%mul3A_70] : memref<524416xf32, #tpu.memory_space<vmem_shared>> -> memref<32768xf32, #tpu.memory_space<vmem_shared>>
      tpu.wait_dma2 semaphore(%run_scoped3A : memref<!tpu.dma_semaphore, #tpu.memory_space<semaphore_mem>>) src(%dma_wait3A_77 : memref<32768xf32, #tpu.memory_space<vmem_shared>>) dst(%dma_wait3A : memref<32768xf32, #tpu.memory_space<hbm>>)
      tpu.yield
    }) : () -> ()
    return
  }
}

module attributes {stable_mosaic.version = 14 : i64} {
  func.func @_enc_body(%arg0: i32, %arg1: memref<128x128xi32, #tpu.memory_space<vmem>>, %arg2: memref<128x128xi32, #tpu.memory_space<vmem>>, %arg3: memref<8x128x128xi32, #tpu.memory_space<vmem>>, %arg4: memref<2x128x128xi32, #tpu.memory_space<vmem>>) attributes {dimension_semantics = [#tpu.dimension_semantics<arbitrary>], iteration_bounds = array<i64: 8>, scalar_prefetch = 0 : i64, scratch_operands = 0 : i64, tpu.core_type = #tpu.core_type<tc>, window_params = [{transform_indices = @transform_0, window_bounds = array<i64: 128, 128>}, {transform_indices = @transform_1, window_bounds = array<i64: 128, 128>}, {transform_indices = @transform_2, window_bounds = array<i64: 8, 128, 128>}, {transform_indices = @transform_3, window_bounds = array<i64: 2, 128, 128>}]} {
    %get3A = arith.constant 0 : index
    %get3A_0 = arith.constant 0 : index
    %get3A_1 = vector.load %arg1[%get3A, %get3A_0] : memref<128x128xi32, #tpu.memory_space<vmem>>, vector<128x128xi32>
    %get3A_2 = arith.constant 0 : index
    %get3A_3 = arith.constant 0 : index
    %get3A_4 = vector.load %arg2[%get3A_2, %get3A_3] : memref<128x128xi32, #tpu.memory_space<vmem>>, vector<128x128xi32>
    %swap3A = arith.constant 0 : index
    %swap3A_5 = arith.constant 0 : index
    %swap3A_6 = arith.constant 0 : index
    %swap3A_7 = vector.load %arg4[%swap3A, %swap3A_5, %swap3A_6] : memref<2x128x128xi32, #tpu.memory_space<vmem>>, vector<1x128x128xi32>
    %swap3A_8 = vector.shape_cast %swap3A_7 : vector<1x128x128xi32> to vector<128x128xi32>
    %swap3A_9 = vector.shape_cast %get3A_1 : vector<128x128xi32> to vector<1x128x128xi32>
    tpu.vector_store %arg4[%swap3A, %swap3A_5, %swap3A_6], %swap3A_9 {strides = array<i32>} : memref<2x128x128xi32, #tpu.memory_space<vmem>>, vector<1x128x128xi32>,
    %add3A = arith.constant 8192 : i32
    %add3A_10 = vector.broadcast %add3A : i32 to vector<128x128xi32>
    %add3A_11 = arith.addi %get3A_1, %add3A_10 : vector<128x128xi32>
    %swap3A_12 = arith.constant 1 : index
    %swap3A_13 = arith.constant 0 : index
    %swap3A_14 = arith.constant 0 : index
    %swap3A_15 = vector.load %arg4[%swap3A_12, %swap3A_13, %swap3A_14] : memref<2x128x128xi32, #tpu.memory_space<vmem>>, vector<1x128x128xi32>
    %swap3A_16 = vector.shape_cast %swap3A_15 : vector<1x128x128xi32> to vector<128x128xi32>
    %swap3A_17 = vector.shape_cast %add3A_11 : vector<128x128xi32> to vector<1x128x128xi32>
    tpu.vector_store %arg4[%swap3A_12, %swap3A_13, %swap3A_14], %swap3A_17 {strides = array<i32>} : memref<2x128x128xi32, #tpu.memory_space<vmem>>, vector<1x128x128xi32>,
    %shift_right_logical3A = arith.constant 9 : i32
    %shift_right_logical3A_18 = vector.broadcast %shift_right_logical3A : i32 to vector<128x128xi32>
    %shift_right_logical3A_19 = arith.shrui %get3A_1, %shift_right_logical3A_18 : vector<128x128xi32>
    %shift_right_logical3A_20 = arith.constant 9 : i32
    %shift_right_logical3A_21 = vector.broadcast %shift_right_logical3A_20 : i32 to vector<128x128xi32>
    %shift_right_logical3A_22 = arith.shrui %get3A_4, %shift_right_logical3A_21 : vector<128x128xi32>
    %and3A = arith.constant 511 : i32
    %and3A_23 = vector.broadcast %and3A : i32 to vector<128x128xi32>
    %and3A_24 = arith.andi %get3A_1, %and3A_23 : vector<128x128xi32>
    %and3A_25 = arith.constant 511 : i32
    %and3A_26 = vector.broadcast %and3A_25 : i32 to vector<128x128xi32>
    %and3A_27 = arith.andi %get3A_4, %and3A_26 : vector<128x128xi32>
    %eq3A = arith.cmpi eq, %shift_right_logical3A_19, %shift_right_logical3A_22 : vector<128x128xi32>
    %and3A_28 = arith.constant 1 : i32
    %and3A_29 = vector.broadcast %and3A_28 : i32 to vector<128x128xi32>
    %and3A_30 = arith.andi %shift_right_logical3A_19, %and3A_29 : vector<128x128xi32>
    %shift_left3A = arith.constant 18 : i32
    %shift_left3A_31 = vector.broadcast %shift_left3A : i32 to vector<128x128xi32>
    %shift_left3A_32 = arith.shli %and3A_30, %shift_left3A_31 : vector<128x128xi32>
    %shift_left3A_33 = arith.constant 9 : i32
    %shift_left3A_34 = vector.broadcast %shift_left3A_33 : i32 to vector<128x128xi32>
    %shift_left3A_35 = arith.shli %and3A_24, %shift_left3A_34 : vector<128x128xi32>
    %or3A = arith.ori %shift_left3A_32, %shift_left3A_35 : vector<128x128xi32>
    %or3A_36 = arith.ori %or3A, %and3A_27 : vector<128x128xi32>
    %shift_right_logical3A_37 = arith.constant 1 : i32
    %shift_right_logical3A_38 = vector.broadcast %shift_right_logical3A_37 : i32 to vector<128x128xi32>
    %shift_right_logical3A_39 = arith.shrui %shift_right_logical3A_19, %shift_right_logical3A_38 : vector<128x128xi32>
    %eq3A_40 = arith.constant 0 : i32
    %eq3A_41 = vector.broadcast %eq3A_40 : i32 to vector<128x128xi32>
    %eq3A_42 = arith.cmpi eq, %shift_right_logical3A_39, %eq3A_41 : vector<128x128xi32>
    %and3A_43 = arith.andi %eq3A, %eq3A_42 : vector<128x128xi1>
    %jit3A = arith.constant 524288 : i32
    %broadcast_in_dim3A = vector.broadcast %jit3A : i32 to vector<128x128xi32>
    %select_n3A = arith.select %and3A_43, %or3A_36, %broadcast_in_dim3A : vector<128x128xi1>, vector<128x128xi32>
    %swap3A_44 = arith.constant 0 : index
    %swap3A_45 = arith.constant 0 : index
    %swap3A_46 = arith.constant 0 : index
    %swap3A_47 = vector.load %arg3[%swap3A_44, %swap3A_45, %swap3A_46] : memref<8x128x128xi32, #tpu.memory_space<vmem>>, vector<1x128x128xi32>
    %swap3A_48 = vector.shape_cast %swap3A_47 : vector<1x128x128xi32> to vector<128x128xi32>
    %swap3A_49 = vector.shape_cast %select_n3A : vector<128x128xi32> to vector<1x128x128xi32>
    tpu.vector_store %arg3[%swap3A_44, %swap3A_45, %swap3A_46], %swap3A_49 {strides = array<i32>} : memref<8x128x128xi32, #tpu.memory_space<vmem>>, vector<1x128x128xi32>,
    %eq3A_50 = arith.constant 1 : i32
    %eq3A_51 = vector.broadcast %eq3A_50 : i32 to vector<128x128xi32>
    %eq3A_52 = arith.cmpi eq, %shift_right_logical3A_39, %eq3A_51 : vector<128x128xi32>
    %and3A_53 = arith.andi %eq3A, %eq3A_52 : vector<128x128xi1>
    %jit3A_54 = arith.constant 524288 : i32
    %broadcast_in_dim3A_55 = vector.broadcast %jit3A_54 : i32 to vector<128x128xi32>
    %select_n3A_56 = arith.select %and3A_53, %or3A_36, %broadcast_in_dim3A_55 : vector<128x128xi1>, vector<128x128xi32>
    %swap3A_57 = arith.constant 1 : index
    %swap3A_58 = arith.constant 0 : index
    %swap3A_59 = arith.constant 0 : index
    %swap3A_60 = vector.load %arg3[%swap3A_57, %swap3A_58, %swap3A_59] : memref<8x128x128xi32, #tpu.memory_space<vmem>>, vector<1x128x128xi32>
    %swap3A_61 = vector.shape_cast %swap3A_60 : vector<1x128x128xi32> to vector<128x128xi32>
    %swap3A_62 = vector.shape_cast %select_n3A_56 : vector<128x128xi32> to vector<1x128x128xi32>
    tpu.vector_store %arg3[%swap3A_57, %swap3A_58, %swap3A_59], %swap3A_62 {strides = array<i32>} : memref<8x128x128xi32, #tpu.memory_space<vmem>>, vector<1x128x128xi32>,
    %eq3A_63 = arith.constant 2 : i32
    %eq3A_64 = vector.broadcast %eq3A_63 : i32 to vector<128x128xi32>
    %eq3A_65 = arith.cmpi eq, %shift_right_logical3A_39, %eq3A_64 : vector<128x128xi32>
    %and3A_66 = arith.andi %eq3A, %eq3A_65 : vector<128x128xi1>
    %jit3A_67 = arith.constant 524288 : i32
    %broadcast_in_dim3A_68 = vector.broadcast %jit3A_67 : i32 to vector<128x128xi32>
    %select_n3A_69 = arith.select %and3A_66, %or3A_36, %broadcast_in_dim3A_68 : vector<128x128xi1>, vector<128x128xi32>
    %swap3A_70 = arith.constant 2 : index
    %swap3A_71 = arith.constant 0 : index
    %swap3A_72 = arith.constant 0 : index
    %swap3A_73 = vector.load %arg3[%swap3A_70, %swap3A_71, %swap3A_72] : memref<8x128x128xi32, #tpu.memory_space<vmem>>, vector<1x128x128xi32>
    %swap3A_74 = vector.shape_cast %swap3A_73 : vector<1x128x128xi32> to vector<128x128xi32>
    %swap3A_75 = vector.shape_cast %select_n3A_69 : vector<128x128xi32> to vector<1x128x128xi32>
    tpu.vector_store %arg3[%swap3A_70, %swap3A_71, %swap3A_72], %swap3A_75 {strides = array<i32>} : memref<8x128x128xi32, #tpu.memory_space<vmem>>, vector<1x128x128xi32>,
    %eq3A_76 = arith.constant 3 : i32
    %eq3A_77 = vector.broadcast %eq3A_76 : i32 to vector<128x128xi32>
    %eq3A_78 = arith.cmpi eq, %shift_right_logical3A_39, %eq3A_77 : vector<128x128xi32>
    %and3A_79 = arith.andi %eq3A, %eq3A_78 : vector<128x128xi1>
    %jit3A_80 = arith.constant 524288 : i32
    %broadcast_in_dim3A_81 = vector.broadcast %jit3A_80 : i32 to vector<128x128xi32>
    %select_n3A_82 = arith.select %and3A_79, %or3A_36, %broadcast_in_dim3A_81 : vector<128x128xi1>, vector<128x128xi32>
    %swap3A_83 = arith.constant 3 : index
    %swap3A_84 = arith.constant 0 : index
    %swap3A_85 = arith.constant 0 : index
    %swap3A_86 = vector.load %arg3[%swap3A_83, %swap3A_84, %swap3A_85] : memref<8x128x128xi32, #tpu.memory_space<vmem>>, vector<1x128x128xi32>
    %swap3A_87 = vector.shape_cast %swap3A_86 : vector<1x128x128xi32> to vector<128x128xi32>
    %swap3A_88 = vector.shape_cast %select_n3A_82 : vector<128x128xi32> to vector<1x128x128xi32>
    tpu.vector_store %arg3[%swap3A_83, %swap3A_84, %swap3A_85], %swap3A_88 {strides = array<i32>} : memref<8x128x128xi32, #tpu.memory_space<vmem>>, vector<1x128x128xi32>,
    %eq3A_89 = arith.constant 4 : i32
    %eq3A_90 = vector.broadcast %eq3A_89 : i32 to vector<128x128xi32>
    %eq3A_91 = arith.cmpi eq, %shift_right_logical3A_39, %eq3A_90 : vector<128x128xi32>
    %and3A_92 = arith.andi %eq3A, %eq3A_91 : vector<128x128xi1>
    %jit3A_93 = arith.constant 524288 : i32
    %broadcast_in_dim3A_94 = vector.broadcast %jit3A_93 : i32 to vector<128x128xi32>
    %select_n3A_95 = arith.select %and3A_92, %or3A_36, %broadcast_in_dim3A_94 : vector<128x128xi1>, vector<128x128xi32>
    %swap3A_96 = arith.constant 4 : index
    %swap3A_97 = arith.constant 0 : index
    %swap3A_98 = arith.constant 0 : index
    %swap3A_99 = vector.load %arg3[%swap3A_96, %swap3A_97, %swap3A_98] : memref<8x128x128xi32, #tpu.memory_space<vmem>>, vector<1x128x128xi32>
    %swap3A_100 = vector.shape_cast %swap3A_99 : vector<1x128x128xi32> to vector<128x128xi32>
    %swap3A_101 = vector.shape_cast %select_n3A_95 : vector<128x128xi32> to vector<1x128x128xi32>
    tpu.vector_store %arg3[%swap3A_96, %swap3A_97, %swap3A_98], %swap3A_101 {strides = array<i32>} : memref<8x128x128xi32, #tpu.memory_space<vmem>>, vector<1x128x128xi32>,
    %eq3A_102 = arith.constant 5 : i32
    %eq3A_103 = vector.broadcast %eq3A_102 : i32 to vector<128x128xi32>
    %eq3A_104 = arith.cmpi eq, %shift_right_logical3A_39, %eq3A_103 : vector<128x128xi32>
    %and3A_105 = arith.andi %eq3A, %eq3A_104 : vector<128x128xi1>
    %jit3A_106 = arith.constant 524288 : i32
    %broadcast_in_dim3A_107 = vector.broadcast %jit3A_106 : i32 to vector<128x128xi32>
    %select_n3A_108 = arith.select %and3A_105, %or3A_36, %broadcast_in_dim3A_107 : vector<128x128xi1>, vector<128x128xi32>
    %swap3A_109 = arith.constant 5 : index
    %swap3A_110 = arith.constant 0 : index
    %swap3A_111 = arith.constant 0 : index
    %swap3A_112 = vector.load %arg3[%swap3A_109, %swap3A_110, %swap3A_111] : memref<8x128x128xi32, #tpu.memory_space<vmem>>, vector<1x128x128xi32>
    %swap3A_113 = vector.shape_cast %swap3A_112 : vector<1x128x128xi32> to vector<128x128xi32>
    %swap3A_114 = vector.shape_cast %select_n3A_108 : vector<128x128xi32> to vector<1x128x128xi32>
    tpu.vector_store %arg3[%swap3A_109, %swap3A_110, %swap3A_111], %swap3A_114 {strides = array<i32>} : memref<8x128x128xi32, #tpu.memory_space<vmem>>, vector<1x128x128xi32>,
    %eq3A_115 = arith.constant 6 : i32
    %eq3A_116 = vector.broadcast %eq3A_115 : i32 to vector<128x128xi32>
    %eq3A_117 = arith.cmpi eq, %shift_right_logical3A_39, %eq3A_116 : vector<128x128xi32>
    %and3A_118 = arith.andi %eq3A, %eq3A_117 : vector<128x128xi1>
    %jit3A_119 = arith.constant 524288 : i32
    %broadcast_in_dim3A_120 = vector.broadcast %jit3A_119 : i32 to vector<128x128xi32>
    %select_n3A_121 = arith.select %and3A_118, %or3A_36, %broadcast_in_dim3A_120 : vector<128x128xi1>, vector<128x128xi32>
    %swap3A_122 = arith.constant 6 : index
    %swap3A_123 = arith.constant 0 : index
    %swap3A_124 = arith.constant 0 : index
    %swap3A_125 = vector.load %arg3[%swap3A_122, %swap3A_123, %swap3A_124] : memref<8x128x128xi32, #tpu.memory_space<vmem>>, vector<1x128x128xi32>
    %swap3A_126 = vector.shape_cast %swap3A_125 : vector<1x128x128xi32> to vector<128x128xi32>
    %swap3A_127 = vector.shape_cast %select_n3A_121 : vector<128x128xi32> to vector<1x128x128xi32>
    tpu.vector_store %arg3[%swap3A_122, %swap3A_123, %swap3A_124], %swap3A_127 {strides = array<i32>} : memref<8x128x128xi32, #tpu.memory_space<vmem>>, vector<1x128x128xi32>,
    %eq3A_128 = arith.constant 7 : i32
    %eq3A_129 = vector.broadcast %eq3A_128 : i32 to vector<128x128xi32>
    %eq3A_130 = arith.cmpi eq, %shift_right_logical3A_39, %eq3A_129 : vector<128x128xi32>
    %and3A_131 = arith.andi %eq3A, %eq3A_130 : vector<128x128xi1>
    %jit3A_132 = arith.constant 524288 : i32
    %broadcast_in_dim3A_133 = vector.broadcast %jit3A_132 : i32 to vector<128x128xi32>
    %select_n3A_134 = arith.select %and3A_131, %or3A_36, %broadcast_in_dim3A_133 : vector<128x128xi1>, vector<128x128xi32>
    %swap3A_135 = arith.constant 7 : index
    %swap3A_136 = arith.constant 0 : index
    %swap3A_137 = arith.constant 0 : index
    %swap3A_138 = vector.load %arg3[%swap3A_135, %swap3A_136, %swap3A_137] : memref<8x128x128xi32, #tpu.memory_space<vmem>>, vector<1x128x128xi32>
    %swap3A_139 = vector.shape_cast %swap3A_138 : vector<1x128x128xi32> to vector<128x128xi32>
    %swap3A_140 = vector.shape_cast %select_n3A_134 : vector<128x128xi32> to vector<1x128x128xi32>
    tpu.vector_store %arg3[%swap3A_135, %swap3A_136, %swap3A_137], %swap3A_140 {strides = array<i32>} : memref<8x128x128xi32, #tpu.memory_space<vmem>>, vector<1x128x128xi32>,
    return
  }
  func.func @transform_0(%arg0: i32) -> (i32, i32) {
    %c0_i32 = arith.constant 0 : i32
    %c0_i32_0 = arith.constant 0 : i32
    return %arg0, %c0_i32 : i32, i32
  }
  func.func @transform_1(%arg0: i32) -> (i32, i32) {
    %c0_i32 = arith.constant 0 : i32
    %c0_i32_0 = arith.constant 0 : i32
    return %arg0, %c0_i32 : i32, i32
  }
  func.func @transform_2(%arg0: i32) -> (i32, i32, i32) {
    %c0_i32 = arith.constant 0 : i32
    %c0_i32_0 = arith.constant 0 : i32
    %c0_i32_1 = arith.constant 0 : i32
    return %c0_i32, %arg0, %c0_i32_0 : i32, i32, i32
  }
  func.func @transform_3(%arg0: i32) -> (i32, i32, i32) {
    %c0_i32 = arith.constant 0 : i32
    %c0_i32_0 = arith.constant 0 : i32
    %c0_i32_1 = arith.constant 0 : i32
    return %c0_i32, %arg0, %c0_i32_0 : i32, i32, i32
  }
}

module attributes {stable_mosaic.version = 14 : i64} {
  func.func @_pre_body(%arg0: i32, %arg1: memref<512x128xf32, #tpu.memory_space<vmem>>, %arg2: memref<128x128xf32, #tpu.memory_space<vmem>>, %arg3: memref<512x1xf32, #tpu.memory_space<vmem>>, %arg4: memref<2x512x64xf32, #tpu.memory_space<vmem>>) attributes {dimension_semantics = [#tpu.dimension_semantics<arbitrary>], iteration_bounds = array<i64: 16>, scalar_prefetch = 0 : i64, scratch_operands = 0 : i64, tpu.core_type = #tpu.core_type<tc>, window_params = [{transform_indices = @transform_0, window_bounds = array<i64: 512, 128>}, {pipeline_mode = #tpu.pipeline_mode<synchronous>, transform_indices = @transform_1, window_bounds = array<i64: 128, 128>}, {transform_indices = @transform_2, window_bounds = array<i64: 512, 1>}, {transform_indices = @transform_3, window_bounds = array<i64: 2, 512, 64>}]} {
    %get3A = arith.constant 0 : index
    %get3A_0 = arith.constant 0 : index
    %get3A_1 = vector.load %arg3[%get3A, %get3A_0] : memref<512x1xf32, #tpu.memory_space<vmem>>, vector<512x1xf32>
    %gt3A = arith.constant 0.000000e+00 : f32
    %gt3A_2 = vector.broadcast %gt3A : f32 to vector<512x1xf32>
    %gt3A_3 = arith.cmpf ogt, %get3A_1, %gt3A_2 : vector<512x1xf32>
    %get3A_4 = arith.constant 0 : index
    %get3A_5 = arith.constant 0 : index
    %get3A_6 = vector.load %arg3[%get3A_4, %get3A_5] : memref<512x1xf32, #tpu.memory_space<vmem>>, vector<512x1xf32>
    %rsqrt3A = math.rsqrt %get3A_6 : vector<512x1xf32>
    %jit3A = arith.constant 0.000000e+00 : f32
    %broadcast_in_dim3A = vector.broadcast %jit3A : f32 to vector<512x1xf32>
    %select_n3A = arith.select %gt3A_3, %rsqrt3A, %broadcast_in_dim3A : vector<512x1xi1>, vector<512x1xf32>
    %get3A_7 = arith.constant 0 : index
    %get3A_8 = arith.constant 0 : index
    %get3A_9 = vector.load %arg1[%get3A_7, %get3A_8] : memref<512x128xf32, #tpu.memory_space<vmem>>, vector<512x128xf32>
    %get3A_10 = arith.constant 0 : index
    %get3A_11 = arith.constant 0 : index
    %get3A_12 = vector.load %arg2[%get3A_10, %get3A_11] : memref<128x128xf32, #tpu.memory_space<vmem>>, vector<128x128xf32>
    %dot_general3A = arith.constant dense<0.000000e+00> : vector<512x128xf32>
    %dot_general3A_13 = tpu.matmul %get3A_9, %get3A_12, %dot_general3A {dimension_numbers = #tpu.dot_dimension_numbers<[1], [1], [0], [0], [0, 0, 1, 0], [], []>, transpose_lhs_hint = false} : vector<512x128xf32>, vector<128x128xf32>, vector<512x128xf32> -> vector<512x128xf32>
    %mul3A = vector.broadcast %select_n3A : vector<512x1xf32> to vector<512x128xf32>
    %mul3A_14 = arith.mulf %dot_general3A_13, %mul3A : vector<512x128xf32>
    %slice3A = vector.extract_strided_slice %mul3A_14 {offsets = [0, 0], sizes = [512, 64], strides = [1, 1]} : vector<512x128xf32> to vector<512x64xf32>
    %swap3A = arith.constant 0 : index
    %swap3A_15 = arith.constant 0 : index
    %swap3A_16 = arith.constant 0 : index
    %swap3A_17 = vector.load %arg4[%swap3A, %swap3A_15, %swap3A_16] : memref<2x512x64xf32, #tpu.memory_space<vmem>>, vector<1x512x64xf32>
    %swap3A_18 = vector.shape_cast %swap3A_17 : vector<1x512x64xf32> to vector<512x64xf32>
    %swap3A_19 = vector.shape_cast %slice3A : vector<512x64xf32> to vector<1x512x64xf32>
    tpu.vector_store %arg4[%swap3A, %swap3A_15, %swap3A_16], %swap3A_19 {strides = array<i32>} : memref<2x512x64xf32, #tpu.memory_space<vmem>>, vector<1x512x64xf32>,
    %slice3A_20 = vector.extract_strided_slice %mul3A_14 {offsets = [0, 64], sizes = [512, 64], strides = [1, 1]} : vector<512x128xf32> to vector<512x64xf32>
    %swap3A_21 = arith.constant 1 : index
    %swap3A_22 = arith.constant 0 : index
    %swap3A_23 = arith.constant 0 : index
    %swap3A_24 = vector.load %arg4[%swap3A_21, %swap3A_22, %swap3A_23] : memref<2x512x64xf32, #tpu.memory_space<vmem>>, vector<1x512x64xf32>
    %swap3A_25 = vector.shape_cast %swap3A_24 : vector<1x512x64xf32> to vector<512x64xf32>
    %swap3A_26 = vector.shape_cast %slice3A_20 : vector<512x64xf32> to vector<1x512x64xf32>
    tpu.vector_store %arg4[%swap3A_21, %swap3A_22, %swap3A_23], %swap3A_26 {strides = array<i32>} : memref<2x512x64xf32, #tpu.memory_space<vmem>>, vector<1x512x64xf32>,
    return
  }
  func.func @transform_0(%arg0: i32) -> (i32, i32) {
    %c0_i32 = arith.constant 0 : i32
    %c0_i32_0 = arith.constant 0 : i32
    return %arg0, %c0_i32 : i32, i32
  }
  func.func @transform_1(%arg0: i32) -> (i32, i32) {
    %c0_i32 = arith.constant 0 : i32
    %c0_i32_0 = arith.constant 0 : i32
    %c0_i32_1 = arith.constant 0 : i32
    return %c0_i32, %c0_i32_0 : i32, i32
  }
  func.func @transform_2(%arg0: i32) -> (i32, i32) {
    %c0_i32 = arith.constant 0 : i32
    %c0_i32_0 = arith.constant 0 : i32
    return %arg0, %c0_i32 : i32, i32
  }
  func.func @transform_3(%arg0: i32) -> (i32, i32, i32) {
    %c0_i32 = arith.constant 0 : i32
    %c0_i32_0 = arith.constant 0 : i32
    %c0_i32_1 = arith.constant 0 : i32
    return %c0_i32, %arg0, %c0_i32_0 : i32, i32, i32
  }
}

module attributes {stable_mosaic.version = 14 : i64} {
  func.func @_mid_body(%arg0: i32, %arg1: memref<2x512x64xf32, #tpu.memory_space<vmem>>, %arg2: memref<512x1xf32, #tpu.memory_space<vmem>>, %arg3: memref<512x1xf32, #tpu.memory_space<vmem>>, %arg4: memref<1x128xf32, #tpu.memory_space<vmem>>, %arg5: memref<1x128xf32, #tpu.memory_space<vmem>>, %arg6: memref<1x128xf32, #tpu.memory_space<vmem>>, %arg7: memref<128x128xf32, #tpu.memory_space<vmem>>, %arg8: memref<512x128xf32, #tpu.memory_space<vmem>>, %arg9: memref<2x512x64xf32, #tpu.memory_space<vmem>>) attributes {dimension_semantics = [#tpu.dimension_semantics<arbitrary>], iteration_bounds = array<i64: 16>, scalar_prefetch = 0 : i64, scratch_operands = 0 : i64, tpu.core_type = #tpu.core_type<tc>, window_params = [{transform_indices = @transform_0, window_bounds = array<i64: 2, 512, 64>}, {transform_indices = @transform_1, window_bounds = array<i64: 512, 1>}, {transform_indices = @transform_2, window_bounds = array<i64: 512, 1>}, {pipeline_mode = #tpu.pipeline_mode<synchronous>, transform_indices = @transform_3, window_bounds = array<i64: 1, 128>}, {pipeline_mode = #tpu.pipeline_mode<synchronous>, transform_indices = @transform_4, window_bounds = array<i64: 1, 128>}, {pipeline_mode = #tpu.pipeline_mode<synchronous>, transform_indices = @transform_5, window_bounds = array<i64: 1, 128>}, {pipeline_mode = #tpu.pipeline_mode<synchronous>, transform_indices = @transform_6, window_bounds = array<i64: 128, 128>}, {transform_indices = @transform_7, window_bounds = array<i64: 512, 128>}, {transform_indices = @transform_8, window_bounds = array<i64: 2, 512, 64>}]} {
    %get3A = arith.constant 0 : index
    %get3A_0 = arith.constant 0 : index
    %get3A_1 = arith.constant 0 : index
    %get3A_2 = vector.load %arg1[%get3A, %get3A_0, %get3A_1] : memref<2x512x64xf32, #tpu.memory_space<vmem>>, vector<1x512x64xf32>
    %get3A_3 = vector.shape_cast %get3A_2 : vector<1x512x64xf32> to vector<512x64xf32>
    %get3A_4 = arith.constant 1 : index
    %get3A_5 = arith.constant 0 : index
    %get3A_6 = arith.constant 0 : index
    %get3A_7 = vector.load %arg1[%get3A_4, %get3A_5, %get3A_6] : memref<2x512x64xf32, #tpu.memory_space<vmem>>, vector<1x512x64xf32>
    %get3A_8 = vector.shape_cast %get3A_7 : vector<1x512x64xf32> to vector<512x64xf32>
    %concatenate3A = tpu.concatenate %get3A_3, %get3A_8 in 1 : vector<512x64xf32>, vector<512x64xf32> -> vector<512x128xf32>
    %get3A_9 = arith.constant 0 : index
    %get3A_10 = arith.constant 0 : index
    %get3A_11 = vector.load %arg3[%get3A_9, %get3A_10] : memref<512x1xf32, #tpu.memory_space<vmem>>, vector<512x1xf32>
    %gt3A = arith.constant 0.000000e+00 : f32
    %gt3A_12 = vector.broadcast %gt3A : f32 to vector<512x1xf32>
    %gt3A_13 = arith.cmpf ogt, %get3A_11, %gt3A_12 : vector<512x1xf32>
    %get3A_14 = arith.constant 0 : index
    %get3A_15 = arith.constant 0 : index
    %get3A_16 = vector.load %arg3[%get3A_14, %get3A_15] : memref<512x1xf32, #tpu.memory_space<vmem>>, vector<512x1xf32>
    %rsqrt3A = math.rsqrt %get3A_16 : vector<512x1xf32>
    %jit3A = arith.constant 0.000000e+00 : f32
    %broadcast_in_dim3A = vector.broadcast %jit3A : f32 to vector<512x1xf32>
    %select_n3A = arith.select %gt3A_13, %rsqrt3A, %broadcast_in_dim3A : vector<512x1xi1>, vector<512x1xf32>
    %mul3A = vector.broadcast %select_n3A : vector<512x1xf32> to vector<512x128xf32>
    %mul3A_17 = arith.mulf %concatenate3A, %mul3A : vector<512x128xf32>
    %get3A_18 = arith.constant 0 : index
    %get3A_19 = arith.constant 0 : index
    %get3A_20 = vector.load %arg4[%get3A_18, %get3A_19] : memref<1x128xf32, #tpu.memory_space<vmem>>, vector<1x128xf32>
    %add3A = vector.broadcast %get3A_20 : vector<1x128xf32> to vector<512x128xf32>
    %add3A_21 = arith.addf %mul3A_17, %add3A : vector<512x128xf32>
    %max3A = arith.constant 0.000000e+00 : f32
    %max3A_22 = vector.broadcast %max3A : f32 to vector<512x128xf32>
    %max3A_23 = arith.maximumf %add3A_21, %max3A_22 : vector<512x128xf32>
    %reduce_sum3A = arith.constant dense<0.000000e+00> : vector<512xf32>
    %reduce_sum3A_24 = vector.multi_reduction <add>, %max3A_23, %reduce_sum3A [1] : vector<512x128xf32> to vector<512xf32>
    %broadcast_in_dim3A_25 = vector.shape_cast %reduce_sum3A_24 : vector<512xf32> to vector<512x1xf32>
    %div3A = arith.constant 1.280000e+02 : f32
    %div3A_26 = vector.broadcast %div3A : f32 to vector<512x1xf32>
    %div3A_27 = arith.divf %broadcast_in_dim3A_25, %div3A_26 : vector<512x1xf32>
    %sub3A = vector.broadcast %div3A_27 : vector<512x1xf32> to vector<512x128xf32>
    %sub3A_28 = arith.subf %max3A_23, %sub3A : vector<512x128xf32>
    %integer_pow3A = arith.mulf %sub3A_28, %sub3A_28 : vector<512x128xf32>
    %reduce_sum3A_29 = arith.constant dense<0.000000e+00> : vector<512xf32>
    %reduce_sum3A_30 = vector.multi_reduction <add>, %integer_pow3A, %reduce_sum3A_29 [1] : vector<512x128xf32> to vector<512xf32>
    %broadcast_in_dim3A_31 = vector.shape_cast %reduce_sum3A_30 : vector<512xf32> to vector<512x1xf32>
    %div3A_32 = arith.constant 1.280000e+02 : f32
    %div3A_33 = vector.broadcast %div3A_32 : f32 to vector<512x1xf32>
    %div3A_34 = arith.divf %broadcast_in_dim3A_31, %div3A_33 : vector<512x1xf32>
    %sub3A_35 = vector.broadcast %div3A_27 : vector<512x1xf32> to vector<512x128xf32>
    %sub3A_36 = arith.subf %max3A_23, %sub3A_35 : vector<512x128xf32>
    %add3A_37 = arith.constant 9.99999974E-6 : f32
    %add3A_38 = vector.broadcast %add3A_37 : f32 to vector<512x1xf32>
    %add3A_39 = arith.addf %div3A_34, %add3A_38 : vector<512x1xf32>
    %sqrt3A = math.sqrt %add3A_39 : vector<512x1xf32>
    %div3A_40 = vector.broadcast %sqrt3A : vector<512x1xf32> to vector<512x128xf32>
    %div3A_41 = arith.divf %sub3A_36, %div3A_40 : vector<512x128xf32>
    %get3A_42 = arith.constant 0 : index
    %get3A_43 = arith.constant 0 : index
    %get3A_44 = vector.load %arg5[%get3A_42, %get3A_43] : memref<1x128xf32, #tpu.memory_space<vmem>>, vector<1x128xf32>
    %mul3A_45 = vector.broadcast %get3A_44 : vector<1x128xf32> to vector<512x128xf32>
    %mul3A_46 = arith.mulf %div3A_41, %mul3A_45 : vector<512x128xf32>
    %get3A_47 = arith.constant 0 : index
    %get3A_48 = arith.constant 0 : index
    %get3A_49 = vector.load %arg6[%get3A_47, %get3A_48] : memref<1x128xf32, #tpu.memory_space<vmem>>, vector<1x128xf32>
    %add3A_50 = vector.broadcast %get3A_49 : vector<1x128xf32> to vector<512x128xf32>
    %add3A_51 = arith.addf %mul3A_46, %add3A_50 : vector<512x128xf32>
    %swap3A = arith.constant 0 : index
    %swap3A_52 = arith.constant 0 : index
    %swap3A_53 = vector.load %arg8[%swap3A, %swap3A_52] : memref<512x128xf32, #tpu.memory_space<vmem>>, vector<512x128xf32>
    tpu.vector_store %arg8[%swap3A, %swap3A_52], %add3A_51 {strides = array<i32>} : memref<512x128xf32, #tpu.memory_space<vmem>>, vector<512x128xf32>,
    %get3A_54 = arith.constant 0 : index
    %get3A_55 = arith.constant 0 : index
    %get3A_56 = vector.load %arg2[%get3A_54, %get3A_55] : memref<512x1xf32, #tpu.memory_space<vmem>>, vector<512x1xf32>
    %gt3A_57 = arith.constant 0.000000e+00 : f32
    %gt3A_58 = vector.broadcast %gt3A_57 : f32 to vector<512x1xf32>
    %gt3A_59 = arith.cmpf ogt, %get3A_56, %gt3A_58 : vector<512x1xf32>
    %get3A_60 = arith.constant 0 : index
    %get3A_61 = arith.constant 0 : index
    %get3A_62 = vector.load %arg2[%get3A_60, %get3A_61] : memref<512x1xf32, #tpu.memory_space<vmem>>, vector<512x1xf32>
    %rsqrt3A_63 = math.rsqrt %get3A_62 : vector<512x1xf32>
    %jit3A_64 = arith.constant 0.000000e+00 : f32
    %broadcast_in_dim3A_65 = vector.broadcast %jit3A_64 : f32 to vector<512x1xf32>
    %select_n3A_66 = arith.select %gt3A_59, %rsqrt3A_63, %broadcast_in_dim3A_65 : vector<512x1xi1>, vector<512x1xf32>
    %get3A_67 = arith.constant 0 : index
    %get3A_68 = arith.constant 0 : index
    %get3A_69 = vector.load %arg7[%get3A_67, %get3A_68] : memref<128x128xf32, #tpu.memory_space<vmem>>, vector<128x128xf32>
    %dot_general3A = arith.constant dense<0.000000e+00> : vector<512x128xf32>
    %dot_general3A_70 = tpu.matmul %add3A_51, %get3A_69, %dot_general3A {dimension_numbers = #tpu.dot_dimension_numbers<[1], [1], [0], [0], [0, 0, 1, 0], [], []>, transpose_lhs_hint = false} : vector<512x128xf32>, vector<128x128xf32>, vector<512x128xf32> -> vector<512x128xf32>
    %mul3A_71 = vector.broadcast %select_n3A_66 : vector<512x1xf32> to vector<512x128xf32>
    %mul3A_72 = arith.mulf %dot_general3A_70, %mul3A_71 : vector<512x128xf32>
    %slice3A = vector.extract_strided_slice %mul3A_72 {offsets = [0, 0], sizes = [512, 64], strides = [1, 1]} : vector<512x128xf32> to vector<512x64xf32>
    %swap3A_73 = arith.constant 0 : index
    %swap3A_74 = arith.constant 0 : index
    %swap3A_75 = arith.constant 0 : index
    %swap3A_76 = vector.load %arg9[%swap3A_73, %swap3A_74, %swap3A_75] : memref<2x512x64xf32, #tpu.memory_space<vmem>>, vector<1x512x64xf32>
    %swap3A_77 = vector.shape_cast %swap3A_76 : vector<1x512x64xf32> to vector<512x64xf32>
    %swap3A_78 = vector.shape_cast %slice3A : vector<512x64xf32> to vector<1x512x64xf32>
    tpu.vector_store %arg9[%swap3A_73, %swap3A_74, %swap3A_75], %swap3A_78 {strides = array<i32>} : memref<2x512x64xf32, #tpu.memory_space<vmem>>, vector<1x512x64xf32>,
    %slice3A_79 = vector.extract_strided_slice %mul3A_72 {offsets = [0, 64], sizes = [512, 64], strides = [1, 1]} : vector<512x128xf32> to vector<512x64xf32>
    %swap3A_80 = arith.constant 1 : index
    %swap3A_81 = arith.constant 0 : index
    %swap3A_82 = arith.constant 0 : index
    %swap3A_83 = vector.load %arg9[%swap3A_80, %swap3A_81, %swap3A_82] : memref<2x512x64xf32, #tpu.memory_space<vmem>>, vector<1x512x64xf32>
    %swap3A_84 = vector.shape_cast %swap3A_83 : vector<1x512x64xf32> to vector<512x64xf32>
    %swap3A_85 = vector.shape_cast %slice3A_79 : vector<512x64xf32> to vector<1x512x64xf32>
    tpu.vector_store %arg9[%swap3A_80, %swap3A_81, %swap3A_82], %swap3A_85 {strides = array<i32>} : memref<2x512x64xf32, #tpu.memory_space<vmem>>, vector<1x512x64xf32>,
    return
  }
  func.func @transform_0(%arg0: i32) -> (i32, i32, i32) {
    %c0_i32 = arith.constant 0 : i32
    %c0_i32_0 = arith.constant 0 : i32
    %c0_i32_1 = arith.constant 0 : i32
    return %c0_i32, %arg0, %c0_i32_0 : i32, i32, i32
  }
  func.func @transform_1(%arg0: i32) -> (i32, i32) {
    %c0_i32 = arith.constant 0 : i32
    %c0_i32_0 = arith.constant 0 : i32
    return %arg0, %c0_i32 : i32, i32
  }
  func.func @transform_2(%arg0: i32) -> (i32, i32) {
    %c0_i32 = arith.constant 0 : i32
    %c0_i32_0 = arith.constant 0 : i32
    return %arg0, %c0_i32 : i32, i32
  }
  func.func @transform_3(%arg0: i32) -> (i32, i32) {
    %c0_i32 = arith.constant 0 : i32
    %c0_i32_0 = arith.constant 0 : i32
    %c0_i32_1 = arith.constant 0 : i32
    return %c0_i32, %c0_i32_0 : i32, i32
  }
  func.func @transform_4(%arg0: i32) -> (i32, i32) {
    %c0_i32 = arith.constant 0 : i32
    %c0_i32_0 = arith.constant 0 : i32
    %c0_i32_1 = arith.constant 0 : i32
    return %c0_i32, %c0_i32_0 : i32, i32
  }
  func.func @transform_5(%arg0: i32) -> (i32, i32) {
    %c0_i32 = arith.constant 0 : i32
    %c0_i32_0 = arith.constant 0 : i32
    %c0_i32_1 = arith.constant 0 : i32
    return %c0_i32, %c0_i32_0 : i32, i32
  }
  func.func @transform_6(%arg0: i32) -> (i32, i32) {
    %c0_i32 = arith.constant 0 : i32
    %c0_i32_0 = arith.constant 0 : i32
    %c0_i32_1 = arith.constant 0 : i32
    return %c0_i32, %c0_i32_0 : i32, i32
  }
  func.func @transform_7(%arg0: i32) -> (i32, i32) {
    %c0_i32 = arith.constant 0 : i32
    %c0_i32_0 = arith.constant 0 : i32
    return %arg0, %c0_i32 : i32, i32
  }
  func.func @transform_8(%arg0: i32) -> (i32, i32, i32) {
    %c0_i32 = arith.constant 0 : i32
    %c0_i32_0 = arith.constant 0 : i32
    %c0_i32_1 = arith.constant 0 : i32
    return %c0_i32, %arg0, %c0_i32_0 : i32, i32, i32
  }
}

module attributes {stable_mosaic.version = 14 : i64} {
  func.func @_post_body(%arg0: i32, %arg1: memref<2x512x64xf32, #tpu.memory_space<vmem>>, %arg2: memref<512x1xf32, #tpu.memory_space<vmem>>, %arg3: memref<1x128xf32, #tpu.memory_space<vmem>>, %arg4: memref<512x128xf32, #tpu.memory_space<vmem>>, %arg5: memref<512x128xf32, #tpu.memory_space<vmem>>, %arg6: memref<512x128xf32, #tpu.memory_space<vmem>>, %arg7: memref<512x128xf32, #tpu.memory_space<vmem>>) attributes {dimension_semantics = [#tpu.dimension_semantics<arbitrary>], iteration_bounds = array<i64: 16>, scalar_prefetch = 0 : i64, scratch_operands = 0 : i64, tpu.core_type = #tpu.core_type<tc>, window_params = [{transform_indices = @transform_0, window_bounds = array<i64: 2, 512, 64>}, {transform_indices = @transform_1, window_bounds = array<i64: 512, 1>}, {pipeline_mode = #tpu.pipeline_mode<synchronous>, transform_indices = @transform_2, window_bounds = array<i64: 1, 128>}, {transform_indices = @transform_3, window_bounds = array<i64: 512, 128>}, {transform_indices = @transform_4, window_bounds = array<i64: 512, 128>}, {transform_indices = @transform_5, window_bounds = array<i64: 512, 128>}, {transform_indices = @transform_6, window_bounds = array<i64: 512, 128>}]} {
    %get3A = arith.constant 0 : index
    %get3A_0 = arith.constant 0 : index
    %get3A_1 = arith.constant 0 : index
    %get3A_2 = vector.load %arg1[%get3A, %get3A_0, %get3A_1] : memref<2x512x64xf32, #tpu.memory_space<vmem>>, vector<1x512x64xf32>
    %get3A_3 = vector.shape_cast %get3A_2 : vector<1x512x64xf32> to vector<512x64xf32>
    %get3A_4 = arith.constant 1 : index
    %get3A_5 = arith.constant 0 : index
    %get3A_6 = arith.constant 0 : index
    %get3A_7 = vector.load %arg1[%get3A_4, %get3A_5, %get3A_6] : memref<2x512x64xf32, #tpu.memory_space<vmem>>, vector<1x512x64xf32>
    %get3A_8 = vector.shape_cast %get3A_7 : vector<1x512x64xf32> to vector<512x64xf32>
    %concatenate3A = tpu.concatenate %get3A_3, %get3A_8 in 1 : vector<512x64xf32>, vector<512x64xf32> -> vector<512x128xf32>
    %get3A_9 = arith.constant 0 : index
    %get3A_10 = arith.constant 0 : index
    %get3A_11 = vector.load %arg2[%get3A_9, %get3A_10] : memref<512x1xf32, #tpu.memory_space<vmem>>, vector<512x1xf32>
    %gt3A = arith.constant 0.000000e+00 : f32
    %gt3A_12 = vector.broadcast %gt3A : f32 to vector<512x1xf32>
    %gt3A_13 = arith.cmpf ogt, %get3A_11, %gt3A_12 : vector<512x1xf32>
    %get3A_14 = arith.constant 0 : index
    %get3A_15 = arith.constant 0 : index
    %get3A_16 = vector.load %arg2[%get3A_14, %get3A_15] : memref<512x1xf32, #tpu.memory_space<vmem>>, vector<512x1xf32>
    %rsqrt3A = math.rsqrt %get3A_16 : vector<512x1xf32>
    %jit3A = arith.constant 0.000000e+00 : f32
    %broadcast_in_dim3A = vector.broadcast %jit3A : f32 to vector<512x1xf32>
    %select_n3A = arith.select %gt3A_13, %rsqrt3A, %broadcast_in_dim3A : vector<512x1xi1>, vector<512x1xf32>
    %mul3A = vector.broadcast %select_n3A : vector<512x1xf32> to vector<512x128xf32>
    %mul3A_17 = arith.mulf %concatenate3A, %mul3A : vector<512x128xf32>
    %get3A_18 = arith.constant 0 : index
    %get3A_19 = arith.constant 0 : index
    %get3A_20 = vector.load %arg3[%get3A_18, %get3A_19] : memref<1x128xf32, #tpu.memory_space<vmem>>, vector<1x128xf32>
    %add3A = vector.broadcast %get3A_20 : vector<1x128xf32> to vector<512x128xf32>
    %add3A_21 = arith.addf %mul3A_17, %add3A : vector<512x128xf32>
    %max3A = arith.constant 0.000000e+00 : f32
    %max3A_22 = vector.broadcast %max3A : f32 to vector<512x128xf32>
    %max3A_23 = arith.maximumf %add3A_21, %max3A_22 : vector<512x128xf32>
    %swap3A = arith.constant 0 : index
    %swap3A_24 = arith.constant 0 : index
    %swap3A_25 = vector.load %arg5[%swap3A, %swap3A_24] : memref<512x128xf32, #tpu.memory_space<vmem>>, vector<512x128xf32>
    tpu.vector_store %arg5[%swap3A, %swap3A_24], %max3A_23 {strides = array<i32>} : memref<512x128xf32, #tpu.memory_space<vmem>>, vector<512x128xf32>,
    %mul3A_26 = arith.mulf %max3A_23, %max3A_23 : vector<512x128xf32>
    %reduce_sum3A = arith.constant dense<0.000000e+00> : vector<512xf32>
    %reduce_sum3A_27 = vector.multi_reduction <add>, %mul3A_26, %reduce_sum3A [1] : vector<512x128xf32> to vector<512xf32>
    %broadcast_in_dim3A_28 = vector.shape_cast %reduce_sum3A_27 : vector<512xf32> to vector<512x1xf32>
    %sqrt3A = math.sqrt %broadcast_in_dim3A_28 : vector<512x1xf32>
    %add3A_29 = arith.constant 9.99999996E-13 : f32
    %add3A_30 = vector.broadcast %add3A_29 : f32 to vector<512x1xf32>
    %add3A_31 = arith.addf %sqrt3A, %add3A_30 : vector<512x1xf32>
    %div3A = vector.broadcast %add3A_31 : vector<512x1xf32> to vector<512x128xf32>
    %div3A_32 = arith.divf %max3A_23, %div3A : vector<512x128xf32>
    %swap3A_33 = arith.constant 0 : index
    %swap3A_34 = arith.constant 0 : index
    %swap3A_35 = vector.load %arg6[%swap3A_33, %swap3A_34] : memref<512x128xf32, #tpu.memory_space<vmem>>, vector<512x128xf32>
    tpu.vector_store %arg6[%swap3A_33, %swap3A_34], %div3A_32 {strides = array<i32>} : memref<512x128xf32, #tpu.memory_space<vmem>>, vector<512x128xf32>,
    %get3A_36 = arith.constant 0 : index
    %get3A_37 = arith.constant 0 : index
    %get3A_38 = vector.load %arg4[%get3A_36, %get3A_37] : memref<512x128xf32, #tpu.memory_space<vmem>>, vector<512x128xf32>
    %mul3A_39 = arith.mulf %get3A_38, %get3A_38 : vector<512x128xf32>
    %reduce_sum3A_40 = arith.constant dense<0.000000e+00> : vector<512xf32>
    %reduce_sum3A_41 = vector.multi_reduction <add>, %mul3A_39, %reduce_sum3A_40 [1] : vector<512x128xf32> to vector<512xf32>
    %broadcast_in_dim3A_42 = vector.shape_cast %reduce_sum3A_41 : vector<512xf32> to vector<512x1xf32>
    %sqrt3A_43 = math.sqrt %broadcast_in_dim3A_42 : vector<512x1xf32>
    %add3A_44 = arith.constant 9.99999996E-13 : f32
    %add3A_45 = vector.broadcast %add3A_44 : f32 to vector<512x1xf32>
    %add3A_46 = arith.addf %sqrt3A_43, %add3A_45 : vector<512x1xf32>
    %div3A_47 = vector.broadcast %add3A_46 : vector<512x1xf32> to vector<512x128xf32>
    %div3A_48 = arith.divf %get3A_38, %div3A_47 : vector<512x128xf32>
    %swap3A_49 = arith.constant 0 : index
    %swap3A_50 = arith.constant 0 : index
    %swap3A_51 = vector.load %arg7[%swap3A_49, %swap3A_50] : memref<512x128xf32, #tpu.memory_space<vmem>>, vector<512x128xf32>
    tpu.vector_store %arg7[%swap3A_49, %swap3A_50], %div3A_48 {strides = array<i32>} : memref<512x128xf32, #tpu.memory_space<vmem>>, vector<512x128xf32>,
    return
  }
  func.func @transform_0(%arg0: i32) -> (i32, i32, i32) {
    %c0_i32 = arith.constant 0 : i32
    %c0_i32_0 = arith.constant 0 : i32
    %c0_i32_1 = arith.constant 0 : i32
    return %c0_i32, %arg0, %c0_i32_0 : i32, i32, i32
  }
  func.func @transform_1(%arg0: i32) -> (i32, i32) {
    %c0_i32 = arith.constant 0 : i32
    %c0_i32_0 = arith.constant 0 : i32
    return %arg0, %c0_i32 : i32, i32
  }
  func.func @transform_2(%arg0: i32) -> (i32, i32) {
    %c0_i32 = arith.constant 0 : i32
    %c0_i32_0 = arith.constant 0 : i32
    %c0_i32_1 = arith.constant 0 : i32
    return %c0_i32, %c0_i32_0 : i32, i32
  }
  func.func @transform_3(%arg0: i32) -> (i32, i32) {
    %c0_i32 = arith.constant 0 : i32
    %c0_i32_0 = arith.constant 0 : i32
    return %arg0, %c0_i32 : i32, i32
  }
  func.func @transform_4(%arg0: i32) -> (i32, i32) {
    %c0_i32 = arith.constant 0 : i32
    %c0_i32_0 = arith.constant 0 : i32
    return %arg0, %c0_i32 : i32, i32
  }
  func.func @transform_5(%arg0: i32) -> (i32, i32) {
    %c0_i32 = arith.constant 0 : i32
    %c0_i32_0 = arith.constant 0 : i32
    return %arg0, %c0_i32 : i32, i32
  }
  func.func @transform_6(%arg0: i32) -> (i32, i32) {
    %c0_i32 = arith.constant 0 : i32
    %c0_i32_0 = arith.constant 0 : i32
    return %arg0, %c0_i32 : i32, i32
  }
}

module attributes {stable_mosaic.version = 14 : i64} {
  func.func @_dist_body(%arg0: i32, %arg1: i32, %arg2: memref<512x128xf32, #tpu.memory_space<vmem>>, %arg3: memref<1024x128xf32, #tpu.memory_space<vmem>>, %arg4: memref<512x1024xf32, #tpu.memory_space<vmem>>, %arg5: memref<512x1xi32, #tpu.memory_space<vmem>>, %arg6: memref<512x1xf32, #tpu.memory_space<vmem>>, %arg7: memref<512x1xi32, #tpu.memory_space<vmem>>) attributes {dimension_semantics = [#tpu.dimension_semantics<arbitrary>, #tpu.dimension_semantics<arbitrary>], iteration_bounds = array<i64: 16, 8>, scalar_prefetch = 0 : i64, scratch_operands = 2 : i64, tpu.core_type = #tpu.core_type<tc>, window_params = [{transform_indices = @transform_0, window_bounds = array<i64: 512, 128>}, {transform_indices = @transform_1, window_bounds = array<i64: 1024, 128>}, {transform_indices = @transform_2, window_bounds = array<i64: 512, 1024>}, {transform_indices = @transform_3, window_bounds = array<i64: 512, 1>}]} {
    %get3A = arith.constant 0 : index
    %get3A_0 = arith.constant 0 : index
    %get3A_1 = vector.load %arg2[%get3A, %get3A_0] : memref<512x128xf32, #tpu.memory_space<vmem>>, vector<512x128xf32>
    %get3A_2 = arith.constant 0 : index
    %get3A_3 = arith.constant 0 : index
    %get3A_4 = vector.load %arg3[%get3A_2, %get3A_3] : memref<1024x128xf32, #tpu.memory_space<vmem>>, vector<1024x128xf32>
    %dot_general3A = arith.constant dense<0.000000e+00> : vector<512x1024xf32>
    %dot_general3A_5 = tpu.matmul %get3A_1, %get3A_4, %dot_general3A {dimension_numbers = #tpu.dot_dimension_numbers<[1], [1], [0], [0], [0, 0, 1, 0], [], []>, transpose_lhs_hint = false} : vector<512x128xf32>, vector<1024x128xf32>, vector<512x1024xf32> -> vector<512x1024xf32>
    %swap3A = arith.constant 0 : index
    %swap3A_6 = arith.constant 0 : index
    %swap3A_7 = vector.load %arg4[%swap3A, %swap3A_6] : memref<512x1024xf32, #tpu.memory_space<vmem>>, vector<512x1024xf32>
    tpu.vector_store %arg4[%swap3A, %swap3A_6], %dot_general3A_5 {strides = array<i32>} : memref<512x1024xf32, #tpu.memory_space<vmem>>, vector<512x1024xf32>,
    %reduce_max3A = arith.constant dense<0xFF800000> : vector<512xf32>
    %reduce_max3A_8 = vector.multi_reduction <maximumf>, %dot_general3A_5, %reduce_max3A [1] : vector<512x1024xf32> to vector<512xf32>
    %broadcast_in_dim3A = vector.shape_cast %reduce_max3A_8 : vector<512xf32> to vector<512x1xf32>
    %iota3A = tpu.iota {dimensions = array<i32: 1>} : vector<512x1024xi32>
    %mul3A = arith.constant 1024 : i32
    %mul3A_9 = arith.muli %arg1, %mul3A : i32
    %add3A = vector.broadcast %mul3A_9 : i32 to vector<512x1024xi32>
    %add3A_10 = arith.addi %iota3A, %add3A : vector<512x1024xi32>
    %eq3A = vector.broadcast %broadcast_in_dim3A : vector<512x1xf32> to vector<512x1024xf32>
    %eq3A_11 = arith.cmpf oeq, %dot_general3A_5, %eq3A : vector<512x1024xf32>
    %jit3A = arith.constant 8192 : i32
    %broadcast_in_dim3A_12 = vector.broadcast %jit3A : i32 to vector<512x1024xi32>
    %select_n3A = arith.select %eq3A_11, %add3A_10, %broadcast_in_dim3A_12 : vector<512x1024xi1>, vector<512x1024xi32>
    %reduce_min3A = arith.constant dense<2147483647> : vector<512xi32>
    %reduce_min3A_13 = vector.multi_reduction <minsi>, %select_n3A, %reduce_min3A [1] : vector<512x1024xi32> to vector<512xi32>
    %broadcast_in_dim3A_14 = vector.shape_cast %reduce_min3A_13 : vector<512xi32> to vector<512x1xi32>
    %eq3A_15 = arith.constant 0 : i32
    %eq3A_16 = arith.cmpi eq, %arg1, %eq3A_15 : i32
    %convert_element_type3A = arith.extui %eq3A_16 : i1 to i32
    %cond3A = arith.constant 0 : i32
    %cond3A_17 = arith.cmpi ne, %convert_element_type3A, %cond3A : i32
    scf.if %cond3A_17 {
      %swap3A_27 = arith.constant 0 : index
      %swap3A_28 = arith.constant 0 : index
      %swap3A_29 = vector.load %arg6[%swap3A_27, %swap3A_28] : memref<512x1xf32, #tpu.memory_space<vmem>>, vector<512x1xf32>
      tpu.vector_store %arg6[%swap3A_27, %swap3A_28], %broadcast_in_dim3A {strides = array<i32>} : memref<512x1xf32, #tpu.memory_space<vmem>>, vector<512x1xf32>,
      %swap3A_30 = arith.constant 0 : index
      %swap3A_31 = arith.constant 0 : index
      %swap3A_32 = vector.load %arg7[%swap3A_30, %swap3A_31] : memref<512x1xi32, #tpu.memory_space<vmem>>, vector<512x1xi32>
      tpu.vector_store %arg7[%swap3A_30, %swap3A_31], %broadcast_in_dim3A_14 {strides = array<i32>} : memref<512x1xi32, #tpu.memory_space<vmem>>, vector<512x1xi32>,
    } else {
    }
    %gt3A = arith.constant 0 : i32
    %gt3A_18 = arith.cmpi sgt, %arg1, %gt3A : i32
    %convert_element_type3A_19 = arith.extui %gt3A_18 : i1 to i32
    %cond3A_20 = arith.constant 0 : i32
    %cond3A_21 = arith.cmpi ne, %convert_element_type3A_19, %cond3A_20 : i32
    scf.if %cond3A_21 {
      %get3A_27 = arith.constant 0 : index
      %get3A_28 = arith.constant 0 : index
      %get3A_29 = vector.load %arg6[%get3A_27, %get3A_28] : memref<512x1xf32, #tpu.memory_space<vmem>>, vector<512x1xf32>
      %gt3A_30 = arith.cmpf ogt, %broadcast_in_dim3A, %get3A_29 : vector<512x1xf32>
      %get3A_31 = arith.constant 0 : index
      %get3A_32 = arith.constant 0 : index
      %get3A_33 = vector.load %arg6[%get3A_31, %get3A_32] : memref<512x1xf32, #tpu.memory_space<vmem>>, vector<512x1xf32>
      %select_n3A_34 = arith.select %gt3A_30, %broadcast_in_dim3A, %get3A_33 : vector<512x1xi1>, vector<512x1xf32>
      %swap3A_35 = arith.constant 0 : index
      %swap3A_36 = arith.constant 0 : index
      %swap3A_37 = vector.load %arg6[%swap3A_35, %swap3A_36] : memref<512x1xf32, #tpu.memory_space<vmem>>, vector<512x1xf32>
      tpu.vector_store %arg6[%swap3A_35, %swap3A_36], %select_n3A_34 {strides = array<i32>} : memref<512x1xf32, #tpu.memory_space<vmem>>, vector<512x1xf32>,
      %get3A_38 = arith.constant 0 : index
      %get3A_39 = arith.constant 0 : index
      %get3A_40 = vector.load %arg7[%get3A_38, %get3A_39] : memref<512x1xi32, #tpu.memory_space<vmem>>, vector<512x1xi32>
      %select_n3A_41 = arith.select %gt3A_30, %broadcast_in_dim3A_14, %get3A_40 : vector<512x1xi1>, vector<512x1xi32>
      %swap3A_42 = arith.constant 0 : index
      %swap3A_43 = arith.constant 0 : index
      %swap3A_44 = vector.load %arg7[%swap3A_42, %swap3A_43] : memref<512x1xi32, #tpu.memory_space<vmem>>, vector<512x1xi32>
      tpu.vector_store %arg7[%swap3A_42, %swap3A_43], %select_n3A_41 {strides = array<i32>} : memref<512x1xi32, #tpu.memory_space<vmem>>, vector<512x1xi32>,
    } else {
    }
    %eq3A_22 = arith.constant 7 : i32
    %eq3A_23 = arith.cmpi eq, %arg1, %eq3A_22 : i32
    %convert_element_type3A_24 = arith.extui %eq3A_23 : i1 to i32
    %cond3A_25 = arith.constant 0 : i32
    %cond3A_26 = arith.cmpi ne, %convert_element_type3A_24, %cond3A_25 : i32
    scf.if %cond3A_26 {
      %get3A_27 = arith.constant 0 : index
      %get3A_28 = arith.constant 0 : index
      %get3A_29 = vector.load %arg7[%get3A_27, %get3A_28] : memref<512x1xi32, #tpu.memory_space<vmem>>, vector<512x1xi32>
      %swap3A_30 = arith.constant 0 : index
      %swap3A_31 = arith.constant 0 : index
      %swap3A_32 = vector.load %arg5[%swap3A_30, %swap3A_31] : memref<512x1xi32, #tpu.memory_space<vmem>>, vector<512x1xi32>
      tpu.vector_store %arg5[%swap3A_30, %swap3A_31], %get3A_29 {strides = array<i32>} : memref<512x1xi32, #tpu.memory_space<vmem>>, vector<512x1xi32>,
    } else {
    }
    return
  }
  func.func @transform_0(%arg0: i32, %arg1: i32) -> (i32, i32) {
    %c0_i32 = arith.constant 0 : i32
    %c0_i32_0 = arith.constant 0 : i32
    return %arg0, %c0_i32 : i32, i32
  }
  func.func @transform_1(%arg0: i32, %arg1: i32) -> (i32, i32) {
    %c0_i32 = arith.constant 0 : i32
    %c0_i32_0 = arith.constant 0 : i32
    return %arg1, %c0_i32 : i32, i32
  }
  func.func @transform_2(%arg0: i32, %arg1: i32) -> (i32, i32) {
    %c0_i32 = arith.constant 0 : i32
    return %arg0, %arg1 : i32, i32
  }
  func.func @transform_3(%arg0: i32, %arg1: i32) -> (i32, i32) {
    %c0_i32 = arith.constant 0 : i32
    %c0_i32_0 = arith.constant 0 : i32
    return %arg0, %c0_i32 : i32, i32
  }
}

module attributes {stable_mosaic.version = 14 : i64} {
  func.func @_dec_body(%arg0: i32, %arg1: memref<512x128xf32, #tpu.memory_space<vmem>>, %arg2: memref<512x128xf32, #tpu.memory_space<vmem>>, %arg3: memref<128x128xf32, #tpu.memory_space<vmem>>, %arg4: memref<1x128xf32, #tpu.memory_space<vmem>>, %arg5: memref<512x128xf32, #tpu.memory_space<vmem>>, %arg6: memref<1x128xf32, #tpu.memory_space<vmem>>, %arg7: memref<1x128xf32, #tpu.memory_space<vmem>>) attributes {dimension_semantics = [#tpu.dimension_semantics<arbitrary>], iteration_bounds = array<i64: 16>, scalar_prefetch = 0 : i64, scratch_operands = 1 : i64, tpu.core_type = #tpu.core_type<tc>, window_params = [{transform_indices = @transform_0, window_bounds = array<i64: 512, 128>}, {transform_indices = @transform_1, window_bounds = array<i64: 512, 128>}, {pipeline_mode = #tpu.pipeline_mode<synchronous>, transform_indices = @transform_2, window_bounds = array<i64: 128, 128>}, {pipeline_mode = #tpu.pipeline_mode<synchronous>, transform_indices = @transform_3, window_bounds = array<i64: 1, 128>}, {transform_indices = @transform_4, window_bounds = array<i64: 512, 128>}, {pipeline_mode = #tpu.pipeline_mode<synchronous>, transform_indices = @transform_5, window_bounds = array<i64: 1, 128>}]} {
    %get3A = arith.constant 0 : index
    %get3A_0 = arith.constant 0 : index
    %get3A_1 = vector.load %arg1[%get3A, %get3A_0] : memref<512x128xf32, #tpu.memory_space<vmem>>, vector<512x128xf32>
    %get3A_2 = arith.constant 0 : index
    %get3A_3 = arith.constant 0 : index
    %get3A_4 = vector.load %arg3[%get3A_2, %get3A_3] : memref<128x128xf32, #tpu.memory_space<vmem>>, vector<128x128xf32>
    %dot_general3A = arith.constant dense<0.000000e+00> : vector<512x128xf32>
    %dot_general3A_5 = tpu.matmul %get3A_1, %get3A_4, %dot_general3A {dimension_numbers = #tpu.dot_dimension_numbers<[1], [1], [0], [0], [0, 0, 1, 0], [], []>, transpose_lhs_hint = false} : vector<512x128xf32>, vector<128x128xf32>, vector<512x128xf32> -> vector<512x128xf32>
    %get3A_6 = arith.constant 0 : index
    %get3A_7 = arith.constant 0 : index
    %get3A_8 = vector.load %arg4[%get3A_6, %get3A_7] : memref<1x128xf32, #tpu.memory_space<vmem>>, vector<1x128xf32>
    %add3A = vector.broadcast %get3A_8 : vector<1x128xf32> to vector<512x128xf32>
    %add3A_9 = arith.addf %dot_general3A_5, %add3A : vector<512x128xf32>
    %swap3A = arith.constant 0 : index
    %swap3A_10 = arith.constant 0 : index
    %swap3A_11 = vector.load %arg5[%swap3A, %swap3A_10] : memref<512x128xf32, #tpu.memory_space<vmem>>, vector<512x128xf32>
    tpu.vector_store %arg5[%swap3A, %swap3A_10], %add3A_9 {strides = array<i32>} : memref<512x128xf32, #tpu.memory_space<vmem>>, vector<512x128xf32>,
    %get3A_12 = arith.constant 0 : index
    %get3A_13 = arith.constant 0 : index
    %get3A_14 = vector.load %arg1[%get3A_12, %get3A_13] : memref<512x128xf32, #tpu.memory_space<vmem>>, vector<512x128xf32>
    %get3A_15 = arith.constant 0 : index
    %get3A_16 = arith.constant 0 : index
    %get3A_17 = vector.load %arg2[%get3A_15, %get3A_16] : memref<512x128xf32, #tpu.memory_space<vmem>>, vector<512x128xf32>
    %sub3A = arith.subf %get3A_14, %get3A_17 : vector<512x128xf32>
    %mul3A = arith.mulf %sub3A, %sub3A : vector<512x128xf32>
    %reduce_sum3A = arith.constant dense<0.000000e+00> : vector<128xf32>
    %reduce_sum3A_18 = vector.multi_reduction <add>, %mul3A, %reduce_sum3A [0] : vector<512x128xf32> to vector<128xf32>
    %broadcast_in_dim3A = vector.shape_cast %reduce_sum3A_18 : vector<128xf32> to vector<1x128xf32>
    %eq3A = arith.constant 0 : i32
    %eq3A_19 = arith.cmpi eq, %arg0, %eq3A : i32
    %convert_element_type3A = arith.extui %eq3A_19 : i1 to i32
    %cond3A = arith.constant 0 : i32
    %cond3A_20 = arith.cmpi ne, %convert_element_type3A, %cond3A : i32
    scf.if %cond3A_20 {
      %swap3A_30 = arith.constant 0 : index
      %swap3A_31 = arith.constant 0 : index
      %swap3A_32 = vector.load %arg7[%swap3A_30, %swap3A_31] : memref<1x128xf32, #tpu.memory_space<vmem>>, vector<1x128xf32>
      tpu.vector_store %arg7[%swap3A_30, %swap3A_31], %broadcast_in_dim3A {strides = array<i32>} : memref<1x128xf32, #tpu.memory_space<vmem>>, vector<1x128xf32>,
    } else {
    }
    %gt3A = arith.constant 0 : i32
    %gt3A_21 = arith.cmpi sgt, %arg0, %gt3A : i32
    %convert_element_type3A_22 = arith.extui %gt3A_21 : i1 to i32
    %cond3A_23 = arith.constant 0 : i32
    %cond3A_24 = arith.cmpi ne, %convert_element_type3A_22, %cond3A_23 : i32
    scf.if %cond3A_24 {
      %get3A_30 = arith.constant 0 : index
      %get3A_31 = arith.constant 0 : index
      %get3A_32 = vector.load %arg7[%get3A_30, %get3A_31] : memref<1x128xf32, #tpu.memory_space<vmem>>, vector<1x128xf32>
      %add3A_33 = arith.addf %get3A_32, %broadcast_in_dim3A : vector<1x128xf32>
      %swap3A_34 = arith.constant 0 : index
      %swap3A_35 = arith.constant 0 : index
      %swap3A_36 = vector.load %arg7[%swap3A_34, %swap3A_35] : memref<1x128xf32, #tpu.memory_space<vmem>>, vector<1x128xf32>
      tpu.vector_store %arg7[%swap3A_34, %swap3A_35], %add3A_33 {strides = array<i32>} : memref<1x128xf32, #tpu.memory_space<vmem>>, vector<1x128xf32>,
    } else {
    }
    %eq3A_25 = arith.constant 15 : i32
    %eq3A_26 = arith.cmpi eq, %arg0, %eq3A_25 : i32
    %convert_element_type3A_27 = arith.extui %eq3A_26 : i1 to i32
    %cond3A_28 = arith.constant 0 : i32
    %cond3A_29 = arith.cmpi ne, %convert_element_type3A_27, %cond3A_28 : i32
    scf.if %cond3A_29 {
      %get3A_30 = arith.constant 0 : index
      %get3A_31 = arith.constant 0 : index
      %get3A_32 = vector.load %arg7[%get3A_30, %get3A_31] : memref<1x128xf32, #tpu.memory_space<vmem>>, vector<1x128xf32>
      %swap3A_33 = arith.constant 0 : index
      %swap3A_34 = arith.constant 0 : index
      %swap3A_35 = vector.load %arg6[%swap3A_33, %swap3A_34] : memref<1x128xf32, #tpu.memory_space<vmem>>, vector<1x128xf32>
      tpu.vector_store %arg6[%swap3A_33, %swap3A_34], %get3A_32 {strides = array<i32>} : memref<1x128xf32, #tpu.memory_space<vmem>>, vector<1x128xf32>,
    } else {
    }
    return
  }
  func.func @transform_0(%arg0: i32) -> (i32, i32) {
    %c0_i32 = arith.constant 0 : i32
    %c0_i32_0 = arith.constant 0 : i32
    return %arg0, %c0_i32 : i32, i32
  }
  func.func @transform_1(%arg0: i32) -> (i32, i32) {
    %c0_i32 = arith.constant 0 : i32
    %c0_i32_0 = arith.constant 0 : i32
    return %arg0, %c0_i32 : i32, i32
  }
  func.func @transform_2(%arg0: i32) -> (i32, i32) {
    %c0_i32 = arith.constant 0 : i32
    %c0_i32_0 = arith.constant 0 : i32
    %c0_i32_1 = arith.constant 0 : i32
    return %c0_i32, %c0_i32_0 : i32, i32
  }
  func.func @transform_3(%arg0: i32) -> (i32, i32) {
    %c0_i32 = arith.constant 0 : i32
    %c0_i32_0 = arith.constant 0 : i32
    %c0_i32_1 = arith.constant 0 : i32
    return %c0_i32, %c0_i32_0 : i32, i32
  }
  func.func @transform_4(%arg0: i32) -> (i32, i32) {
    %c0_i32 = arith.constant 0 : i32
    %c0_i32_0 = arith.constant 0 : i32
    return %arg0, %c0_i32 : i32, i32
  }
  func.func @transform_5(%arg0: i32) -> (i32, i32) {
    %c0_i32 = arith.constant 0 : i32
    %c0_i32_0 = arith.constant 0 : i32
    %c0_i32_1 = arith.constant 0 : i32
    return %c0_i32, %c0_i32_0 : i32, i32
  }
}

module attributes {stable_mosaic.version = 14 : i64} {
  func.func @_loss_body(%arg0: i32, %arg1: memref<1x512x128xf32, #tpu.memory_space<vmem>>, %arg2: memref<1x512x512xf32, #tpu.memory_space<vmem>>, %arg3: memref<1x1x128xf32, #tpu.memory_space<vmem>>) attributes {dimension_semantics = [#tpu.dimension_semantics<arbitrary>], iteration_bounds = array<i64: 16>, scalar_prefetch = 0 : i64, scratch_operands = 0 : i64, tpu.core_type = #tpu.core_type<tc>, window_params = [{transform_indices = @transform_0, window_bounds = array<i64: 1, 512, 128>}, {transform_indices = @transform_1, window_bounds = array<i64: 1, 512, 512>}, {transform_indices = @transform_2, window_bounds = array<i64: 1, 1, 128>}]} {
    %get3A = arith.constant 0 : index
    %get3A_0 = arith.constant 0 : index
    %get3A_1 = arith.constant 0 : index
    %get3A_2 = vector.load %arg1[%get3A, %get3A_0, %get3A_1] : memref<1x512x128xf32, #tpu.memory_space<vmem>>, vector<1x512x128xf32>
    %get3A_3 = vector.shape_cast %get3A_2 : vector<1x512x128xf32> to vector<512x128xf32>
    %dot_general3A = arith.constant dense<0.000000e+00> : vector<512x512xf32>
    %dot_general3A_4 = tpu.matmul %get3A_3, %get3A_3, %dot_general3A {dimension_numbers = #tpu.dot_dimension_numbers<[1], [1], [0], [0], [0, 0, 1, 0], [], []>, transpose_lhs_hint = false} : vector<512x128xf32>, vector<512x128xf32>, vector<512x512xf32> -> vector<512x512xf32>
    %get3A_5 = arith.constant 0 : index
    %get3A_6 = arith.constant 0 : index
    %get3A_7 = arith.constant 0 : index
    %get3A_8 = vector.load %arg2[%get3A_5, %get3A_6, %get3A_7] : memref<1x512x512xf32, #tpu.memory_space<vmem>>, vector<1x512x512xf32>
    %get3A_9 = vector.shape_cast %get3A_8 : vector<1x512x512xf32> to vector<512x512xf32>
    %min3A = arith.constant 1.000000e+00 : f32
    %min3A_10 = vector.broadcast %min3A : f32 to vector<512x512xf32>
    %min3A_11 = arith.minimumf %get3A_9, %min3A_10 : vector<512x512xf32>
    %iota3A = tpu.iota {dimensions = array<i32: 0>} : vector<512x512xi32>
    %iota3A_12 = tpu.iota {dimensions = array<i32: 1>} : vector<512x512xi32>
    %lt3A = arith.cmpi slt, %iota3A, %iota3A_12 : vector<512x512xi32>
    %convert_element_type3A = arith.extui %lt3A : vector<512x512xi1> to vector<512x512xi32>
    %convert_element_type3A_13 = arith.sitofp %convert_element_type3A : vector<512x512xi32> to vector<512x512xf32>
    %sub3A = arith.constant 1.000000e+00 : f32
    %sub3A_14 = vector.broadcast %sub3A : f32 to vector<512x512xf32>
    %sub3A_15 = arith.subf %sub3A_14, %min3A_11 : vector<512x512xf32>
    %mul3A = arith.mulf %convert_element_type3A_13, %sub3A_15 : vector<512x512xf32>
    %max3A = arith.constant 0.000000e+00 : f32
    %max3A_16 = vector.broadcast %max3A : f32 to vector<512x512xf32>
    %max3A_17 = arith.maximumf %dot_general3A_4, %max3A_16 : vector<512x512xf32>
    %abs3A = math.absf %dot_general3A_4 : vector<512x512xf32>
    %neg3A = arith.constant 0.000000e+00 : f32
    %neg3A_18 = vector.broadcast %neg3A : f32 to vector<512x512xf32>
    %neg3A_19 = arith.subf %neg3A_18, %abs3A : vector<512x512xf32>
    %exp3A = math.exp %neg3A_19 : vector<512x512xf32>
    %log1p3A = math.log1p %exp3A : vector<512x512xf32>
    %add3A = arith.addf %max3A_17, %log1p3A : vector<512x512xf32>
    %mul3A_20 = arith.mulf %mul3A, %add3A : vector<512x512xf32>
    %reduce_sum3A = vector.shape_cast %mul3A_20 : vector<512x512xf32> to vector<1x512x512xf32>
    %reduce_sum3A_21 = arith.constant dense<0.000000e+00> : vector<1xf32>
    %reduce_sum3A_22 = vector.multi_reduction <add>, %reduce_sum3A, %reduce_sum3A_21 [1, 2] : vector<1x512x512xf32> to vector<1xf32>
    %reduce_sum3A_23 = vector.shape_cast %reduce_sum3A_22 : vector<1xf32> to vector<1x1x1xf32>
    %reduce_sum3A_24 = vector.extract %reduce_sum3A_23[0, 0, 0] : f32 from vector<1x1x1xf32>
    %mul3A_25 = arith.mulf %convert_element_type3A_13, %min3A_11 : vector<512x512xf32>
    %neg3A_26 = arith.constant 0.000000e+00 : f32
    %neg3A_27 = vector.broadcast %neg3A_26 : f32 to vector<512x512xf32>
    %neg3A_28 = arith.subf %neg3A_27, %dot_general3A_4 : vector<512x512xf32>
    %max3A_29 = arith.constant 0.000000e+00 : f32
    %max3A_30 = vector.broadcast %max3A_29 : f32 to vector<512x512xf32>
    %max3A_31 = arith.maximumf %neg3A_28, %max3A_30 : vector<512x512xf32>
    %abs3A_32 = math.absf %neg3A_28 : vector<512x512xf32>
    %neg3A_33 = arith.constant 0.000000e+00 : f32
    %neg3A_34 = vector.broadcast %neg3A_33 : f32 to vector<512x512xf32>
    %neg3A_35 = arith.subf %neg3A_34, %abs3A_32 : vector<512x512xf32>
    %exp3A_36 = math.exp %neg3A_35 : vector<512x512xf32>
    %log1p3A_37 = math.log1p %exp3A_36 : vector<512x512xf32>
    %add3A_38 = arith.addf %max3A_31, %log1p3A_37 : vector<512x512xf32>
    %mul3A_39 = arith.mulf %mul3A_25, %add3A_38 : vector<512x512xf32>
    %reduce_sum3A_40 = vector.shape_cast %mul3A_39 : vector<512x512xf32> to vector<1x512x512xf32>
    %reduce_sum3A_41 = arith.constant dense<0.000000e+00> : vector<1xf32>
    %reduce_sum3A_42 = vector.multi_reduction <add>, %reduce_sum3A_40, %reduce_sum3A_41 [1, 2] : vector<1x512x512xf32> to vector<1xf32>
    %reduce_sum3A_43 = vector.shape_cast %reduce_sum3A_42 : vector<1xf32> to vector<1x1x1xf32>
    %reduce_sum3A_44 = vector.extract %reduce_sum3A_43[0, 0, 0] : f32 from vector<1x1x1xf32>
    %mul3A_45 = arith.mulf %convert_element_type3A_13, %min3A_11 : vector<512x512xf32>
    %reduce_sum3A_46 = vector.shape_cast %mul3A_45 : vector<512x512xf32> to vector<1x512x512xf32>
    %reduce_sum3A_47 = arith.constant dense<0.000000e+00> : vector<1xf32>
    %reduce_sum3A_48 = vector.multi_reduction <add>, %reduce_sum3A_46, %reduce_sum3A_47 [1, 2] : vector<1x512x512xf32> to vector<1xf32>
    %reduce_sum3A_49 = vector.shape_cast %reduce_sum3A_48 : vector<1xf32> to vector<1x1x1xf32>
    %reduce_sum3A_50 = vector.extract %reduce_sum3A_49[0, 0, 0] : f32 from vector<1x1x1xf32>
    %iota3A_51 = tpu.iota {dimensions = array<i32: 2>} : vector<1x1x128xi32>
    %eq3A = arith.constant 0 : i32
    %eq3A_52 = vector.broadcast %eq3A : i32 to vector<1x1x128xi32>
    %eq3A_53 = arith.cmpi eq, %iota3A_51, %eq3A_52 : vector<1x1x128xi32>
    %jit3A = arith.constant 0.000000e+00 : f32
    %broadcast_in_dim3A = vector.broadcast %reduce_sum3A_24 : f32 to vector<1x1x128xf32>
    %broadcast_in_dim3A_54 = vector.broadcast %jit3A : f32 to vector<1x1x128xf32>
    %select_n3A = arith.select %eq3A_53, %broadcast_in_dim3A, %broadcast_in_dim3A_54 : vector<1x1x128xi1>, vector<1x1x128xf32>
    %eq3A_55 = arith.constant 1 : i32
    %eq3A_56 = vector.broadcast %eq3A_55 : i32 to vector<1x1x128xi32>
    %eq3A_57 = arith.cmpi eq, %iota3A_51, %eq3A_56 : vector<1x1x128xi32>
    %jit3A_58 = arith.constant 0.000000e+00 : f32
    %broadcast_in_dim3A_59 = vector.broadcast %reduce_sum3A_44 : f32 to vector<1x1x128xf32>
    %broadcast_in_dim3A_60 = vector.broadcast %jit3A_58 : f32 to vector<1x1x128xf32>
    %select_n3A_61 = arith.select %eq3A_57, %broadcast_in_dim3A_59, %broadcast_in_dim3A_60 : vector<1x1x128xi1>, vector<1x1x128xf32>
    %add3A_62 = arith.addf %select_n3A, %select_n3A_61 : vector<1x1x128xf32>
    %eq3A_63 = arith.constant 2 : i32
    %eq3A_64 = vector.broadcast %eq3A_63 : i32 to vector<1x1x128xi32>
    %eq3A_65 = arith.cmpi eq, %iota3A_51, %eq3A_64 : vector<1x1x128xi32>
    %jit3A_66 = arith.constant 0.000000e+00 : f32
    %broadcast_in_dim3A_67 = vector.broadcast %reduce_sum3A_50 : f32 to vector<1x1x128xf32>
    %broadcast_in_dim3A_68 = vector.broadcast %jit3A_66 : f32 to vector<1x1x128xf32>
    %select_n3A_69 = arith.select %eq3A_65, %broadcast_in_dim3A_67, %broadcast_in_dim3A_68 : vector<1x1x128xi1>, vector<1x1x128xf32>
    %add3A_70 = arith.addf %add3A_62, %select_n3A_69 : vector<1x1x128xf32>
    %swap3A = arith.constant 0 : index
    %swap3A_71 = arith.constant 0 : index
    %swap3A_72 = arith.constant 0 : index
    %swap3A_73 = vector.load %arg3[%swap3A, %swap3A_71, %swap3A_72] : memref<1x1x128xf32, #tpu.memory_space<vmem>>, vector<1x1x128xf32>
    tpu.vector_store %arg3[%swap3A, %swap3A_71, %swap3A_72], %add3A_70 {strides = array<i32>} : memref<1x1x128xf32, #tpu.memory_space<vmem>>, vector<1x1x128xf32>,
    return
  }
  func.func @transform_0(%arg0: i32) -> (i32, i32, i32) {
    %c0_i32 = arith.constant 0 : i32
    %c0_i32_0 = arith.constant 0 : i32
    %c0_i32_1 = arith.constant 0 : i32
    return %arg0, %c0_i32, %c0_i32_0 : i32, i32, i32
  }
  func.func @transform_1(%arg0: i32) -> (i32, i32, i32) {
    %c0_i32 = arith.constant 0 : i32
    %c0_i32_0 = arith.constant 0 : i32
    %c0_i32_1 = arith.constant 0 : i32
    return %arg0, %c0_i32, %c0_i32_0 : i32, i32, i32
  }
  func.func @transform_2(%arg0: i32) -> (i32, i32, i32) {
    %c0_i32 = arith.constant 0 : i32
    %c0_i32_0 = arith.constant 0 : i32
    %c0_i32_1 = arith.constant 0 : i32
    return %arg0, %c0_i32, %c0_i32_0 : i32, i32, i32
  }
}

</mosaic_0001>

<sc_bundles>
// kernel: kernel.14.cloned.1.call-start
scs
__scs_entry_jumppad:
0x0: {  	(pc) =	sbr.rel $0x88, $3  }
0x1: {  	(tag) =	ssettag $0x0;
	lr =	simm.s32 $0x1  }
0x2: {  	[smem:$0x3F96] =	sst lr;
	_ =	strace $0xD0000000  }
0x3: {  	_ = 	snop  }
0x4: {  	_ = 	snop  }
0x5: {  	_ = 	snop  }
0x6: {  	_ = 	snop  }
0x7: {  	_ = 	snop  }
__scs_overlays_trampoline_lowered:
0x8: {  	[smem:$0x3FA5] =	sst s0  }
0x9: {  	[smem:$0x3FA6] =	sst s1  }
0xa: {  	[smem:$0x3FA7] =	sst s2  }
0xb: {  	[smem:$0x3FA8] =	sst s3  }
0xc: {  	[smem:$0x3FA9] =	sst s4  }
0xd: {  	[smem:$0x3FAA] =	sst s5  }
0xe: {  	[smem:$0x3FAB] =	sst s6  }
0xf: {  	[smem:$0x3FAC] =	sst s7  }
0x10: {  	[smem:$0x3FAD] =	sst s8  }
0x11: {  	[smem:$0x3FAE] =	sst s9;
	s0 =	simm.s32 @!p0 $0x0  }
0x12: {  	s1 =	sld [smem:$0x3F94];
	s0 =	simm.s32 @p0 $0x1  }
0x13: {  	[smem:$0x3FAF] =	sst s0;
	s0 =	simm.s32 @!p1 $0x0  }
0x14: {  	s2 =	sld [smem:$0x3F93];
	s0 =	simm.s32 @p1 $0x1  }
0x15: {  	[smem:$0x3FB0] =	sst s0;
	s0 =	simm.s32 @!p2 $0x0  }
0x16: {  	s3 =	sld [smem:$0x3FDB];
	s0 =	simm.s32 @p2 $0x1  }
0x17: {  	s4 =	simm.s32 $0x1BF5;
	[smem:$0x3FB2] =	sst s0  }
0x18: {  	s0 =	sld [smem:$0x3F95];
	_ =	swait.ge [sflag:s4], $0x0  }
0x19: {  	s7 =	sld [smem:$0x3F96]  }
0x1a: {  	s8 =	sadd.s32 $0xFFFFE003, lr  }
0x1b: {  	s9 =	sadd.s32 $0xFFFFFEF7, lr;
	s5 =	simm.s32 $0xFFFFFFFF;
	p2 =	slt.u32 s8, $0xFFFFF086  }
0x1c: {  	p1 =	slt.u32 s9, $0xF7A;
	s5 =	simm.s32 @!p2 $0x0  }
0x1d: {  	s5 =	simm.s32 @p1 $0x1;
	p0 =	seq.s32 s7, s2  }
0x1e: {  	s7 =	smul.u32 @!p0 $0xF7A, s2;
	p2 =	seq.s32 @!p0 s5, $0x0  }
0x1f: {  	s9 =	smul.u32 $0xF7A, s1;
	s8 =	simm.s32 @!p0 $0x1BF5;
	p2 =	por !p2, p0  }
0x20: {  	[sflag:s8] =	ssyncset.s32 @!p0 $0xFFFFF086;
	s6 =	sadd.s32 @!p0 s3, s7;
	s7 =	simm.s32 @!p0 $0x108  }
0x21: {  	s3 =	sadd.s32 s3, s9;
	s6 =	sadd.s32 @!p0 $0x88, s6;
	s7 =	simm.s32 @p2 $0x1082  }
0x22: {  	[simem:s7], [sflag:s8] =	dma.local @!p0 [hbm:s6], $0xF7A  }
0x23: {  	s9 =	sor.u32 $0xD0000000, s2;
	s6 =	simm.s32 $0x108;
	_ =	swait.ge @!p0 [sflag:s8], $0x0  }
0x24: {  	s3 =	sadd.s32 $0x88, s3;
	s6 =	simm.s32 @!p1 $0x1082;
	[sflag:s4] =	ssyncset.s32 $0xFFFFF086  }
0x25: {  	[simem:s6], [sflag:s4] =	dma.local [hbm:s3], $0xF7A  }
0x26: {  	[smem:$0x3F96] =	sst s1;
	(tag) =	ssettag s2;
	_ =	strace s9  }
0x27: {  	s1 =	sld [smem:$0x3FA6]  }
0x28: {  	s2 =	sld [smem:$0x3FA7]  }
0x29: {  	s4 =	sld [smem:$0x3FA9]  }
0x2a: {  	p0 =	seq.s32 s5, $0x0;
	s5 =	sld [smem:$0x3FAA]  }
0x2b: {  	s6 =	sld [smem:$0x3FAB]  }
0x2c: {  	s7 =	sld [smem:$0x3FAC]  }
0x2d: {  	s3 =	simm.s32 $0x108;
	s8 =	sld [smem:$0x3FAD]  }
0x2e: {  	s3 =	simm.s32 @!p0 $0x1082;
	s9 =	sld [smem:$0x3FAE]  }
0x2f: {  	lr =	sadd.s32 s0, s3;
	s0 =	sld [smem:$0x3FA5]  }
0x30: {  	s3 =	sld [smem:$0x3FA8]  }
0x31: {  	[smem:$0x3FB1] =	sst s10  }
0x32: {  	s10 =	sld [smem:$0x3FAF];
	_ =	sdelay $0x3  }
0x33: {  	p0 =	seq.s32 s10, $0x1;
	s10 =	sld [smem:$0x3FB1];
	_ =	sdelay $0x3  }
0x34: {  	[smem:$0x3FB1] =	sst s10  }
0x35: {  	s10 =	sld [smem:$0x3FB0];
	_ =	sdelay $0x3  }
0x36: {  	p1 =	seq.s32 s10, $0x1;
	s10 =	sld [smem:$0x3FB1];
	_ =	sdelay $0x3  }
0x37: {  	[smem:$0x3FB1] =	sst s10  }
0x38: {  	s10 =	sld [smem:$0x3FB2]  }
0x39: {  	_ = 	snop;
	(pc) =	sbr.ind lr, $3  }
0x3a: {  	_ = 	snop  }
0x3b: {  	_ = 	snop  }
0x3c: {  	p2 =	seq.s32 s10, $0x1;
	s10 =	sld [smem:$0x3FB1]  }
0x3d: {  	_ =	shalt  }
0x3e: {  	_ =	shalt  }
0x3f: {  	_ =	shalt  }
0x40: {  	_ =	shalt  }
0x41: {  	_ =	shalt  }
0x42: {  	_ =	shalt  }
0x43: {  	_ =	shalt  }
0x44: {  	_ =	shalt  }
0x45: {  	_ =	shalt  }
0x46: {  	_ =	shalt  }
0x47: {  	_ =	shalt  }
0x48: {  	_ =	shalt  }
0x49: {  	_ =	shalt  }
0x4a: {  	_ =	shalt  }
0x4b: {  	_ =	shalt  }
0x4c: {  	_ =	shalt  }
0x4d: {  	_ =	shalt  }
0x4e: {  	_ =	shalt  }
0x4f: {  	_ =	shalt  }
0x50: {  	_ =	shalt  }
0x51: {  	_ =	shalt  }
0x52: {  	_ =	shalt  }
0x53: {  	_ =	shalt  }
0x54: {  	_ =	shalt  }
0x55: {  	_ =	shalt  }
0x56: {  	_ =	shalt  }
0x57: {  	_ =	shalt  }
0x58: {  	_ =	shalt  }
0x59: {  	_ =	shalt  }
0x5a: {  	_ =	shalt  }
0x5b: {  	_ =	shalt  }
0x5c: {  	_ =	shalt  }
0x5d: {  	_ =	shalt  }
0x5e: {  	_ =	shalt  }
0x5f: {  	_ =	shalt  }
0x60: {  	_ =	shalt  }
0x61: {  	_ =	shalt  }
0x62: {  	_ =	shalt  }
0x63: {  	_ =	shalt  }
0x64: {  	_ =	shalt  }
0x65: {  	_ =	shalt  }
0x66: {  	_ =	shalt  }
0x67: {  	_ =	shalt  }
0x68: {  	_ =	shalt  }
0x69: {  	_ =	shalt  }
0x6a: {  	_ =	shalt  }
0x6b: {  	_ =	shalt  }
0x6c: {  	_ =	shalt  }
0x6d: {  	_ =	shalt  }
0x6e: {  	_ =	shalt  }
0x6f: {  	_ =	shalt  }
0x70: {  	_ =	shalt  }
0x71: {  	_ =	shalt  }
0x72: {  	_ =	shalt  }
0x73: {  	_ =	shalt  }
0x74: {  	_ =	shalt  }
0x75: {  	_ =	shalt  }
0x76: {  	_ =	shalt  }
0x77: {  	_ =	shalt  }
0x78: {  	_ =	shalt  }
0x79: {  	_ =	shalt  }
0x7a: {  	_ =	shalt  }
0x7b: {  	_ =	shalt  }
0x7c: {  	_ =	shalt  }
0x7d: {  	_ =	shalt  }
0x7e: {  	_ =	shalt  }
0x7f: {  	_ =	shalt  }
0x80: {  	_ =	shalt  }
0x81: {  	_ =	shalt  }
0x82: {  	_ =	shalt  }
0x83: {  	_ =	shalt  }
0x84: {  	_ =	shalt  }
0x85: {  	_ =	shalt  }
0x86: {  	_ =	shalt  }
0x87: {  	_ =	shalt  }
.Lfunc_end0:
.L_simem_size_0:
called_computation_lowered:
.L_overlay_start_0:
0x88: {  	s2 =	sld [smem:$0x3FD9]  }
0x89: {  	s3 =	sld [smem:$0x3FFE];
	_ =	sdelay $0x1  }
0x8a: {  	s1 =	srdreg.scid  }
0x8b: {  	s0 =	sand.u32 $0x1, s1  }
0x8c: {  	s14 =	sshll.u32 s0, $0xA;
	s2 =	sadd.s32 s3, s2  }
0x8d: {  	s2 =	sadd.s32 s2, s14  }
0x8e: {  	[smem:$0x3FBD] =	sst s2  }
0x8f: {  	_ = 	snop  }
0x90: {  	s2 =	sld [smem:$0x3FD0];
	_ =	sdelay $0x2  }
0x91: {  	s15 =	simm.s32 $0xB;
	s4 =	simm.s32 $0x10  }
0x92: {  	[smem:s4], [sflag:s15] =	dma.local [hbm:s2], $0x1  }
0x93: {  	_ =	swait.eq [sflag:s15], $0x1  }
0x94: {  	s16 =	sld [smem:$0x12];
	[sflag:s15] =	ssyncset.done $0x0  }
0x95: {  	s17 =	sld [smem:$0x13];
	[sflag:s15] =	ssyncadd.s32 $0xFFFFFFFF  }
0x96: {  	s18 =	sld [smem:$0x14];
	(tm) =	ssettm $0x1  }
0x97: {  	s5 =	sld [smem:$0x3FFB];
	_ =	sdelay $0x3  }
0x98: {  	_ =	strace s5  }
0x99: {  	s5 =	sld [smem:$0x3FFC];
	_ =	sdelay $0x3  }
0x9a: {  	_ =	strace s5  }
0x9b: {  	s5 =	sld [smem:$0x3FFD];
	_ =	sdelay $0x3  }
0x9c: {  	_ =	strace s5  }
0x9d: {  	_ =	strace $0x8FFFFFFF  }
0x9e: {  	s19 =	sld [smem:$0x3FDB];
	_ =	sdelay $0x1  }
0x9f: {  	s6 =	simm.s32 $_scs_section_size  }
0xa0: {  	s7 =	simm.s32 $_size__tile_overlayer_lowered;
	s8 =	simm.s32 $_tile_overlayer_lowered  }
0xa1: {  	s22 =	simm.s32 $0x1BFF;
	s21 =	sshll.u32 s8, $0x1;
	s5 =	sadd.s32 s6, s19  }
0xa2: {  	s9 =	simm.s32 $0x0;
	s20 =	sshll.u32 s7, $0x1;
	s7 =	sadd.s32 s21, s5  }
0xa3: {  	[timem:s9], [sflag:s22] =	dma.local [hbm:s7], s20  }
0xa4: {  	_ =	swait.ge [sflag:s22], s20  }
0xa5: {  	s6 =	ssub.s32 $0x0, s20;
	[sflag:s22] =	ssyncset.done $0x0  }
0xa6: {  	[sflag:s22] =	ssyncadd.s32 s6;
	_ =	sdelay $0x1  }
0xa7: {  	s23 =	simm.s32 $0x1B8B  }
0xa8: {  	_ =	swait.ge [sflag:s23], $0x1  }
0xa9: {  	[sflag:s23] =	ssyncset.done $0x0  }
0xaa: {  	s25 =	simm.s32 $0x1B8E;
	s24 =	sld [smem:$0x3FFE];
	[sflag:s23] =	ssyncadd.s32 $0xFFFFFFFF  }
0xab: {  	s26 =	simm.s32 $execute0_lowered;
	[smem:$0x3FD2] =	sst s25  }
0xac: {  	s7 =	sshll.u32 s26, $0x1;
	_ =	strace $0x80000046;
	[dreg:$0x1] =	wrdreg $0xFFFFFFFF  }
0xad: {  	s28 =	simm.s32 $_size_execute0_lowered;
	s5 =	sadd.s32 s5, s7;
	[dreg:$0x0] =	wrdreg $0x0  }
0xae: {  	s7 =	sshll.u32 s28, $0x1;
	[dreg:$0x2] =	wrdreg s5  }
0xaf: {  	[dreg:$0x3] =	wrdreg s7  }
0xb0: {  	[dreg:$0x4] =	wrdreg $0xC0  }
0xb1: {  	_ =	task [dreg:s9], $0x5FFFF  }
0xb2: {  	[dreg:$0x1] =	wrdreg $0xFFFFFFFF  }
0xb3: {  	[dreg:$0x0] =	wrdreg $0x60  }
0xb4: {  	[dreg:$0x2] =	wrdreg s17  }
0xb5: {  	[dreg:$0x3] =	wrdreg s18  }
0xb6: {  	[dreg:$0x4] =	wrdreg s24  }
0xb7: {  	[dreg:$0x5] =	wrdreg s16  }
0xb8: {  	[dreg:$0x6] =	wrdreg $0x20800  }
0xb9: {  	[dreg:$0x7] =	wrdreg $0x9  }
0xba: {  	_ =	task.clear_ibuf [dreg:s9], $0x8FFFF;
	_ =	strace $0x90000046  }
0xbb: {  	s29 =	simm.s32 $0x9;
	_ =	strace $0x80000048  }
0xbc: {  	_ =	swait.ge [sflag:s29], $0x1  }
0xbd: {  	[sflag:s29] =	ssyncadd.s32 $0xFFFFFFFF  }
0xbe: {  	_ =	strace $0x90000048  }
0xbf: {  	_ =	sfence  }
0xc0: {  	s30 =	sld [smem:$0x0];
	_ =	sdelay $0x2  }
0xc1: {  	s31 =	sshll.u32 s1, $0xD;
	s1 =	sshrl.u32 s1, $0x2  }
0xc2: {  	s3 =	sand.u32 $0x4000, s31;
	s1 =	sadd.s32 s1, s30  }
0xc3: {  	s0 =	sor.u32 s3, s0;
	s1 =	sshll.u32 s1, $0x11  }
0xc4: {  	s0 =	sor.u32 s1, s0  }
0xc5: {  	s0 =	sadd.s32 $0x8F2B, s0  }
0xc6: {  	[sflag:s0] =	ssyncadd.remote.s32 $0x1  }
0xc7: {  	_ =	sfence.sel $0xFFFF  }
0xc8: {  	[dreg:$0x0] =	wrdreg $0xFFFFFFFF;
	(pc) =	sbr.abs _section_cstart, $3  }
0xc9: {  	[dreg:$0x1] =	wrdreg $0xFFFFFFFF  }
0xca: {  	_ =	task.clear_ibuf [dreg:s9], $0x2FFFF;
	_ =	strace $0x9FFFFFFF  }
0xcb: {  	(tm) =	ssettm $0x7FFFFFFF  }
tec
execute0_lowered:
.L_overlay_start_1:
0x0: {  	(tag) =	ssettag $0x1  }
0x1: {  	s6 =	rddreg [dreg:$0x0]  }
0x2: {  	s1 =	rddreg [dreg:$0x1]  }
0x3: {  	s5 =	rddreg [dreg:$0x2]  }
0x4: {  	s7 =	rddreg [dreg:$0x3]  }
0x5: {  	s2 =	rddreg [dreg:$0x4]  }
0x6: {  	s0 =	rddreg [dreg:$0x5];
	s4 =	simm.s32 $0x0;
	s8 =	srdreg.scid  }
0x7: {  	s3 =	stileid.u32;
	s15 =	simm.s32 $0x20;
	s16 =	simm.s32 $0x10  }
0x8: {  	s17 =	simm.s32 $0x0;
	[smem:$0x7FF] =	sst s4;
	s8 =	sand.u32 $0x1, s8  }
0x9: {  	s11 =	sshll.u32 s3, $0x6;
	s12 =	sshll.u32 s3, $0x9;
	s31 =	sshll.u32 s3, $0x7  }
0xa: {  	s13 =	sshll.u32 s3, $0xA;
	_ =	strace $0x80000047;
	s9 =	ssub.s32 $0x2, s8  }
0xb: {  	s5 =	sadd.s32 s11, s5;
	s12 =	sadd.s32 s12, s2;
	s14 =	sshll.u32 s8, $0x4  }
0xc: {  	s8 =	sshll.u32 s8, $0xE;
	s6 =	sadd.s32 s6, s13;
	s11 =	sor.u32 $0x1C02, s11  }
0xd: {  	s13 =	simm.s32 $0x80;
	s10 =	sshrl.u32 s9, $0x1;
	s5 =	sadd.s32 $0x3400, s5  }
0xe: {  	s7 =	sadd.s32 s7, s14;
	s6 =	sadd.s32 s8, s6;
	s12 =	sshrl.u32 s12, $0x3  }
0xf: {  	s14 =	simm.s32 $0x1;
	s9 =	ssub.s32 s9, s10;
	s7 =	sadd.s32 s31, s7  }
0x10: {  	s10 =	simm.s32 $0x2;
	s8 =	smax.u32 s9, $0x1;
	s9 =	simm.s32 $0x2000  }
.LBB2_1:
0x11: {  	[tilespmem:s9], [sflag:$0x2] =	stream.linear.gather [hbm4b:s1+s4], $0x80, $0x38;
	[tilespmem:$0x2280] =	vst v63  }
0x12: {  	_ =	swait.ge [sflag:s10], $0x80  }
0x13: {  	[sflag:s10] =	ssyncset.done $0x0  }
0x14: {  	[sflag:s10] =	ssyncadd.s32 $0xFFFFFF80  }
0x15: {  	[spmem:s12], [sflag:s11] =	dma.local [hbm:s5], $0x40  }
0x16: {  	_ =	swait.ge [sflag:s10], $0x40  }
0x17: {  	[sflag:s10] =	ssyncset.done $0x0  }
0x18: {  	[sflag:s10] =	ssyncadd.s32 $0xFFFFFFC0  }
0x19: {  	[bflag:$0x0] =	sbarrier.arrive $0xFFFF  }
0x1a: {  	[tilespmem:s4], [sflag:$0x2] =	stream.linear.gather [hbm4b:s6+s4], $0x2000, $0x38;
	[tilespmem:$0x2280] =	vst v63  }
0x1b: {  	_ =	swait.ge [sflag:s10], $0x2000  }
0x1c: {  	[sflag:s10] =	ssyncset.done $0x0  }
0x1d: {  	s18 =	simm.s32 $0x0;
	[sflag:s10] =	ssyncadd.s32 $0xFFFFE000  }
0x1e: {  	[spmem:s2] =	stream.indirect.scatter.add.f32 [tilespmem:s9], [sflag:$0x1], $0x1, s18, s13, $0xb8;
	[tilespmem:$0x2280] =	vst v63  }
0x1f: {  	s24 =	simm.s32 $0x80  }
0x20: {  	[spmem:s2] =	stream.indirect.scatter.add.f32 [tilespmem:s9], [sflag:$0x1], $0x1, s24, s13, $0xb8;
	[tilespmem:$0x2280] =	vst v63  }
0x21: {  	s25 =	simm.s32 $0x100  }
0x22: {  	[spmem:s2] =	stream.indirect.scatter.add.f32 [tilespmem:s9], [sflag:$0x1], $0x1, s25, s13, $0xb8;
	[tilespmem:$0x2280] =	vst v63  }
0x23: {  	s26 =	simm.s32 $0x180  }
0x24: {  	[spmem:s2] =	stream.indirect.scatter.add.f32 [tilespmem:s9], [sflag:$0x1], $0x1, s26, s13, $0xb8;
	[tilespmem:$0x2280] =	vst v63  }
0x25: {  	s28 =	simm.s32 $0x200  }
0x26: {  	[spmem:s2] =	stream.indirect.scatter.add.f32 [tilespmem:s9], [sflag:$0x1], $0x1, s28, s13, $0xb8;
	[tilespmem:$0x2280] =	vst v63  }
0x27: {  	s29 =	simm.s32 $0x280  }
0x28: {  	[spmem:s2] =	stream.indirect.scatter.add.f32 [tilespmem:s9], [sflag:$0x1], $0x1, s29, s13, $0xb8;
	[tilespmem:$0x2280] =	vst v63  }
0x29: {  	s30 =	simm.s32 $0x300  }
0x2a: {  	[spmem:s2] =	stream.indirect.scatter.add.f32 [tilespmem:s9], [sflag:$0x1], $0x1, s30, s13, $0xb8;
	[tilespmem:$0x2280] =	vst v63  }
0x2b: {  	s31 =	simm.s32 $0x380  }
0x2c: {  	[spmem:s2] =	stream.indirect.scatter.add.f32 [tilespmem:s9], [sflag:$0x1], $0x1, s31, s13, $0xb8;
	[tilespmem:$0x2280] =	vst v63  }
0x2d: {  	_ =	swait.ge [sflag:s14], $0x80  }
0x2e: {  	[sflag:s14] =	ssyncset.done $0x0  }
0x2f: {  	[sflag:s14] =	ssyncadd.s32 $0xFFFFFF80  }
0x30: {  	_ =	swait.ge [sflag:s14], $0x80  }
0x31: {  	[sflag:s14] =	ssyncset.done $0x0  }
0x32: {  	[sflag:s14] =	ssyncadd.s32 $0xFFFFFF80  }
0x33: {  	_ =	swait.ge [sflag:s14], $0x80  }
0x34: {  	[sflag:s14] =	ssyncset.done $0x0  }
0x35: {  	[sflag:s14] =	ssyncadd.s32 $0xFFFFFF80  }
0x36: {  	_ =	swait.ge [sflag:s14], $0x80  }
0x37: {  	[sflag:s14] =	ssyncset.done $0x0  }
0x38: {  	[sflag:s14] =	ssyncadd.s32 $0xFFFFFF80  }
0x39: {  	_ =	swait.ge [sflag:s14], $0x80  }
0x3a: {  	[sflag:s14] =	ssyncset.done $0x0  }
0x3b: {  	[sflag:s14] =	ssyncadd.s32 $0xFFFFFF80  }
0x3c: {  	_ =	swait.ge [sflag:s14], $0x80  }
0x3d: {  	[sflag:s14] =	ssyncset.done $0x0  }
0x3e: {  	[sflag:s14] =	ssyncadd.s32 $0xFFFFFF80  }
0x3f: {  	_ =	swait.ge [sflag:s14], $0x80  }
0x40: {  	[sflag:s14] =	ssyncset.done $0x0  }
0x41: {  	[sflag:s14] =	ssyncadd.s32 $0xFFFFFF80  }
0x42: {  	_ =	swait.ge [sflag:s14], $0x80  }
0x43: {  	s20 =	simm.s32 $0x2000;
	s18 =	simm.s32 $0x1000;
	[sflag:s14] =	ssyncset.done $0x0  }
.LBB2_2:
0x44: {  	s21 =	sshra.s32 s18, $0x2  }
0x45: {  	[sflag:s14] =	ssyncadd.s32 $0xFFFFFF80;
	s18 =	smov.u32 s20;
	s19 =	sadd.s32 $0x1000, s20  }
0x46: {  	[spmem:s2] =	stream.indirect.scatter.add.f32 [tilespmem:s9], [sflag:$0x1], $0x1, s21, s13, $0xb8;
	[tilespmem:$0x2280] =	vst v63  }
0x47: {  	p0 =	sne.s32 s20, $0x7000;
	s20 =	sadd.s32 $0x80, s21  }
0x48: {  	[spmem:s2] =	stream.indirect.scatter.add.f32 [tilespmem:s9], [sflag:$0x1], $0x1, s20, s13, $0xb8;
	[tilespmem:$0x2280] =	vst v63  }
0x49: {  	s20 =	sadd.s32 $0x100, s21  }
0x4a: {  	[spmem:s2] =	stream.indirect.scatter.add.f32 [tilespmem:s9], [sflag:$0x1], $0x1, s20, s13, $0xb8;
	[tilespmem:$0x2280] =	vst v63  }
0x4b: {  	s20 =	sadd.s32 $0x180, s21  }
0x4c: {  	[spmem:s2] =	stream.indirect.scatter.add.f32 [tilespmem:s9], [sflag:$0x1], $0x1, s20, s13, $0xb8;
	[tilespmem:$0x2280] =	vst v63  }
0x4d: {  	s20 =	sadd.s32 $0x200, s21  }
0x4e: {  	[spmem:s2] =	stream.indirect.scatter.add.f32 [tilespmem:s9], [sflag:$0x1], $0x1, s20, s13, $0xb8;
	[tilespmem:$0x2280] =	vst v63  }
0x4f: {  	s20 =	sadd.s32 $0x280, s21  }
0x50: {  	[spmem:s2] =	stream.indirect.scatter.add.f32 [tilespmem:s9], [sflag:$0x1], $0x1, s20, s13, $0xb8;
	[tilespmem:$0x2280] =	vst v63  }
0x51: {  	s20 =	sadd.s32 $0x300, s21  }
0x52: {  	[spmem:s2] =	stream.indirect.scatter.add.f32 [tilespmem:s9], [sflag:$0x1], $0x1, s20, s13, $0xb8;
	[tilespmem:$0x2280] =	vst v63  }
0x53: {  	s20 =	sadd.s32 $0x380, s21  }
0x54: {  	[spmem:s2] =	stream.indirect.scatter.add.f32 [tilespmem:s9], [sflag:$0x1], $0x1, s20, s13, $0xb8;
	[tilespmem:$0x2280] =	vst v63  }
0x55: {  	_ =	swait.ge [sflag:s14], $0x80  }
0x56: {  	[sflag:s14] =	ssyncset.done $0x0  }
0x57: {  	[sflag:s14] =	ssyncadd.s32 $0xFFFFFF80  }
0x58: {  	_ =	swait.ge [sflag:s14], $0x80  }
0x59: {  	[sflag:s14] =	ssyncset.done $0x0  }
0x5a: {  	[sflag:s14] =	ssyncadd.s32 $0xFFFFFF80  }
0x5b: {  	_ =	swait.ge [sflag:s14], $0x80  }
0x5c: {  	[sflag:s14] =	ssyncset.done $0x0  }
0x5d: {  	[sflag:s14] =	ssyncadd.s32 $0xFFFFFF80  }
0x5e: {  	_ =	swait.ge [sflag:s14], $0x80  }
0x5f: {  	[sflag:s14] =	ssyncset.done $0x0  }
0x60: {  	[sflag:s14] =	ssyncadd.s32 $0xFFFFFF80  }
0x61: {  	_ =	swait.ge [sflag:s14], $0x80  }
0x62: {  	[sflag:s14] =	ssyncset.done $0x0  }
0x63: {  	[sflag:s14] =	ssyncadd.s32 $0xFFFFFF80  }
0x64: {  	_ =	swait.ge [sflag:s14], $0x80  }
0x65: {  	[sflag:s14] =	ssyncset.done $0x0  }
0x66: {  	[sflag:s14] =	ssyncadd.s32 $0xFFFFFF80  }
.Ltmp0:
0x67: {  	_ =	swait.ge [sflag:s14], $0x80;
	(pc) =	sbr.rel @p0 .LBB2_2-.Ltmp0, $4  }
0x68: {  	[sflag:s14] =	ssyncset.done $0x0  }
0x69: {  	[sflag:s14] =	ssyncadd.s32 $0xFFFFFF80  }
0x6a: {  	_ =	swait.ge [sflag:s14], $0x80  }
0x6b: {  	s20 =	smov.u32 s19;
	[sflag:s14] =	ssyncset.done $0x0  }
0x6c: {  	s18 =	sshra.s32 s18, $0x2;
	[sflag:s14] =	ssyncadd.s32 $0xFFFFFF80  }
0x6d: {  	[spmem:s2] =	stream.indirect.scatter.add.f32 [tilespmem:s9], [sflag:$0x1], $0x1, s18, s13, $0xb8;
	[tilespmem:$0x2280] =	vst v63  }
0x6e: {  	s19 =	sadd.s32 $0x80, s18  }
0x6f: {  	[spmem:s2] =	stream.indirect.scatter.add.f32 [tilespmem:s9], [sflag:$0x1], $0x1, s19, s13, $0xb8;
	[tilespmem:$0x2280] =	vst v63  }
0x70: {  	s26 =	sadd.s32 $0x100, s18  }
0x71: {  	[spmem:s2] =	stream.indirect.scatter.add.f32 [tilespmem:s9], [sflag:$0x1], $0x1, s26, s13, $0xb8;
	[tilespmem:$0x2280] =	vst v63  }
0x72: {  	s28 =	sadd.s32 $0x180, s18  }
0x73: {  	[spmem:s2] =	stream.indirect.scatter.add.f32 [tilespmem:s9], [sflag:$0x1], $0x1, s28, s13, $0xb8;
	[tilespmem:$0x2280] =	vst v63  }
0x74: {  	s29 =	sadd.s32 $0x200, s18  }
0x75: {  	[spmem:s2] =	stream.indirect.scatter.add.f32 [tilespmem:s9], [sflag:$0x1], $0x1, s29, s13, $0xb8;
	[tilespmem:$0x2280] =	vst v63  }
0x76: {  	s30 =	sadd.s32 $0x280, s18  }
0x77: {  	[spmem:s2] =	stream.indirect.scatter.add.f32 [tilespmem:s9], [sflag:$0x1], $0x1, s30, s13, $0xb8;
	[tilespmem:$0x2280] =	vst v63  }
0x78: {  	s31 =	sadd.s32 $0x300, s18  }
0x79: {  	[spmem:s2] =	stream.indirect.scatter.add.f32 [tilespmem:s9], [sflag:$0x1], $0x1, s31, s13, $0xb8;
	[tilespmem:$0x2280] =	vst v63  }
0x7a: {  	s18 =	sadd.s32 $0x380, s18  }
0x7b: {  	[spmem:s2] =	stream.indirect.scatter.add.f32 [tilespmem:s9], [sflag:$0x1], $0x1, s18, s13, $0xb8;
	[tilespmem:$0x2280] =	vst v63  }
0x7c: {  	_ =	swait.ge [sflag:s14], $0x80  }
0x7d: {  	[sflag:s14] =	ssyncset.done $0x0  }
0x7e: {  	[sflag:s14] =	ssyncadd.s32 $0xFFFFFF80  }
0x7f: {  	_ =	swait.ge [sflag:s14], $0x80  }
0x80: {  	[sflag:s14] =	ssyncset.done $0x0  }
0x81: {  	[sflag:s14] =	ssyncadd.s32 $0xFFFFFF80  }
0x82: {  	_ =	swait.ge [sflag:s14], $0x80  }
0x83: {  	[sflag:s14] =	ssyncset.done $0x0  }
0x84: {  	[sflag:s14] =	ssyncadd.s32 $0xFFFFFF80  }
0x85: {  	_ =	swait.ge [sflag:s14], $0x80  }
0x86: {  	[sflag:s14] =	ssyncset.done $0x0  }
0x87: {  	[sflag:s14] =	ssyncadd.s32 $0xFFFFFF80  }
0x88: {  	_ =	swait.ge [sflag:s14], $0x80  }
0x89: {  	[sflag:s14] =	ssyncset.done $0x0  }
0x8a: {  	[sflag:s14] =	ssyncadd.s32 $0xFFFFFF80  }
0x8b: {  	_ =	swait.ge [sflag:s14], $0x80  }
0x8c: {  	[sflag:s14] =	ssyncset.done $0x0  }
0x8d: {  	[sflag:s14] =	ssyncadd.s32 $0xFFFFFF80  }
0x8e: {  	_ =	swait.ge [sflag:s14], $0x80  }
0x8f: {  	[sflag:s14] =	ssyncset.done $0x0  }
0x90: {  	[sflag:s14] =	ssyncadd.s32 $0xFFFFFF80  }
0x91: {  	_ =	swait.ge [sflag:s14], $0x80  }
0x92: {  	s17 =	sadd.s32 $0x1, s17;
	[sflag:s14] =	ssyncset.done $0x0  }
0x93: {  	p0 =	sne.s32 s17, s8;
	[sflag:s14] =	ssyncadd.s32 $0xFFFFFF80  }
.Ltmp1:
0x94: {  	[bflag:$0x0] =	sbarrier.arrive $0xFFFF;
	(pc) =	sbr.rel @p0 .LBB2_1-.Ltmp1, $4  }
0x95: {  	[hbm:s7@s15], [sflag:s11] =	dma.strided [spmem:s12@s16], $0x40, s14, $0x10   }
0x96: {  	_ =	swait.ge [sflag:s10], $0x40  }
0x97: {  	[sflag:s10] =	ssyncset.done $0x0  }
0x98: {  	[sflag:s10] =	ssyncadd.s32 $0xFFFFFFC0  }
0x99: {  	_ =	sfence.sel $0x180000  }
0x9a: {  	[bflag:$0x0] =	sbarrier.arrive $0xFFFF  }
0x9b: {  	p0 =	sne.s32 s3, $0x0;
	_ =	strace $0x90000047  }
0x9c: {  	s0 =	sadd.s32 @!p0 $0x100000, s0;
	[bflag:$0x2] =	sbarrier.arrive $0xFFFF  }
0x9d: {  	[sflag:s0] =	ssyncadd.tile.s32 @!p0 $0x1;
	_ =	shalt  }
.Lfunc_end2:
_tile_overlayer_lowered:
.L_overlay_start_2:
0x9e: {  	(tag) =	ssettag $0x2  }
0x9f: {  	s0 =	rddreg [dreg:$0x0];
	s2 =	stileid.u32  }
0xa0: {  	s1 =	rddreg [dreg:$0x1];
	p0 =	sne.s32 s2, $0x0  }
0xa1: {  	s3 =	rddreg [dreg:$0x2];
	[bflag:$0x3] =	sbarrier.arrive $0xFFFF;
	s2 =	simm.s32 @!p0 $0x1C02  }
0xa2: {  	[timem:s3], [sflag:s2] =	dma.local @!p0 [hbm:s0], s1  }
0xa3: {  	s0 =	simm.s32 @!p0 $0x2  }
0xa4: {  	_ =	swait.ge @!p0 [sflag:s0], s1  }
0xa5: {  	s1 =	ssub.s32 @!p0 $0x0, s1;
	[sflag:s0] =	ssyncset.done @!p0 $0x0  }
0xa6: {  	[sflag:s0] =	ssyncadd.s32 @!p0 s1  }
0xa7: {  	[bflag:$0x3] =	sbarrier.arrive $0xFFFF  }
0xa8: {  	_ =	shalt  }

// kernel: kernel.17.cloned.1.call-start
scs
__scs_entry_jumppad:
0x0: {  	(pc) =	sbr.rel $0x88, $3  }
0x1: {  	(tag) =	ssettag $0x0;
	lr =	simm.s32 $0x1  }
0x2: {  	[smem:$0x3F96] =	sst lr;
	_ =	strace $0xD0000000  }
0x3: {  	_ = 	snop  }
0x4: {  	_ = 	snop  }
0x5: {  	_ = 	snop  }
0x6: {  	_ = 	snop  }
0x7: {  	_ = 	snop  }
__scs_overlays_trampoline_lowered:
0x8: {  	[smem:$0x3FA5] =	sst s0  }
0x9: {  	[smem:$0x3FA6] =	sst s1  }
0xa: {  	[smem:$0x3FA7] =	sst s2  }
0xb: {  	[smem:$0x3FA8] =	sst s3  }
0xc: {  	[smem:$0x3FA9] =	sst s4  }
0xd: {  	[smem:$0x3FAA] =	sst s5  }
0xe: {  	[smem:$0x3FAB] =	sst s6  }
0xf: {  	[smem:$0x3FAC] =	sst s7  }
0x10: {  	[smem:$0x3FAD] =	sst s8  }
0x11: {  	[smem:$0x3FAE] =	sst s9;
	s0 =	simm.s32 @!p0 $0x0  }
0x12: {  	s1 =	sld [smem:$0x3F94];
	s0 =	simm.s32 @p0 $0x1  }
0x13: {  	[smem:$0x3FAF] =	sst s0;
	s0 =	simm.s32 @!p1 $0x0  }
0x14: {  	s2 =	sld [smem:$0x3F93];
	s0 =	simm.s32 @p1 $0x1  }
0x15: {  	[smem:$0x3FB0] =	sst s0;
	s0 =	simm.s32 @!p2 $0x0  }
0x16: {  	s3 =	sld [smem:$0x3FDB];
	s0 =	simm.s32 @p2 $0x1  }
0x17: {  	s4 =	simm.s32 $0x1BF5;
	[smem:$0x3FB2] =	sst s0  }
0x18: {  	s0 =	sld [smem:$0x3F95];
	_ =	swait.ge [sflag:s4], $0x0  }
0x19: {  	s7 =	sld [smem:$0x3F96]  }
0x1a: {  	s8 =	sadd.s32 $0xFFFFE003, lr  }
0x1b: {  	s9 =	sadd.s32 $0xFFFFFEF7, lr;
	s5 =	simm.s32 $0xFFFFFFFF;
	p2 =	slt.u32 s8, $0xFFFFF086  }
0x1c: {  	p1 =	slt.u32 s9, $0xF7A;
	s5 =	simm.s32 @!p2 $0x0  }
0x1d: {  	s5 =	simm.s32 @p1 $0x1;
	p0 =	seq.s32 s7, s2  }
0x1e: {  	s7 =	smul.u32 @!p0 $0xF7A, s2;
	p2 =	seq.s32 @!p0 s5, $0x0  }
0x1f: {  	s9 =	smul.u32 $0xF7A, s1;
	s8 =	simm.s32 @!p0 $0x1BF5;
	p2 =	por !p2, p0  }
0x20: {  	[sflag:s8] =	ssyncset.s32 @!p0 $0xFFFFF086;
	s6 =	sadd.s32 @!p0 s3, s7;
	s7 =	simm.s32 @!p0 $0x108  }
0x21: {  	s3 =	sadd.s32 s3, s9;
	s6 =	sadd.s32 @!p0 $0x88, s6;
	s7 =	simm.s32 @p2 $0x1082  }
0x22: {  	[simem:s7], [sflag:s8] =	dma.local @!p0 [hbm:s6], $0xF7A  }
0x23: {  	s9 =	sor.u32 $0xD0000000, s2;
	s6 =	simm.s32 $0x108;
	_ =	swait.ge @!p0 [sflag:s8], $0x0  }
0x24: {  	s3 =	sadd.s32 $0x88, s3;
	s6 =	simm.s32 @!p1 $0x1082;
	[sflag:s4] =	ssyncset.s32 $0xFFFFF086  }
0x25: {  	[simem:s6], [sflag:s4] =	dma.local [hbm:s3], $0xF7A  }
0x26: {  	[smem:$0x3F96] =	sst s1;
	(tag) =	ssettag s2;
	_ =	strace s9  }
0x27: {  	s1 =	sld [smem:$0x3FA6]  }
0x28: {  	s2 =	sld [smem:$0x3FA7]  }
0x29: {  	s4 =	sld [smem:$0x3FA9]  }
0x2a: {  	p0 =	seq.s32 s5, $0x0;
	s5 =	sld [smem:$0x3FAA]  }
0x2b: {  	s6 =	sld [smem:$0x3FAB]  }
0x2c: {  	s7 =	sld [smem:$0x3FAC]  }
0x2d: {  	s3 =	simm.s32 $0x108;
	s8 =	sld [smem:$0x3FAD]  }
0x2e: {  	s3 =	simm.s32 @!p0 $0x1082;
	s9 =	sld [smem:$0x3FAE]  }
0x2f: {  	lr =	sadd.s32 s0, s3;
	s0 =	sld [smem:$0x3FA5]  }
0x30: {  	s3 =	sld [smem:$0x3FA8]  }
0x31: {  	[smem:$0x3FB1] =	sst s10  }
0x32: {  	s10 =	sld [smem:$0x3FAF];
	_ =	sdelay $0x3  }
0x33: {  	p0 =	seq.s32 s10, $0x1;
	s10 =	sld [smem:$0x3FB1];
	_ =	sdelay $0x3  }
0x34: {  	[smem:$0x3FB1] =	sst s10  }
0x35: {  	s10 =	sld [smem:$0x3FB0];
	_ =	sdelay $0x3  }
0x36: {  	p1 =	seq.s32 s10, $0x1;
	s10 =	sld [smem:$0x3FB1];
	_ =	sdelay $0x3  }
0x37: {  	[smem:$0x3FB1] =	sst s10  }
0x38: {  	s10 =	sld [smem:$0x3FB2]  }
0x39: {  	_ = 	snop;
	(pc) =	sbr.ind lr, $3  }
0x3a: {  	_ = 	snop  }
0x3b: {  	_ = 	snop  }
0x3c: {  	p2 =	seq.s32 s10, $0x1;
	s10 =	sld [smem:$0x3FB1]  }
0x3d: {  	_ =	shalt  }
0x3e: {  	_ =	shalt  }
0x3f: {  	_ =	shalt  }
0x40: {  	_ =	shalt  }
0x41: {  	_ =	shalt  }
0x42: {  	_ =	shalt  }
0x43: {  	_ =	shalt  }
0x44: {  	_ =	shalt  }
0x45: {  	_ =	shalt  }
0x46: {  	_ =	shalt  }
0x47: {  	_ =	shalt  }
0x48: {  	_ =	shalt  }
0x49: {  	_ =	shalt  }
0x4a: {  	_ =	shalt  }
0x4b: {  	_ =	shalt  }
0x4c: {  	_ =	shalt  }
0x4d: {  	_ =	shalt  }
0x4e: {  	_ =	shalt  }
0x4f: {  	_ =	shalt  }
0x50: {  	_ =	shalt  }
0x51: {  	_ =	shalt  }
0x52: {  	_ =	shalt  }
0x53: {  	_ =	shalt  }
0x54: {  	_ =	shalt  }
0x55: {  	_ =	shalt  }
0x56: {  	_ =	shalt  }
0x57: {  	_ =	shalt  }
0x58: {  	_ =	shalt  }
0x59: {  	_ =	shalt  }
0x5a: {  	_ =	shalt  }
0x5b: {  	_ =	shalt  }
0x5c: {  	_ =	shalt  }
0x5d: {  	_ =	shalt  }
0x5e: {  	_ =	shalt  }
0x5f: {  	_ =	shalt  }
0x60: {  	_ =	shalt  }
0x61: {  	_ =	shalt  }
0x62: {  	_ =	shalt  }
0x63: {  	_ =	shalt  }
0x64: {  	_ =	shalt  }
0x65: {  	_ =	shalt  }
0x66: {  	_ =	shalt  }
0x67: {  	_ =	shalt  }
0x68: {  	_ =	shalt  }
0x69: {  	_ =	shalt  }
0x6a: {  	_ =	shalt  }
0x6b: {  	_ =	shalt  }
0x6c: {  	_ =	shalt  }
0x6d: {  	_ =	shalt  }
0x6e: {  	_ =	shalt  }
0x6f: {  	_ =	shalt  }
0x70: {  	_ =	shalt  }
0x71: {  	_ =	shalt  }
0x72: {  	_ =	shalt  }
0x73: {  	_ =	shalt  }
0x74: {  	_ =	shalt  }
0x75: {  	_ =	shalt  }
0x76: {  	_ =	shalt  }
0x77: {  	_ =	shalt  }
0x78: {  	_ =	shalt  }
0x79: {  	_ =	shalt  }
0x7a: {  	_ =	shalt  }
0x7b: {  	_ =	shalt  }
0x7c: {  	_ =	shalt  }
0x7d: {  	_ =	shalt  }
0x7e: {  	_ =	shalt  }
0x7f: {  	_ =	shalt  }
0x80: {  	_ =	shalt  }
0x81: {  	_ =	shalt  }
0x82: {  	_ =	shalt  }
0x83: {  	_ =	shalt  }
0x84: {  	_ =	shalt  }
0x85: {  	_ =	shalt  }
0x86: {  	_ =	shalt  }
0x87: {  	_ =	shalt  }
.Lfunc_end0:
.L_simem_size_0:
called_computation.1_lowered:
.L_overlay_start_0:
0x88: {  	s2 =	sld [smem:$0x3FD9]  }
0x89: {  	s3 =	sld [smem:$0x3FFE];
	_ =	sdelay $0x1  }
0x8a: {  	s1 =	srdreg.scid  }
0x8b: {  	s0 =	sand.u32 $0x1, s1  }
0x8c: {  	s14 =	sshll.u32 s0, $0xA;
	s2 =	sadd.s32 s3, s2  }
0x8d: {  	s2 =	sadd.s32 s2, s14  }
0x8e: {  	[smem:$0x3FBD] =	sst s2  }
0x8f: {  	_ = 	snop  }
0x90: {  	s2 =	sld [smem:$0x3FD0];
	_ =	sdelay $0x2  }
0x91: {  	s15 =	simm.s32 $0xB;
	s4 =	simm.s32 $0x10  }
0x92: {  	[smem:s4], [sflag:s15] =	dma.local [hbm:s2], $0x1  }
0x93: {  	_ =	swait.eq [sflag:s15], $0x1  }
0x94: {  	s16 =	sld [smem:$0x11]  }
0x95: {  	s17 =	sld [smem:$0x12];
	[sflag:s15] =	ssyncset.done $0x0  }
0x96: {  	s5 =	sld [smem:$0x13];
	[sflag:s15] =	ssyncadd.s32 $0xFFFFFFFF  }
0x97: {  	s18 =	sld [smem:$0x15];
	(tm) =	ssettm $0x1  }
0x98: {  	s6 =	sld [smem:$0x3FFB];
	_ =	sdelay $0x3  }
0x99: {  	_ =	strace s6  }
0x9a: {  	s6 =	sld [smem:$0x3FFC];
	_ =	sdelay $0x3  }
0x9b: {  	_ =	strace s6  }
0x9c: {  	s6 =	sld [smem:$0x3FFD];
	_ =	sdelay $0x3  }
0x9d: {  	_ =	strace s6  }
0x9e: {  	_ =	strace $0x8FFFFFFF  }
0x9f: {  	s19 =	sld [smem:$0x3FDB];
	_ =	sdelay $0x1  }
0xa0: {  	s7 =	simm.s32 $_scs_section_size  }
0xa1: {  	s8 =	simm.s32 $_size__tile_overlayer_lowered;
	s9 =	simm.s32 $_tile_overlayer_lowered  }
0xa2: {  	s22 =	simm.s32 $0x1BFF;
	s21 =	sshll.u32 s9, $0x1;
	s6 =	sadd.s32 s7, s19  }
0xa3: {  	s10 =	simm.s32 $0x0;
	s20 =	sshll.u32 s8, $0x1;
	s8 =	sadd.s32 s21, s6  }
0xa4: {  	[timem:s10], [sflag:s22] =	dma.local [hbm:s8], s20  }
0xa5: {  	_ =	swait.ge [sflag:s22], s20  }
0xa6: {  	s7 =	ssub.s32 $0x0, s20;
	[sflag:s22] =	ssyncset.done $0x0  }
0xa7: {  	[sflag:s22] =	ssyncadd.s32 s7;
	_ =	sdelay $0x1  }
0xa8: {  	s23 =	simm.s32 $0x1B8B  }
0xa9: {  	_ =	swait.ge [sflag:s23], $0x1  }
0xaa: {  	[sflag:s23] =	ssyncset.done $0x0  }
0xab: {  	s25 =	simm.s32 $0x1B8E;
	s24 =	sld [smem:$0x3FFE];
	[sflag:s23] =	ssyncadd.s32 $0xFFFFFFFF  }
0xac: {  	s26 =	simm.s32 $execute0_lowered;
	[smem:$0x3FD2] =	sst s25  }
0xad: {  	s8 =	sshll.u32 s26, $0x1;
	_ =	strace $0x80000049;
	[dreg:$0x1] =	wrdreg $0xFFFFFFFF  }
0xae: {  	s28 =	simm.s32 $_size_execute0_lowered;
	s6 =	sadd.s32 s6, s8;
	[dreg:$0x0] =	wrdreg $0x0  }
0xaf: {  	s8 =	sshll.u32 s28, $0x1;
	[dreg:$0x2] =	wrdreg s6  }
0xb0: {  	[dreg:$0x3] =	wrdreg s8  }
0xb1: {  	[dreg:$0x4] =	wrdreg $0xC0  }
0xb2: {  	_ =	task [dreg:s10], $0x5FFFF  }
0xb3: {  	[dreg:$0x1] =	wrdreg $0xFFFFFFFF  }
0xb4: {  	[dreg:$0x0] =	wrdreg $0x60  }
0xb5: {  	[dreg:$0x2] =	wrdreg s5  }
0xb6: {  	[dreg:$0x3] =	wrdreg s18  }
0xb7: {  	[dreg:$0x4] =	wrdreg s16  }
0xb8: {  	[dreg:$0x5] =	wrdreg s24  }
0xb9: {  	[dreg:$0x6] =	wrdreg s17  }
0xba: {  	[dreg:$0x7] =	wrdreg $0x140000  }
0xbb: {  	[dreg:$0x8] =	wrdreg $0x9  }
0xbc: {  	_ =	task.clear_ibuf [dreg:s10], $0x9FFFF;
	_ =	strace $0x90000049  }
0xbd: {  	s29 =	simm.s32 $0x9;
	_ =	strace $0x8000004B  }
0xbe: {  	_ =	swait.ge [sflag:s29], $0x1  }
0xbf: {  	[sflag:s29] =	ssyncadd.s32 $0xFFFFFFFF  }
0xc0: {  	_ =	strace $0x9000004B  }
0xc1: {  	_ =	sfence  }
0xc2: {  	s30 =	sld [smem:$0x0];
	_ =	sdelay $0x2  }
0xc3: {  	s31 =	sshll.u32 s1, $0xD;
	s1 =	sshrl.u32 s1, $0x2  }
0xc4: {  	s3 =	sand.u32 $0x4000, s31;
	s1 =	sadd.s32 s1, s30  }
0xc5: {  	s0 =	sor.u32 s3, s0;
	s1 =	sshll.u32 s1, $0x11  }
0xc6: {  	s0 =	sor.u32 s1, s0  }
0xc7: {  	s0 =	sadd.s32 $0x8F2B, s0  }
0xc8: {  	[sflag:s0] =	ssyncadd.remote.s32 $0x1  }
0xc9: {  	_ =	sfence.sel $0xFFFF  }
0xca: {  	[dreg:$0x0] =	wrdreg $0xFFFFFFFF;
	(pc) =	sbr.abs _section_cstart, $3  }
0xcb: {  	[dreg:$0x1] =	wrdreg $0xFFFFFFFF  }
0xcc: {  	_ =	task.clear_ibuf [dreg:s10], $0x2FFFF;
	_ =	strace $0x9FFFFFFF  }
0xcd: {  	(tm) =	ssettm $0x7FFFFFFF  }
tec
execute0_lowered:
.L_overlay_start_1:
0x0: {  	(tag) =	ssettag $0x1  }
0x1: {  	s0 =	rddreg [dreg:$0x0]  }
0x2: {  	s7 =	rddreg [dreg:$0x1]  }
0x3: {  	s8 =	rddreg [dreg:$0x2]  }
0x4: {  	s5 =	rddreg [dreg:$0x3]  }
0x5: {  	s9 =	rddreg [dreg:$0x4]  }
0x6: {  	s2 =	rddreg [dreg:$0x5];
	s3 =	srdreg.scid;
	s4 =	simm.s32 $0x0  }
0x7: {  	s1 =	stileid.u32;
	s26 =	simm.s32 $0x4000;
	s28 =	simm.s32 $0x6000  }
0x8: {  	s29 =	simm.s32 $0x8000;
	s30 =	simm.s32 $0xA000;
	s16 =	simm.s32 $0xC000  }
0x9: {  	s17 =	simm.s32 $0xE000;
	s31 =	simm.s32 $0x10000;
	s18 =	simm.s32 $0x0  }
0xa: {  	s10 =	sand.u32 $0x1, s3;
	[smem:$0x7FF] =	sst s4;
	s11 =	sshll.u32 s1, $0xC  }
0xb: {  	s23 =	sshll.u32 s1, $0xF;
	_ =	strace $0x8000004A;
	[dreg:$0x7] =	wrdreg s26  }
0xc: {  	s24 =	sshll.u32 s1, $0x6;
	s14 =	sshll.u32 s1, $0xA;
	[dreg:$0x8] =	wrdreg s28  }
0xd: {  	s6 =	ssub.s32 $0x2, s10;
	s5 =	sadd.s32 s11, s5;
	[dreg:$0x9] =	wrdreg s29  }
0xe: {  	s13 =	sadd.s32 s23, s2;
	s15 =	sshll.u32 s10, $0x13;
	[dreg:$0xa] =	wrdreg s30  }
0xf: {  	s10 =	sshll.u32 s10, $0xE;
	s7 =	sadd.s32 s7, s14;
	[dreg:$0xb] =	wrdreg s16  }
0x10: {  	s8 =	sadd.s32 s8, s14;
	s14 =	simm.s32 $0x80;
	[dreg:$0xc] =	wrdreg s17  }
0x11: {  	s16 =	simm.s32 $0x1;
	[dreg:$0xd] =	wrdreg s31;
	s17 =	simm.s32 $0x2  }
0x12: {  	s12 =	sshrl.u32 s6, $0x1;
	s5 =	sadd.s32 $0x3400, s5;
	s7 =	sadd.s32 s10, s7  }
0x13: {  	s11 =	sshrl.u32 s13, $0x3;
	s22 =	ssub.s32 s6, s12;
	s12 =	sor.u32 s23, s15  }
0x14: {  	s6 =	sor.u32 $0x1C03, s24;
	s15 =	simm.s32 $0x12000;
	s25 =	sshrl.u32 s12, $0x3  }
0x15: {  	s10 =	smax.u32 s22, $0x1;
	s12 =	simm.s32 $0x3;
	s9 =	sadd.s32 s9, s25  }
.LBB2_1:
0x16: {  	[spmem:s11], [sflag:s6] =	dma.local [hbm:s5], $0x1000  }
0x17: {  	_ =	swait.ge [sflag:s12], $0x1000  }
0x18: {  	[sflag:s12] =	ssyncset.done $0x0  }
0x19: {  	[sflag:s12] =	ssyncadd.s32 $0xFFFFF000  }
0x1a: {  	[bflag:$0x0] =	sbarrier.arrive $0xFFFF  }
0x1b: {  	[tilespmem:s4], [sflag:$0x3] =	stream.linear.gather [hbm4b:s7+s4], $0x2000, $0x38;
	[tilespmem:$0x1C000] =	vst v63  }
0x1c: {  	_ =	swait.ge [sflag:s12], $0x2000  }
0x1d: {  	[sflag:s12] =	ssyncset.done $0x0  }
0x1e: {  	s1 =	simm.s32 $0x2000;
	[sflag:s12] =	ssyncadd.s32 $0xFFFFE000  }
0x1f: {  	[tilespmem:s1], [sflag:$0x3] =	stream.linear.gather [hbm4b:s8+s4], $0x2000, $0x38;
	[tilespmem:$0x1C000] =	vst v63  }
0x20: {  	_ =	swait.ge [sflag:s12], $0x2000  }
0x21: {  	p0 =	por $0x0, $0x0;
	[sflag:s12] =	ssyncset.done $0x0  }
0x22: {  	s19 =	simm.s32 @p0 $0x2;
	[sflag:s12] =	ssyncadd.s32 $0xFFFFE000  }
0x23: {  	_ =	swait.ge @p0 [sflag:s19], $0x2000  }
0x24: {  	s20 =	simm.s32 @p0 $0x0;
	[sflag:s19] =	ssyncset.done @p0 $0x0  }
0x25: {  	s21 =	simm.s32 @p0 $0x80;
	s22 =	simm.s32 @p0 $0x4000;
	[sflag:s19] =	ssyncadd.s32 @p0 $0xFFFFE000  }
0x26: {  	[tilespmem:s22], [sflag:$0x1] =	stream.indirect.gather @p0 [hbm4b:s0+s21], $0x40, s20, s21, $0xb8;
	[tilespmem:$0x1C000] =	vst v63  }
0x27: {  	_ =	swait.ge @p0 [sflag:s19], $0x2000  }
0x28: {  	[sflag:s19] =	ssyncset.done @p0 $0x0  }
0x29: {  	s20 =	simm.s32 @p0 $0x80;
	s22 =	simm.s32 @p0 $0x6000;
	[sflag:s19] =	ssyncadd.s32 @p0 $0xFFFFE000  }
0x2a: {  	[tilespmem:s22], [sflag:$0x1] =	stream.indirect.gather @p0 [hbm4b:s0+s21], $0x40, s20, s21, $0xb8;
	[tilespmem:$0x1C000] =	vst v63  }
0x2b: {  	_ =	swait.ge @p0 [sflag:s19], $0x2000  }
0x2c: {  	[sflag:s19] =	ssyncset.done @p0 $0x0  }
0x2d: {  	s20 =	simm.s32 @p0 $0x100;
	s22 =	simm.s32 @p0 $0x8000;
	[sflag:s19] =	ssyncadd.s32 @p0 $0xFFFFE000  }
0x2e: {  	[tilespmem:s22], [sflag:$0x1] =	stream.indirect.gather @p0 [hbm4b:s0+s21], $0x40, s20, s21, $0xb8;
	[tilespmem:$0x1C000] =	vst v63  }
0x2f: {  	_ =	swait.ge @p0 [sflag:s19], $0x2000  }
0x30: {  	[sflag:s19] =	ssyncset.done @p0 $0x0  }
0x31: {  	s20 =	simm.s32 @p0 $0x180;
	s22 =	simm.s32 @p0 $0xA000;
	[sflag:s19] =	ssyncadd.s32 @p0 $0xFFFFE000  }
0x32: {  	[tilespmem:s22], [sflag:$0x1] =	stream.indirect.gather @p0 [hbm4b:s0+s21], $0x40, s20, s21, $0xb8;
	[tilespmem:$0x1C000] =	vst v63  }
0x33: {  	_ =	swait.ge @p0 [sflag:s19], $0x2000  }
0x34: {  	[sflag:s19] =	ssyncset.done @p0 $0x0  }
0x35: {  	s20 =	simm.s32 @p0 $0x200;
	s22 =	simm.s32 @p0 $0xC000;
	[sflag:s19] =	ssyncadd.s32 @p0 $0xFFFFE000  }
0x36: {  	[tilespmem:s22], [sflag:$0x1] =	stream.indirect.gather @p0 [hbm4b:s0+s21], $0x40, s20, s21, $0xb8;
	[tilespmem:$0x1C000] =	vst v63  }
0x37: {  	_ =	swait.ge @p0 [sflag:s19], $0x2000  }
0x38: {  	[sflag:s19] =	ssyncset.done @p0 $0x0  }
0x39: {  	s20 =	simm.s32 @p0 $0x280;
	s22 =	simm.s32 @p0 $0xE000;
	[sflag:s19] =	ssyncadd.s32 @p0 $0xFFFFE000  }
0x3a: {  	[tilespmem:s22], [sflag:$0x1] =	stream.indirect.gather @p0 [hbm4b:s0+s21], $0x40, s20, s21, $0xb8;
	[tilespmem:$0x1C000] =	vst v63  }
0x3b: {  	_ =	swait.ge @p0 [sflag:s19], $0x2000  }
0x3c: {  	[sflag:s19] =	ssyncset.done @p0 $0x0  }
0x3d: {  	s20 =	simm.s32 $0x300;
	s22 =	simm.s32 @p0 $0x10000;
	[sflag:s19] =	ssyncadd.s32 @p0 $0xFFFFE000  }
0x3e: {  	[tilespmem:s22], [sflag:$0x1] =	stream.indirect.gather @p0 [hbm4b:s0+s21], $0x40, s20, s21, $0xb8;
	[tilespmem:$0x1C000] =	vst v63  }
0x3f: {  	_ =	swait.ge @p0 [sflag:s19], $0x2000  }
0x40: {  	s21 =	simm.s32 @!p0 $0x80;
	[sflag:s19] =	ssyncset.done @p0 $0x0  }
0x41: {  	s20 =	simm.s32 @!p0 $0x0;
	[sflag:s19] =	ssyncadd.s32 @p0 $0xFFFFE000;
	s19 =	simm.s32 @!p0 $0x4000  }
0x42: {  	[tilespmem:s19], [sflag:$0x1] =	stream.indirect.gather @!p0 [hbm4b:s0+s21], $0x40, s20, s21, $0xb8;
	[tilespmem:$0x1C000] =	vst v63  }
0x43: {  	s19 =	simm.s32 @!p0 $0x6000  }
0x44: {  	[tilespmem:s19], [sflag:$0x1] =	stream.indirect.gather @!p0 [hbm4b:s0+s21], $0x40, s21, s21, $0xb8;
	[tilespmem:$0x1C000] =	vst v63  }
0x45: {  	s20 =	simm.s32 @!p0 $0x8000;
	s19 =	simm.s32 @!p0 $0x100  }
0x46: {  	[tilespmem:s20], [sflag:$0x1] =	stream.indirect.gather @!p0 [hbm4b:s0+s21], $0x40, s19, s21, $0xb8;
	[tilespmem:$0x1C000] =	vst v63  }
0x47: {  	s19 =	simm.s32 @!p0 $0x180;
	s20 =	simm.s32 @!p0 $0xA000  }
0x48: {  	[tilespmem:s20], [sflag:$0x1] =	stream.indirect.gather @!p0 [hbm4b:s0+s21], $0x40, s19, s21, $0xb8;
	[tilespmem:$0x1C000] =	vst v63  }
0x49: {  	s19 =	simm.s32 @!p0 $0x200;
	s20 =	simm.s32 @!p0 $0xC000  }
0x4a: {  	[tilespmem:s20], [sflag:$0x1] =	stream.indirect.gather @!p0 [hbm4b:s0+s21], $0x40, s19, s21, $0xb8;
	[tilespmem:$0x1C000] =	vst v63  }
0x4b: {  	s22 =	simm.s32 @!p0 $0xE000;
	s20 =	simm.s32 @p0 $0x0;
	s19 =	simm.s32 @!p0 $0x280  }
0x4c: {  	[tilespmem:s22], [sflag:$0x1] =	stream.indirect.gather @!p0 [hbm4b:s0+s21], $0x40, s19, s21, $0xb8;
	[tilespmem:$0x1C000] =	vst v63  }
0x4d: {  	s20 =	simm.s32 @!p0 $0x0;
	s19 =	simm.s32 @!p0 $0x300;
	s22 =	simm.s32 @!p0 $0x10000  }
0x4e: {  	[tilespmem:s22], [sflag:$0x1] =	stream.indirect.gather @!p0 [hbm4b:s0+s21], $0x40, s19, s21, $0xb8;
	[tilespmem:$0x1C000] =	vst v63  }
0x4f: {  	s22 =	sor.u32 $0x380, s20  }
0x50: {  	[tilespmem:s15], [sflag:$0x1] =	stream.indirect.gather [hbm4b:s0+s14], $0x40, s22, s14, $0xb8;
	[tilespmem:$0x1C000] =	vst v63  }
0x51: {  	_ =	swait.ge [sflag:s16], $0x2000  }
0x52: {  	[sflag:s16] =	ssyncset.done $0x0  }
0x53: {  	s24 =	sadd.s32 $0x2000, s20;
	s23 =	rddreg [dreg:$0x7];
	[sflag:s16] =	ssyncadd.s32 $0xFFFFE000  }
0x54: {  	[spmem:s2] =	stream.indirect.scatter.add.f32 [tilespmem:s23], [sflag:$0x2], $0x40, s24, s14, $0xb8;
	[tilespmem:$0x1C000] =	vst v63  }
0x55: {  	s19 =	simm.s32 @p0 $0x80;
	_ =	swait.ge [sflag:s16], $0x2000  }
0x56: {  	s19 =	simm.s32 @!p0 $0x80;
	[sflag:s16] =	ssyncset.done $0x0  }
0x57: {  	s19 =	sadd.s32 $0x2000, s19;
	s25 =	rddreg [dreg:$0x8];
	[sflag:s16] =	ssyncadd.s32 $0xFFFFE000  }
0x58: {  	[spmem:s2] =	stream.indirect.scatter.add.f32 [tilespmem:s25], [sflag:$0x2], $0x40, s19, s14, $0xb8;
	[tilespmem:$0x1C000] =	vst v63  }
0x59: {  	s19 =	simm.s32 @p0 $0x100;
	_ =	swait.ge [sflag:s16], $0x2000  }
0x5a: {  	s19 =	simm.s32 @!p0 $0x100;
	[sflag:s16] =	ssyncset.done $0x0  }
0x5b: {  	s26 =	rddreg [dreg:$0x9];
	s19 =	sadd.s32 $0x2000, s19;
	[sflag:s16] =	ssyncadd.s32 $0xFFFFE000  }
0x5c: {  	[spmem:s2] =	stream.indirect.scatter.add.f32 [tilespmem:s26], [sflag:$0x2], $0x40, s19, s14, $0xb8;
	[tilespmem:$0x1C000] =	vst v63  }
0x5d: {  	s19 =	simm.s32 @p0 $0x180;
	_ =	swait.ge [sflag:s16], $0x2000  }
0x5e: {  	s19 =	simm.s32 @!p0 $0x180;
	[sflag:s16] =	ssyncset.done $0x0  }
0x5f: {  	s28 =	rddreg [dreg:$0xa];
	s19 =	sadd.s32 $0x2000, s19;
	[sflag:s16] =	ssyncadd.s32 $0xFFFFE000  }
0x60: {  	[spmem:s2] =	stream.indirect.scatter.add.f32 [tilespmem:s28], [sflag:$0x2], $0x40, s19, s14, $0xb8;
	[tilespmem:$0x1C000] =	vst v63  }
0x61: {  	s19 =	simm.s32 @p0 $0x200;
	_ =	swait.ge [sflag:s16], $0x2000  }
0x62: {  	s19 =	simm.s32 @!p0 $0x200;
	[sflag:s16] =	ssyncset.done $0x0  }
0x63: {  	s29 =	rddreg [dreg:$0xb];
	s19 =	sadd.s32 $0x2000, s19;
	[sflag:s16] =	ssyncadd.s32 $0xFFFFE000  }
0x64: {  	[spmem:s2] =	stream.indirect.scatter.add.f32 [tilespmem:s29], [sflag:$0x2], $0x40, s19, s14, $0xb8;
	[tilespmem:$0x1C000] =	vst v63  }
0x65: {  	s19 =	simm.s32 @p0 $0x280;
	_ =	swait.ge [sflag:s16], $0x2000  }
0x66: {  	s19 =	simm.s32 @!p0 $0x280;
	[sflag:s16] =	ssyncset.done $0x0  }
0x67: {  	s30 =	rddreg [dreg:$0xc];
	s19 =	sadd.s32 $0x2000, s19;
	[sflag:s16] =	ssyncadd.s32 $0xFFFFE000  }
0x68: {  	[spmem:s2] =	stream.indirect.scatter.add.f32 [tilespmem:s30], [sflag:$0x2], $0x40, s19, s14, $0xb8;
	[tilespmem:$0x1C000] =	vst v63  }
0x69: {  	s21 =	simm.s32 $0xB00;
	s19 =	simm.s32 $0x300;
	_ =	swait.ge [sflag:s16], $0x2000  }
0x6a: {  	s23 =	sadd.s32 $0x2380, s20;
	s19 =	simm.s32 @!p0 $0x300;
	[sflag:s16] =	ssyncset.done $0x0  }
0x6b: {  	s31 =	rddreg [dreg:$0xd];
	s19 =	sadd.s32 $0x2000, s19;
	[sflag:s16] =	ssyncadd.s32 $0xFFFFE000  }
0x6c: {  	[spmem:s2] =	stream.indirect.scatter.add.f32 [tilespmem:s31], [sflag:$0x2], $0x40, s19, s14, $0xb8;
	[tilespmem:$0x1C000] =	vst v63  }
0x6d: {  	s20 =	simm.s32 $0x700;
	p0 =	por $0x1, $0x1;
	s19 =	simm.s32 $0x700  }
.LBB2_2:
0x6e: {  	_ =	swait.ge [sflag:s16], $0x2000  }
0x6f: {  	[sflag:s16] =	ssyncset.done $0x0  }
0x70: {  	s30 =	simm.s32 @p0 $0x2;
	[sflag:s16] =	ssyncadd.s32 $0xFFFFE000  }
0x71: {  	[spmem:s2] =	stream.indirect.scatter.add.f32 [tilespmem:s15], [sflag:$0x2], $0x40, s23, s14, $0xb8;
	[tilespmem:$0x1C000] =	vst v63  }
0x72: {  	_ =	swait.ge @p0 [sflag:s30], $0x2000  }
0x73: {  	s31 =	simm.s32 @p0 $0x80;
	[sflag:s30] =	ssyncset.done @p0 $0x0  }
0x74: {  	s24 =	simm.s32 @p0 $0x4000;
	s23 =	sadd.s32 @p0 $0xFFFFFD00, s20;
	[sflag:s30] =	ssyncadd.s32 @p0 $0xFFFFE000  }
0x75: {  	[tilespmem:s24], [sflag:$0x1] =	stream.indirect.gather @p0 [hbm4b:s0+s31], $0x40, s23, s31, $0xb8;
	[tilespmem:$0x1C000] =	vst v63  }
0x76: {  	_ =	swait.ge @p0 [sflag:s30], $0x2000  }
0x77: {  	s22 =	sadd.s32 @p0 $0xFFFFFD00, s19;
	[sflag:s30] =	ssyncset.done @p0 $0x0  }
0x78: {  	s3 =	simm.s32 @p0 $0x6000;
	s24 =	sadd.s32 @p0 $0xFFFFFD80, s20;
	[sflag:s30] =	ssyncadd.s32 @p0 $0xFFFFE000  }
0x79: {  	[tilespmem:s3], [sflag:$0x1] =	stream.indirect.gather @p0 [hbm4b:s0+s31], $0x40, s24, s31, $0xb8;
	[tilespmem:$0x1C000] =	vst v63  }
0x7a: {  	s1 =	smov.u32 s21;
	s29 =	sadd.s32 @p0 $0xFFFFFD80, s19;
	_ =	swait.ge @p0 [sflag:s30], $0x2000  }
0x7b: {  	s25 =	sadd.s32 @p0 $0xFFFFFE00, s19;
	s26 =	sadd.s32 @p0 $0xFFFFFE80, s19;
	[sflag:s30] =	ssyncset.done @p0 $0x0  }
0x7c: {  	s13 =	simm.s32 @p0 $0x8000;
	s3 =	sadd.s32 @p0 $0xFFFFFE00, s20;
	[sflag:s30] =	ssyncadd.s32 @p0 $0xFFFFE000  }
0x7d: {  	[tilespmem:s13], [sflag:$0x1] =	stream.indirect.gather @p0 [hbm4b:s0+s31], $0x40, s3, s31, $0xb8;
	[tilespmem:$0x1C000] =	vst v63  }
0x7e: {  	s28 =	sadd.s32 @p0 $0xFFFFFF00, s19;
	s23 =	sadd.s32 @p0 $0xFFFFFF80, s19;
	_ =	swait.ge @p0 [sflag:s30], $0x2000  }
0x7f: {  	s24 =	smov.u32 s19;
	s19 =	smov.u32 s1;
	[sflag:s30] =	ssyncset.done @p0 $0x0  }
0x80: {  	s1 =	sadd.s32 @p0 $0xFFFFFE80, s20;
	s3 =	simm.s32 @p0 $0xA000;
	[sflag:s30] =	ssyncadd.s32 @p0 $0xFFFFE000  }
0x81: {  	[tilespmem:s3], [sflag:$0x1] =	stream.indirect.gather @p0 [hbm4b:s0+s31], $0x40, s1, s31, $0xb8;
	[tilespmem:$0x1C000] =	vst v63  }
0x82: {  	_ =	swait.ge @p0 [sflag:s30], $0x2000  }
0x83: {  	[sflag:s30] =	ssyncset.done @p0 $0x0  }
0x84: {  	s1 =	sadd.s32 @p0 $0xFFFFFF00, s20;
	s3 =	simm.s32 @p0 $0xC000;
	[sflag:s30] =	ssyncadd.s32 @p0 $0xFFFFE000  }
0x85: {  	[tilespmem:s3], [sflag:$0x1] =	stream.indirect.gather @p0 [hbm4b:s0+s31], $0x40, s1, s31, $0xb8;
	[tilespmem:$0x1C000] =	vst v63  }
0x86: {  	_ =	swait.ge @p0 [sflag:s30], $0x2000  }
0x87: {  	[sflag:s30] =	ssyncset.done @p0 $0x0  }
0x88: {  	s1 =	sadd.s32 @p0 $0xFFFFFF80, s20;
	s3 =	simm.s32 @p0 $0xE000;
	[sflag:s30] =	ssyncadd.s32 @p0 $0xFFFFE000  }
0x89: {  	[tilespmem:s3], [sflag:$0x1] =	stream.indirect.gather @p0 [hbm4b:s0+s31], $0x40, s1, s31, $0xb8;
	[tilespmem:$0x1C000] =	vst v63  }
0x8a: {  	_ =	swait.ge @p0 [sflag:s30], $0x2000  }
0x8b: {  	[sflag:s30] =	ssyncset.done @p0 $0x0  }
0x8c: {  	s1 =	simm.s32 @p0 $0x10000;
	[sflag:s30] =	ssyncadd.s32 @p0 $0xFFFFE000  }
0x8d: {  	[tilespmem:s1], [sflag:$0x1] =	stream.indirect.gather @p0 [hbm4b:s0+s31], $0x40, s20, s31, $0xb8;
	[tilespmem:$0x1C000] =	vst v63  }
0x8e: {  	_ =	swait.ge @p0 [sflag:s30], $0x2000  }
0x8f: {  	s13 =	simm.s32 @!p0 $0x4000;
	[sflag:s30] =	ssyncset.done @p0 $0x0  }
0x90: {  	s3 =	simm.s32 @!p0 $0x0;
	s1 =	simm.s32 @!p0 $0x80;
	[sflag:s30] =	ssyncadd.s32 @p0 $0xFFFFE000  }
0x91: {  	[tilespmem:s13], [sflag:$0x1] =	stream.indirect.gather @!p0 [hbm4b:s0+s1], $0x40, s3, s1, $0xb8;
	[tilespmem:$0x1C000] =	vst v63  }
0x92: {  	s3 =	simm.s32 @!p0 $0x6000  }
0x93: {  	[tilespmem:s3], [sflag:$0x1] =	stream.indirect.gather @!p0 [hbm4b:s0+s1], $0x40, s1, s1, $0xb8;
	[tilespmem:$0x1C000] =	vst v63  }
0x94: {  	s13 =	simm.s32 @!p0 $0x8000;
	s3 =	simm.s32 @!p0 $0x100  }
0x95: {  	[tilespmem:s13], [sflag:$0x1] =	stream.indirect.gather @!p0 [hbm4b:s0+s1], $0x40, s3, s1, $0xb8;
	[tilespmem:$0x1C000] =	vst v63  }
0x96: {  	s3 =	simm.s32 @!p0 $0x180;
	s13 =	simm.s32 @!p0 $0xA000  }
0x97: {  	[tilespmem:s13], [sflag:$0x1] =	stream.indirect.gather @!p0 [hbm4b:s0+s1], $0x40, s3, s1, $0xb8;
	[tilespmem:$0x1C000] =	vst v63  }
0x98: {  	s3 =	simm.s32 @!p0 $0x200;
	s13 =	simm.s32 @!p0 $0xC000  }
0x99: {  	[tilespmem:s13], [sflag:$0x1] =	stream.indirect.gather @!p0 [hbm4b:s0+s1], $0x40, s3, s1, $0xb8;
	[tilespmem:$0x1C000] =	vst v63  }
0x9a: {  	s3 =	simm.s32 @!p0 $0x280;
	s13 =	simm.s32 @!p0 $0xE000  }
0x9b: {  	[tilespmem:s13], [sflag:$0x1] =	stream.indirect.gather @!p0 [hbm4b:s0+s1], $0x40, s3, s1, $0xb8;
	[tilespmem:$0x1C000] =	vst v63  }
0x9c: {  	s22 =	simm.s32 @!p0 $0x0;
	s3 =	simm.s32 @!p0 $0x300;
	s13 =	simm.s32 @!p0 $0x10000  }
0x9d: {  	[tilespmem:s13], [sflag:$0x1] =	stream.indirect.gather @!p0 [hbm4b:s0+s1], $0x40, s3, s1, $0xb8;
	[tilespmem:$0x1C000] =	vst v63  }
0x9e: {  	s13 =	sor.u32 $0x380, s22  }
0x9f: {  	[tilespmem:s15], [sflag:$0x1] =	stream.indirect.gather [hbm4b:s0+s14], $0x40, s13, s14, $0xb8;
	[tilespmem:$0x1C000] =	vst v63  }
0xa0: {  	_ =	swait.ge [sflag:s16], $0x2000  }
0xa1: {  	[sflag:s16] =	ssyncset.done $0x0  }
0xa2: {  	s31 =	sadd.s32 $0x2000, s22;
	s30 =	rddreg [dreg:$0x7];
	[sflag:s16] =	ssyncadd.s32 $0xFFFFE000  }
0xa3: {  	[spmem:s2] =	stream.indirect.scatter.add.f32 [tilespmem:s30], [sflag:$0x2], $0x40, s31, s14, $0xb8;
	[tilespmem:$0x1C000] =	vst v63  }
0xa4: {  	_ =	swait.ge [sflag:s16], $0x2000  }
0xa5: {  	s29 =	simm.s32 @!p0 $0x80;
	[sflag:s16] =	ssyncset.done $0x0  }
0xa6: {  	s29 =	sadd.s32 $0x2000, s29;
	s13 =	rddreg [dreg:$0x8];
	[sflag:s16] =	ssyncadd.s32 $0xFFFFE000  }
0xa7: {  	[spmem:s2] =	stream.indirect.scatter.add.f32 [tilespmem:s13], [sflag:$0x2], $0x40, s29, s14, $0xb8;
	[tilespmem:$0x1C000] =	vst v63  }
0xa8: {  	_ =	swait.ge [sflag:s16], $0x2000  }
0xa9: {  	s25 =	simm.s32 @!p0 $0x100;
	[sflag:s16] =	ssyncset.done $0x0  }
0xaa: {  	s31 =	sadd.s32 $0x2000, s25;
	s30 =	rddreg [dreg:$0x9];
	[sflag:s16] =	ssyncadd.s32 $0xFFFFE000  }
0xab: {  	[spmem:s2] =	stream.indirect.scatter.add.f32 [tilespmem:s30], [sflag:$0x2], $0x40, s31, s14, $0xb8;
	[tilespmem:$0x1C000] =	vst v63  }
0xac: {  	_ =	swait.ge [sflag:s16], $0x2000  }
0xad: {  	s26 =	simm.s32 @!p0 $0x180;
	[sflag:s16] =	ssyncset.done $0x0  }
0xae: {  	s13 =	sadd.s32 $0x2000, s26;
	s3 =	rddreg [dreg:$0xa];
	[sflag:s16] =	ssyncadd.s32 $0xFFFFE000  }
0xaf: {  	[spmem:s2] =	stream.indirect.scatter.add.f32 [tilespmem:s3], [sflag:$0x2], $0x40, s13, s14, $0xb8;
	[tilespmem:$0x1C000] =	vst v63  }
0xb0: {  	_ =	swait.ge [sflag:s16], $0x2000  }
0xb1: {  	s28 =	simm.s32 @!p0 $0x200;
	[sflag:s16] =	ssyncset.done $0x0  }
0xb2: {  	s26 =	sadd.s32 $0x2000, s28;
	s25 =	rddreg [dreg:$0xb];
	[sflag:s16] =	ssyncadd.s32 $0xFFFFE000  }
0xb3: {  	[spmem:s2] =	stream.indirect.scatter.add.f32 [tilespmem:s25], [sflag:$0x2], $0x40, s26, s14, $0xb8;
	[tilespmem:$0x1C000] =	vst v63  }
0xb4: {  	s21 =	sadd.s32 $0x400, s21;
	_ =	swait.ge [sflag:s16], $0x2000  }
0xb5: {  	p1 =	sne.s32 s21, $0x2300;
	s23 =	simm.s32 @!p0 $0x280;
	[sflag:s16] =	ssyncset.done $0x0  }
0xb6: {  	s29 =	sadd.s32 $0x2000, s23;
	s28 =	rddreg [dreg:$0xc];
	[sflag:s16] =	ssyncadd.s32 $0xFFFFE000  }
0xb7: {  	[spmem:s2] =	stream.indirect.scatter.add.f32 [tilespmem:s28], [sflag:$0x2], $0x40, s29, s14, $0xb8;
	[tilespmem:$0x1C000] =	vst v63  }
.Ltmp0:
0xb8: {  	_ = 	snop;
	(pc) =	sbr.rel @p1 .LBB2_2-.Ltmp0, $4  }
0xb9: {  	s24 =	simm.s32 @!p0 $0x300;
	s20 =	sadd.s32 $0x400, s20;
	_ =	swait.ge [sflag:s16], $0x2000  }
0xba: {  	p0 =	sne.s32 s19, $0x300;
	s23 =	sadd.s32 $0x2380, s22;
	[sflag:s16] =	ssyncset.done $0x0  }
0xbb: {  	s31 =	sadd.s32 $0x2000, s24;
	s30 =	rddreg [dreg:$0xd];
	[sflag:s16] =	ssyncadd.s32 $0xFFFFE000  }
0xbc: {  	[spmem:s2] =	stream.indirect.scatter.add.f32 [tilespmem:s30], [sflag:$0x2], $0x40, s31, s14, $0xb8;
	[tilespmem:$0x1C000] =	vst v63  }
0xbd: {  	_ =	swait.ge [sflag:s16], $0x2000  }
0xbe: {  	[sflag:s16] =	ssyncset.done $0x0  }
0xbf: {  	s1 =	simm.s32 @p0 $0x2;
	[sflag:s16] =	ssyncadd.s32 $0xFFFFE000  }
0xc0: {  	[spmem:s2] =	stream.indirect.scatter.add.f32 [tilespmem:s15], [sflag:$0x2], $0x40, s23, s14, $0xb8;
	[tilespmem:$0x1C000] =	vst v63  }
0xc1: {  	_ =	swait.ge @p0 [sflag:s1], $0x2000  }
0xc2: {  	s3 =	sadd.s32 @p0 $0xFFFFFD00, s20;
	[sflag:s1] =	ssyncset.done @p0 $0x0  }
0xc3: {  	s13 =	simm.s32 @p0 $0x80;
	s21 =	simm.s32 @p0 $0x4000;
	[sflag:s1] =	ssyncadd.s32 @p0 $0xFFFFE000  }
0xc4: {  	[tilespmem:s21], [sflag:$0x1] =	stream.indirect.gather @p0 [hbm4b:s0+s13], $0x40, s3, s13, $0xb8;
	[tilespmem:$0x1C000] =	vst v63  }
0xc5: {  	_ =	swait.ge @p0 [sflag:s1], $0x2000  }
0xc6: {  	[sflag:s1] =	ssyncset.done @p0 $0x0  }
0xc7: {  	s3 =	sadd.s32 @p0 $0xFFFFFD80, s20;
	s21 =	simm.s32 @p0 $0x6000;
	[sflag:s1] =	ssyncadd.s32 @p0 $0xFFFFE000  }
0xc8: {  	[tilespmem:s21], [sflag:$0x1] =	stream.indirect.gather @p0 [hbm4b:s0+s13], $0x40, s3, s13, $0xb8;
	[tilespmem:$0x1C000] =	vst v63  }
0xc9: {  	_ =	swait.ge @p0 [sflag:s1], $0x2000  }
0xca: {  	[sflag:s1] =	ssyncset.done @p0 $0x0  }
0xcb: {  	s3 =	sadd.s32 @p0 $0xFFFFFE00, s20;
	s21 =	simm.s32 @p0 $0x8000;
	[sflag:s1] =	ssyncadd.s32 @p0 $0xFFFFE000  }
0xcc: {  	[tilespmem:s21], [sflag:$0x1] =	stream.indirect.gather @p0 [hbm4b:s0+s13], $0x40, s3, s13, $0xb8;
	[tilespmem:$0x1C000] =	vst v63  }
0xcd: {  	_ =	swait.ge @p0 [sflag:s1], $0x2000  }
0xce: {  	[sflag:s1] =	ssyncset.done @p0 $0x0  }
0xcf: {  	s3 =	sadd.s32 @p0 $0xFFFFFE80, s20;
	s21 =	simm.s32 @p0 $0xA000;
	[sflag:s1] =	ssyncadd.s32 @p0 $0xFFFFE000  }
0xd0: {  	[tilespmem:s21], [sflag:$0x1] =	stream.indirect.gather @p0 [hbm4b:s0+s13], $0x40, s3, s13, $0xb8;
	[tilespmem:$0x1C000] =	vst v63  }
0xd1: {  	_ =	swait.ge @p0 [sflag:s1], $0x2000  }
0xd2: {  	[sflag:s1] =	ssyncset.done @p0 $0x0  }
0xd3: {  	s3 =	sadd.s32 @p0 $0xFFFFFF00, s20;
	s21 =	simm.s32 @p0 $0xC000;
	[sflag:s1] =	ssyncadd.s32 @p0 $0xFFFFE000  }
0xd4: {  	[tilespmem:s21], [sflag:$0x1] =	stream.indirect.gather @p0 [hbm4b:s0+s13], $0x40, s3, s13, $0xb8;
	[tilespmem:$0x1C000] =	vst v63  }
0xd5: {  	_ =	swait.ge @p0 [sflag:s1], $0x2000  }
0xd6: {  	[sflag:s1] =	ssyncset.done @p0 $0x0  }
0xd7: {  	s3 =	sadd.s32 @p0 $0xFFFFFF80, s20;
	s21 =	simm.s32 @p0 $0xE000;
	[sflag:s1] =	ssyncadd.s32 @p0 $0xFFFFE000  }
0xd8: {  	[tilespmem:s21], [sflag:$0x1] =	stream.indirect.gather @p0 [hbm4b:s0+s13], $0x40, s3, s13, $0xb8;
	[tilespmem:$0x1C000] =	vst v63  }
0xd9: {  	_ =	swait.ge @p0 [sflag:s1], $0x2000  }
0xda: {  	[sflag:s1] =	ssyncset.done @p0 $0x0  }
0xdb: {  	s3 =	simm.s32 @p0 $0x10000;
	[sflag:s1] =	ssyncadd.s32 @p0 $0xFFFFE000  }
0xdc: {  	[tilespmem:s3], [sflag:$0x1] =	stream.indirect.gather @p0 [hbm4b:s0+s13], $0x40, s20, s13, $0xb8;
	[tilespmem:$0x1C000] =	vst v63  }
0xdd: {  	_ =	swait.ge @p0 [sflag:s1], $0x2000  }
0xde: {  	s3 =	simm.s32 @!p0 $0x80;
	[sflag:s1] =	ssyncset.done @p0 $0x0  }
0xdf: {  	s13 =	simm.s32 @!p0 $0x0;
	[sflag:s1] =	ssyncadd.s32 @p0 $0xFFFFE000;
	s1 =	simm.s32 @!p0 $0x4000  }
0xe0: {  	[tilespmem:s1], [sflag:$0x1] =	stream.indirect.gather @!p0 [hbm4b:s0+s3], $0x40, s13, s3, $0xb8;
	[tilespmem:$0x1C000] =	vst v63  }
0xe1: {  	s1 =	simm.s32 @!p0 $0x6000  }
0xe2: {  	[tilespmem:s1], [sflag:$0x1] =	stream.indirect.gather @!p0 [hbm4b:s0+s3], $0x40, s3, s3, $0xb8;
	[tilespmem:$0x1C000] =	vst v63  }
0xe3: {  	s13 =	simm.s32 @!p0 $0x8000;
	s1 =	simm.s32 @!p0 $0x100  }
0xe4: {  	[tilespmem:s13], [sflag:$0x1] =	stream.indirect.gather @!p0 [hbm4b:s0+s3], $0x40, s1, s3, $0xb8;
	[tilespmem:$0x1C000] =	vst v63  }
0xe5: {  	s1 =	simm.s32 @!p0 $0x180;
	s13 =	simm.s32 @!p0 $0xA000  }
0xe6: {  	[tilespmem:s13], [sflag:$0x1] =	stream.indirect.gather @!p0 [hbm4b:s0+s3], $0x40, s1, s3, $0xb8;
	[tilespmem:$0x1C000] =	vst v63  }
0xe7: {  	s1 =	simm.s32 @!p0 $0x200;
	s13 =	simm.s32 @!p0 $0xC000  }
0xe8: {  	[tilespmem:s13], [sflag:$0x1] =	stream.indirect.gather @!p0 [hbm4b:s0+s3], $0x40, s1, s3, $0xb8;
	[tilespmem:$0x1C000] =	vst v63  }
0xe9: {  	s20 =	sadd.s32 @p0 $0xFFFFFD00, s19;
	s1 =	simm.s32 @!p0 $0x280;
	s13 =	simm.s32 @!p0 $0xE000  }
0xea: {  	[tilespmem:s13], [sflag:$0x1] =	stream.indirect.gather @!p0 [hbm4b:s0+s3], $0x40, s1, s3, $0xb8;
	[tilespmem:$0x1C000] =	vst v63  }
0xeb: {  	s20 =	simm.s32 @!p0 $0x0;
	s1 =	simm.s32 @!p0 $0x300;
	s13 =	simm.s32 @!p0 $0x10000  }
0xec: {  	[tilespmem:s13], [sflag:$0x1] =	stream.indirect.gather @!p0 [hbm4b:s0+s3], $0x40, s1, s3, $0xb8;
	[tilespmem:$0x1C000] =	vst v63  }
0xed: {  	s13 =	sor.u32 $0x380, s20  }
0xee: {  	[tilespmem:s15], [sflag:$0x1] =	stream.indirect.gather [hbm4b:s0+s14], $0x40, s13, s14, $0xb8;
	[tilespmem:$0x1C000] =	vst v63  }
0xef: {  	_ =	swait.ge [sflag:s16], $0x2000  }
0xf0: {  	[sflag:s16] =	ssyncset.done $0x0  }
0xf1: {  	s22 =	sadd.s32 $0x2000, s20;
	s21 =	rddreg [dreg:$0x7];
	[sflag:s16] =	ssyncadd.s32 $0xFFFFE000  }
0xf2: {  	[spmem:s2] =	stream.indirect.scatter.add.f32 [tilespmem:s21], [sflag:$0x2], $0x40, s22, s14, $0xb8;
	[tilespmem:$0x1C000] =	vst v63  }
0xf3: {  	s1 =	sadd.s32 @p0 $0xFFFFFD80, s19;
	_ =	swait.ge [sflag:s16], $0x2000  }
0xf4: {  	s1 =	simm.s32 @!p0 $0x80;
	[sflag:s16] =	ssyncset.done $0x0  }
0xf5: {  	s1 =	sadd.s32 $0x2000, s1;
	s23 =	rddreg [dreg:$0x8];
	[sflag:s16] =	ssyncadd.s32 $0xFFFFE000  }
0xf6: {  	[spmem:s2] =	stream.indirect.scatter.add.f32 [tilespmem:s23], [sflag:$0x2], $0x40, s1, s14, $0xb8;
	[tilespmem:$0x1C000] =	vst v63  }
0xf7: {  	s1 =	sadd.s32 @p0 $0xFFFFFE00, s19;
	_ =	swait.ge [sflag:s16], $0x2000  }
0xf8: {  	s1 =	simm.s32 @!p0 $0x100;
	[sflag:s16] =	ssyncset.done $0x0  }
0xf9: {  	s24 =	rddreg [dreg:$0x9];
	s1 =	sadd.s32 $0x2000, s1;
	[sflag:s16] =	ssyncadd.s32 $0xFFFFE000  }
0xfa: {  	[spmem:s2] =	stream.indirect.scatter.add.f32 [tilespmem:s24], [sflag:$0x2], $0x40, s1, s14, $0xb8;
	[tilespmem:$0x1C000] =	vst v63  }
0xfb: {  	s1 =	sadd.s32 @p0 $0xFFFFFE80, s19;
	_ =	swait.ge [sflag:s16], $0x2000  }
0xfc: {  	s1 =	simm.s32 @!p0 $0x180;
	[sflag:s16] =	ssyncset.done $0x0  }
0xfd: {  	s25 =	rddreg [dreg:$0xa];
	s1 =	sadd.s32 $0x2000, s1;
	[sflag:s16] =	ssyncadd.s32 $0xFFFFE000  }
0xfe: {  	[spmem:s2] =	stream.indirect.scatter.add.f32 [tilespmem:s25], [sflag:$0x2], $0x40, s1, s14, $0xb8;
	[tilespmem:$0x1C000] =	vst v63  }
0xff: {  	s1 =	sadd.s32 @p0 $0xFFFFFF00, s19;
	_ =	swait.ge [sflag:s16], $0x2000  }
0x100: {  	s1 =	simm.s32 @!p0 $0x200;
	[sflag:s16] =	ssyncset.done $0x0  }
0x101: {  	s26 =	rddreg [dreg:$0xb];
	s1 =	sadd.s32 $0x2000, s1;
	[sflag:s16] =	ssyncadd.s32 $0xFFFFE000  }
0x102: {  	[spmem:s2] =	stream.indirect.scatter.add.f32 [tilespmem:s26], [sflag:$0x2], $0x40, s1, s14, $0xb8;
	[tilespmem:$0x1C000] =	vst v63  }
0x103: {  	s1 =	sadd.s32 @p0 $0xFFFFFF80, s19;
	_ =	swait.ge [sflag:s16], $0x2000  }
0x104: {  	s1 =	simm.s32 @!p0 $0x280;
	[sflag:s16] =	ssyncset.done $0x0  }
0x105: {  	s28 =	rddreg [dreg:$0xc];
	s1 =	sadd.s32 $0x2000, s1;
	[sflag:s16] =	ssyncadd.s32 $0xFFFFE000  }
0x106: {  	[spmem:s2] =	stream.indirect.scatter.add.f32 [tilespmem:s28], [sflag:$0x2], $0x40, s1, s14, $0xb8;
	[tilespmem:$0x1C000] =	vst v63  }
0x107: {  	_ =	swait.ge [sflag:s16], $0x2000  }
0x108: {  	s19 =	simm.s32 @!p0 $0x300;
	[sflag:s16] =	ssyncset.done $0x0  }
0x109: {  	s30 =	sadd.s32 $0x2000, s19;
	s29 =	rddreg [dreg:$0xd];
	[sflag:s16] =	ssyncadd.s32 $0xFFFFE000  }
0x10a: {  	[spmem:s2] =	stream.indirect.scatter.add.f32 [tilespmem:s29], [sflag:$0x2], $0x40, s30, s14, $0xb8;
	[tilespmem:$0x1C000] =	vst v63  }
0x10b: {  	_ =	swait.ge [sflag:s16], $0x2000  }
0x10c: {  	[sflag:s16] =	ssyncset.done $0x0  }
0x10d: {  	s31 =	sadd.s32 $0x2380, s20;
	[sflag:s16] =	ssyncadd.s32 $0xFFFFE000  }
0x10e: {  	[spmem:s2] =	stream.indirect.scatter.add.f32 [tilespmem:s15], [sflag:$0x2], $0x40, s31, s14, $0xb8;
	[tilespmem:$0x1C000] =	vst v63  }
0x10f: {  	_ =	swait.ge [sflag:s17], $0x2000  }
0x110: {  	[sflag:s17] =	ssyncset.done $0x0  }
0x111: {  	[sflag:s17] =	ssyncadd.s32 $0xFFFFE000  }
0x112: {  	_ =	swait.ge [sflag:s17], $0x2000  }
0x113: {  	[sflag:s17] =	ssyncset.done $0x0  }
0x114: {  	[sflag:s17] =	ssyncadd.s32 $0xFFFFE000  }
0x115: {  	_ =	swait.ge [sflag:s17], $0x2000  }
0x116: {  	[sflag:s17] =	ssyncset.done $0x0  }
0x117: {  	[sflag:s17] =	ssyncadd.s32 $0xFFFFE000  }
0x118: {  	_ =	swait.ge [sflag:s17], $0x2000  }
0x119: {  	[sflag:s17] =	ssyncset.done $0x0  }
0x11a: {  	[sflag:s17] =	ssyncadd.s32 $0xFFFFE000  }
0x11b: {  	_ =	swait.ge [sflag:s17], $0x2000  }
0x11c: {  	[sflag:s17] =	ssyncset.done $0x0  }
0x11d: {  	[sflag:s17] =	ssyncadd.s32 $0xFFFFE000  }
0x11e: {  	_ =	swait.ge [sflag:s17], $0x2000  }
0x11f: {  	[sflag:s17] =	ssyncset.done $0x0  }
0x120: {  	[sflag:s17] =	ssyncadd.s32 $0xFFFFE000  }
0x121: {  	_ =	swait.ge [sflag:s17], $0x2000  }
0x122: {  	[sflag:s17] =	ssyncset.done $0x0  }
0x123: {  	[sflag:s17] =	ssyncadd.s32 $0xFFFFE000  }
0x124: {  	_ =	swait.ge [sflag:s17], $0x2000  }
0x125: {  	s18 =	sadd.s32 $0x1, s18;
	[sflag:s17] =	ssyncset.done $0x0  }
0x126: {  	p0 =	sne.s32 s18, s10;
	[sflag:s17] =	ssyncadd.s32 $0xFFFFE000  }
.Ltmp1:
0x127: {  	[bflag:$0x0] =	sbarrier.arrive $0xFFFF;
	(pc) =	sbr.rel @p0 .LBB2_1-.Ltmp1, $4  }
0x128: {  	[hbm:s9], [sflag:s6] =	dma.local [spmem:s11], $0x1000  }
0x129: {  	_ =	swait.ge [sflag:s12], $0x1000  }
0x12a: {  	[sflag:s12] =	ssyncset.done $0x0  }
0x12b: {  	[sflag:s12] =	ssyncadd.s32 $0xFFFFF000  }
0x12c: {  	_ =	sfence.sel $0x180000  }
0x12d: {  	[bflag:$0x0] =	sbarrier.arrive $0xFFFF  }
0x12e: {  	_ =	strace $0x9000004A  }
0x12f: {  	s0 =	stileid.u32;
	[bflag:$0x2] =	sbarrier.arrive $0xFFFF  }
0x130: {  	p0 =	sne.s32 s0, $0x0;
	s0 =	rddreg [dreg:$0x6]  }
0x131: {  	s0 =	sadd.s32 @!p0 $0x100000, s0  }
0x132: {  	[sflag:s0] =	ssyncadd.tile.s32 @!p0 $0x1;
	_ =	shalt  }
.Lfunc_end2:
_tile_overlayer_lowered:
.L_overlay_start_2:
0x133: {  	(tag) =	ssettag $0x2  }
0x134: {  	s0 =	rddreg [dreg:$0x0];
	s2 =	stileid.u32  }
0x135: {  	s1 =	rddreg [dreg:$0x1];
	p0 =	sne.s32 s2, $0x0  }
0x136: {  	s3 =	rddreg [dreg:$0x2];
	[bflag:$0x3] =	sbarrier.arrive $0xFFFF;
	s2 =	simm.s32 @!p0 $0x1C03  }
0x137: {  	[timem:s3], [sflag:s2] =	dma.local @!p0 [hbm:s0], s1  }
0x138: {  	s0 =	simm.s32 @!p0 $0x3  }
0x139: {  	_ =	swait.ge @!p0 [sflag:s0], s1  }
0x13a: {  	s1 =	ssub.s32 @!p0 $0x0, s1;
	[sflag:s0] =	ssyncset.done @!p0 $0x0  }
0x13b: {  	[sflag:s0] =	ssyncadd.s32 @!p0 s1  }
0x13c: {  	[bflag:$0x3] =	sbarrier.arrive $0xFFFF  }
0x13d: {  	_ =	shalt  }

// kernel: kernel.20.cloned.1.call-start
scs
__scs_entry_jumppad:
0x0: {  	(pc) =	sbr.rel $0x88, $3  }
0x1: {  	(tag) =	ssettag $0x0;
	lr =	simm.s32 $0x1  }
0x2: {  	[smem:$0x3F96] =	sst lr;
	_ =	strace $0xD0000000  }
0x3: {  	_ = 	snop  }
0x4: {  	_ = 	snop  }
0x5: {  	_ = 	snop  }
0x6: {  	_ = 	snop  }
0x7: {  	_ = 	snop  }
__scs_overlays_trampoline_lowered:
0x8: {  	[smem:$0x3FA5] =	sst s0  }
0x9: {  	[smem:$0x3FA6] =	sst s1  }
0xa: {  	[smem:$0x3FA7] =	sst s2  }
0xb: {  	[smem:$0x3FA8] =	sst s3  }
0xc: {  	[smem:$0x3FA9] =	sst s4  }
0xd: {  	[smem:$0x3FAA] =	sst s5  }
0xe: {  	[smem:$0x3FAB] =	sst s6  }
0xf: {  	[smem:$0x3FAC] =	sst s7  }
0x10: {  	[smem:$0x3FAD] =	sst s8  }
0x11: {  	[smem:$0x3FAE] =	sst s9;
	s0 =	simm.s32 @!p0 $0x0  }
0x12: {  	s1 =	sld [smem:$0x3F94];
	s0 =	simm.s32 @p0 $0x1  }
0x13: {  	[smem:$0x3FAF] =	sst s0;
	s0 =	simm.s32 @!p1 $0x0  }
0x14: {  	s2 =	sld [smem:$0x3F93];
	s0 =	simm.s32 @p1 $0x1  }
0x15: {  	[smem:$0x3FB0] =	sst s0;
	s0 =	simm.s32 @!p2 $0x0  }
0x16: {  	s3 =	sld [smem:$0x3FDB];
	s0 =	simm.s32 @p2 $0x1  }
0x17: {  	s4 =	simm.s32 $0x1BF5;
	[smem:$0x3FB2] =	sst s0  }
0x18: {  	s0 =	sld [smem:$0x3F95];
	_ =	swait.ge [sflag:s4], $0x0  }
0x19: {  	s7 =	sld [smem:$0x3F96]  }
0x1a: {  	s8 =	sadd.s32 $0xFFFFE003, lr  }
0x1b: {  	s9 =	sadd.s32 $0xFFFFFEF7, lr;
	s5 =	simm.s32 $0xFFFFFFFF;
	p2 =	slt.u32 s8, $0xFFFFF086  }
0x1c: {  	p1 =	slt.u32 s9, $0xF7A;
	s5 =	simm.s32 @!p2 $0x0  }
0x1d: {  	s5 =	simm.s32 @p1 $0x1;
	p0 =	seq.s32 s7, s2  }
0x1e: {  	s7 =	smul.u32 @!p0 $0xF7A, s2;
	p2 =	seq.s32 @!p0 s5, $0x0  }
0x1f: {  	s9 =	smul.u32 $0xF7A, s1;
	s8 =	simm.s32 @!p0 $0x1BF5;
	p2 =	por !p2, p0  }
0x20: {  	[sflag:s8] =	ssyncset.s32 @!p0 $0xFFFFF086;
	s6 =	sadd.s32 @!p0 s3, s7;
	s7 =	simm.s32 @!p0 $0x108  }
0x21: {  	s3 =	sadd.s32 s3, s9;
	s6 =	sadd.s32 @!p0 $0x88, s6;
	s7 =	simm.s32 @p2 $0x1082  }
0x22: {  	[simem:s7], [sflag:s8] =	dma.local @!p0 [hbm:s6], $0xF7A  }
0x23: {  	s9 =	sor.u32 $0xD0000000, s2;
	s6 =	simm.s32 $0x108;
	_ =	swait.ge @!p0 [sflag:s8], $0x0  }
0x24: {  	s3 =	sadd.s32 $0x88, s3;
	s6 =	simm.s32 @!p1 $0x1082;
	[sflag:s4] =	ssyncset.s32 $0xFFFFF086  }
0x25: {  	[simem:s6], [sflag:s4] =	dma.local [hbm:s3], $0xF7A  }
0x26: {  	[smem:$0x3F96] =	sst s1;
	(tag) =	ssettag s2;
	_ =	strace s9  }
0x27: {  	s1 =	sld [smem:$0x3FA6]  }
0x28: {  	s2 =	sld [smem:$0x3FA7]  }
0x29: {  	s4 =	sld [smem:$0x3FA9]  }
0x2a: {  	p0 =	seq.s32 s5, $0x0;
	s5 =	sld [smem:$0x3FAA]  }
0x2b: {  	s6 =	sld [smem:$0x3FAB]  }
0x2c: {  	s7 =	sld [smem:$0x3FAC]  }
0x2d: {  	s3 =	simm.s32 $0x108;
	s8 =	sld [smem:$0x3FAD]  }
0x2e: {  	s3 =	simm.s32 @!p0 $0x1082;
	s9 =	sld [smem:$0x3FAE]  }
0x2f: {  	lr =	sadd.s32 s0, s3;
	s0 =	sld [smem:$0x3FA5]  }
0x30: {  	s3 =	sld [smem:$0x3FA8]  }
0x31: {  	[smem:$0x3FB1] =	sst s10  }
0x32: {  	s10 =	sld [smem:$0x3FAF];
	_ =	sdelay $0x3  }
0x33: {  	p0 =	seq.s32 s10, $0x1;
	s10 =	sld [smem:$0x3FB1];
	_ =	sdelay $0x3  }
0x34: {  	[smem:$0x3FB1] =	sst s10  }
0x35: {  	s10 =	sld [smem:$0x3FB0];
	_ =	sdelay $0x3  }
0x36: {  	p1 =	seq.s32 s10, $0x1;
	s10 =	sld [smem:$0x3FB1];
	_ =	sdelay $0x3  }
0x37: {  	[smem:$0x3FB1] =	sst s10  }
0x38: {  	s10 =	sld [smem:$0x3FB2]  }
0x39: {  	_ = 	snop;
	(pc) =	sbr.ind lr, $3  }
0x3a: {  	_ = 	snop  }
0x3b: {  	_ = 	snop  }
0x3c: {  	p2 =	seq.s32 s10, $0x1;
	s10 =	sld [smem:$0x3FB1]  }
0x3d: {  	_ =	shalt  }
0x3e: {  	_ =	shalt  }
0x3f: {  	_ =	shalt  }
0x40: {  	_ =	shalt  }
0x41: {  	_ =	shalt  }
0x42: {  	_ =	shalt  }
0x43: {  	_ =	shalt  }
0x44: {  	_ =	shalt  }
0x45: {  	_ =	shalt  }
0x46: {  	_ =	shalt  }
0x47: {  	_ =	shalt  }
0x48: {  	_ =	shalt  }
0x49: {  	_ =	shalt  }
0x4a: {  	_ =	shalt  }
0x4b: {  	_ =	shalt  }
0x4c: {  	_ =	shalt  }
0x4d: {  	_ =	shalt  }
0x4e: {  	_ =	shalt  }
0x4f: {  	_ =	shalt  }
0x50: {  	_ =	shalt  }
0x51: {  	_ =	shalt  }
0x52: {  	_ =	shalt  }
0x53: {  	_ =	shalt  }
0x54: {  	_ =	shalt  }
0x55: {  	_ =	shalt  }
0x56: {  	_ =	shalt  }
0x57: {  	_ =	shalt  }
0x58: {  	_ =	shalt  }
0x59: {  	_ =	shalt  }
0x5a: {  	_ =	shalt  }
0x5b: {  	_ =	shalt  }
0x5c: {  	_ =	shalt  }
0x5d: {  	_ =	shalt  }
0x5e: {  	_ =	shalt  }
0x5f: {  	_ =	shalt  }
0x60: {  	_ =	shalt  }
0x61: {  	_ =	shalt  }
0x62: {  	_ =	shalt  }
0x63: {  	_ =	shalt  }
0x64: {  	_ =	shalt  }
0x65: {  	_ =	shalt  }
0x66: {  	_ =	shalt  }
0x67: {  	_ =	shalt  }
0x68: {  	_ =	shalt  }
0x69: {  	_ =	shalt  }
0x6a: {  	_ =	shalt  }
0x6b: {  	_ =	shalt  }
0x6c: {  	_ =	shalt  }
0x6d: {  	_ =	shalt  }
0x6e: {  	_ =	shalt  }
0x6f: {  	_ =	shalt  }
0x70: {  	_ =	shalt  }
0x71: {  	_ =	shalt  }
0x72: {  	_ =	shalt  }
0x73: {  	_ =	shalt  }
0x74: {  	_ =	shalt  }
0x75: {  	_ =	shalt  }
0x76: {  	_ =	shalt  }
0x77: {  	_ =	shalt  }
0x78: {  	_ =	shalt  }
0x79: {  	_ =	shalt  }
0x7a: {  	_ =	shalt  }
0x7b: {  	_ =	shalt  }
0x7c: {  	_ =	shalt  }
0x7d: {  	_ =	shalt  }
0x7e: {  	_ =	shalt  }
0x7f: {  	_ =	shalt  }
0x80: {  	_ =	shalt  }
0x81: {  	_ =	shalt  }
0x82: {  	_ =	shalt  }
0x83: {  	_ =	shalt  }
0x84: {  	_ =	shalt  }
0x85: {  	_ =	shalt  }
0x86: {  	_ =	shalt  }
0x87: {  	_ =	shalt  }
.Lfunc_end0:
.L_simem_size_0:
called_computation.2_lowered:
.L_overlay_start_0:
0x88: {  	s2 =	sld [smem:$0x3FD9]  }
0x89: {  	s3 =	sld [smem:$0x3FFE];
	_ =	sdelay $0x1  }
0x8a: {  	s1 =	srdreg.scid  }
0x8b: {  	s0 =	sand.u32 $0x1, s1  }
0x8c: {  	s14 =	sshll.u32 s0, $0xA;
	s2 =	sadd.s32 s3, s2  }
0x8d: {  	s2 =	sadd.s32 s2, s14  }
0x8e: {  	[smem:$0x3FBD] =	sst s2  }
0x8f: {  	_ = 	snop  }
0x90: {  	s2 =	sld [smem:$0x3FD0];
	_ =	sdelay $0x2  }
0x91: {  	s15 =	simm.s32 $0xB;
	s4 =	simm.s32 $0x10  }
0x92: {  	[smem:s4], [sflag:s15] =	dma.local [hbm:s2], $0x1  }
0x93: {  	_ =	swait.eq [sflag:s15], $0x1  }
0x94: {  	s16 =	sld [smem:$0x11]  }
0x95: {  	s17 =	sld [smem:$0x12];
	[sflag:s15] =	ssyncset.done $0x0  }
0x96: {  	s5 =	sld [smem:$0x13];
	[sflag:s15] =	ssyncadd.s32 $0xFFFFFFFF  }
0x97: {  	s18 =	sld [smem:$0x15];
	(tm) =	ssettm $0x1  }
0x98: {  	s6 =	sld [smem:$0x3FFB];
	_ =	sdelay $0x3  }
0x99: {  	_ =	strace s6  }
0x9a: {  	s6 =	sld [smem:$0x3FFC];
	_ =	sdelay $0x3  }
0x9b: {  	_ =	strace s6  }
0x9c: {  	s6 =	sld [smem:$0x3FFD];
	_ =	sdelay $0x3  }
0x9d: {  	_ =	strace s6  }
0x9e: {  	_ =	strace $0x8FFFFFFF  }
0x9f: {  	s19 =	sld [smem:$0x3FDB];
	_ =	sdelay $0x1  }
0xa0: {  	s7 =	simm.s32 $_scs_section_size  }
0xa1: {  	s8 =	simm.s32 $_size__tile_overlayer_lowered;
	s9 =	simm.s32 $_tile_overlayer_lowered  }
0xa2: {  	s22 =	simm.s32 $0x1BFF;
	s21 =	sshll.u32 s9, $0x1;
	s6 =	sadd.s32 s7, s19  }
0xa3: {  	s10 =	simm.s32 $0x0;
	s20 =	sshll.u32 s8, $0x1;
	s8 =	sadd.s32 s21, s6  }
0xa4: {  	[timem:s10], [sflag:s22] =	dma.local [hbm:s8], s20  }
0xa5: {  	_ =	swait.ge [sflag:s22], s20  }
0xa6: {  	s7 =	ssub.s32 $0x0, s20;
	[sflag:s22] =	ssyncset.done $0x0  }
0xa7: {  	[sflag:s22] =	ssyncadd.s32 s7;
	_ =	sdelay $0x1  }
0xa8: {  	s23 =	simm.s32 $0x1B8B  }
0xa9: {  	_ =	swait.ge [sflag:s23], $0x1  }
0xaa: {  	[sflag:s23] =	ssyncset.done $0x0  }
0xab: {  	s25 =	simm.s32 $0x1B8E;
	s24 =	sld [smem:$0x3FFE];
	[sflag:s23] =	ssyncadd.s32 $0xFFFFFFFF  }
0xac: {  	s26 =	simm.s32 $execute0_lowered;
	[smem:$0x3FD2] =	sst s25  }
0xad: {  	s8 =	sshll.u32 s26, $0x1;
	_ =	strace $0x8000004C;
	[dreg:$0x1] =	wrdreg $0xFFFFFFFF  }
0xae: {  	s28 =	simm.s32 $_size_execute0_lowered;
	s6 =	sadd.s32 s6, s8;
	[dreg:$0x0] =	wrdreg $0x0  }
0xaf: {  	s8 =	sshll.u32 s28, $0x1;
	[dreg:$0x2] =	wrdreg s6  }
0xb0: {  	[dreg:$0x3] =	wrdreg s8  }
0xb1: {  	[dreg:$0x4] =	wrdreg $0xC0  }
0xb2: {  	_ =	task [dreg:s10], $0x5FFFF  }
0xb3: {  	[dreg:$0x1] =	wrdreg $0xFFFFFFFF  }
0xb4: {  	[dreg:$0x0] =	wrdreg $0x60  }
0xb5: {  	[dreg:$0x2] =	wrdreg s5  }
0xb6: {  	[dreg:$0x3] =	wrdreg s18  }
0xb7: {  	[dreg:$0x4] =	wrdreg s16  }
0xb8: {  	[dreg:$0x5] =	wrdreg s24  }
0xb9: {  	[dreg:$0x6] =	wrdreg s17  }
0xba: {  	[dreg:$0x7] =	wrdreg $0x140000  }
0xbb: {  	[dreg:$0x8] =	wrdreg $0x9  }
0xbc: {  	_ =	task.clear_ibuf [dreg:s10], $0x9FFFF;
	_ =	strace $0x9000004C  }
0xbd: {  	s29 =	simm.s32 $0x9;
	_ =	strace $0x8000004E  }
0xbe: {  	_ =	swait.ge [sflag:s29], $0x1  }
0xbf: {  	[sflag:s29] =	ssyncadd.s32 $0xFFFFFFFF  }
0xc0: {  	_ =	strace $0x9000004E  }
0xc1: {  	_ =	sfence  }
0xc2: {  	s30 =	sld [smem:$0x0];
	_ =	sdelay $0x2  }
0xc3: {  	s31 =	sshll.u32 s1, $0xD;
	s1 =	sshrl.u32 s1, $0x2  }
0xc4: {  	s3 =	sand.u32 $0x4000, s31;
	s1 =	sadd.s32 s1, s30  }
0xc5: {  	s0 =	sor.u32 s3, s0;
	s1 =	sshll.u32 s1, $0x11  }
0xc6: {  	s0 =	sor.u32 s1, s0  }
0xc7: {  	s0 =	sadd.s32 $0x8F2B, s0  }
0xc8: {  	[sflag:s0] =	ssyncadd.remote.s32 $0x1  }
0xc9: {  	_ =	sfence.sel $0xFFFF  }
0xca: {  	[dreg:$0x0] =	wrdreg $0xFFFFFFFF;
	(pc) =	sbr.abs _section_cstart, $3  }
0xcb: {  	[dreg:$0x1] =	wrdreg $0xFFFFFFFF  }
0xcc: {  	_ =	task.clear_ibuf [dreg:s10], $0x2FFFF;
	_ =	strace $0x9FFFFFFF  }
0xcd: {  	(tm) =	ssettm $0x7FFFFFFF  }
tec
execute0_lowered:
.L_overlay_start_1:
0x0: {  	(tag) =	ssettag $0x1  }
0x1: {  	s0 =	rddreg [dreg:$0x0]  }
0x2: {  	s7 =	rddreg [dreg:$0x1]  }
0x3: {  	s8 =	rddreg [dreg:$0x2]  }
0x4: {  	s5 =	rddreg [dreg:$0x3]  }
0x5: {  	s9 =	rddreg [dreg:$0x4]  }
0x6: {  	s2 =	rddreg [dreg:$0x5];
	s3 =	srdreg.scid;
	s4 =	simm.s32 $0x0  }
0x7: {  	s1 =	stileid.u32;
	s26 =	simm.s32 $0x4000;
	s28 =	simm.s32 $0x6000  }
0x8: {  	s29 =	simm.s32 $0x8000;
	s30 =	simm.s32 $0xA000;
	s16 =	simm.s32 $0xC000  }
0x9: {  	s17 =	simm.s32 $0xE000;
	s31 =	simm.s32 $0x10000;
	s18 =	simm.s32 $0x0  }
0xa: {  	s10 =	sand.u32 $0x1, s3;
	[smem:$0x7FF] =	sst s4;
	s11 =	sshll.u32 s1, $0xC  }
0xb: {  	s23 =	sshll.u32 s1, $0xF;
	_ =	strace $0x8000004D;
	[dreg:$0x7] =	wrdreg s26  }
0xc: {  	s24 =	sshll.u32 s1, $0x6;
	s14 =	sshll.u32 s1, $0xA;
	[dreg:$0x8] =	wrdreg s28  }
0xd: {  	s6 =	ssub.s32 $0x2, s10;
	s5 =	sadd.s32 s11, s5;
	[dreg:$0x9] =	wrdreg s29  }
0xe: {  	s13 =	sadd.s32 s23, s2;
	s15 =	sshll.u32 s10, $0x13;
	[dreg:$0xa] =	wrdreg s30  }
0xf: {  	s10 =	sshll.u32 s10, $0xE;
	s7 =	sadd.s32 s7, s14;
	[dreg:$0xb] =	wrdreg s16  }
0x10: {  	s8 =	sadd.s32 s8, s14;
	s14 =	simm.s32 $0x80;
	[dreg:$0xc] =	wrdreg s17  }
0x11: {  	s16 =	simm.s32 $0x1;
	[dreg:$0xd] =	wrdreg s31;
	s17 =	simm.s32 $0x2  }
0x12: {  	s12 =	sshrl.u32 s6, $0x1;
	s5 =	sadd.s32 $0x3400, s5;
	s7 =	sadd.s32 s10, s7  }
0x13: {  	s11 =	sshrl.u32 s13, $0x3;
	s22 =	ssub.s32 s6, s12;
	s12 =	sor.u32 s23, s15  }
0x14: {  	s6 =	sor.u32 $0x1C03, s24;
	s15 =	simm.s32 $0x12000;
	s25 =	sshrl.u32 s12, $0x3  }
0x15: {  	s10 =	smax.u32 s22, $0x1;
	s12 =	simm.s32 $0x3;
	s9 =	sadd.s32 s9, s25  }
.LBB2_1:
0x16: {  	[spmem:s11], [sflag:s6] =	dma.local [hbm:s5], $0x1000  }
0x17: {  	_ =	swait.ge [sflag:s12], $0x1000  }
0x18: {  	[sflag:s12] =	ssyncset.done $0x0  }
0x19: {  	[sflag:s12] =	ssyncadd.s32 $0xFFFFF000  }
0x1a: {  	[bflag:$0x0] =	sbarrier.arrive $0xFFFF  }
0x1b: {  	[tilespmem:s4], [sflag:$0x3] =	stream.linear.gather [hbm4b:s7+s4], $0x2000, $0x38;
	[tilespmem:$0x1C000] =	vst v63  }
0x1c: {  	_ =	swait.ge [sflag:s12], $0x2000  }
0x1d: {  	[sflag:s12] =	ssyncset.done $0x0  }
0x1e: {  	s1 =	simm.s32 $0x2000;
	[sflag:s12] =	ssyncadd.s32 $0xFFFFE000  }
0x1f: {  	[tilespmem:s1], [sflag:$0x3] =	stream.linear.gather [hbm4b:s8+s4], $0x2000, $0x38;
	[tilespmem:$0x1C000] =	vst v63  }
0x20: {  	_ =	swait.ge [sflag:s12], $0x2000  }
0x21: {  	p0 =	por $0x0, $0x0;
	[sflag:s12] =	ssyncset.done $0x0  }
0x22: {  	s19 =	simm.s32 @p0 $0x2;
	[sflag:s12] =	ssyncadd.s32 $0xFFFFE000  }
0x23: {  	_ =	swait.ge @p0 [sflag:s19], $0x2000  }
0x24: {  	s20 =	simm.s32 @p0 $0x0;
	[sflag:s19] =	ssyncset.done @p0 $0x0  }
0x25: {  	s21 =	simm.s32 @p0 $0x80;
	s22 =	simm.s32 @p0 $0x4000;
	[sflag:s19] =	ssyncadd.s32 @p0 $0xFFFFE000  }
0x26: {  	[tilespmem:s22], [sflag:$0x1] =	stream.indirect.gather @p0 [hbm4b:s0+s21], $0x40, s20, s21, $0xb8;
	[tilespmem:$0x1C000] =	vst v63  }
0x27: {  	_ =	swait.ge @p0 [sflag:s19], $0x2000  }
0x28: {  	[sflag:s19] =	ssyncset.done @p0 $0x0  }
0x29: {  	s20 =	simm.s32 @p0 $0x80;
	s22 =	simm.s32 @p0 $0x6000;
	[sflag:s19] =	ssyncadd.s32 @p0 $0xFFFFE000  }
0x2a: {  	[tilespmem:s22], [sflag:$0x1] =	stream.indirect.gather @p0 [hbm4b:s0+s21], $0x40, s20, s21, $0xb8;
	[tilespmem:$0x1C000] =	vst v63  }
0x2b: {  	_ =	swait.ge @p0 [sflag:s19], $0x2000  }
0x2c: {  	[sflag:s19] =	ssyncset.done @p0 $0x0  }
0x2d: {  	s20 =	simm.s32 @p0 $0x100;
	s22 =	simm.s32 @p0 $0x8000;
	[sflag:s19] =	ssyncadd.s32 @p0 $0xFFFFE000  }
0x2e: {  	[tilespmem:s22], [sflag:$0x1] =	stream.indirect.gather @p0 [hbm4b:s0+s21], $0x40, s20, s21, $0xb8;
	[tilespmem:$0x1C000] =	vst v63  }
0x2f: {  	_ =	swait.ge @p0 [sflag:s19], $0x2000  }
0x30: {  	[sflag:s19] =	ssyncset.done @p0 $0x0  }
0x31: {  	s20 =	simm.s32 @p0 $0x180;
	s22 =	simm.s32 @p0 $0xA000;
	[sflag:s19] =	ssyncadd.s32 @p0 $0xFFFFE000  }
0x32: {  	[tilespmem:s22], [sflag:$0x1] =	stream.indirect.gather @p0 [hbm4b:s0+s21], $0x40, s20, s21, $0xb8;
	[tilespmem:$0x1C000] =	vst v63  }
0x33: {  	_ =	swait.ge @p0 [sflag:s19], $0x2000  }
0x34: {  	[sflag:s19] =	ssyncset.done @p0 $0x0  }
0x35: {  	s20 =	simm.s32 @p0 $0x200;
	s22 =	simm.s32 @p0 $0xC000;
	[sflag:s19] =	ssyncadd.s32 @p0 $0xFFFFE000  }
0x36: {  	[tilespmem:s22], [sflag:$0x1] =	stream.indirect.gather @p0 [hbm4b:s0+s21], $0x40, s20, s21, $0xb8;
	[tilespmem:$0x1C000] =	vst v63  }
0x37: {  	_ =	swait.ge @p0 [sflag:s19], $0x2000  }
0x38: {  	[sflag:s19] =	ssyncset.done @p0 $0x0  }
0x39: {  	s20 =	simm.s32 @p0 $0x280;
	s22 =	simm.s32 @p0 $0xE000;
	[sflag:s19] =	ssyncadd.s32 @p0 $0xFFFFE000  }
0x3a: {  	[tilespmem:s22], [sflag:$0x1] =	stream.indirect.gather @p0 [hbm4b:s0+s21], $0x40, s20, s21, $0xb8;
	[tilespmem:$0x1C000] =	vst v63  }
0x3b: {  	_ =	swait.ge @p0 [sflag:s19], $0x2000  }
0x3c: {  	[sflag:s19] =	ssyncset.done @p0 $0x0  }
0x3d: {  	s20 =	simm.s32 $0x300;
	s22 =	simm.s32 @p0 $0x10000;
	[sflag:s19] =	ssyncadd.s32 @p0 $0xFFFFE000  }
0x3e: {  	[tilespmem:s22], [sflag:$0x1] =	stream.indirect.gather @p0 [hbm4b:s0+s21], $0x40, s20, s21, $0xb8;
	[tilespmem:$0x1C000] =	vst v63  }
0x3f: {  	_ =	swait.ge @p0 [sflag:s19], $0x2000  }
0x40: {  	s21 =	simm.s32 @!p0 $0x80;
	[sflag:s19] =	ssyncset.done @p0 $0x0  }
0x41: {  	s20 =	simm.s32 @!p0 $0x0;
	[sflag:s19] =	ssyncadd.s32 @p0 $0xFFFFE000;
	s19 =	simm.s32 @!p0 $0x4000  }
0x42: {  	[tilespmem:s19], [sflag:$0x1] =	stream.indirect.gather @!p0 [hbm4b:s0+s21], $0x40, s20, s21, $0xb8;
	[tilespmem:$0x1C000] =	vst v63  }
0x43: {  	s19 =	simm.s32 @!p0 $0x6000  }
0x44: {  	[tilespmem:s19], [sflag:$0x1] =	stream.indirect.gather @!p0 [hbm4b:s0+s21], $0x40, s21, s21, $0xb8;
	[tilespmem:$0x1C000] =	vst v63  }
0x45: {  	s20 =	simm.s32 @!p0 $0x8000;
	s19 =	simm.s32 @!p0 $0x100  }
0x46: {  	[tilespmem:s20], [sflag:$0x1] =	stream.indirect.gather @!p0 [hbm4b:s0+s21], $0x40, s19, s21, $0xb8;
	[tilespmem:$0x1C000] =	vst v63  }
0x47: {  	s19 =	simm.s32 @!p0 $0x180;
	s20 =	simm.s32 @!p0 $0xA000  }
0x48: {  	[tilespmem:s20], [sflag:$0x1] =	stream.indirect.gather @!p0 [hbm4b:s0+s21], $0x40, s19, s21, $0xb8;
	[tilespmem:$0x1C000] =	vst v63  }
0x49: {  	s19 =	simm.s32 @!p0 $0x200;
	s20 =	simm.s32 @!p0 $0xC000  }
0x4a: {  	[tilespmem:s20], [sflag:$0x1] =	stream.indirect.gather @!p0 [hbm4b:s0+s21], $0x40, s19, s21, $0xb8;
	[tilespmem:$0x1C000] =	vst v63  }
0x4b: {  	s22 =	simm.s32 @!p0 $0xE000;
	s20 =	simm.s32 @p0 $0x0;
	s19 =	simm.s32 @!p0 $0x280  }
0x4c: {  	[tilespmem:s22], [sflag:$0x1] =	stream.indirect.gather @!p0 [hbm4b:s0+s21], $0x40, s19, s21, $0xb8;
	[tilespmem:$0x1C000] =	vst v63  }
0x4d: {  	s20 =	simm.s32 @!p0 $0x0;
	s19 =	simm.s32 @!p0 $0x300;
	s22 =	simm.s32 @!p0 $0x10000  }
0x4e: {  	[tilespmem:s22], [sflag:$0x1] =	stream.indirect.gather @!p0 [hbm4b:s0+s21], $0x40, s19, s21, $0xb8;
	[tilespmem:$0x1C000] =	vst v63  }
0x4f: {  	s22 =	sor.u32 $0x380, s20  }
0x50: {  	[tilespmem:s15], [sflag:$0x1] =	stream.indirect.gather [hbm4b:s0+s14], $0x40, s22, s14, $0xb8;
	[tilespmem:$0x1C000] =	vst v63  }
0x51: {  	_ =	swait.ge [sflag:s16], $0x2000  }
0x52: {  	[sflag:s16] =	ssyncset.done $0x0  }
0x53: {  	s24 =	sadd.s32 $0x2000, s20;
	s23 =	rddreg [dreg:$0x7];
	[sflag:s16] =	ssyncadd.s32 $0xFFFFE000  }
0x54: {  	[spmem:s2] =	stream.indirect.scatter.add.f32 [tilespmem:s23], [sflag:$0x2], $0x40, s24, s14, $0xb8;
	[tilespmem:$0x1C000] =	vst v63  }
0x55: {  	s19 =	simm.s32 @p0 $0x80;
	_ =	swait.ge [sflag:s16], $0x2000  }
0x56: {  	s19 =	simm.s32 @!p0 $0x80;
	[sflag:s16] =	ssyncset.done $0x0  }
0x57: {  	s19 =	sadd.s32 $0x2000, s19;
	s25 =	rddreg [dreg:$0x8];
	[sflag:s16] =	ssyncadd.s32 $0xFFFFE000  }
0x58: {  	[spmem:s2] =	stream.indirect.scatter.add.f32 [tilespmem:s25], [sflag:$0x2], $0x40, s19, s14, $0xb8;
	[tilespmem:$0x1C000] =	vst v63  }
0x59: {  	s19 =	simm.s32 @p0 $0x100;
	_ =	swait.ge [sflag:s16], $0x2000  }
0x5a: {  	s19 =	simm.s32 @!p0 $0x100;
	[sflag:s16] =	ssyncset.done $0x0  }
0x5b: {  	s26 =	rddreg [dreg:$0x9];
	s19 =	sadd.s32 $0x2000, s19;
	[sflag:s16] =	ssyncadd.s32 $0xFFFFE000  }
0x5c: {  	[spmem:s2] =	stream.indirect.scatter.add.f32 [tilespmem:s26], [sflag:$0x2], $0x40, s19, s14, $0xb8;
	[tilespmem:$0x1C000] =	vst v63  }
0x5d: {  	s19 =	simm.s32 @p0 $0x180;
	_ =	swait.ge [sflag:s16], $0x2000  }
0x5e: {  	s19 =	simm.s32 @!p0 $0x180;
	[sflag:s16] =	ssyncset.done $0x0  }
0x5f: {  	s28 =	rddreg [dreg:$0xa];
	s19 =	sadd.s32 $0x2000, s19;
	[sflag:s16] =	ssyncadd.s32 $0xFFFFE000  }
0x60: {  	[spmem:s2] =	stream.indirect.scatter.add.f32 [tilespmem:s28], [sflag:$0x2], $0x40, s19, s14, $0xb8;
	[tilespmem:$0x1C000] =	vst v63  }
0x61: {  	s19 =	simm.s32 @p0 $0x200;
	_ =	swait.ge [sflag:s16], $0x2000  }
0x62: {  	s19 =	simm.s32 @!p0 $0x200;
	[sflag:s16] =	ssyncset.done $0x0  }
0x63: {  	s29 =	rddreg [dreg:$0xb];
	s19 =	sadd.s32 $0x2000, s19;
	[sflag:s16] =	ssyncadd.s32 $0xFFFFE000  }
0x64: {  	[spmem:s2] =	stream.indirect.scatter.add.f32 [tilespmem:s29], [sflag:$0x2], $0x40, s19, s14, $0xb8;
	[tilespmem:$0x1C000] =	vst v63  }
0x65: {  	s19 =	simm.s32 @p0 $0x280;
	_ =	swait.ge [sflag:s16], $0x2000  }
0x66: {  	s19 =	simm.s32 @!p0 $0x280;
	[sflag:s16] =	ssyncset.done $0x0  }
0x67: {  	s30 =	rddreg [dreg:$0xc];
	s19 =	sadd.s32 $0x2000, s19;
	[sflag:s16] =	ssyncadd.s32 $0xFFFFE000  }
0x68: {  	[spmem:s2] =	stream.indirect.scatter.add.f32 [tilespmem:s30], [sflag:$0x2], $0x40, s19, s14, $0xb8;
	[tilespmem:$0x1C000] =	vst v63  }
0x69: {  	s21 =	simm.s32 $0xB00;
	s19 =	simm.s32 $0x300;
	_ =	swait.ge [sflag:s16], $0x2000  }
0x6a: {  	s23 =	sadd.s32 $0x2380, s20;
	s19 =	simm.s32 @!p0 $0x300;
	[sflag:s16] =	ssyncset.done $0x0  }
0x6b: {  	s31 =	rddreg [dreg:$0xd];
	s19 =	sadd.s32 $0x2000, s19;
	[sflag:s16] =	ssyncadd.s32 $0xFFFFE000  }
0x6c: {  	[spmem:s2] =	stream.indirect.scatter.add.f32 [tilespmem:s31], [sflag:$0x2], $0x40, s19, s14, $0xb8;
	[tilespmem:$0x1C000] =	vst v63  }
0x6d: {  	s20 =	simm.s32 $0x700;
	p0 =	por $0x1, $0x1;
	s19 =	simm.s32 $0x700  }
.LBB2_2:
0x6e: {  	_ =	swait.ge [sflag:s16], $0x2000  }
0x6f: {  	[sflag:s16] =	ssyncset.done $0x0  }
0x70: {  	s30 =	simm.s32 @p0 $0x2;
	[sflag:s16] =	ssyncadd.s32 $0xFFFFE000  }
0x71: {  	[spmem:s2] =	stream.indirect.scatter.add.f32 [tilespmem:s15], [sflag:$0x2], $0x40, s23, s14, $0xb8;
	[tilespmem:$0x1C000] =	vst v63  }
0x72: {  	_ =	swait.ge @p0 [sflag:s30], $0x2000  }
0x73: {  	s31 =	simm.s32 @p0 $0x80;
	[sflag:s30] =	ssyncset.done @p0 $0x0  }
0x74: {  	s24 =	simm.s32 @p0 $0x4000;
	s23 =	sadd.s32 @p0 $0xFFFFFD00, s20;
	[sflag:s30] =	ssyncadd.s32 @p0 $0xFFFFE000  }
0x75: {  	[tilespmem:s24], [sflag:$0x1] =	stream.indirect.gather @p0 [hbm4b:s0+s31], $0x40, s23, s31, $0xb8;
	[tilespmem:$0x1C000] =	vst v63  }
0x76: {  	_ =	swait.ge @p0 [sflag:s30], $0x2000  }
0x77: {  	s22 =	sadd.s32 @p0 $0xFFFFFD00, s19;
	[sflag:s30] =	ssyncset.done @p0 $0x0  }
0x78: {  	s3 =	simm.s32 @p0 $0x6000;
	s24 =	sadd.s32 @p0 $0xFFFFFD80, s20;
	[sflag:s30] =	ssyncadd.s32 @p0 $0xFFFFE000  }
0x79: {  	[tilespmem:s3], [sflag:$0x1] =	stream.indirect.gather @p0 [hbm4b:s0+s31], $0x40, s24, s31, $0xb8;
	[tilespmem:$0x1C000] =	vst v63  }
0x7a: {  	s1 =	smov.u32 s21;
	s29 =	sadd.s32 @p0 $0xFFFFFD80, s19;
	_ =	swait.ge @p0 [sflag:s30], $0x2000  }
0x7b: {  	s25 =	sadd.s32 @p0 $0xFFFFFE00, s19;
	s26 =	sadd.s32 @p0 $0xFFFFFE80, s19;
	[sflag:s30] =	ssyncset.done @p0 $0x0  }
0x7c: {  	s13 =	simm.s32 @p0 $0x8000;
	s3 =	sadd.s32 @p0 $0xFFFFFE00, s20;
	[sflag:s30] =	ssyncadd.s32 @p0 $0xFFFFE000  }
0x7d: {  	[tilespmem:s13], [sflag:$0x1] =	stream.indirect.gather @p0 [hbm4b:s0+s31], $0x40, s3, s31, $0xb8;
	[tilespmem:$0x1C000] =	vst v63  }
0x7e: {  	s28 =	sadd.s32 @p0 $0xFFFFFF00, s19;
	s23 =	sadd.s32 @p0 $0xFFFFFF80, s19;
	_ =	swait.ge @p0 [sflag:s30], $0x2000  }
0x7f: {  	s24 =	smov.u32 s19;
	s19 =	smov.u32 s1;
	[sflag:s30] =	ssyncset.done @p0 $0x0  }
0x80: {  	s1 =	sadd.s32 @p0 $0xFFFFFE80, s20;
	s3 =	simm.s32 @p0 $0xA000;
	[sflag:s30] =	ssyncadd.s32 @p0 $0xFFFFE000  }
0x81: {  	[tilespmem:s3], [sflag:$0x1] =	stream.indirect.gather @p0 [hbm4b:s0+s31], $0x40, s1, s31, $0xb8;
	[tilespmem:$0x1C000] =	vst v63  }
0x82: {  	_ =	swait.ge @p0 [sflag:s30], $0x2000  }
0x83: {  	[sflag:s30] =	ssyncset.done @p0 $0x0  }
0x84: {  	s1 =	sadd.s32 @p0 $0xFFFFFF00, s20;
	s3 =	simm.s32 @p0 $0xC000;
	[sflag:s30] =	ssyncadd.s32 @p0 $0xFFFFE000  }
0x85: {  	[tilespmem:s3], [sflag:$0x1] =	stream.indirect.gather @p0 [hbm4b:s0+s31], $0x40, s1, s31, $0xb8;
	[tilespmem:$0x1C000] =	vst v63  }
0x86: {  	_ =	swait.ge @p0 [sflag:s30], $0x2000  }
0x87: {  	[sflag:s30] =	ssyncset.done @p0 $0x0  }
0x88: {  	s1 =	sadd.s32 @p0 $0xFFFFFF80, s20;
	s3 =	simm.s32 @p0 $0xE000;
	[sflag:s30] =	ssyncadd.s32 @p0 $0xFFFFE000  }
0x89: {  	[tilespmem:s3], [sflag:$0x1] =	stream.indirect.gather @p0 [hbm4b:s0+s31], $0x40, s1, s31, $0xb8;
	[tilespmem:$0x1C000] =	vst v63  }
0x8a: {  	_ =	swait.ge @p0 [sflag:s30], $0x2000  }
0x8b: {  	[sflag:s30] =	ssyncset.done @p0 $0x0  }
0x8c: {  	s1 =	simm.s32 @p0 $0x10000;
	[sflag:s30] =	ssyncadd.s32 @p0 $0xFFFFE000  }
0x8d: {  	[tilespmem:s1], [sflag:$0x1] =	stream.indirect.gather @p0 [hbm4b:s0+s31], $0x40, s20, s31, $0xb8;
	[tilespmem:$0x1C000] =	vst v63  }
0x8e: {  	_ =	swait.ge @p0 [sflag:s30], $0x2000  }
0x8f: {  	s13 =	simm.s32 @!p0 $0x4000;
	[sflag:s30] =	ssyncset.done @p0 $0x0  }
0x90: {  	s3 =	simm.s32 @!p0 $0x0;
	s1 =	simm.s32 @!p0 $0x80;
	[sflag:s30] =	ssyncadd.s32 @p0 $0xFFFFE000  }
0x91: {  	[tilespmem:s13], [sflag:$0x1] =	stream.indirect.gather @!p0 [hbm4b:s0+s1], $0x40, s3, s1, $0xb8;
	[tilespmem:$0x1C000] =	vst v63  }
0x92: {  	s3 =	simm.s32 @!p0 $0x6000  }
0x93: {  	[tilespmem:s3], [sflag:$0x1] =	stream.indirect.gather @!p0 [hbm4b:s0+s1], $0x40, s1, s1, $0xb8;
	[tilespmem:$0x1C000] =	vst v63  }
0x94: {  	s13 =	simm.s32 @!p0 $0x8000;
	s3 =	simm.s32 @!p0 $0x100  }
0x95: {  	[tilespmem:s13], [sflag:$0x1] =	stream.indirect.gather @!p0 [hbm4b:s0+s1], $0x40, s3, s1, $0xb8;
	[tilespmem:$0x1C000] =	vst v63  }
0x96: {  	s3 =	simm.s32 @!p0 $0x180;
	s13 =	simm.s32 @!p0 $0xA000  }
0x97: {  	[tilespmem:s13], [sflag:$0x1] =	stream.indirect.gather @!p0 [hbm4b:s0+s1], $0x40, s3, s1, $0xb8;
	[tilespmem:$0x1C000] =	vst v63  }
0x98: {  	s3 =	simm.s32 @!p0 $0x200;
	s13 =	simm.s32 @!p0 $0xC000  }
0x99: {  	[tilespmem:s13], [sflag:$0x1] =	stream.indirect.gather @!p0 [hbm4b:s0+s1], $0x40, s3, s1, $0xb8;
	[tilespmem:$0x1C000] =	vst v63  }
0x9a: {  	s3 =	simm.s32 @!p0 $0x280;
	s13 =	simm.s32 @!p0 $0xE000  }
0x9b: {  	[tilespmem:s13], [sflag:$0x1] =	stream.indirect.gather @!p0 [hbm4b:s0+s1], $0x40, s3, s1, $0xb8;
	[tilespmem:$0x1C000] =	vst v63  }
0x9c: {  	s22 =	simm.s32 @!p0 $0x0;
	s3 =	simm.s32 @!p0 $0x300;
	s13 =	simm.s32 @!p0 $0x10000  }
0x9d: {  	[tilespmem:s13], [sflag:$0x1] =	stream.indirect.gather @!p0 [hbm4b:s0+s1], $0x40, s3, s1, $0xb8;
	[tilespmem:$0x1C000] =	vst v63  }
0x9e: {  	s13 =	sor.u32 $0x380, s22  }
0x9f: {  	[tilespmem:s15], [sflag:$0x1] =	stream.indirect.gather [hbm4b:s0+s14], $0x40, s13, s14, $0xb8;
	[tilespmem:$0x1C000] =	vst v63  }
0xa0: {  	_ =	swait.ge [sflag:s16], $0x2000  }
0xa1: {  	[sflag:s16] =	ssyncset.done $0x0  }
0xa2: {  	s31 =	sadd.s32 $0x2000, s22;
	s30 =	rddreg [dreg:$0x7];
	[sflag:s16] =	ssyncadd.s32 $0xFFFFE000  }
0xa3: {  	[spmem:s2] =	stream.indirect.scatter.add.f32 [tilespmem:s30], [sflag:$0x2], $0x40, s31, s14, $0xb8;
	[tilespmem:$0x1C000] =	vst v63  }
0xa4: {  	_ =	swait.ge [sflag:s16], $0x2000  }
0xa5: {  	s29 =	simm.s32 @!p0 $0x80;
	[sflag:s16] =	ssyncset.done $0x0  }
0xa6: {  	s29 =	sadd.s32 $0x2000, s29;
	s13 =	rddreg [dreg:$0x8];
	[sflag:s16] =	ssyncadd.s32 $0xFFFFE000  }
0xa7: {  	[spmem:s2] =	stream.indirect.scatter.add.f32 [tilespmem:s13], [sflag:$0x2], $0x40, s29, s14, $0xb8;
	[tilespmem:$0x1C000] =	vst v63  }
0xa8: {  	_ =	swait.ge [sflag:s16], $0x2000  }
0xa9: {  	s25 =	simm.s32 @!p0 $0x100;
	[sflag:s16] =	ssyncset.done $0x0  }
0xaa: {  	s31 =	sadd.s32 $0x2000, s25;
	s30 =	rddreg [dreg:$0x9];
	[sflag:s16] =	ssyncadd.s32 $0xFFFFE000  }
0xab: {  	[spmem:s2] =	stream.indirect.scatter.add.f32 [tilespmem:s30], [sflag:$0x2], $0x40, s31, s14, $0xb8;
	[tilespmem:$0x1C000] =	vst v63  }
0xac: {  	_ =	swait.ge [sflag:s16], $0x2000  }
0xad: {  	s26 =	simm.s32 @!p0 $0x180;
	[sflag:s16] =	ssyncset.done $0x0  }
0xae: {  	s13 =	sadd.s32 $0x2000, s26;
	s3 =	rddreg [dreg:$0xa];
	[sflag:s16] =	ssyncadd.s32 $0xFFFFE000  }
0xaf: {  	[spmem:s2] =	stream.indirect.scatter.add.f32 [tilespmem:s3], [sflag:$0x2], $0x40, s13, s14, $0xb8;
	[tilespmem:$0x1C000] =	vst v63  }
0xb0: {  	_ =	swait.ge [sflag:s16], $0x2000  }
0xb1: {  	s28 =	simm.s32 @!p0 $0x200;
	[sflag:s16] =	ssyncset.done $0x0  }
0xb2: {  	s26 =	sadd.s32 $0x2000, s28;
	s25 =	rddreg [dreg:$0xb];
	[sflag:s16] =	ssyncadd.s32 $0xFFFFE000  }
0xb3: {  	[spmem:s2] =	stream.indirect.scatter.add.f32 [tilespmem:s25], [sflag:$0x2], $0x40, s26, s14, $0xb8;
	[tilespmem:$0x1C000] =	vst v63  }
0xb4: {  	s21 =	sadd.s32 $0x400, s21;
	_ =	swait.ge [sflag:s16], $0x2000  }
0xb5: {  	p1 =	sne.s32 s21, $0x2300;
	s23 =	simm.s32 @!p0 $0x280;
	[sflag:s16] =	ssyncset.done $0x0  }
0xb6: {  	s29 =	sadd.s32 $0x2000, s23;
	s28 =	rddreg [dreg:$0xc];
	[sflag:s16] =	ssyncadd.s32 $0xFFFFE000  }
0xb7: {  	[spmem:s2] =	stream.indirect.scatter.add.f32 [tilespmem:s28], [sflag:$0x2], $0x40, s29, s14, $0xb8;
	[tilespmem:$0x1C000] =	vst v63  }
.Ltmp0:
0xb8: {  	_ = 	snop;
	(pc) =	sbr.rel @p1 .LBB2_2-.Ltmp0, $4  }
0xb9: {  	s24 =	simm.s32 @!p0 $0x300;
	s20 =	sadd.s32 $0x400, s20;
	_ =	swait.ge [sflag:s16], $0x2000  }
0xba: {  	p0 =	sne.s32 s19, $0x300;
	s23 =	sadd.s32 $0x2380, s22;
	[sflag:s16] =	ssyncset.done $0x0  }
0xbb: {  	s31 =	sadd.s32 $0x2000, s24;
	s30 =	rddreg [dreg:$0xd];
	[sflag:s16] =	ssyncadd.s32 $0xFFFFE000  }
0xbc: {  	[spmem:s2] =	stream.indirect.scatter.add.f32 [tilespmem:s30], [sflag:$0x2], $0x40, s31, s14, $0xb8;
	[tilespmem:$0x1C000] =	vst v63  }
0xbd: {  	_ =	swait.ge [sflag:s16], $0x2000  }
0xbe: {  	[sflag:s16] =	ssyncset.done $0x0  }
0xbf: {  	s1 =	simm.s32 @p0 $0x2;
	[sflag:s16] =	ssyncadd.s32 $0xFFFFE000  }
0xc0: {  	[spmem:s2] =	stream.indirect.scatter.add.f32 [tilespmem:s15], [sflag:$0x2], $0x40, s23, s14, $0xb8;
	[tilespmem:$0x1C000] =	vst v63  }
0xc1: {  	_ =	swait.ge @p0 [sflag:s1], $0x2000  }
0xc2: {  	s3 =	sadd.s32 @p0 $0xFFFFFD00, s20;
	[sflag:s1] =	ssyncset.done @p0 $0x0  }
0xc3: {  	s13 =	simm.s32 @p0 $0x80;
	s21 =	simm.s32 @p0 $0x4000;
	[sflag:s1] =	ssyncadd.s32 @p0 $0xFFFFE000  }
0xc4: {  	[tilespmem:s21], [sflag:$0x1] =	stream.indirect.gather @p0 [hbm4b:s0+s13], $0x40, s3, s13, $0xb8;
	[tilespmem:$0x1C000] =	vst v63  }
0xc5: {  	_ =	swait.ge @p0 [sflag:s1], $0x2000  }
0xc6: {  	[sflag:s1] =	ssyncset.done @p0 $0x0  }
0xc7: {  	s3 =	sadd.s32 @p0 $0xFFFFFD80, s20;
	s21 =	simm.s32 @p0 $0x6000;
	[sflag:s1] =	ssyncadd.s32 @p0 $0xFFFFE000  }
0xc8: {  	[tilespmem:s21], [sflag:$0x1] =	stream.indirect.gather @p0 [hbm4b:s0+s13], $0x40, s3, s13, $0xb8;
	[tilespmem:$0x1C000] =	vst v63  }
0xc9: {  	_ =	swait.ge @p0 [sflag:s1], $0x2000  }
0xca: {  	[sflag:s1] =	ssyncset.done @p0 $0x0  }
0xcb: {  	s3 =	sadd.s32 @p0 $0xFFFFFE00, s20;
	s21 =	simm.s32 @p0 $0x8000;
	[sflag:s1] =	ssyncadd.s32 @p0 $0xFFFFE000  }
0xcc: {  	[tilespmem:s21], [sflag:$0x1] =	stream.indirect.gather @p0 [hbm4b:s0+s13], $0x40, s3, s13, $0xb8;
	[tilespmem:$0x1C000] =	vst v63  }
0xcd: {  	_ =	swait.ge @p0 [sflag:s1], $0x2000  }
0xce: {  	[sflag:s1] =	ssyncset.done @p0 $0x0  }
0xcf: {  	s3 =	sadd.s32 @p0 $0xFFFFFE80, s20;
	s21 =	simm.s32 @p0 $0xA000;
	[sflag:s1] =	ssyncadd.s32 @p0 $0xFFFFE000  }
0xd0: {  	[tilespmem:s21], [sflag:$0x1] =	stream.indirect.gather @p0 [hbm4b:s0+s13], $0x40, s3, s13, $0xb8;
	[tilespmem:$0x1C000] =	vst v63  }
0xd1: {  	_ =	swait.ge @p0 [sflag:s1], $0x2000  }
0xd2: {  	[sflag:s1] =	ssyncset.done @p0 $0x0  }
0xd3: {  	s3 =	sadd.s32 @p0 $0xFFFFFF00, s20;
	s21 =	simm.s32 @p0 $0xC000;
	[sflag:s1] =	ssyncadd.s32 @p0 $0xFFFFE000  }
0xd4: {  	[tilespmem:s21], [sflag:$0x1] =	stream.indirect.gather @p0 [hbm4b:s0+s13], $0x40, s3, s13, $0xb8;
	[tilespmem:$0x1C000] =	vst v63  }
0xd5: {  	_ =	swait.ge @p0 [sflag:s1], $0x2000  }
0xd6: {  	[sflag:s1] =	ssyncset.done @p0 $0x0  }
0xd7: {  	s3 =	sadd.s32 @p0 $0xFFFFFF80, s20;
	s21 =	simm.s32 @p0 $0xE000;
	[sflag:s1] =	ssyncadd.s32 @p0 $0xFFFFE000  }
0xd8: {  	[tilespmem:s21], [sflag:$0x1] =	stream.indirect.gather @p0 [hbm4b:s0+s13], $0x40, s3, s13, $0xb8;
	[tilespmem:$0x1C000] =	vst v63  }
0xd9: {  	_ =	swait.ge @p0 [sflag:s1], $0x2000  }
0xda: {  	[sflag:s1] =	ssyncset.done @p0 $0x0  }
0xdb: {  	s3 =	simm.s32 @p0 $0x10000;
	[sflag:s1] =	ssyncadd.s32 @p0 $0xFFFFE000  }
0xdc: {  	[tilespmem:s3], [sflag:$0x1] =	stream.indirect.gather @p0 [hbm4b:s0+s13], $0x40, s20, s13, $0xb8;
	[tilespmem:$0x1C000] =	vst v63  }
0xdd: {  	_ =	swait.ge @p0 [sflag:s1], $0x2000  }
0xde: {  	s3 =	simm.s32 @!p0 $0x80;
	[sflag:s1] =	ssyncset.done @p0 $0x0  }
0xdf: {  	s13 =	simm.s32 @!p0 $0x0;
	[sflag:s1] =	ssyncadd.s32 @p0 $0xFFFFE000;
	s1 =	simm.s32 @!p0 $0x4000  }
0xe0: {  	[tilespmem:s1], [sflag:$0x1] =	stream.indirect.gather @!p0 [hbm4b:s0+s3], $0x40, s13, s3, $0xb8;
	[tilespmem:$0x1C000] =	vst v63  }
0xe1: {  	s1 =	simm.s32 @!p0 $0x6000  }
0xe2: {  	[tilespmem:s1], [sflag:$0x1] =	stream.indirect.gather @!p0 [hbm4b:s0+s3], $0x40, s3, s3, $0xb8;
	[tilespmem:$0x1C000] =	vst v63  }
0xe3: {  	s13 =	simm.s32 @!p0 $0x8000;
	s1 =	simm.s32 @!p0 $0x100  }
0xe4: {  	[tilespmem:s13], [sflag:$0x1] =	stream.indirect.gather @!p0 [hbm4b:s0+s3], $0x40, s1, s3, $0xb8;
	[tilespmem:$0x1C000] =	vst v63  }
0xe5: {  	s1 =	simm.s32 @!p0 $0x180;
	s13 =	simm.s32 @!p0 $0xA000  }
0xe6: {  	[tilespmem:s13], [sflag:$0x1] =	stream.indirect.gather @!p0 [hbm4b:s0+s3], $0x40, s1, s3, $0xb8;
	[tilespmem:$0x1C000] =	vst v63  }
0xe7: {  	s1 =	simm.s32 @!p0 $0x200;
	s13 =	simm.s32 @!p0 $0xC000  }
0xe8: {  	[tilespmem:s13], [sflag:$0x1] =	stream.indirect.gather @!p0 [hbm4b:s0+s3], $0x40, s1, s3, $0xb8;
	[tilespmem:$0x1C000] =	vst v63  }
0xe9: {  	s20 =	sadd.s32 @p0 $0xFFFFFD00, s19;
	s1 =	simm.s32 @!p0 $0x280;
	s13 =	simm.s32 @!p0 $0xE000  }
0xea: {  	[tilespmem:s13], [sflag:$0x1] =	stream.indirect.gather @!p0 [hbm4b:s0+s3], $0x40, s1, s3, $0xb8;
	[tilespmem:$0x1C000] =	vst v63  }
0xeb: {  	s20 =	simm.s32 @!p0 $0x0;
	s1 =	simm.s32 @!p0 $0x300;
	s13 =	simm.s32 @!p0 $0x10000  }
0xec: {  	[tilespmem:s13], [sflag:$0x1] =	stream.indirect.gather @!p0 [hbm4b:s0+s3], $0x40, s1, s3, $0xb8;
	[tilespmem:$0x1C000] =	vst v63  }
0xed: {  	s13 =	sor.u32 $0x380, s20  }
0xee: {  	[tilespmem:s15], [sflag:$0x1] =	stream.indirect.gather [hbm4b:s0+s14], $0x40, s13, s14, $0xb8;
	[tilespmem:$0x1C000] =	vst v63  }
0xef: {  	_ =	swait.ge [sflag:s16], $0x2000  }
0xf0: {  	[sflag:s16] =	ssyncset.done $0x0  }
0xf1: {  	s22 =	sadd.s32 $0x2000, s20;
	s21 =	rddreg [dreg:$0x7];
	[sflag:s16] =	ssyncadd.s32 $0xFFFFE000  }
0xf2: {  	[spmem:s2] =	stream.indirect.scatter.add.f32 [tilespmem:s21], [sflag:$0x2], $0x40, s22, s14, $0xb8;
	[tilespmem:$0x1C000] =	vst v63  }
0xf3: {  	s1 =	sadd.s32 @p0 $0xFFFFFD80, s19;
	_ =	swait.ge [sflag:s16], $0x2000  }
0xf4: {  	s1 =	simm.s32 @!p0 $0x80;
	[sflag:s16] =	ssyncset.done $0x0  }
0xf5: {  	s1 =	sadd.s32 $0x2000, s1;
	s23 =	rddreg [dreg:$0x8];
	[sflag:s16] =	ssyncadd.s32 $0xFFFFE000  }
0xf6: {  	[spmem:s2] =	stream.indirect.scatter.add.f32 [tilespmem:s23], [sflag:$0x2], $0x40, s1, s14, $0xb8;
	[tilespmem:$0x1C000] =	vst v63  }
0xf7: {  	s1 =	sadd.s32 @p0 $0xFFFFFE00, s19;
	_ =	swait.ge [sflag:s16], $0x2000  }
0xf8: {  	s1 =	simm.s32 @!p0 $0x100;
	[sflag:s16] =	ssyncset.done $0x0  }
0xf9: {  	s24 =	rddreg [dreg:$0x9];
	s1 =	sadd.s32 $0x2000, s1;
	[sflag:s16] =	ssyncadd.s32 $0xFFFFE000  }
0xfa: {  	[spmem:s2] =	stream.indirect.scatter.add.f32 [tilespmem:s24], [sflag:$0x2], $0x40, s1, s14, $0xb8;
	[tilespmem:$0x1C000] =	vst v63  }
0xfb: {  	s1 =	sadd.s32 @p0 $0xFFFFFE80, s19;
	_ =	swait.ge [sflag:s16], $0x2000  }
0xfc: {  	s1 =	simm.s32 @!p0 $0x180;
	[sflag:s16] =	ssyncset.done $0x0  }
0xfd: {  	s25 =	rddreg [dreg:$0xa];
	s1 =	sadd.s32 $0x2000, s1;
	[sflag:s16] =	ssyncadd.s32 $0xFFFFE000  }
0xfe: {  	[spmem:s2] =	stream.indirect.scatter.add.f32 [tilespmem:s25], [sflag:$0x2], $0x40, s1, s14, $0xb8;
	[tilespmem:$0x1C000] =	vst v63  }
0xff: {  	s1 =	sadd.s32 @p0 $0xFFFFFF00, s19;
	_ =	swait.ge [sflag:s16], $0x2000  }
0x100: {  	s1 =	simm.s32 @!p0 $0x200;
	[sflag:s16] =	ssyncset.done $0x0  }
0x101: {  	s26 =	rddreg [dreg:$0xb];
	s1 =	sadd.s32 $0x2000, s1;
	[sflag:s16] =	ssyncadd.s32 $0xFFFFE000  }
0x102: {  	[spmem:s2] =	stream.indirect.scatter.add.f32 [tilespmem:s26], [sflag:$0x2], $0x40, s1, s14, $0xb8;
	[tilespmem:$0x1C000] =	vst v63  }
0x103: {  	s1 =	sadd.s32 @p0 $0xFFFFFF80, s19;
	_ =	swait.ge [sflag:s16], $0x2000  }
0x104: {  	s1 =	simm.s32 @!p0 $0x280;
	[sflag:s16] =	ssyncset.done $0x0  }
0x105: {  	s28 =	rddreg [dreg:$0xc];
	s1 =	sadd.s32 $0x2000, s1;
	[sflag:s16] =	ssyncadd.s32 $0xFFFFE000  }
0x106: {  	[spmem:s2] =	stream.indirect.scatter.add.f32 [tilespmem:s28], [sflag:$0x2], $0x40, s1, s14, $0xb8;
	[tilespmem:$0x1C000] =	vst v63  }
0x107: {  	_ =	swait.ge [sflag:s16], $0x2000  }
0x108: {  	s19 =	simm.s32 @!p0 $0x300;
	[sflag:s16] =	ssyncset.done $0x0  }
0x109: {  	s30 =	sadd.s32 $0x2000, s19;
	s29 =	rddreg [dreg:$0xd];
	[sflag:s16] =	ssyncadd.s32 $0xFFFFE000  }
0x10a: {  	[spmem:s2] =	stream.indirect.scatter.add.f32 [tilespmem:s29], [sflag:$0x2], $0x40, s30, s14, $0xb8;
	[tilespmem:$0x1C000] =	vst v63  }
0x10b: {  	_ =	swait.ge [sflag:s16], $0x2000  }
0x10c: {  	[sflag:s16] =	ssyncset.done $0x0  }
0x10d: {  	s31 =	sadd.s32 $0x2380, s20;
	[sflag:s16] =	ssyncadd.s32 $0xFFFFE000  }
0x10e: {  	[spmem:s2] =	stream.indirect.scatter.add.f32 [tilespmem:s15], [sflag:$0x2], $0x40, s31, s14, $0xb8;
	[tilespmem:$0x1C000] =	vst v63  }
0x10f: {  	_ =	swait.ge [sflag:s17], $0x2000  }
0x110: {  	[sflag:s17] =	ssyncset.done $0x0  }
0x111: {  	[sflag:s17] =	ssyncadd.s32 $0xFFFFE000  }
0x112: {  	_ =	swait.ge [sflag:s17], $0x2000  }
0x113: {  	[sflag:s17] =	ssyncset.done $0x0  }
0x114: {  	[sflag:s17] =	ssyncadd.s32 $0xFFFFE000  }
0x115: {  	_ =	swait.ge [sflag:s17], $0x2000  }
0x116: {  	[sflag:s17] =	ssyncset.done $0x0  }
0x117: {  	[sflag:s17] =	ssyncadd.s32 $0xFFFFE000  }
0x118: {  	_ =	swait.ge [sflag:s17], $0x2000  }
0x119: {  	[sflag:s17] =	ssyncset.done $0x0  }
0x11a: {  	[sflag:s17] =	ssyncadd.s32 $0xFFFFE000  }
0x11b: {  	_ =	swait.ge [sflag:s17], $0x2000  }
0x11c: {  	[sflag:s17] =	ssyncset.done $0x0  }
0x11d: {  	[sflag:s17] =	ssyncadd.s32 $0xFFFFE000  }
0x11e: {  	_ =	swait.ge [sflag:s17], $0x2000  }
0x11f: {  	[sflag:s17] =	ssyncset.done $0x0  }
0x120: {  	[sflag:s17] =	ssyncadd.s32 $0xFFFFE000  }
0x121: {  	_ =	swait.ge [sflag:s17], $0x2000  }
0x122: {  	[sflag:s17] =	ssyncset.done $0x0  }
0x123: {  	[sflag:s17] =	ssyncadd.s32 $0xFFFFE000  }
0x124: {  	_ =	swait.ge [sflag:s17], $0x2000  }
0x125: {  	s18 =	sadd.s32 $0x1, s18;
	[sflag:s17] =	ssyncset.done $0x0  }
0x126: {  	p0 =	sne.s32 s18, s10;
	[sflag:s17] =	ssyncadd.s32 $0xFFFFE000  }
.Ltmp1:
0x127: {  	[bflag:$0x0] =	sbarrier.arrive $0xFFFF;
	(pc) =	sbr.rel @p0 .LBB2_1-.Ltmp1, $4  }
0x128: {  	[hbm:s9], [sflag:s6] =	dma.local [spmem:s11], $0x1000  }
0x129: {  	_ =	swait.ge [sflag:s12], $0x1000  }
0x12a: {  	[sflag:s12] =	ssyncset.done $0x0  }
0x12b: {  	[sflag:s12] =	ssyncadd.s32 $0xFFFFF000  }
0x12c: {  	_ =	sfence.sel $0x180000  }
0x12d: {  	[bflag:$0x0] =	sbarrier.arrive $0xFFFF  }
0x12e: {  	_ =	strace $0x9000004D  }
0x12f: {  	s0 =	stileid.u32;
	[bflag:$0x2] =	sbarrier.arrive $0xFFFF  }
0x130: {  	p0 =	sne.s32 s0, $0x0;
	s0 =	rddreg [dreg:$0x6]  }
0x131: {  	s0 =	sadd.s32 @!p0 $0x100000, s0  }
0x132: {  	[sflag:s0] =	ssyncadd.tile.s32 @!p0 $0x1;
	_ =	shalt  }
.Lfunc_end2:
_tile_overlayer_lowered:
.L_overlay_start_2:
0x133: {  	(tag) =	ssettag $0x2  }
0x134: {  	s0 =	rddreg [dreg:$0x0];
	s2 =	stileid.u32  }
0x135: {  	s1 =	rddreg [dreg:$0x1];
	p0 =	sne.s32 s2, $0x0  }
0x136: {  	s3 =	rddreg [dreg:$0x2];
	[bflag:$0x3] =	sbarrier.arrive $0xFFFF;
	s2 =	simm.s32 @!p0 $0x1C03  }
0x137: {  	[timem:s3], [sflag:s2] =	dma.local @!p0 [hbm:s0], s1  }
0x138: {  	s0 =	simm.s32 @!p0 $0x3  }
0x139: {  	_ =	swait.ge @!p0 [sflag:s0], s1  }
0x13a: {  	s1 =	ssub.s32 @!p0 $0x0, s1;
	[sflag:s0] =	ssyncset.done @!p0 $0x0  }
0x13b: {  	[sflag:s0] =	ssyncadd.s32 @!p0 s1  }
0x13c: {  	[bflag:$0x3] =	sbarrier.arrive $0xFFFF  }
0x13d: {  	_ =	shalt  }

// kernel: kernel.23.cloned.1.call-start
scs
__scs_entry_jumppad:
0x0: {  	(pc) =	sbr.rel $0x88, $3  }
0x1: {  	(tag) =	ssettag $0x0;
	lr =	simm.s32 $0x1  }
0x2: {  	[smem:$0x3F96] =	sst lr;
	_ =	strace $0xD0000000  }
0x3: {  	_ = 	snop  }
0x4: {  	_ = 	snop  }
0x5: {  	_ = 	snop  }
0x6: {  	_ = 	snop  }
0x7: {  	_ = 	snop  }
__scs_overlays_trampoline_lowered:
0x8: {  	[smem:$0x3FA5] =	sst s0  }
0x9: {  	[smem:$0x3FA6] =	sst s1  }
0xa: {  	[smem:$0x3FA7] =	sst s2  }
0xb: {  	[smem:$0x3FA8] =	sst s3  }
0xc: {  	[smem:$0x3FA9] =	sst s4  }
0xd: {  	[smem:$0x3FAA] =	sst s5  }
0xe: {  	[smem:$0x3FAB] =	sst s6  }
0xf: {  	[smem:$0x3FAC] =	sst s7  }
0x10: {  	[smem:$0x3FAD] =	sst s8  }
0x11: {  	[smem:$0x3FAE] =	sst s9;
	s0 =	simm.s32 @!p0 $0x0  }
0x12: {  	s1 =	sld [smem:$0x3F94];
	s0 =	simm.s32 @p0 $0x1  }
0x13: {  	[smem:$0x3FAF] =	sst s0;
	s0 =	simm.s32 @!p1 $0x0  }
0x14: {  	s2 =	sld [smem:$0x3F93];
	s0 =	simm.s32 @p1 $0x1  }
0x15: {  	[smem:$0x3FB0] =	sst s0;
	s0 =	simm.s32 @!p2 $0x0  }
0x16: {  	s3 =	sld [smem:$0x3FDB];
	s0 =	simm.s32 @p2 $0x1  }
0x17: {  	s4 =	simm.s32 $0x1BF5;
	[smem:$0x3FB2] =	sst s0  }
0x18: {  	s0 =	sld [smem:$0x3F95];
	_ =	swait.ge [sflag:s4], $0x0  }
0x19: {  	s7 =	sld [smem:$0x3F96]  }
0x1a: {  	s8 =	sadd.s32 $0xFFFFE003, lr  }
0x1b: {  	s9 =	sadd.s32 $0xFFFFFEF7, lr;
	s5 =	simm.s32 $0xFFFFFFFF;
	p2 =	slt.u32 s8, $0xFFFFF086  }
0x1c: {  	p1 =	slt.u32 s9, $0xF7A;
	s5 =	simm.s32 @!p2 $0x0  }
0x1d: {  	s5 =	simm.s32 @p1 $0x1;
	p0 =	seq.s32 s7, s2  }
0x1e: {  	s7 =	smul.u32 @!p0 $0xF7A, s2;
	p2 =	seq.s32 @!p0 s5, $0x0  }
0x1f: {  	s9 =	smul.u32 $0xF7A, s1;
	s8 =	simm.s32 @!p0 $0x1BF5;
	p2 =	por !p2, p0  }
0x20: {  	[sflag:s8] =	ssyncset.s32 @!p0 $0xFFFFF086;
	s6 =	sadd.s32 @!p0 s3, s7;
	s7 =	simm.s32 @!p0 $0x108  }
0x21: {  	s3 =	sadd.s32 s3, s9;
	s6 =	sadd.s32 @!p0 $0x88, s6;
	s7 =	simm.s32 @p2 $0x1082  }
0x22: {  	[simem:s7], [sflag:s8] =	dma.local @!p0 [hbm:s6], $0xF7A  }
0x23: {  	s9 =	sor.u32 $0xD0000000, s2;
	s6 =	simm.s32 $0x108;
	_ =	swait.ge @!p0 [sflag:s8], $0x0  }
0x24: {  	s3 =	sadd.s32 $0x88, s3;
	s6 =	simm.s32 @!p1 $0x1082;
	[sflag:s4] =	ssyncset.s32 $0xFFFFF086  }
0x25: {  	[simem:s6], [sflag:s4] =	dma.local [hbm:s3], $0xF7A  }
0x26: {  	[smem:$0x3F96] =	sst s1;
	(tag) =	ssettag s2;
	_ =	strace s9  }
0x27: {  	s1 =	sld [smem:$0x3FA6]  }
0x28: {  	s2 =	sld [smem:$0x3FA7]  }
0x29: {  	s4 =	sld [smem:$0x3FA9]  }
0x2a: {  	p0 =	seq.s32 s5, $0x0;
	s5 =	sld [smem:$0x3FAA]  }
0x2b: {  	s6 =	sld [smem:$0x3FAB]  }
0x2c: {  	s7 =	sld [smem:$0x3FAC]  }
0x2d: {  	s3 =	simm.s32 $0x108;
	s8 =	sld [smem:$0x3FAD]  }
0x2e: {  	s3 =	simm.s32 @!p0 $0x1082;
	s9 =	sld [smem:$0x3FAE]  }
0x2f: {  	lr =	sadd.s32 s0, s3;
	s0 =	sld [smem:$0x3FA5]  }
0x30: {  	s3 =	sld [smem:$0x3FA8]  }
0x31: {  	[smem:$0x3FB1] =	sst s10  }
0x32: {  	s10 =	sld [smem:$0x3FAF];
	_ =	sdelay $0x3  }
0x33: {  	p0 =	seq.s32 s10, $0x1;
	s10 =	sld [smem:$0x3FB1];
	_ =	sdelay $0x3  }
0x34: {  	[smem:$0x3FB1] =	sst s10  }
0x35: {  	s10 =	sld [smem:$0x3FB0];
	_ =	sdelay $0x3  }
0x36: {  	p1 =	seq.s32 s10, $0x1;
	s10 =	sld [smem:$0x3FB1];
	_ =	sdelay $0x3  }
0x37: {  	[smem:$0x3FB1] =	sst s10  }
0x38: {  	s10 =	sld [smem:$0x3FB2]  }
0x39: {  	_ = 	snop;
	(pc) =	sbr.ind lr, $3  }
0x3a: {  	_ = 	snop  }
0x3b: {  	_ = 	snop  }
0x3c: {  	p2 =	seq.s32 s10, $0x1;
	s10 =	sld [smem:$0x3FB1]  }
0x3d: {  	_ =	shalt  }
0x3e: {  	_ =	shalt  }
0x3f: {  	_ =	shalt  }
0x40: {  	_ =	shalt  }
0x41: {  	_ =	shalt  }
0x42: {  	_ =	shalt  }
0x43: {  	_ =	shalt  }
0x44: {  	_ =	shalt  }
0x45: {  	_ =	shalt  }
0x46: {  	_ =	shalt  }
0x47: {  	_ =	shalt  }
0x48: {  	_ =	shalt  }
0x49: {  	_ =	shalt  }
0x4a: {  	_ =	shalt  }
0x4b: {  	_ =	shalt  }
0x4c: {  	_ =	shalt  }
0x4d: {  	_ =	shalt  }
0x4e: {  	_ =	shalt  }
0x4f: {  	_ =	shalt  }
0x50: {  	_ =	shalt  }
0x51: {  	_ =	shalt  }
0x52: {  	_ =	shalt  }
0x53: {  	_ =	shalt  }
0x54: {  	_ =	shalt  }
0x55: {  	_ =	shalt  }
0x56: {  	_ =	shalt  }
0x57: {  	_ =	shalt  }
0x58: {  	_ =	shalt  }
0x59: {  	_ =	shalt  }
0x5a: {  	_ =	shalt  }
0x5b: {  	_ =	shalt  }
0x5c: {  	_ =	shalt  }
0x5d: {  	_ =	shalt  }
0x5e: {  	_ =	shalt  }
0x5f: {  	_ =	shalt  }
0x60: {  	_ =	shalt  }
0x61: {  	_ =	shalt  }
0x62: {  	_ =	shalt  }
0x63: {  	_ =	shalt  }
0x64: {  	_ =	shalt  }
0x65: {  	_ =	shalt  }
0x66: {  	_ =	shalt  }
0x67: {  	_ =	shalt  }
0x68: {  	_ =	shalt  }
0x69: {  	_ =	shalt  }
0x6a: {  	_ =	shalt  }
0x6b: {  	_ =	shalt  }
0x6c: {  	_ =	shalt  }
0x6d: {  	_ =	shalt  }
0x6e: {  	_ =	shalt  }
0x6f: {  	_ =	shalt  }
0x70: {  	_ =	shalt  }
0x71: {  	_ =	shalt  }
0x72: {  	_ =	shalt  }
0x73: {  	_ =	shalt  }
0x74: {  	_ =	shalt  }
0x75: {  	_ =	shalt  }
0x76: {  	_ =	shalt  }
0x77: {  	_ =	shalt  }
0x78: {  	_ =	shalt  }
0x79: {  	_ =	shalt  }
0x7a: {  	_ =	shalt  }
0x7b: {  	_ =	shalt  }
0x7c: {  	_ =	shalt  }
0x7d: {  	_ =	shalt  }
0x7e: {  	_ =	shalt  }
0x7f: {  	_ =	shalt  }
0x80: {  	_ =	shalt  }
0x81: {  	_ =	shalt  }
0x82: {  	_ =	shalt  }
0x83: {  	_ =	shalt  }
0x84: {  	_ =	shalt  }
0x85: {  	_ =	shalt  }
0x86: {  	_ =	shalt  }
0x87: {  	_ =	shalt  }
.Lfunc_end0:
.L_simem_size_0:
called_computation.3_lowered:
.L_overlay_start_0:
0x88: {  	s2 =	sld [smem:$0x3FD9]  }
0x89: {  	s3 =	sld [smem:$0x3FFE];
	_ =	sdelay $0x1  }
0x8a: {  	s1 =	srdreg.scid  }
0x8b: {  	s0 =	sand.u32 $0x1, s1  }
0x8c: {  	s15 =	sshll.u32 s0, $0xA;
	s2 =	sadd.s32 s3, s2  }
0x8d: {  	s2 =	sadd.s32 s2, s15  }
0x8e: {  	[smem:$0x3FBD] =	sst s2  }
0x8f: {  	_ = 	snop  }
0x90: {  	s2 =	sld [smem:$0x3FD0];
	_ =	sdelay $0x2  }
0x91: {  	s16 =	simm.s32 $0xB;
	s4 =	simm.s32 $0x10  }
0x92: {  	[smem:s4], [sflag:s16] =	dma.local [hbm:s2], $0x1  }
0x93: {  	_ =	swait.eq [sflag:s16], $0x1  }
0x94: {  	[sflag:s16] =	ssyncset.done $0x0  }
0x95: {  	[sflag:s16] =	ssyncadd.s32 $0xFFFFFFFF  }
0x96: {  	s17 =	sld [smem:$0x14];
	(tm) =	ssettm $0x1  }
0x97: {  	s18 =	sld [smem:$0x3FFB];
	_ =	sdelay $0x3  }
0x98: {  	_ =	strace s18  }
0x99: {  	s2 =	sld [smem:$0x3FFC];
	_ =	sdelay $0x3  }
0x9a: {  	_ =	strace s2  }
0x9b: {  	s2 =	sld [smem:$0x3FFD];
	_ =	sdelay $0x3  }
0x9c: {  	_ =	strace s2  }
0x9d: {  	_ =	strace $0x8FFFFFFF  }
0x9e: {  	s19 =	sld [smem:$0x3FDB];
	_ =	sdelay $0x1  }
0x9f: {  	s20 =	simm.s32 $_scs_section_size  }
0xa0: {  	s5 =	simm.s32 $_size__tile_overlayer_lowered;
	s6 =	simm.s32 $_tile_overlayer_lowered  }
0xa1: {  	s7 =	simm.s32 $0x1BFF;
	s21 =	sshll.u32 s6, $0x1;
	s4 =	sadd.s32 s20, s19  }
0xa2: {  	s22 =	simm.s32 $0x0;
	s5 =	sshll.u32 s5, $0x1;
	s6 =	sadd.s32 s21, s4  }
0xa3: {  	[timem:s22], [sflag:s7] =	dma.local [hbm:s6], s5  }
0xa4: {  	_ =	swait.ge [sflag:s7], s5  }
0xa5: {  	s5 =	ssub.s32 $0x0, s5;
	[sflag:s7] =	ssyncset.done $0x0  }
0xa6: {  	[sflag:s7] =	ssyncadd.s32 s5;
	_ =	sdelay $0x1  }
0xa7: {  	s23 =	simm.s32 $0x1B8B  }
0xa8: {  	_ =	swait.ge [sflag:s23], $0x1  }
0xa9: {  	[sflag:s23] =	ssyncset.done $0x0  }
0xaa: {  	[sflag:s23] =	ssyncadd.s32 $0xFFFFFFFF  }
0xab: {  	s5 =	sld [smem:$0x0]  }
0xac: {  	s6 =	sand.u32 $0xFFFFFFFE, s1  }
0xad: {  	p0 =	sne.s32 s1, s6  }
0xae: {  	s6 =	sshll.u32 @p0 s6, $0xE  }
0xaf: {  	s6 =	sadd.s32 @p0 $0x11B8D, s6;
	s7 =	sshll.u32 @p0 s5, $0x11  }
0xb0: {  	s6 =	sor.u32 @p0 s7, s6  }
0xb1: {  	[sflag:s6] =	ssyncadd.remote.s32 @p0 $0x1;
	_ =	sdelay $0x1  }
0xb2: {  	s6 =	simm.s32 @p0 $0x1B8D  }
0xb3: {  	_ =	swait.eq @p0 [sflag:s6], $0x1  }
0xb4: {  	[sflag:s6] =	ssyncadd.s32 @p0 $0xFFFFFFFF  }
0xb5: {  	s7 =	sshll.u32 @!p0 s1, $0xE  }
0xb6: {  	s7 =	sor.u32 @!p0 $0x4000, s7;
	s6 =	simm.s32 @!p0 $0x1B8D  }
0xb7: {  	s5 =	sshll.u32 @!p0 s5, $0x11;
	s7 =	sadd.s32 @!p0 $0x11B8D, s7;
	_ =	swait.eq @!p0 [sflag:s6], $0x1  }
0xb8: {  	s5 =	sor.u32 @!p0 s5, s7;
	[sflag:s6] =	ssyncadd.s32 @!p0 $0xFFFFFFFF  }
0xb9: {  	s25 =	simm.s32 $0x1B8E;
	s24 =	sld [smem:$0x3FFE];
	[sflag:s5] =	ssyncadd.remote.s32 @!p0 $0x1  }
0xba: {  	s26 =	simm.s32 $execute0_lowered;
	[smem:$0x3FD2] =	sst s25  }
0xbb: {  	s6 =	sshll.u32 s26, $0x1;
	_ =	strace $0x80000052;
	[dreg:$0x1] =	wrdreg $0xFFFFFFFF  }
0xbc: {  	s28 =	simm.s32 $_size_execute0_lowered;
	s4 =	sadd.s32 s4, s6;
	[dreg:$0x0] =	wrdreg $0x0  }
0xbd: {  	s6 =	sshll.u32 s28, $0x1;
	[dreg:$0x2] =	wrdreg s4  }
0xbe: {  	[dreg:$0x3] =	wrdreg s6  }
0xbf: {  	[dreg:$0x4] =	wrdreg $0xC0  }
0xc0: {  	_ =	task [dreg:s22], $0x5FFFF  }
0xc1: {  	[dreg:$0x1] =	wrdreg $0xFFFFFFFF  }
0xc2: {  	[dreg:$0x0] =	wrdreg $0x60  }
0xc3: {  	[dreg:$0x2] =	wrdreg s24  }
0xc4: {  	[dreg:$0x3] =	wrdreg s17  }
0xc5: {  	[dreg:$0x4] =	wrdreg $0x21000  }
0xc6: {  	[dreg:$0x5] =	wrdreg $0x9  }
0xc7: {  	_ =	task.clear_ibuf [dreg:s22], $0x6FFFF;
	_ =	strace $0x90000052  }
0xc8: {  	s29 =	simm.s32 $0x9;
	_ =	strace $0x80000054  }
0xc9: {  	_ =	swait.ge [sflag:s29], $0x1  }
0xca: {  	[sflag:s29] =	ssyncadd.s32 $0xFFFFFFFF  }
0xcb: {  	_ =	strace $0x90000054  }
0xcc: {  	_ =	sfence  }
0xcd: {  	s30 =	sld [smem:$0x0];
	_ =	sdelay $0x2  }
0xce: {  	s31 =	sshll.u32 s1, $0xD;
	s1 =	sshrl.u32 s1, $0x2  }
0xcf: {  	s4 =	sand.u32 $0x4000, s31;
	s1 =	sadd.s32 s1, s30  }
0xd0: {  	s0 =	sor.u32 s4, s0;
	s1 =	sshll.u32 s1, $0x11  }
0xd1: {  	s0 =	sor.u32 s1, s0  }
0xd2: {  	s0 =	sadd.s32 $0x8F2B, s0  }
0xd3: {  	[sflag:s0] =	ssyncadd.remote.s32 $0x1  }
0xd4: {  	_ =	sfence.sel $0xFFFF  }
0xd5: {  	[dreg:$0x0] =	wrdreg $0xFFFFFFFF;
	(pc) =	sbr.abs _section_cstart, $3  }
0xd6: {  	[dreg:$0x1] =	wrdreg $0xFFFFFFFF  }
0xd7: {  	_ =	task.clear_ibuf [dreg:s22], $0x2FFFF;
	_ =	strace $0x9FFFFFFF  }
0xd8: {  	(tm) =	ssettm $0x7FFFFFFF  }
0xd9: {  	_ =	shalt  }
tec
execute0_lowered:
.L_overlay_start_1:
0x0: {  	(tag) =	ssettag $0x1  }
0x1: {  	s6 =	rddreg [dreg:$0x0]  }
0x2: {  	s1 =	rddreg [dreg:$0x1]  }
0x3: {  	s2 =	rddreg [dreg:$0x2]  }
0x4: {  	s0 =	rddreg [dreg:$0x3];
	s4 =	simm.s32 $0x0;
	s5 =	srdreg.scid  }
0x5: {  	s3 =	stileid.u32;
	[smem:$0x7FF] =	sst s4;
	s13 =	sand.u32 $0x1, s5  }
0x6: {  	s20 =	sshll.u32 s3, $0xC;
	s14 =	sadd.s32 $0x13400, s6;
	s5 =	sadd.s32 $0x33400, s6  }
0x7: {  	s15 =	sadd.s32 $0x33600, s6;
	s17 =	sshll.u32 s3, $0xF;
	s18 =	sshll.u32 s3, $0xD  }
0x8: {  	s31 =	sshll.u32 s3, $0x6;
	_ =	strace $0x80000053;
	s7 =	ssub.s32 $0x2, s13  }
0x9: {  	s8 =	sadd.s32 s20, s6;
	s21 =	sshll.u32 s13, $0x11;
	s6 =	sadd.s32 s17, s2  }
0xa: {  	s10 =	sshll.u32 s13, $0x13;
	s25 =	sor.u32 $0x2, s13;
	s19 =	sor.u32 $0x4, s13  }
0xb: {  	s13 =	sor.u32 $0x6, s13;
	s9 =	sshrl.u32 s7, $0x1;
	s22 =	sor.u32 s18, s21  }
0xc: {  	s24 =	sor.u32 s17, s10;
	s11 =	sshll.u32 s25, $0x11;
	s10 =	sshll.u32 s25, $0x13  }
0xd: {  	s12 =	sshll.u32 s19, $0x11;
	s19 =	sshll.u32 s19, $0x13;
	s28 =	sshll.u32 s13, $0x11  }
0xe: {  	s13 =	sshll.u32 s13, $0x13;
	s21 =	simm.s32 $0x80;
	s16 =	ssub.s32 s7, s9  }
0xf: {  	s7 =	sadd.s32 $0x3400, s8;
	s23 =	sshrl.u32 s22, $0x3;
	s9 =	sshrl.u32 s24, $0x3  }
0x10: {  	s11 =	sor.u32 s18, s11;
	s20 =	sor.u32 s17, s10;
	s12 =	sor.u32 s18, s12  }
0x11: {  	s19 =	sor.u32 s17, s19;
	s18 =	sor.u32 s18, s28;
	s13 =	sor.u32 s17, s13  }
0x12: {  	s17 =	simm.s32 $0x2000;
	s22 =	simm.s32 $0x1;
	s8 =	sadd.s32 s14, s23  }
0x13: {  	s9 =	sadd.s32 s15, s9;
	s11 =	sshrl.u32 s11, $0x3;
	s26 =	sshrl.u32 s20, $0x3  }
0x14: {  	s12 =	sshrl.u32 s12, $0x3;
	s29 =	sshrl.u32 s19, $0x3;
	s18 =	sshrl.u32 s18, $0x3  }
0x15: {  	s30 =	sshrl.u32 s13, $0x3;
	s16 =	smax.u32 s16, $0x1;
	s19 =	simm.s32 $0x2080  }
0x16: {  	s20 =	sor.u32 $0x1C02, s31;
	s23 =	simm.s32 $0x0;
	s10 =	sadd.s32 s14, s11  }
0x17: {  	s11 =	sadd.s32 s15, s26;
	s12 =	sadd.s32 s14, s12;
	s13 =	sadd.s32 s15, s29  }
0x18: {  	s14 =	sadd.s32 s14, s18;
	s15 =	sadd.s32 s15, s30;
	s18 =	simm.s32 $0x2  }
.LBB2_1:
0x19: {  	[tilespmem:s17], [sflag:$0x2] =	stream.linear.gather [hbm4b:s1+s4], $0x80, $0x38;
	[tilespmem:$0xA108] =	vst v63  }
0x1a: {  	_ =	swait.ge [sflag:s18], $0x80  }
0x1b: {  	[sflag:s18] =	ssyncset.done $0x0  }
0x1c: {  	[sflag:s18] =	ssyncadd.s32 $0xFFFFFF80  }
0x1d: {  	[tilespmem:s19], [sflag:$0x2] =	stream.linear.gather [hbm4b:s5+s4], $0x80, $0x38;
	[tilespmem:$0xA108] =	vst v63  }
0x1e: {  	_ =	swait.ge [sflag:s18], $0x80  }
0x1f: {  	[sflag:s18] =	ssyncset.done $0x0  }
0x20: {  	s24 =	sshrl.u32 s6, $0x3;
	[sflag:s18] =	ssyncadd.s32 $0xFFFFFF80  }
0x21: {  	[spmem:s24], [sflag:s20] =	dma.local [hbm:s7], $0x1000  }
0x22: {  	_ =	swait.ge [sflag:s18], $0x1000  }
0x23: {  	[sflag:s18] =	ssyncset.done $0x0  }
0x24: {  	[sflag:s18] =	ssyncadd.s32 $0xFFFFF000  }
0x25: {  	[bflag:$0x0] =	sbarrier.arrive $0xFFFF  }
0x26: {  	[tilespmem:s4], [sflag:$0x2] =	stream.linear.gather [hbm4b:s8+s4], $0x2000, $0x38;
	[tilespmem:$0xA108] =	vst v63  }
0x27: {  	_ =	swait.ge [sflag:s18], $0x2000  }
0x28: {  	[sflag:s18] =	ssyncset.done $0x0  }
0x29: {  	s25 =	simm.s32 $0x0;
	[sflag:s18] =	ssyncadd.s32 $0xFFFFE000  }
0x2a: {  	[spmem:s2] =	stream.indirect.scatter.add.f32 [tilespmem:s17], [sflag:$0x1], $0x1, s25, s21, $0xb8;
	[tilespmem:$0xA108] =	vst v63  }
0x2b: {  	s29 =	simm.s32 $0x80  }
0x2c: {  	[spmem:s2] =	stream.indirect.scatter.add.f32 [tilespmem:s17], [sflag:$0x1], $0x1, s29, s21, $0xb8;
	[tilespmem:$0xA108] =	vst v63  }
0x2d: {  	s30 =	simm.s32 $0x100  }
0x2e: {  	[spmem:s2] =	stream.indirect.scatter.add.f32 [tilespmem:s17], [sflag:$0x1], $0x1, s30, s21, $0xb8;
	[tilespmem:$0xA108] =	vst v63  }
0x2f: {  	s31 =	simm.s32 $0x180  }
0x30: {  	[spmem:s2] =	stream.indirect.scatter.add.f32 [tilespmem:s17], [sflag:$0x1], $0x1, s31, s21, $0xb8;
	[tilespmem:$0xA108] =	vst v63  }
0x31: {  	s26 =	simm.s32 $0x200  }
0x32: {  	[spmem:s2] =	stream.indirect.scatter.add.f32 [tilespmem:s17], [sflag:$0x1], $0x1, s26, s21, $0xb8;
	[tilespmem:$0xA108] =	vst v63  }
0x33: {  	s29 =	simm.s32 $0x280  }
0x34: {  	[spmem:s2] =	stream.indirect.scatter.add.f32 [tilespmem:s17], [sflag:$0x1], $0x1, s29, s21, $0xb8;
	[tilespmem:$0xA108] =	vst v63  }
0x35: {  	s30 =	simm.s32 $0x300  }
0x36: {  	[spmem:s2] =	stream.indirect.scatter.add.f32 [tilespmem:s17], [sflag:$0x1], $0x1, s30, s21, $0xb8;
	[tilespmem:$0xA108] =	vst v63  }
0x37: {  	s31 =	simm.s32 $0x380  }
0x38: {  	[spmem:s2] =	stream.indirect.scatter.add.f32 [tilespmem:s17], [sflag:$0x1], $0x1, s31, s21, $0xb8;
	[tilespmem:$0xA108] =	vst v63  }
0x39: {  	_ =	swait.ge [sflag:s22], $0x80  }
0x3a: {  	[sflag:s22] =	ssyncset.done $0x0  }
0x3b: {  	[sflag:s22] =	ssyncadd.s32 $0xFFFFFF80  }
0x3c: {  	_ =	swait.ge [sflag:s22], $0x80  }
0x3d: {  	[sflag:s22] =	ssyncset.done $0x0  }
0x3e: {  	[sflag:s22] =	ssyncadd.s32 $0xFFFFFF80  }
0x3f: {  	_ =	swait.ge [sflag:s22], $0x80  }
0x40: {  	[sflag:s22] =	ssyncset.done $0x0  }
0x41: {  	[sflag:s22] =	ssyncadd.s32 $0xFFFFFF80  }
0x42: {  	_ =	swait.ge [sflag:s22], $0x80  }
0x43: {  	[sflag:s22] =	ssyncset.done $0x0  }
0x44: {  	[sflag:s22] =	ssyncadd.s32 $0xFFFFFF80  }
0x45: {  	_ =	swait.ge [sflag:s22], $0x80  }
0x46: {  	[sflag:s22] =	ssyncset.done $0x0  }
0x47: {  	[sflag:s22] =	ssyncadd.s32 $0xFFFFFF80  }
0x48: {  	_ =	swait.ge [sflag:s22], $0x80  }
0x49: {  	[sflag:s22] =	ssyncset.done $0x0  }
0x4a: {  	[sflag:s22] =	ssyncadd.s32 $0xFFFFFF80  }
0x4b: {  	_ =	swait.ge [sflag:s22], $0x80  }
0x4c: {  	[sflag:s22] =	ssyncset.done $0x0  }
0x4d: {  	[sflag:s22] =	ssyncadd.s32 $0xFFFFFF80  }
0x4e: {  	_ =	swait.ge [sflag:s22], $0x80  }
0x4f: {  	s28 =	simm.s32 $0x2000;
	s25 =	simm.s32 $0x1000;
	[sflag:s22] =	ssyncset.done $0x0  }
.LBB2_2:
0x50: {  	s29 =	sshra.s32 s25, $0x2  }
0x51: {  	[sflag:s22] =	ssyncadd.s32 $0xFFFFFF80;
	s25 =	smov.u32 s28;
	s26 =	sadd.s32 $0x1000, s28  }
0x52: {  	[spmem:s2] =	stream.indirect.scatter.add.f32 [tilespmem:s17], [sflag:$0x1], $0x1, s29, s21, $0xb8;
	[tilespmem:$0xA108] =	vst v63  }
0x53: {  	p0 =	sne.s32 s28, $0x7000;
	s28 =	sadd.s32 $0x80, s29  }
0x54: {  	[spmem:s2] =	stream.indirect.scatter.add.f32 [tilespmem:s17], [sflag:$0x1], $0x1, s28, s21, $0xb8;
	[tilespmem:$0xA108] =	vst v63  }
0x55: {  	s28 =	sadd.s32 $0x100, s29  }
0x56: {  	[spmem:s2] =	stream.indirect.scatter.add.f32 [tilespmem:s17], [sflag:$0x1], $0x1, s28, s21, $0xb8;
	[tilespmem:$0xA108] =	vst v63  }
0x57: {  	s28 =	sadd.s32 $0x180, s29  }
0x58: {  	[spmem:s2] =	stream.indirect.scatter.add.f32 [tilespmem:s17], [sflag:$0x1], $0x1, s28, s21, $0xb8;
	[tilespmem:$0xA108] =	vst v63  }
0x59: {  	s28 =	sadd.s32 $0x200, s29  }
0x5a: {  	[spmem:s2] =	stream.indirect.scatter.add.f32 [tilespmem:s17], [sflag:$0x1], $0x1, s28, s21, $0xb8;
	[tilespmem:$0xA108] =	vst v63  }
0x5b: {  	s28 =	sadd.s32 $0x280, s29  }
0x5c: {  	[spmem:s2] =	stream.indirect.scatter.add.f32 [tilespmem:s17], [sflag:$0x1], $0x1, s28, s21, $0xb8;
	[tilespmem:$0xA108] =	vst v63  }
0x5d: {  	s28 =	sadd.s32 $0x300, s29  }
0x5e: {  	[spmem:s2] =	stream.indirect.scatter.add.f32 [tilespmem:s17], [sflag:$0x1], $0x1, s28, s21, $0xb8;
	[tilespmem:$0xA108] =	vst v63  }
0x5f: {  	s28 =	sadd.s32 $0x380, s29  }
0x60: {  	[spmem:s2] =	stream.indirect.scatter.add.f32 [tilespmem:s17], [sflag:$0x1], $0x1, s28, s21, $0xb8;
	[tilespmem:$0xA108] =	vst v63  }
0x61: {  	_ =	swait.ge [sflag:s22], $0x80  }
0x62: {  	[sflag:s22] =	ssyncset.done $0x0  }
0x63: {  	[sflag:s22] =	ssyncadd.s32 $0xFFFFFF80  }
0x64: {  	_ =	swait.ge [sflag:s22], $0x80  }
0x65: {  	[sflag:s22] =	ssyncset.done $0x0  }
0x66: {  	[sflag:s22] =	ssyncadd.s32 $0xFFFFFF80  }
0x67: {  	_ =	swait.ge [sflag:s22], $0x80  }
0x68: {  	[sflag:s22] =	ssyncset.done $0x0  }
0x69: {  	[sflag:s22] =	ssyncadd.s32 $0xFFFFFF80  }
0x6a: {  	_ =	swait.ge [sflag:s22], $0x80  }
0x6b: {  	[sflag:s22] =	ssyncset.done $0x0  }
0x6c: {  	[sflag:s22] =	ssyncadd.s32 $0xFFFFFF80  }
0x6d: {  	_ =	swait.ge [sflag:s22], $0x80  }
0x6e: {  	[sflag:s22] =	ssyncset.done $0x0  }
0x6f: {  	[sflag:s22] =	ssyncadd.s32 $0xFFFFFF80  }
0x70: {  	_ =	swait.ge [sflag:s22], $0x80  }
0x71: {  	[sflag:s22] =	ssyncset.done $0x0  }
0x72: {  	[sflag:s22] =	ssyncadd.s32 $0xFFFFFF80  }
.Ltmp0:
0x73: {  	_ =	swait.ge [sflag:s22], $0x80;
	(pc) =	sbr.rel @p0 .LBB2_2-.Ltmp0, $4  }
0x74: {  	[sflag:s22] =	ssyncset.done $0x0  }
0x75: {  	[sflag:s22] =	ssyncadd.s32 $0xFFFFFF80  }
0x76: {  	_ =	swait.ge [sflag:s22], $0x80  }
0x77: {  	s28 =	smov.u32 s26;
	[sflag:s22] =	ssyncset.done $0x0  }
0x78: {  	s25 =	sshra.s32 s25, $0x2;
	[sflag:s22] =	ssyncadd.s32 $0xFFFFFF80  }
0x79: {  	[spmem:s2] =	stream.indirect.scatter.add.f32 [tilespmem:s17], [sflag:$0x1], $0x1, s25, s21, $0xb8;
	[tilespmem:$0xA108] =	vst v63  }
0x7a: {  	s26 =	sadd.s32 $0x80, s25  }
0x7b: {  	[spmem:s2] =	stream.indirect.scatter.add.f32 [tilespmem:s17], [sflag:$0x1], $0x1, s26, s21, $0xb8;
	[tilespmem:$0xA108] =	vst v63  }
0x7c: {  	s29 =	sadd.s32 $0x100, s25  }
0x7d: {  	[spmem:s2] =	stream.indirect.scatter.add.f32 [tilespmem:s17], [sflag:$0x1], $0x1, s29, s21, $0xb8;
	[tilespmem:$0xA108] =	vst v63  }
0x7e: {  	s30 =	sadd.s32 $0x180, s25  }
0x7f: {  	[spmem:s2] =	stream.indirect.scatter.add.f32 [tilespmem:s17], [sflag:$0x1], $0x1, s30, s21, $0xb8;
	[tilespmem:$0xA108] =	vst v63  }
0x80: {  	s31 =	sadd.s32 $0x200, s25  }
0x81: {  	[spmem:s2] =	stream.indirect.scatter.add.f32 [tilespmem:s17], [sflag:$0x1], $0x1, s31, s21, $0xb8;
	[tilespmem:$0xA108] =	vst v63  }
0x82: {  	s29 =	sadd.s32 $0x280, s25  }
0x83: {  	[spmem:s2] =	stream.indirect.scatter.add.f32 [tilespmem:s17], [sflag:$0x1], $0x1, s29, s21, $0xb8;
	[tilespmem:$0xA108] =	vst v63  }
0x84: {  	s30 =	sadd.s32 $0x300, s25  }
0x85: {  	[spmem:s2] =	stream.indirect.scatter.add.f32 [tilespmem:s17], [sflag:$0x1], $0x1, s30, s21, $0xb8;
	[tilespmem:$0xA108] =	vst v63  }
0x86: {  	s25 =	sadd.s32 $0x380, s25  }
0x87: {  	[spmem:s2] =	stream.indirect.scatter.add.f32 [tilespmem:s17], [sflag:$0x1], $0x1, s25, s21, $0xb8;
	[tilespmem:$0xA108] =	vst v63  }
0x88: {  	_ =	swait.ge [sflag:s22], $0x80  }
0x89: {  	[sflag:s22] =	ssyncset.done $0x0  }
0x8a: {  	[sflag:s22] =	ssyncadd.s32 $0xFFFFFF80  }
0x8b: {  	_ =	swait.ge [sflag:s22], $0x80  }
0x8c: {  	[sflag:s22] =	ssyncset.done $0x0  }
0x8d: {  	[sflag:s22] =	ssyncadd.s32 $0xFFFFFF80  }
0x8e: {  	_ =	swait.ge [sflag:s22], $0x80  }
0x8f: {  	[sflag:s22] =	ssyncset.done $0x0  }
0x90: {  	[sflag:s22] =	ssyncadd.s32 $0xFFFFFF80  }
0x91: {  	_ =	swait.ge [sflag:s22], $0x80  }
0x92: {  	[sflag:s22] =	ssyncset.done $0x0  }
0x93: {  	[sflag:s22] =	ssyncadd.s32 $0xFFFFFF80  }
0x94: {  	_ =	swait.ge [sflag:s22], $0x80  }
0x95: {  	[sflag:s22] =	ssyncset.done $0x0  }
0x96: {  	[sflag:s22] =	ssyncadd.s32 $0xFFFFFF80  }
0x97: {  	_ =	swait.ge [sflag:s22], $0x80  }
0x98: {  	[sflag:s22] =	ssyncset.done $0x0  }
0x99: {  	[sflag:s22] =	ssyncadd.s32 $0xFFFFFF80  }
0x9a: {  	_ =	swait.ge [sflag:s22], $0x80  }
0x9b: {  	[sflag:s22] =	ssyncset.done $0x0  }
0x9c: {  	[sflag:s22] =	ssyncadd.s32 $0xFFFFFF80  }
0x9d: {  	_ =	swait.ge [sflag:s22], $0x80  }
0x9e: {  	[sflag:s22] =	ssyncset.done $0x0  }
0x9f: {  	[sflag:s22] =	ssyncadd.s32 $0xFFFFFF80  }
0xa0: {  	[bflag:$0x0] =	sbarrier.arrive $0xFFFF  }
0xa1: {  	[hbm:s9], [sflag:s20] =	dma.local [spmem:s24], $0x1000  }
0xa2: {  	_ =	swait.ge [sflag:s18], $0x1000  }
0xa3: {  	[sflag:s18] =	ssyncset.done $0x0  }
0xa4: {  	[sflag:s18] =	ssyncadd.s32 $0xFFFFF000  }
0xa5: {  	[spmem:s24], [sflag:s20] =	dma.local [hbm:s7], $0x1000  }
0xa6: {  	_ =	swait.ge [sflag:s18], $0x1000  }
0xa7: {  	[sflag:s18] =	ssyncset.done $0x0  }
0xa8: {  	[sflag:s18] =	ssyncadd.s32 $0xFFFFF000  }
0xa9: {  	s31 =	simm.s32 $0x0;
	[bflag:$0x0] =	sbarrier.arrive $0xFFFF  }
0xaa: {  	[tilespmem:s31], [sflag:$0x2] =	stream.linear.gather [hbm4b:s10+s31], $0x2000, $0x38;
	[tilespmem:$0xA108] =	vst v63  }
0xab: {  	_ =	swait.ge [sflag:s18], $0x2000  }
0xac: {  	[sflag:s18] =	ssyncset.done $0x0  }
0xad: {  	s26 =	simm.s32 $0x0;
	[sflag:s18] =	ssyncadd.s32 $0xFFFFE000  }
0xae: {  	[spmem:s2] =	stream.indirect.scatter.add.f32 [tilespmem:s17], [sflag:$0x1], $0x1, s26, s21, $0xb8;
	[tilespmem:$0xA108] =	vst v63  }
0xaf: {  	s29 =	simm.s32 $0x80  }
0xb0: {  	[spmem:s2] =	stream.indirect.scatter.add.f32 [tilespmem:s17], [sflag:$0x1], $0x1, s29, s21, $0xb8;
	[tilespmem:$0xA108] =	vst v63  }
0xb1: {  	s30 =	simm.s32 $0x100  }
0xb2: {  	[spmem:s2] =	stream.indirect.scatter.add.f32 [tilespmem:s17], [sflag:$0x1], $0x1, s30, s21, $0xb8;
	[tilespmem:$0xA108] =	vst v63  }
0xb3: {  	s31 =	simm.s32 $0x180  }
0xb4: {  	[spmem:s2] =	stream.indirect.scatter.add.f32 [tilespmem:s17], [sflag:$0x1], $0x1, s31, s21, $0xb8;
	[tilespmem:$0xA108] =	vst v63  }
0xb5: {  	s26 =	simm.s32 $0x200  }
0xb6: {  	[spmem:s2] =	stream.indirect.scatter.add.f32 [tilespmem:s17], [sflag:$0x1], $0x1, s26, s21, $0xb8;
	[tilespmem:$0xA108] =	vst v63  }
0xb7: {  	s29 =	simm.s32 $0x280  }
0xb8: {  	[spmem:s2] =	stream.indirect.scatter.add.f32 [tilespmem:s17], [sflag:$0x1], $0x1, s29, s21, $0xb8;
	[tilespmem:$0xA108] =	vst v63  }
0xb9: {  	s30 =	simm.s32 $0x300  }
0xba: {  	[spmem:s2] =	stream.indirect.scatter.add.f32 [tilespmem:s17], [sflag:$0x1], $0x1, s30, s21, $0xb8;
	[tilespmem:$0xA108] =	vst v63  }
0xbb: {  	s31 =	simm.s32 $0x380  }
0xbc: {  	[spmem:s2] =	stream.indirect.scatter.add.f32 [tilespmem:s17], [sflag:$0x1], $0x1, s31, s21, $0xb8;
	[tilespmem:$0xA108] =	vst v63  }
0xbd: {  	_ =	swait.ge [sflag:s22], $0x80  }
0xbe: {  	[sflag:s22] =	ssyncset.done $0x0  }
0xbf: {  	[sflag:s22] =	ssyncadd.s32 $0xFFFFFF80  }
0xc0: {  	_ =	swait.ge [sflag:s22], $0x80  }
0xc1: {  	[sflag:s22] =	ssyncset.done $0x0  }
0xc2: {  	[sflag:s22] =	ssyncadd.s32 $0xFFFFFF80  }
0xc3: {  	_ =	swait.ge [sflag:s22], $0x80  }
0xc4: {  	[sflag:s22] =	ssyncset.done $0x0  }
0xc5: {  	[sflag:s22] =	ssyncadd.s32 $0xFFFFFF80  }
0xc6: {  	_ =	swait.ge [sflag:s22], $0x80  }
0xc7: {  	[sflag:s22] =	ssyncset.done $0x0  }
0xc8: {  	[sflag:s22] =	ssyncadd.s32 $0xFFFFFF80  }
0xc9: {  	_ =	swait.ge [sflag:s22], $0x80  }
0xca: {  	[sflag:s22] =	ssyncset.done $0x0  }
0xcb: {  	[sflag:s22] =	ssyncadd.s32 $0xFFFFFF80  }
0xcc: {  	_ =	swait.ge [sflag:s22], $0x80  }
0xcd: {  	[sflag:s22] =	ssyncset.done $0x0  }
0xce: {  	[sflag:s22] =	ssyncadd.s32 $0xFFFFFF80  }
0xcf: {  	_ =	swait.ge [sflag:s22], $0x80  }
0xd0: {  	[sflag:s22] =	ssyncset.done $0x0  }
0xd1: {  	[sflag:s22] =	ssyncadd.s32 $0xFFFFFF80  }
0xd2: {  	_ =	swait.ge [sflag:s22], $0x80  }
0xd3: {  	s28 =	simm.s32 $0x2000;
	s25 =	simm.s32 $0x1000;
	[sflag:s22] =	ssyncset.done $0x0  }
.LBB2_4:
0xd4: {  	s29 =	sshra.s32 s25, $0x2  }
0xd5: {  	[sflag:s22] =	ssyncadd.s32 $0xFFFFFF80;
	s25 =	smov.u32 s28;
	s26 =	sadd.s32 $0x1000, s28  }
0xd6: {  	[spmem:s2] =	stream.indirect.scatter.add.f32 [tilespmem:s17], [sflag:$0x1], $0x1, s29, s21, $0xb8;
	[tilespmem:$0xA108] =	vst v63  }
0xd7: {  	p0 =	sne.s32 s28, $0x7000;
	s28 =	sadd.s32 $0x80, s29  }
0xd8: {  	[spmem:s2] =	stream.indirect.scatter.add.f32 [tilespmem:s17], [sflag:$0x1], $0x1, s28, s21, $0xb8;
	[tilespmem:$0xA108] =	vst v63  }
0xd9: {  	s28 =	sadd.s32 $0x100, s29  }
0xda: {  	[spmem:s2] =	stream.indirect.scatter.add.f32 [tilespmem:s17], [sflag:$0x1], $0x1, s28, s21, $0xb8;
	[tilespmem:$0xA108] =	vst v63  }
0xdb: {  	s28 =	sadd.s32 $0x180, s29  }
0xdc: {  	[spmem:s2] =	stream.indirect.scatter.add.f32 [tilespmem:s17], [sflag:$0x1], $0x1, s28, s21, $0xb8;
	[tilespmem:$0xA108] =	vst v63  }
0xdd: {  	s28 =	sadd.s32 $0x200, s29  }
0xde: {  	[spmem:s2] =	stream.indirect.scatter.add.f32 [tilespmem:s17], [sflag:$0x1], $0x1, s28, s21, $0xb8;
	[tilespmem:$0xA108] =	vst v63  }
0xdf: {  	s28 =	sadd.s32 $0x280, s29  }
0xe0: {  	[spmem:s2] =	stream.indirect.scatter.add.f32 [tilespmem:s17], [sflag:$0x1], $0x1, s28, s21, $0xb8;
	[tilespmem:$0xA108] =	vst v63  }
0xe1: {  	s28 =	sadd.s32 $0x300, s29  }
0xe2: {  	[spmem:s2] =	stream.indirect.scatter.add.f32 [tilespmem:s17], [sflag:$0x1], $0x1, s28, s21, $0xb8;
	[tilespmem:$0xA108] =	vst v63  }
0xe3: {  	s28 =	sadd.s32 $0x380, s29  }
0xe4: {  	[spmem:s2] =	stream.indirect.scatter.add.f32 [tilespmem:s17], [sflag:$0x1], $0x1, s28, s21, $0xb8;
	[tilespmem:$0xA108] =	vst v63  }
0xe5: {  	_ =	swait.ge [sflag:s22], $0x80  }
0xe6: {  	[sflag:s22] =	ssyncset.done $0x0  }
0xe7: {  	[sflag:s22] =	ssyncadd.s32 $0xFFFFFF80  }
0xe8: {  	_ =	swait.ge [sflag:s22], $0x80  }
0xe9: {  	[sflag:s22] =	ssyncset.done $0x0  }
0xea: {  	[sflag:s22] =	ssyncadd.s32 $0xFFFFFF80  }
0xeb: {  	_ =	swait.ge [sflag:s22], $0x80  }
0xec: {  	[sflag:s22] =	ssyncset.done $0x0  }
0xed: {  	[sflag:s22] =	ssyncadd.s32 $0xFFFFFF80  }
0xee: {  	_ =	swait.ge [sflag:s22], $0x80  }
0xef: {  	[sflag:s22] =	ssyncset.done $0x0  }
0xf0: {  	[sflag:s22] =	ssyncadd.s32 $0xFFFFFF80  }
0xf1: {  	_ =	swait.ge [sflag:s22], $0x80  }
0xf2: {  	[sflag:s22] =	ssyncset.done $0x0  }
0xf3: {  	[sflag:s22] =	ssyncadd.s32 $0xFFFFFF80  }
0xf4: {  	_ =	swait.ge [sflag:s22], $0x80  }
0xf5: {  	[sflag:s22] =	ssyncset.done $0x0  }
0xf6: {  	[sflag:s22] =	ssyncadd.s32 $0xFFFFFF80  }
.Ltmp1:
0xf7: {  	_ =	swait.ge [sflag:s22], $0x80;
	(pc) =	sbr.rel @p0 .LBB2_4-.Ltmp1, $4  }
0xf8: {  	[sflag:s22] =	ssyncset.done $0x0  }
0xf9: {  	[sflag:s22] =	ssyncadd.s32 $0xFFFFFF80  }
0xfa: {  	_ =	swait.ge [sflag:s22], $0x80  }
0xfb: {  	s28 =	smov.u32 s26;
	[sflag:s22] =	ssyncset.done $0x0  }
0xfc: {  	s25 =	sshra.s32 s25, $0x2;
	[sflag:s22] =	ssyncadd.s32 $0xFFFFFF80  }
0xfd: {  	[spmem:s2] =	stream.indirect.scatter.add.f32 [tilespmem:s17], [sflag:$0x1], $0x1, s25, s21, $0xb8;
	[tilespmem:$0xA108] =	vst v63  }
0xfe: {  	s26 =	sadd.s32 $0x80, s25  }
0xff: {  	[spmem:s2] =	stream.indirect.scatter.add.f32 [tilespmem:s17], [sflag:$0x1], $0x1, s26, s21, $0xb8;
	[tilespmem:$0xA108] =	vst v63  }
0x100: {  	s29 =	sadd.s32 $0x100, s25  }
0x101: {  	[spmem:s2] =	stream.indirect.scatter.add.f32 [tilespmem:s17], [sflag:$0x1], $0x1, s29, s21, $0xb8;
	[tilespmem:$0xA108] =	vst v63  }
0x102: {  	s30 =	sadd.s32 $0x180, s25  }
0x103: {  	[spmem:s2] =	stream.indirect.scatter.add.f32 [tilespmem:s17], [sflag:$0x1], $0x1, s30, s21, $0xb8;
	[tilespmem:$0xA108] =	vst v63  }
0x104: {  	s31 =	sadd.s32 $0x200, s25  }
0x105: {  	[spmem:s2] =	stream.indirect.scatter.add.f32 [tilespmem:s17], [sflag:$0x1], $0x1, s31, s21, $0xb8;
	[tilespmem:$0xA108] =	vst v63  }
0x106: {  	s29 =	sadd.s32 $0x280, s25  }
0x107: {  	[spmem:s2] =	stream.indirect.scatter.add.f32 [tilespmem:s17], [sflag:$0x1], $0x1, s29, s21, $0xb8;
	[tilespmem:$0xA108] =	vst v63  }
0x108: {  	s30 =	sadd.s32 $0x300, s25  }
0x109: {  	[spmem:s2] =	stream.indirect.scatter.add.f32 [tilespmem:s17], [sflag:$0x1], $0x1, s30, s21, $0xb8;
	[tilespmem:$0xA108] =	vst v63  }
0x10a: {  	s25 =	sadd.s32 $0x380, s25  }
0x10b: {  	[spmem:s2] =	stream.indirect.scatter.add.f32 [tilespmem:s17], [sflag:$0x1], $0x1, s25, s21, $0xb8;
	[tilespmem:$0xA108] =	vst v63  }
0x10c: {  	_ =	swait.ge [sflag:s22], $0x80  }
0x10d: {  	[sflag:s22] =	ssyncset.done $0x0  }
0x10e: {  	[sflag:s22] =	ssyncadd.s32 $0xFFFFFF80  }
0x10f: {  	_ =	swait.ge [sflag:s22], $0x80  }
0x110: {  	[sflag:s22] =	ssyncset.done $0x0  }
0x111: {  	[sflag:s22] =	ssyncadd.s32 $0xFFFFFF80  }
0x112: {  	_ =	swait.ge [sflag:s22], $0x80  }
0x113: {  	[sflag:s22] =	ssyncset.done $0x0  }
0x114: {  	[sflag:s22] =	ssyncadd.s32 $0xFFFFFF80  }
0x115: {  	_ =	swait.ge [sflag:s22], $0x80  }
0x116: {  	[sflag:s22] =	ssyncset.done $0x0  }
0x117: {  	[sflag:s22] =	ssyncadd.s32 $0xFFFFFF80  }
0x118: {  	_ =	swait.ge [sflag:s22], $0x80  }
0x119: {  	[sflag:s22] =	ssyncset.done $0x0  }
0x11a: {  	[sflag:s22] =	ssyncadd.s32 $0xFFFFFF80  }
0x11b: {  	_ =	swait.ge [sflag:s22], $0x80  }
0x11c: {  	[sflag:s22] =	ssyncset.done $0x0  }
0x11d: {  	[sflag:s22] =	ssyncadd.s32 $0xFFFFFF80  }
0x11e: {  	_ =	swait.ge [sflag:s22], $0x80  }
0x11f: {  	[sflag:s22] =	ssyncset.done $0x0  }
0x120: {  	[sflag:s22] =	ssyncadd.s32 $0xFFFFFF80  }
0x121: {  	_ =	swait.ge [sflag:s22], $0x80  }
0x122: {  	[sflag:s22] =	ssyncset.done $0x0  }
0x123: {  	[sflag:s22] =	ssyncadd.s32 $0xFFFFFF80  }
0x124: {  	[bflag:$0x0] =	sbarrier.arrive $0xFFFF  }
0x125: {  	[hbm:s11], [sflag:s20] =	dma.local [spmem:s24], $0x1000  }
0x126: {  	_ =	swait.ge [sflag:s18], $0x1000  }
0x127: {  	[sflag:s18] =	ssyncset.done $0x0  }
0x128: {  	[sflag:s18] =	ssyncadd.s32 $0xFFFFF000  }
0x129: {  	[spmem:s24], [sflag:s20] =	dma.local [hbm:s7], $0x1000  }
0x12a: {  	_ =	swait.ge [sflag:s18], $0x1000  }
0x12b: {  	[sflag:s18] =	ssyncset.done $0x0  }
0x12c: {  	[sflag:s18] =	ssyncadd.s32 $0xFFFFF000  }
0x12d: {  	s31 =	simm.s32 $0x0;
	[bflag:$0x0] =	sbarrier.arrive $0xFFFF  }
0x12e: {  	[tilespmem:s31], [sflag:$0x2] =	stream.linear.gather [hbm4b:s12+s31], $0x2000, $0x38;
	[tilespmem:$0xA108] =	vst v63  }
0x12f: {  	_ =	swait.ge [sflag:s18], $0x2000  }
0x130: {  	[sflag:s18] =	ssyncset.done $0x0  }
0x131: {  	s26 =	simm.s32 $0x0;
	[sflag:s18] =	ssyncadd.s32 $0xFFFFE000  }
0x132: {  	[spmem:s2] =	stream.indirect.scatter.add.f32 [tilespmem:s17], [sflag:$0x1], $0x1, s26, s21, $0xb8;
	[tilespmem:$0xA108] =	vst v63  }
0x133: {  	s29 =	simm.s32 $0x80  }
0x134: {  	[spmem:s2] =	stream.indirect.scatter.add.f32 [tilespmem:s17], [sflag:$0x1], $0x1, s29, s21, $0xb8;
	[tilespmem:$0xA108] =	vst v63  }
0x135: {  	s30 =	simm.s32 $0x100  }
0x136: {  	[spmem:s2] =	stream.indirect.scatter.add.f32 [tilespmem:s17], [sflag:$0x1], $0x1, s30, s21, $0xb8;
	[tilespmem:$0xA108] =	vst v63  }
0x137: {  	s31 =	simm.s32 $0x180  }
0x138: {  	[spmem:s2] =	stream.indirect.scatter.add.f32 [tilespmem:s17], [sflag:$0x1], $0x1, s31, s21, $0xb8;
	[tilespmem:$0xA108] =	vst v63  }
0x139: {  	s26 =	simm.s32 $0x200  }
0x13a: {  	[spmem:s2] =	stream.indirect.scatter.add.f32 [tilespmem:s17], [sflag:$0x1], $0x1, s26, s21, $0xb8;
	[tilespmem:$0xA108] =	vst v63  }
0x13b: {  	s29 =	simm.s32 $0x280  }
0x13c: {  	[spmem:s2] =	stream.indirect.scatter.add.f32 [tilespmem:s17], [sflag:$0x1], $0x1, s29, s21, $0xb8;
	[tilespmem:$0xA108] =	vst v63  }
0x13d: {  	s30 =	simm.s32 $0x300  }
0x13e: {  	[spmem:s2] =	stream.indirect.scatter.add.f32 [tilespmem:s17], [sflag:$0x1], $0x1, s30, s21, $0xb8;
	[tilespmem:$0xA108] =	vst v63  }
0x13f: {  	s31 =	simm.s32 $0x380  }
0x140: {  	[spmem:s2] =	stream.indirect.scatter.add.f32 [tilespmem:s17], [sflag:$0x1], $0x1, s31, s21, $0xb8;
	[tilespmem:$0xA108] =	vst v63  }
0x141: {  	_ =	swait.ge [sflag:s22], $0x80  }
0x142: {  	[sflag:s22] =	ssyncset.done $0x0  }
0x143: {  	[sflag:s22] =	ssyncadd.s32 $0xFFFFFF80  }
0x144: {  	_ =	swait.ge [sflag:s22], $0x80  }
0x145: {  	[sflag:s22] =	ssyncset.done $0x0  }
0x146: {  	[sflag:s22] =	ssyncadd.s32 $0xFFFFFF80  }
0x147: {  	_ =	swait.ge [sflag:s22], $0x80  }
0x148: {  	[sflag:s22] =	ssyncset.done $0x0  }
0x149: {  	[sflag:s22] =	ssyncadd.s32 $0xFFFFFF80  }
0x14a: {  	_ =	swait.ge [sflag:s22], $0x80  }
0x14b: {  	[sflag:s22] =	ssyncset.done $0x0  }
0x14c: {  	[sflag:s22] =	ssyncadd.s32 $0xFFFFFF80  }
0x14d: {  	_ =	swait.ge [sflag:s22], $0x80  }
0x14e: {  	[sflag:s22] =	ssyncset.done $0x0  }
0x14f: {  	[sflag:s22] =	ssyncadd.s32 $0xFFFFFF80  }
0x150: {  	_ =	swait.ge [sflag:s22], $0x80  }
0x151: {  	[sflag:s22] =	ssyncset.done $0x0  }
0x152: {  	[sflag:s22] =	ssyncadd.s32 $0xFFFFFF80  }
0x153: {  	_ =	swait.ge [sflag:s22], $0x80  }
0x154: {  	[sflag:s22] =	ssyncset.done $0x0  }
0x155: {  	[sflag:s22] =	ssyncadd.s32 $0xFFFFFF80  }
0x156: {  	_ =	swait.ge [sflag:s22], $0x80  }
0x157: {  	s28 =	simm.s32 $0x2000;
	s25 =	simm.s32 $0x1000;
	[sflag:s22] =	ssyncset.done $0x0  }
.LBB2_6:
0x158: {  	s29 =	sshra.s32 s25, $0x2  }
0x159: {  	[sflag:s22] =	ssyncadd.s32 $0xFFFFFF80;
	s25 =	smov.u32 s28;
	s26 =	sadd.s32 $0x1000, s28  }
0x15a: {  	[spmem:s2] =	stream.indirect.scatter.add.f32 [tilespmem:s17], [sflag:$0x1], $0x1, s29, s21, $0xb8;
	[tilespmem:$0xA108] =	vst v63  }
0x15b: {  	p0 =	sne.s32 s28, $0x7000;
	s28 =	sadd.s32 $0x80, s29  }
0x15c: {  	[spmem:s2] =	stream.indirect.scatter.add.f32 [tilespmem:s17], [sflag:$0x1], $0x1, s28, s21, $0xb8;
	[tilespmem:$0xA108] =	vst v63  }
0x15d: {  	s28 =	sadd.s32 $0x100, s29  }
0x15e: {  	[spmem:s2] =	stream.indirect.scatter.add.f32 [tilespmem:s17], [sflag:$0x1], $0x1, s28, s21, $0xb8;
	[tilespmem:$0xA108] =	vst v63  }
0x15f: {  	s28 =	sadd.s32 $0x180, s29  }
0x160: {  	[spmem:s2] =	stream.indirect.scatter.add.f32 [tilespmem:s17], [sflag:$0x1], $0x1, s28, s21, $0xb8;
	[tilespmem:$0xA108] =	vst v63  }
0x161: {  	s28 =	sadd.s32 $0x200, s29  }
0x162: {  	[spmem:s2] =	stream.indirect.scatter.add.f32 [tilespmem:s17], [sflag:$0x1], $0x1, s28, s21, $0xb8;
	[tilespmem:$0xA108] =	vst v63  }
0x163: {  	s28 =	sadd.s32 $0x280, s29  }
0x164: {  	[spmem:s2] =	stream.indirect.scatter.add.f32 [tilespmem:s17], [sflag:$0x1], $0x1, s28, s21, $0xb8;
	[tilespmem:$0xA108] =	vst v63  }
0x165: {  	s28 =	sadd.s32 $0x300, s29  }
0x166: {  	[spmem:s2] =	stream.indirect.scatter.add.f32 [tilespmem:s17], [sflag:$0x1], $0x1, s28, s21, $0xb8;
	[tilespmem:$0xA108] =	vst v63  }
0x167: {  	s28 =	sadd.s32 $0x380, s29  }
0x168: {  	[spmem:s2] =	stream.indirect.scatter.add.f32 [tilespmem:s17], [sflag:$0x1], $0x1, s28, s21, $0xb8;
	[tilespmem:$0xA108] =	vst v63  }
0x169: {  	_ =	swait.ge [sflag:s22], $0x80  }
0x16a: {  	[sflag:s22] =	ssyncset.done $0x0  }
0x16b: {  	[sflag:s22] =	ssyncadd.s32 $0xFFFFFF80  }
0x16c: {  	_ =	swait.ge [sflag:s22], $0x80  }
0x16d: {  	[sflag:s22] =	ssyncset.done $0x0  }
0x16e: {  	[sflag:s22] =	ssyncadd.s32 $0xFFFFFF80  }
0x16f: {  	_ =	swait.ge [sflag:s22], $0x80  }
0x170: {  	[sflag:s22] =	ssyncset.done $0x0  }
0x171: {  	[sflag:s22] =	ssyncadd.s32 $0xFFFFFF80  }
0x172: {  	_ =	swait.ge [sflag:s22], $0x80  }
0x173: {  	[sflag:s22] =	ssyncset.done $0x0  }
0x174: {  	[sflag:s22] =	ssyncadd.s32 $0xFFFFFF80  }
0x175: {  	_ =	swait.ge [sflag:s22], $0x80  }
0x176: {  	[sflag:s22] =	ssyncset.done $0x0  }
0x177: {  	[sflag:s22] =	ssyncadd.s32 $0xFFFFFF80  }
0x178: {  	_ =	swait.ge [sflag:s22], $0x80  }
0x179: {  	[sflag:s22] =	ssyncset.done $0x0  }
0x17a: {  	[sflag:s22] =	ssyncadd.s32 $0xFFFFFF80  }
.Ltmp2:
0x17b: {  	_ =	swait.ge [sflag:s22], $0x80;
	(pc) =	sbr.rel @p0 .LBB2_6-.Ltmp2, $4  }
0x17c: {  	[sflag:s22] =	ssyncset.done $0x0  }
0x17d: {  	[sflag:s22] =	ssyncadd.s32 $0xFFFFFF80  }
0x17e: {  	_ =	swait.ge [sflag:s22], $0x80  }
0x17f: {  	s28 =	smov.u32 s26;
	[sflag:s22] =	ssyncset.done $0x0  }
0x180: {  	s25 =	sshra.s32 s25, $0x2;
	[sflag:s22] =	ssyncadd.s32 $0xFFFFFF80  }
0x181: {  	[spmem:s2] =	stream.indirect.scatter.add.f32 [tilespmem:s17], [sflag:$0x1], $0x1, s25, s21, $0xb8;
	[tilespmem:$0xA108] =	vst v63  }
0x182: {  	s26 =	sadd.s32 $0x80, s25  }
0x183: {  	[spmem:s2] =	stream.indirect.scatter.add.f32 [tilespmem:s17], [sflag:$0x1], $0x1, s26, s21, $0xb8;
	[tilespmem:$0xA108] =	vst v63  }
0x184: {  	s29 =	sadd.s32 $0x100, s25  }
0x185: {  	[spmem:s2] =	stream.indirect.scatter.add.f32 [tilespmem:s17], [sflag:$0x1], $0x1, s29, s21, $0xb8;
	[tilespmem:$0xA108] =	vst v63  }
0x186: {  	s30 =	sadd.s32 $0x180, s25  }
0x187: {  	[spmem:s2] =	stream.indirect.scatter.add.f32 [tilespmem:s17], [sflag:$0x1], $0x1, s30, s21, $0xb8;
	[tilespmem:$0xA108] =	vst v63  }
0x188: {  	s31 =	sadd.s32 $0x200, s25  }
0x189: {  	[spmem:s2] =	stream.indirect.scatter.add.f32 [tilespmem:s17], [sflag:$0x1], $0x1, s31, s21, $0xb8;
	[tilespmem:$0xA108] =	vst v63  }
0x18a: {  	s29 =	sadd.s32 $0x280, s25  }
0x18b: {  	[spmem:s2] =	stream.indirect.scatter.add.f32 [tilespmem:s17], [sflag:$0x1], $0x1, s29, s21, $0xb8;
	[tilespmem:$0xA108] =	vst v63  }
0x18c: {  	s30 =	sadd.s32 $0x300, s25  }
0x18d: {  	[spmem:s2] =	stream.indirect.scatter.add.f32 [tilespmem:s17], [sflag:$0x1], $0x1, s30, s21, $0xb8;
	[tilespmem:$0xA108] =	vst v63  }
0x18e: {  	s25 =	sadd.s32 $0x380, s25  }
0x18f: {  	[spmem:s2] =	stream.indirect.scatter.add.f32 [tilespmem:s17], [sflag:$0x1], $0x1, s25, s21, $0xb8;
	[tilespmem:$0xA108] =	vst v63  }
0x190: {  	_ =	swait.ge [sflag:s22], $0x80  }
0x191: {  	[sflag:s22] =	ssyncset.done $0x0  }
0x192: {  	[sflag:s22] =	ssyncadd.s32 $0xFFFFFF80  }
0x193: {  	_ =	swait.ge [sflag:s22], $0x80  }
0x194: {  	[sflag:s22] =	ssyncset.done $0x0  }
0x195: {  	[sflag:s22] =	ssyncadd.s32 $0xFFFFFF80  }
0x196: {  	_ =	swait.ge [sflag:s22], $0x80  }
0x197: {  	[sflag:s22] =	ssyncset.done $0x0  }
0x198: {  	[sflag:s22] =	ssyncadd.s32 $0xFFFFFF80  }
0x199: {  	_ =	swait.ge [sflag:s22], $0x80  }
0x19a: {  	[sflag:s22] =	ssyncset.done $0x0  }
0x19b: {  	[sflag:s22] =	ssyncadd.s32 $0xFFFFFF80  }
0x19c: {  	_ =	swait.ge [sflag:s22], $0x80  }
0x19d: {  	[sflag:s22] =	ssyncset.done $0x0  }
0x19e: {  	[sflag:s22] =	ssyncadd.s32 $0xFFFFFF80  }
0x19f: {  	_ =	swait.ge [sflag:s22], $0x80  }
0x1a0: {  	[sflag:s22] =	ssyncset.done $0x0  }
0x1a1: {  	[sflag:s22] =	ssyncadd.s32 $0xFFFFFF80  }
0x1a2: {  	_ =	swait.ge [sflag:s22], $0x80  }
0x1a3: {  	[sflag:s22] =	ssyncset.done $0x0  }
0x1a4: {  	[sflag:s22] =	ssyncadd.s32 $0xFFFFFF80  }
0x1a5: {  	_ =	swait.ge [sflag:s22], $0x80  }
0x1a6: {  	[sflag:s22] =	ssyncset.done $0x0  }
0x1a7: {  	[sflag:s22] =	ssyncadd.s32 $0xFFFFFF80  }
0x1a8: {  	[bflag:$0x0] =	sbarrier.arrive $0xFFFF  }
0x1a9: {  	[hbm:s13], [sflag:s20] =	dma.local [spmem:s24], $0x1000  }
0x1aa: {  	_ =	swait.ge [sflag:s18], $0x1000  }
0x1ab: {  	[sflag:s18] =	ssyncset.done $0x0  }
0x1ac: {  	[sflag:s18] =	ssyncadd.s32 $0xFFFFF000  }
0x1ad: {  	[spmem:s24], [sflag:s20] =	dma.local [hbm:s7], $0x1000  }
0x1ae: {  	_ =	swait.ge [sflag:s18], $0x1000  }
0x1af: {  	[sflag:s18] =	ssyncset.done $0x0  }
0x1b0: {  	[sflag:s18] =	ssyncadd.s32 $0xFFFFF000  }
0x1b1: {  	s31 =	simm.s32 $0x0;
	[bflag:$0x0] =	sbarrier.arrive $0xFFFF  }
0x1b2: {  	[tilespmem:s31], [sflag:$0x2] =	stream.linear.gather [hbm4b:s14+s31], $0x2000, $0x38;
	[tilespmem:$0xA108] =	vst v63  }
0x1b3: {  	_ =	swait.ge [sflag:s18], $0x2000  }
0x1b4: {  	[sflag:s18] =	ssyncset.done $0x0  }
0x1b5: {  	s26 =	simm.s32 $0x0;
	[sflag:s18] =	ssyncadd.s32 $0xFFFFE000  }
0x1b6: {  	[spmem:s2] =	stream.indirect.scatter.add.f32 [tilespmem:s17], [sflag:$0x1], $0x1, s26, s21, $0xb8;
	[tilespmem:$0xA108] =	vst v63  }
0x1b7: {  	s29 =	simm.s32 $0x80  }
0x1b8: {  	[spmem:s2] =	stream.indirect.scatter.add.f32 [tilespmem:s17], [sflag:$0x1], $0x1, s29, s21, $0xb8;
	[tilespmem:$0xA108] =	vst v63  }
0x1b9: {  	s30 =	simm.s32 $0x100  }
0x1ba: {  	[spmem:s2] =	stream.indirect.scatter.add.f32 [tilespmem:s17], [sflag:$0x1], $0x1, s30, s21, $0xb8;
	[tilespmem:$0xA108] =	vst v63  }
0x1bb: {  	s31 =	simm.s32 $0x180  }
0x1bc: {  	[spmem:s2] =	stream.indirect.scatter.add.f32 [tilespmem:s17], [sflag:$0x1], $0x1, s31, s21, $0xb8;
	[tilespmem:$0xA108] =	vst v63  }
0x1bd: {  	s26 =	simm.s32 $0x200  }
0x1be: {  	[spmem:s2] =	stream.indirect.scatter.add.f32 [tilespmem:s17], [sflag:$0x1], $0x1, s26, s21, $0xb8;
	[tilespmem:$0xA108] =	vst v63  }
0x1bf: {  	s29 =	simm.s32 $0x280  }
0x1c0: {  	[spmem:s2] =	stream.indirect.scatter.add.f32 [tilespmem:s17], [sflag:$0x1], $0x1, s29, s21, $0xb8;
	[tilespmem:$0xA108] =	vst v63  }
0x1c1: {  	s30 =	simm.s32 $0x300  }
0x1c2: {  	[spmem:s2] =	stream.indirect.scatter.add.f32 [tilespmem:s17], [sflag:$0x1], $0x1, s30, s21, $0xb8;
	[tilespmem:$0xA108] =	vst v63  }
0x1c3: {  	s31 =	simm.s32 $0x380  }
0x1c4: {  	[spmem:s2] =	stream.indirect.scatter.add.f32 [tilespmem:s17], [sflag:$0x1], $0x1, s31, s21, $0xb8;
	[tilespmem:$0xA108] =	vst v63  }
0x1c5: {  	_ =	swait.ge [sflag:s22], $0x80  }
0x1c6: {  	[sflag:s22] =	ssyncset.done $0x0  }
0x1c7: {  	[sflag:s22] =	ssyncadd.s32 $0xFFFFFF80  }
0x1c8: {  	_ =	swait.ge [sflag:s22], $0x80  }
0x1c9: {  	[sflag:s22] =	ssyncset.done $0x0  }
0x1ca: {  	[sflag:s22] =	ssyncadd.s32 $0xFFFFFF80  }
0x1cb: {  	_ =	swait.ge [sflag:s22], $0x80  }
0x1cc: {  	[sflag:s22] =	ssyncset.done $0x0  }
0x1cd: {  	[sflag:s22] =	ssyncadd.s32 $0xFFFFFF80  }
0x1ce: {  	_ =	swait.ge [sflag:s22], $0x80  }
0x1cf: {  	[sflag:s22] =	ssyncset.done $0x0  }
0x1d0: {  	[sflag:s22] =	ssyncadd.s32 $0xFFFFFF80  }
0x1d1: {  	_ =	swait.ge [sflag:s22], $0x80  }
0x1d2: {  	[sflag:s22] =	ssyncset.done $0x0  }
0x1d3: {  	[sflag:s22] =	ssyncadd.s32 $0xFFFFFF80  }
0x1d4: {  	_ =	swait.ge [sflag:s22], $0x80  }
0x1d5: {  	[sflag:s22] =	ssyncset.done $0x0  }
0x1d6: {  	[sflag:s22] =	ssyncadd.s32 $0xFFFFFF80  }
0x1d7: {  	_ =	swait.ge [sflag:s22], $0x80  }
0x1d8: {  	[sflag:s22] =	ssyncset.done $0x0  }
0x1d9: {  	[sflag:s22] =	ssyncadd.s32 $0xFFFFFF80  }
0x1da: {  	_ =	swait.ge [sflag:s22], $0x80  }
0x1db: {  	s28 =	simm.s32 $0x2000;
	s25 =	simm.s32 $0x1000;
	[sflag:s22] =	ssyncset.done $0x0  }
.LBB2_8:
0x1dc: {  	s29 =	sshra.s32 s25, $0x2  }
0x1dd: {  	[sflag:s22] =	ssyncadd.s32 $0xFFFFFF80;
	s25 =	smov.u32 s28;
	s26 =	sadd.s32 $0x1000, s28  }
0x1de: {  	[spmem:s2] =	stream.indirect.scatter.add.f32 [tilespmem:s17], [sflag:$0x1], $0x1, s29, s21, $0xb8;
	[tilespmem:$0xA108] =	vst v63  }
0x1df: {  	p0 =	sne.s32 s28, $0x7000;
	s28 =	sadd.s32 $0x80, s29  }
0x1e0: {  	[spmem:s2] =	stream.indirect.scatter.add.f32 [tilespmem:s17], [sflag:$0x1], $0x1, s28, s21, $0xb8;
	[tilespmem:$0xA108] =	vst v63  }
0x1e1: {  	s28 =	sadd.s32 $0x100, s29  }
0x1e2: {  	[spmem:s2] =	stream.indirect.scatter.add.f32 [tilespmem:s17], [sflag:$0x1], $0x1, s28, s21, $0xb8;
	[tilespmem:$0xA108] =	vst v63  }
0x1e3: {  	s28 =	sadd.s32 $0x180, s29  }
0x1e4: {  	[spmem:s2] =	stream.indirect.scatter.add.f32 [tilespmem:s17], [sflag:$0x1], $0x1, s28, s21, $0xb8;
	[tilespmem:$0xA108] =	vst v63  }
0x1e5: {  	s28 =	sadd.s32 $0x200, s29  }
0x1e6: {  	[spmem:s2] =	stream.indirect.scatter.add.f32 [tilespmem:s17], [sflag:$0x1], $0x1, s28, s21, $0xb8;
	[tilespmem:$0xA108] =	vst v63  }
0x1e7: {  	s28 =	sadd.s32 $0x280, s29  }
0x1e8: {  	[spmem:s2] =	stream.indirect.scatter.add.f32 [tilespmem:s17], [sflag:$0x1], $0x1, s28, s21, $0xb8;
	[tilespmem:$0xA108] =	vst v63  }
0x1e9: {  	s28 =	sadd.s32 $0x300, s29  }
0x1ea: {  	[spmem:s2] =	stream.indirect.scatter.add.f32 [tilespmem:s17], [sflag:$0x1], $0x1, s28, s21, $0xb8;
	[tilespmem:$0xA108] =	vst v63  }
0x1eb: {  	s28 =	sadd.s32 $0x380, s29  }
0x1ec: {  	[spmem:s2] =	stream.indirect.scatter.add.f32 [tilespmem:s17], [sflag:$0x1], $0x1, s28, s21, $0xb8;
	[tilespmem:$0xA108] =	vst v63  }
0x1ed: {  	_ =	swait.ge [sflag:s22], $0x80  }
0x1ee: {  	[sflag:s22] =	ssyncset.done $0x0  }
0x1ef: {  	[sflag:s22] =	ssyncadd.s32 $0xFFFFFF80  }
0x1f0: {  	_ =	swait.ge [sflag:s22], $0x80  }
0x1f1: {  	[sflag:s22] =	ssyncset.done $0x0  }
0x1f2: {  	[sflag:s22] =	ssyncadd.s32 $0xFFFFFF80  }
0x1f3: {  	_ =	swait.ge [sflag:s22], $0x80  }
0x1f4: {  	[sflag:s22] =	ssyncset.done $0x0  }
0x1f5: {  	[sflag:s22] =	ssyncadd.s32 $0xFFFFFF80  }
0x1f6: {  	_ =	swait.ge [sflag:s22], $0x80  }
0x1f7: {  	[sflag:s22] =	ssyncset.done $0x0  }
0x1f8: {  	[sflag:s22] =	ssyncadd.s32 $0xFFFFFF80  }
0x1f9: {  	_ =	swait.ge [sflag:s22], $0x80  }
0x1fa: {  	[sflag:s22] =	ssyncset.done $0x0  }
0x1fb: {  	[sflag:s22] =	ssyncadd.s32 $0xFFFFFF80  }
0x1fc: {  	_ =	swait.ge [sflag:s22], $0x80  }
0x1fd: {  	[sflag:s22] =	ssyncset.done $0x0  }
0x1fe: {  	[sflag:s22] =	ssyncadd.s32 $0xFFFFFF80  }
.Ltmp3:
0x1ff: {  	_ =	swait.ge [sflag:s22], $0x80;
	(pc) =	sbr.rel @p0 .LBB2_8-.Ltmp3, $4  }
0x200: {  	[sflag:s22] =	ssyncset.done $0x0  }
0x201: {  	[sflag:s22] =	ssyncadd.s32 $0xFFFFFF80  }
0x202: {  	_ =	swait.ge [sflag:s22], $0x80  }
0x203: {  	s28 =	smov.u32 s26;
	[sflag:s22] =	ssyncset.done $0x0  }
0x204: {  	s25 =	sshra.s32 s25, $0x2;
	[sflag:s22] =	ssyncadd.s32 $0xFFFFFF80  }
0x205: {  	[spmem:s2] =	stream.indirect.scatter.add.f32 [tilespmem:s17], [sflag:$0x1], $0x1, s25, s21, $0xb8;
	[tilespmem:$0xA108] =	vst v63  }
0x206: {  	s26 =	sadd.s32 $0x80, s25  }
0x207: {  	[spmem:s2] =	stream.indirect.scatter.add.f32 [tilespmem:s17], [sflag:$0x1], $0x1, s26, s21, $0xb8;
	[tilespmem:$0xA108] =	vst v63  }
0x208: {  	s31 =	sadd.s32 $0x100, s25  }
0x209: {  	[spmem:s2] =	stream.indirect.scatter.add.f32 [tilespmem:s17], [sflag:$0x1], $0x1, s31, s21, $0xb8;
	[tilespmem:$0xA108] =	vst v63  }
0x20a: {  	s28 =	sadd.s32 $0x180, s25  }
0x20b: {  	[spmem:s2] =	stream.indirect.scatter.add.f32 [tilespmem:s17], [sflag:$0x1], $0x1, s28, s21, $0xb8;
	[tilespmem:$0xA108] =	vst v63  }
0x20c: {  	s29 =	sadd.s32 $0x200, s25  }
0x20d: {  	[spmem:s2] =	stream.indirect.scatter.add.f32 [tilespmem:s17], [sflag:$0x1], $0x1, s29, s21, $0xb8;
	[tilespmem:$0xA108] =	vst v63  }
0x20e: {  	s30 =	sadd.s32 $0x280, s25  }
0x20f: {  	[spmem:s2] =	stream.indirect.scatter.add.f32 [tilespmem:s17], [sflag:$0x1], $0x1, s30, s21, $0xb8;
	[tilespmem:$0xA108] =	vst v63  }
0x210: {  	s31 =	sadd.s32 $0x300, s25  }
0x211: {  	[spmem:s2] =	stream.indirect.scatter.add.f32 [tilespmem:s17], [sflag:$0x1], $0x1, s31, s21, $0xb8;
	[tilespmem:$0xA108] =	vst v63  }
0x212: {  	s25 =	sadd.s32 $0x380, s25  }
0x213: {  	[spmem:s2] =	stream.indirect.scatter.add.f32 [tilespmem:s17], [sflag:$0x1], $0x1, s25, s21, $0xb8;
	[tilespmem:$0xA108] =	vst v63  }
0x214: {  	_ =	swait.ge [sflag:s22], $0x80  }
0x215: {  	[sflag:s22] =	ssyncset.done $0x0  }
0x216: {  	[sflag:s22] =	ssyncadd.s32 $0xFFFFFF80  }
0x217: {  	_ =	swait.ge [sflag:s22], $0x80  }
0x218: {  	[sflag:s22] =	ssyncset.done $0x0  }
0x219: {  	[sflag:s22] =	ssyncadd.s32 $0xFFFFFF80  }
0x21a: {  	_ =	swait.ge [sflag:s22], $0x80  }
0x21b: {  	[sflag:s22] =	ssyncset.done $0x0  }
0x21c: {  	[sflag:s22] =	ssyncadd.s32 $0xFFFFFF80  }
0x21d: {  	_ =	swait.ge [sflag:s22], $0x80  }
0x21e: {  	[sflag:s22] =	ssyncset.done $0x0  }
0x21f: {  	[sflag:s22] =	ssyncadd.s32 $0xFFFFFF80  }
0x220: {  	_ =	swait.ge [sflag:s22], $0x80  }
0x221: {  	[sflag:s22] =	ssyncset.done $0x0  }
0x222: {  	[sflag:s22] =	ssyncadd.s32 $0xFFFFFF80  }
0x223: {  	_ =	swait.ge [sflag:s22], $0x80  }
0x224: {  	[sflag:s22] =	ssyncset.done $0x0  }
0x225: {  	[sflag:s22] =	ssyncadd.s32 $0xFFFFFF80  }
0x226: {  	_ =	swait.ge [sflag:s22], $0x80  }
0x227: {  	[sflag:s22] =	ssyncset.done $0x0  }
0x228: {  	[sflag:s22] =	ssyncadd.s32 $0xFFFFFF80  }
0x229: {  	_ =	swait.ge [sflag:s22], $0x80  }
0x22a: {  	s23 =	sadd.s32 $0x1, s23;
	[sflag:s22] =	ssyncset.done $0x0  }
0x22b: {  	p0 =	sne.s32 s23, s16;
	[sflag:s22] =	ssyncadd.s32 $0xFFFFFF80  }
.Ltmp4:
0x22c: {  	[bflag:$0x0] =	sbarrier.arrive $0xFFFF;
	(pc) =	sbr.rel @p0 .LBB2_1-.Ltmp4, $4  }
0x22d: {  	[hbm:s15], [sflag:s20] =	dma.local [spmem:s24], $0x1000  }
0x22e: {  	_ =	swait.ge [sflag:s18], $0x1000  }
0x22f: {  	[sflag:s18] =	ssyncset.done $0x0  }
0x230: {  	[sflag:s18] =	ssyncadd.s32 $0xFFFFF000  }
0x231: {  	_ =	sfence.sel $0x180000  }
0x232: {  	[bflag:$0x0] =	sbarrier.arrive $0xFFFF  }
0x233: {  	p0 =	sne.s32 s3, $0x0;
	_ =	strace $0x90000053  }
0x234: {  	s0 =	sadd.s32 @!p0 $0x100000, s0;
	[bflag:$0x2] =	sbarrier.arrive $0xFFFF  }
0x235: {  	[sflag:s0] =	ssyncadd.tile.s32 @!p0 $0x1;
	_ =	shalt  }
.Lfunc_end2:
_tile_overlayer_lowered:
.L_overlay_start_2:
0x236: {  	(tag) =	ssettag $0x2  }
0x237: {  	s0 =	rddreg [dreg:$0x0];
	s2 =	stileid.u32  }
0x238: {  	s1 =	rddreg [dreg:$0x1];
	p0 =	sne.s32 s2, $0x0  }
0x239: {  	s3 =	rddreg [dreg:$0x2];
	[bflag:$0x3] =	sbarrier.arrive $0xFFFF;
	s2 =	simm.s32 @!p0 $0x1C02  }
0x23a: {  	[timem:s3], [sflag:s2] =	dma.local @!p0 [hbm:s0], s1  }
0x23b: {  	s0 =	simm.s32 @!p0 $0x2  }
0x23c: {  	_ =	swait.ge @!p0 [sflag:s0], s1  }
0x23d: {  	s1 =	ssub.s32 @!p0 $0x0, s1;
	[sflag:s0] =	ssyncset.done @!p0 $0x0  }
0x23e: {  	[sflag:s0] =	ssyncadd.s32 @!p0 s1  }
0x23f: {  	[bflag:$0x3] =	sbarrier.arrive $0xFFFF  }
0x240: {  	_ =	shalt  }

// kernel: kernel.26.cloned.1.call-start
scs
__scs_entry_jumppad:
0x0: {  	(pc) =	sbr.rel $0x88, $3  }
0x1: {  	(tag) =	ssettag $0x0;
	lr =	simm.s32 $0x1  }
0x2: {  	[smem:$0x3F96] =	sst lr;
	_ =	strace $0xD0000000  }
0x3: {  	_ = 	snop  }
0x4: {  	_ = 	snop  }
0x5: {  	_ = 	snop  }
0x6: {  	_ = 	snop  }
0x7: {  	_ = 	snop  }
__scs_overlays_trampoline_lowered:
0x8: {  	[smem:$0x3FA5] =	sst s0  }
0x9: {  	[smem:$0x3FA6] =	sst s1  }
0xa: {  	[smem:$0x3FA7] =	sst s2  }
0xb: {  	[smem:$0x3FA8] =	sst s3  }
0xc: {  	[smem:$0x3FA9] =	sst s4  }
0xd: {  	[smem:$0x3FAA] =	sst s5  }
0xe: {  	[smem:$0x3FAB] =	sst s6  }
0xf: {  	[smem:$0x3FAC] =	sst s7  }
0x10: {  	[smem:$0x3FAD] =	sst s8  }
0x11: {  	[smem:$0x3FAE] =	sst s9;
	s0 =	simm.s32 @!p0 $0x0  }
0x12: {  	s1 =	sld [smem:$0x3F94];
	s0 =	simm.s32 @p0 $0x1  }
0x13: {  	[smem:$0x3FAF] =	sst s0;
	s0 =	simm.s32 @!p1 $0x0  }
0x14: {  	s2 =	sld [smem:$0x3F93];
	s0 =	simm.s32 @p1 $0x1  }
0x15: {  	[smem:$0x3FB0] =	sst s0;
	s0 =	simm.s32 @!p2 $0x0  }
0x16: {  	s3 =	sld [smem:$0x3FDB];
	s0 =	simm.s32 @p2 $0x1  }
0x17: {  	s4 =	simm.s32 $0x1BF5;
	[smem:$0x3FB2] =	sst s0  }
0x18: {  	s0 =	sld [smem:$0x3F95];
	_ =	swait.ge [sflag:s4], $0x0  }
0x19: {  	s7 =	sld [smem:$0x3F96]  }
0x1a: {  	s8 =	sadd.s32 $0xFFFFE003, lr  }
0x1b: {  	s9 =	sadd.s32 $0xFFFFFEF7, lr;
	s5 =	simm.s32 $0xFFFFFFFF;
	p2 =	slt.u32 s8, $0xFFFFF086  }
0x1c: {  	p1 =	slt.u32 s9, $0xF7A;
	s5 =	simm.s32 @!p2 $0x0  }
0x1d: {  	s5 =	simm.s32 @p1 $0x1;
	p0 =	seq.s32 s7, s2  }
0x1e: {  	s7 =	smul.u32 @!p0 $0xF7A, s2;
	p2 =	seq.s32 @!p0 s5, $0x0  }
0x1f: {  	s9 =	smul.u32 $0xF7A, s1;
	s8 =	simm.s32 @!p0 $0x1BF5;
	p2 =	por !p2, p0  }
0x20: {  	[sflag:s8] =	ssyncset.s32 @!p0 $0xFFFFF086;
	s6 =	sadd.s32 @!p0 s3, s7;
	s7 =	simm.s32 @!p0 $0x108  }
0x21: {  	s3 =	sadd.s32 s3, s9;
	s6 =	sadd.s32 @!p0 $0x88, s6;
	s7 =	simm.s32 @p2 $0x1082  }
0x22: {  	[simem:s7], [sflag:s8] =	dma.local @!p0 [hbm:s6], $0xF7A  }
0x23: {  	s9 =	sor.u32 $0xD0000000, s2;
	s6 =	simm.s32 $0x108;
	_ =	swait.ge @!p0 [sflag:s8], $0x0  }
0x24: {  	s3 =	sadd.s32 $0x88, s3;
	s6 =	simm.s32 @!p1 $0x1082;
	[sflag:s4] =	ssyncset.s32 $0xFFFFF086  }
0x25: {  	[simem:s6], [sflag:s4] =	dma.local [hbm:s3], $0xF7A  }
0x26: {  	[smem:$0x3F96] =	sst s1;
	(tag) =	ssettag s2;
	_ =	strace s9  }
0x27: {  	s1 =	sld [smem:$0x3FA6]  }
0x28: {  	s2 =	sld [smem:$0x3FA7]  }
0x29: {  	s4 =	sld [smem:$0x3FA9]  }
0x2a: {  	p0 =	seq.s32 s5, $0x0;
	s5 =	sld [smem:$0x3FAA]  }
0x2b: {  	s6 =	sld [smem:$0x3FAB]  }
0x2c: {  	s7 =	sld [smem:$0x3FAC]  }
0x2d: {  	s3 =	simm.s32 $0x108;
	s8 =	sld [smem:$0x3FAD]  }
0x2e: {  	s3 =	simm.s32 @!p0 $0x1082;
	s9 =	sld [smem:$0x3FAE]  }
0x2f: {  	lr =	sadd.s32 s0, s3;
	s0 =	sld [smem:$0x3FA5]  }
0x30: {  	s3 =	sld [smem:$0x3FA8]  }
0x31: {  	[smem:$0x3FB1] =	sst s10  }
0x32: {  	s10 =	sld [smem:$0x3FAF];
	_ =	sdelay $0x3  }
0x33: {  	p0 =	seq.s32 s10, $0x1;
	s10 =	sld [smem:$0x3FB1];
	_ =	sdelay $0x3  }
0x34: {  	[smem:$0x3FB1] =	sst s10  }
0x35: {  	s10 =	sld [smem:$0x3FB0];
	_ =	sdelay $0x3  }
0x36: {  	p1 =	seq.s32 s10, $0x1;
	s10 =	sld [smem:$0x3FB1];
	_ =	sdelay $0x3  }
0x37: {  	[smem:$0x3FB1] =	sst s10  }
0x38: {  	s10 =	sld [smem:$0x3FB2]  }
0x39: {  	_ = 	snop;
	(pc) =	sbr.ind lr, $3  }
0x3a: {  	_ = 	snop  }
0x3b: {  	_ = 	snop  }
0x3c: {  	p2 =	seq.s32 s10, $0x1;
	s10 =	sld [smem:$0x3FB1]  }
0x3d: {  	_ =	shalt  }
0x3e: {  	_ =	shalt  }
0x3f: {  	_ =	shalt  }
0x40: {  	_ =	shalt  }
0x41: {  	_ =	shalt  }
0x42: {  	_ =	shalt  }
0x43: {  	_ =	shalt  }
0x44: {  	_ =	shalt  }
0x45: {  	_ =	shalt  }
0x46: {  	_ =	shalt  }
0x47: {  	_ =	shalt  }
0x48: {  	_ =	shalt  }
0x49: {  	_ =	shalt  }
0x4a: {  	_ =	shalt  }
0x4b: {  	_ =	shalt  }
0x4c: {  	_ =	shalt  }
0x4d: {  	_ =	shalt  }
0x4e: {  	_ =	shalt  }
0x4f: {  	_ =	shalt  }
0x50: {  	_ =	shalt  }
0x51: {  	_ =	shalt  }
0x52: {  	_ =	shalt  }
0x53: {  	_ =	shalt  }
0x54: {  	_ =	shalt  }
0x55: {  	_ =	shalt  }
0x56: {  	_ =	shalt  }
0x57: {  	_ =	shalt  }
0x58: {  	_ =	shalt  }
0x59: {  	_ =	shalt  }
0x5a: {  	_ =	shalt  }
0x5b: {  	_ =	shalt  }
0x5c: {  	_ =	shalt  }
0x5d: {  	_ =	shalt  }
0x5e: {  	_ =	shalt  }
0x5f: {  	_ =	shalt  }
0x60: {  	_ =	shalt  }
0x61: {  	_ =	shalt  }
0x62: {  	_ =	shalt  }
0x63: {  	_ =	shalt  }
0x64: {  	_ =	shalt  }
0x65: {  	_ =	shalt  }
0x66: {  	_ =	shalt  }
0x67: {  	_ =	shalt  }
0x68: {  	_ =	shalt  }
0x69: {  	_ =	shalt  }
0x6a: {  	_ =	shalt  }
0x6b: {  	_ =	shalt  }
0x6c: {  	_ =	shalt  }
0x6d: {  	_ =	shalt  }
0x6e: {  	_ =	shalt  }
0x6f: {  	_ =	shalt  }
0x70: {  	_ =	shalt  }
0x71: {  	_ =	shalt  }
0x72: {  	_ =	shalt  }
0x73: {  	_ =	shalt  }
0x74: {  	_ =	shalt  }
0x75: {  	_ =	shalt  }
0x76: {  	_ =	shalt  }
0x77: {  	_ =	shalt  }
0x78: {  	_ =	shalt  }
0x79: {  	_ =	shalt  }
0x7a: {  	_ =	shalt  }
0x7b: {  	_ =	shalt  }
0x7c: {  	_ =	shalt  }
0x7d: {  	_ =	shalt  }
0x7e: {  	_ =	shalt  }
0x7f: {  	_ =	shalt  }
0x80: {  	_ =	shalt  }
0x81: {  	_ =	shalt  }
0x82: {  	_ =	shalt  }
0x83: {  	_ =	shalt  }
0x84: {  	_ =	shalt  }
0x85: {  	_ =	shalt  }
0x86: {  	_ =	shalt  }
0x87: {  	_ =	shalt  }
.Lfunc_end0:
.L_simem_size_0:
called_computation.4_lowered:
.L_overlay_start_0:
0x88: {  	s2 =	sld [smem:$0x3FD9]  }
0x89: {  	s3 =	sld [smem:$0x3FFE];
	_ =	sdelay $0x1  }
0x8a: {  	s1 =	srdreg.scid  }
0x8b: {  	s0 =	sand.u32 $0x1, s1  }
0x8c: {  	s15 =	sshll.u32 s0, $0xA;
	s2 =	sadd.s32 s3, s2  }
0x8d: {  	s2 =	sadd.s32 s2, s15  }
0x8e: {  	[smem:$0x3FBD] =	sst s2  }
0x8f: {  	_ = 	snop  }
0x90: {  	s2 =	sld [smem:$0x3FD0];
	_ =	sdelay $0x2  }
0x91: {  	s16 =	simm.s32 $0xB;
	s4 =	simm.s32 $0x10  }
0x92: {  	[smem:s4], [sflag:s16] =	dma.local [hbm:s2], $0x1  }
0x93: {  	_ =	swait.eq [sflag:s16], $0x1  }
0x94: {  	s17 =	sld [smem:$0x12];
	[sflag:s16] =	ssyncset.done $0x0  }
0x95: {  	s18 =	sld [smem:$0x13];
	[sflag:s16] =	ssyncadd.s32 $0xFFFFFFFF  }
0x96: {  	s19 =	sld [smem:$0x15];
	(tm) =	ssettm $0x1  }
0x97: {  	s5 =	sld [smem:$0x3FFB];
	_ =	sdelay $0x3  }
0x98: {  	_ =	strace s5  }
0x99: {  	s5 =	sld [smem:$0x3FFC];
	_ =	sdelay $0x3  }
0x9a: {  	_ =	strace s5  }
0x9b: {  	s5 =	sld [smem:$0x3FFD];
	_ =	sdelay $0x3  }
0x9c: {  	_ =	strace s5  }
0x9d: {  	_ =	strace $0x8FFFFFFF  }
0x9e: {  	s20 =	sld [smem:$0x3FDB];
	_ =	sdelay $0x1  }
0x9f: {  	s6 =	simm.s32 $_scs_section_size  }
0xa0: {  	s7 =	simm.s32 $_size__tile_overlayer_lowered;
	s8 =	simm.s32 $_tile_overlayer_lowered  }
0xa1: {  	s23 =	simm.s32 $0x1BFF;
	s22 =	sshll.u32 s8, $0x1;
	s5 =	sadd.s32 s6, s20  }
0xa2: {  	s9 =	simm.s32 $0x0;
	s21 =	sshll.u32 s7, $0x1;
	s7 =	sadd.s32 s22, s5  }
0xa3: {  	[timem:s9], [sflag:s23] =	dma.local [hbm:s7], s21  }
0xa4: {  	_ =	swait.ge [sflag:s23], s21  }
0xa5: {  	s6 =	ssub.s32 $0x0, s21;
	[sflag:s23] =	ssyncset.done $0x0  }
0xa6: {  	[sflag:s23] =	ssyncadd.s32 s6;
	_ =	sdelay $0x1  }
0xa7: {  	s24 =	simm.s32 $0x1B8B  }
0xa8: {  	_ =	swait.ge [sflag:s24], $0x1  }
0xa9: {  	[sflag:s24] =	ssyncset.done $0x0  }
0xaa: {  	s25 =	simm.s32 $0x1B8E;
	[sflag:s24] =	ssyncadd.s32 $0xFFFFFFFF  }
0xab: {  	s26 =	simm.s32 $execute0_lowered;
	[smem:$0x3FD2] =	sst s25  }
0xac: {  	s6 =	sshll.u32 s26, $0x1;
	_ =	strace $0x8000004F;
	[dreg:$0x1] =	wrdreg $0xFFFFFFFF  }
0xad: {  	s28 =	simm.s32 $_size_execute0_lowered;
	s5 =	sadd.s32 s5, s6;
	[dreg:$0x0] =	wrdreg $0x0  }
0xae: {  	s6 =	sshll.u32 s28, $0x1;
	[dreg:$0x2] =	wrdreg s5  }
0xaf: {  	[dreg:$0x3] =	wrdreg s6  }
0xb0: {  	[dreg:$0x4] =	wrdreg $0xC0  }
0xb1: {  	_ =	task [dreg:s9], $0x5FFFF  }
0xb2: {  	[dreg:$0x1] =	wrdreg $0xFFFFFFFF  }
0xb3: {  	[dreg:$0x0] =	wrdreg $0x60  }
0xb4: {  	[dreg:$0x2] =	wrdreg s19  }
0xb5: {  	[dreg:$0x3] =	wrdreg s17  }
0xb6: {  	[dreg:$0x4] =	wrdreg s18  }
0xb7: {  	[dreg:$0x5] =	wrdreg $0xA  }
0xb8: {  	_ =	task.clear_ibuf [dreg:s9], $0x6FFFF;
	_ =	strace $0x9000004F  }
0xb9: {  	s29 =	simm.s32 $0xA;
	_ =	strace $0x80000051  }
0xba: {  	_ =	swait.ge [sflag:s29], $0x1  }
0xbb: {  	[sflag:s29] =	ssyncadd.s32 $0xFFFFFFFF  }
0xbc: {  	_ =	strace $0x90000051  }
0xbd: {  	_ =	sfence  }
0xbe: {  	s30 =	sld [smem:$0x0];
	_ =	sdelay $0x2  }
0xbf: {  	s31 =	sshll.u32 s1, $0xD;
	s1 =	sshrl.u32 s1, $0x2  }
0xc0: {  	s3 =	sand.u32 $0x4000, s31;
	s1 =	sadd.s32 s1, s30  }
0xc1: {  	s0 =	sor.u32 s3, s0;
	s1 =	sshll.u32 s1, $0x11  }
0xc2: {  	s0 =	sor.u32 s1, s0  }
0xc3: {  	s0 =	sadd.s32 $0x8F2B, s0  }
0xc4: {  	[sflag:s0] =	ssyncadd.remote.s32 $0x1  }
0xc5: {  	_ =	sfence.sel $0xFFFF  }
0xc6: {  	[dreg:$0x0] =	wrdreg $0xFFFFFFFF;
	(pc) =	sbr.abs _section_cstart, $3  }
0xc7: {  	[dreg:$0x1] =	wrdreg $0xFFFFFFFF  }
0xc8: {  	_ =	task.clear_ibuf [dreg:s9], $0x2FFFF;
	_ =	strace $0x9FFFFFFF  }
0xc9: {  	(tm) =	ssettm $0x7FFFFFFF  }
tec
execute0_lowered:
.L_overlay_start_1:
0x0: {  	(tag) =	ssettag $0x1  }
0x1: {  	s2 =	rddreg [dreg:$0x0];
	s0 =	srdreg.scid  }
0x2: {  	s4 =	rddreg [dreg:$0x1];
	s10 =	sand.u32 $0x1, s0  }
0x3: {  	s11 =	rddreg [dreg:$0x2];
	s1 =	stileid.u32;
	s3 =	sshll.u32 s10, $0x4  }
0x4: {  	s0 =	rddreg [dreg:$0x3];
	s5 =	sshll.u32 s1, $0x5;
	s12 =	sor.u32 s1, s3  }
0x5: {  	s5 =	sand.u32 $0x60, s5;
	s3 =	simm.s32 $0x0;
	s6 =	sshll.u32 s12, $0x5  }
0x6: {  	s4 =	sadd.s32 s4, s5;
	[smem:$0x7FF] =	sst s3;
	s6 =	sand.u32 $0x380, s6  }
0x7: {  	_ =	strace $0x80000050;
	s5 =	sadd.s32 s6, s4;
	s4 =	simm.s32 $0x2  }
0x8: {  	[tilespmem:s3], [sflag:$0x2] =	stream.linear.gather [hbm4b:s5+s3], $0x100, $0x38;
	[tilespmem:$0x8100] =	vst v63  }
0x9: {  	_ =	swait.ge [sflag:s4], $0x100  }
0xa: {  	[sflag:s4] =	ssyncset.done $0x0  }
0xb: {  	s7 =	simm.s32 $0x100;
	s6 =	simm.s32 $0x80;
	[sflag:s4] =	ssyncadd.s32 $0xFFFFFF00  }
0xc: {  	[tilespmem:s7], [sflag:$0x1] =	stream.indirect.gather [hbm4b:s2+s6], $0x80, s3, s6, $0xb8;
	[tilespmem:$0x8100] =	vst v63  }
0xd: {  	s8 =	simm.s32 $0x4100;
	s9 =	simm.s32 $0x1;
	s10 =	ssub.s32 $0x2, s10  }
0xe: {  	[tilespmem:s8], [sflag:$0x1] =	stream.indirect.gather [hbm4b:s2+s6], $0x80, s6, s6, $0xb8;
	[tilespmem:$0x8100] =	vst v63  }
0xf: {  	s13 =	sshrl.u32 s10, $0x1;
	_ =	swait.ge [sflag:s9], $0x4000  }
0x10: {  	s13 =	ssub.s32 s10, s13;
	[sflag:s9] =	ssyncset.done $0x0  }
0x11: {  	s31 =	smax.u32 s13, $0x1;
	[sflag:s9] =	ssyncadd.s32 $0xFFFFC000  }
0x12: {  	p0 =	sne.s32 s31, $0x1;
	_ =	swait.ge [sflag:s9], $0x4000  }
.Ltmp0:
0x13: {  	s30 =	sshll.u32 s12, $0xC;
	[sflag:s9] =	ssyncset.done $0x0;
	(pc) =	sbr.rel @!p0 .LBB2_2-.Ltmp0, $4  }
0x14: {  	s10 =	sadd.s32 s11, s30;
	[sflag:s9] =	ssyncadd.s32 $0xFFFFC000  }
0x15: {  	[hbm4b:s10+s3] =	stream.linear.scatter [tilespmem:s7], [sflag:$0x2], $0x8000, $0x38;
	[tilespmem:$0x8100] =	vst v63  }
0x16: {  	_ =	swait.ge [sflag:s4], $0x8000  }
0x17: {  	s11 =	sadd.s32 $0xFFFFFFFF, s31;
	[sflag:s4] =	ssyncset.done $0x0  }
.LBB2_1:
0x18: {  	p0 =	sne.s32 s11, $0x1;
	s11 =	sadd.s32 $0xFFFFFFFF, s11;
	[sflag:s4] =	ssyncadd.s32 $0xFFFF8000  }
0x19: {  	[tilespmem:s3], [sflag:$0x2] =	stream.linear.gather [hbm4b:s5+s3], $0x100, $0x38;
	[tilespmem:$0x8100] =	vst v63  }
0x1a: {  	_ =	swait.ge [sflag:s4], $0x100  }
0x1b: {  	[sflag:s4] =	ssyncset.done $0x0  }
0x1c: {  	[sflag:s4] =	ssyncadd.s32 $0xFFFFFF00  }
0x1d: {  	[tilespmem:s7], [sflag:$0x1] =	stream.indirect.gather [hbm4b:s2+s6], $0x80, s3, s6, $0xb8;
	[tilespmem:$0x8100] =	vst v63  }
0x1e: {  	_ = 	snop  }
0x1f: {  	[tilespmem:s8], [sflag:$0x1] =	stream.indirect.gather [hbm4b:s2+s6], $0x80, s6, s6, $0xb8;
	[tilespmem:$0x8100] =	vst v63  }
0x20: {  	_ =	swait.ge [sflag:s9], $0x4000  }
0x21: {  	[sflag:s9] =	ssyncset.done $0x0  }
0x22: {  	[sflag:s9] =	ssyncadd.s32 $0xFFFFC000  }
0x23: {  	_ =	swait.ge [sflag:s9], $0x4000  }
.Ltmp1:
0x24: {  	[sflag:s9] =	ssyncset.done $0x0;
	(pc) =	sbr.rel @p0 .LBB2_1-.Ltmp1, $4  }
0x25: {  	[sflag:s9] =	ssyncadd.s32 $0xFFFFC000  }
0x26: {  	[hbm4b:s10+s3] =	stream.linear.scatter [tilespmem:s7], [sflag:$0x2], $0x8000, $0x38;
	[tilespmem:$0x8100] =	vst v63  }
0x27: {  	_ =	swait.ge [sflag:s4], $0x8000  }
0x28: {  	[sflag:s4] =	ssyncset.done $0x0  }
.LBB2_2:
0x29: {  	[sflag:s4] =	ssyncadd.s32 $0xFFFF8000  }
0x2a: {  	_ =	sfence.sel $0x180000  }
0x2b: {  	[bflag:$0x0] =	sbarrier.arrive $0xFFFF  }
0x2c: {  	p0 =	sne.s32 s1, $0x0;
	_ =	strace $0x90000050  }
0x2d: {  	s0 =	sadd.s32 @!p0 $0x100000, s0;
	[bflag:$0x2] =	sbarrier.arrive $0xFFFF  }
0x2e: {  	[sflag:s0] =	ssyncadd.tile.s32 @!p0 $0x1;
	_ =	shalt  }
.Lfunc_end2:
_tile_overlayer_lowered:
.L_overlay_start_2:
0x2f: {  	(tag) =	ssettag $0x2  }
0x30: {  	s0 =	rddreg [dreg:$0x0];
	s2 =	stileid.u32  }
0x31: {  	s1 =	rddreg [dreg:$0x1];
	p0 =	sne.s32 s2, $0x0  }
0x32: {  	s3 =	rddreg [dreg:$0x2];
	[bflag:$0x3] =	sbarrier.arrive $0xFFFF;
	s2 =	simm.s32 @!p0 $0x1C02  }
0x33: {  	[timem:s3], [sflag:s2] =	dma.local @!p0 [hbm:s0], s1  }
0x34: {  	s0 =	simm.s32 @!p0 $0x2  }
0x35: {  	_ =	swait.ge @!p0 [sflag:s0], s1  }
0x36: {  	s1 =	ssub.s32 @!p0 $0x0, s1;
	[sflag:s0] =	ssyncset.done @!p0 $0x0  }
0x37: {  	[sflag:s0] =	ssyncadd.s32 @!p0 s1  }
0x38: {  	[bflag:$0x3] =	sbarrier.arrive $0xFFFF  }
0x39: {  	_ =	shalt  }

</sc_bundles>
